<compile_context>
chip_gen: v7x
topology: tpu7x:2x2x1
jax: 0.10.2.dev20260603
libtpu: 0.0.44.dev20260713+nightly
codegen_flags: <defaults>
</compile_context>

<pallas_src>
import jax
import jax.numpy as jnp
from jax import lax
from jax.experimental import pallas as pl
from jax.experimental.pallas import tpu as pltpu
from jax.experimental.pallas import tpu_sc as plsc

NUM_CORES = 2
NUM_SUBCORES = 16
LANES = 16
NUM_WORKERS = NUM_CORES * NUM_SUBCORES
BATCH = 16384
BPW = BATCH // NUM_WORKERS
D = 32
NGROUPS = BPW // LANES
NSLOTS = 8

_DNUMS = lax.GatherDimensionNumbers(
    offset_dims=(), collapsed_slice_dims=(0,), start_index_map=(0,))


def _permute(v, idx):
    return lax.gather(v, idx[:, None], _DNUMS, (1,),
                      mode=lax.GatherScatterMode.PROMISE_IN_BOUNDS)


def _sc_body(user_hbm, item_hbm, qt_hbm, pt_hbm, bu_hbm, bi_hbm, out_hbm,
             uidx, iidx, qblk, pblk, bublk, biblk, out_v,
             semq, semp, sembu, sembi):
    cid = lax.axis_index("c")
    sid = lax.axis_index("s")
    wid = sid * NUM_CORES + cid
    base = wid * BPW

    pltpu.sync_copy(user_hbm.at[pl.ds(base, BPW)], uidx)
    pltpu.sync_copy(item_hbm.at[pl.ds(base, BPW)], iidx)

    lane = lax.iota(jnp.int32, LANES)
    klo = lane
    khi = lane + LANES
    zero16 = jnp.zeros((LANES,), jnp.int32)

    def fetch(s, uid, iid):
        uc = pl.multiple_of((uid >> 7) * 128, 128)
        ic = pl.multiple_of((iid >> 7) * 128, 128)
        pltpu.async_copy(qt_hbm.at[pl.ds(0, D), pl.ds(uc, 128)], qblk.at[s], semq)
        pltpu.async_copy(pt_hbm.at[pl.ds(0, D), pl.ds(ic, 128)], pblk.at[s], semp)
        pltpu.async_copy(bu_hbm.at[pl.ds(uc, 128)], bublk.at[s], sembu)
        pltpu.async_copy(bi_hbm.at[pl.ds(ic, 128)], biblk.at[s], sembi)

    def drain(s):
        pltpu.make_async_copy(qt_hbm.at[pl.ds(0, D), pl.ds(0, 128)], qblk.at[s], semq).wait()
        pltpu.make_async_copy(pt_hbm.at[pl.ds(0, D), pl.ds(0, 128)], pblk.at[s], semp).wait()
        pltpu.make_async_copy(bu_hbm.at[pl.ds(0, 128)], bublk.at[s], sembu).wait()
        pltpu.make_async_copy(bi_hbm.at[pl.ds(0, 128)], biblk.at[s], sembi).wait()

    def dot_one(s, uid, iid, j, res):
        ul = zero16 + (uid & 127)
        il = zero16 + (iid & 127)
        ss = zero16 + s
        q0 = plsc.load_gather(qblk, [ss, klo, ul])
        q1 = plsc.load_gather(qblk, [ss, khi, ul])
        p0 = plsc.load_gather(pblk, [ss, klo, il])
        p1 = plsc.load_gather(pblk, [ss, khi, il])
        v = q0 * p0 + q1 * p1
        for sh in (1, 2, 4, 8):
            v = v + _permute(v, lane ^ sh)
        bu = plsc.load_gather(bublk, [ss, ul])
        bi = plsc.load_gather(biblk, [ss, il])
        val = v + bu + bi
        return jnp.where(lane == j, val, res)

    uvec0 = uidx[pl.ds(0, LANES)]
    ivec0 = iidx[pl.ds(0, LANES)]
    for j in range(NSLOTS):
        fetch(j, uvec0[j], ivec0[j])

    def group_body(g, carry):
        gbase = pl.multiple_of(g * LANES, LANES)
        noff = pl.multiple_of(
            jnp.where(g + 1 < NGROUPS, (g + 1) * LANES, 0), LANES)
        uvec = uidx[pl.ds(gbase, LANES)]
        ivec = iidx[pl.ds(gbase, LANES)]
        unext = uidx[pl.ds(noff, LANES)]
        inext = iidx[pl.ds(noff, LANES)]
        res = jnp.zeros((LANES,), jnp.float32)
        for j in range(LANES):
            s = j % NSLOTS
            drain(s)
            res = dot_one(s, uvec[j], ivec[j], j, res)
            if j + NSLOTS < LANES:
                fetch(s, uvec[j + NSLOTS], ivec[j + NSLOTS])
            else:
                @pl.when(g + 1 < NGROUPS)
                def _():
                    fetch(s, unext[j + NSLOTS - LANES], inext[j + NSLOTS - LANES])
        out_v[pl.ds(gbase, LANES)] = res
        return carry

    lax.fori_loop(0, NGROUPS, group_body, 0)

    pltpu.sync_copy(out_v, out_hbm.at[pl.ds(base, BPW)])


_sc_call = pl.kernel(
    _sc_body,
    out_type=jax.ShapeDtypeStruct((BATCH,), jnp.float32),
    mesh=plsc.VectorSubcoreMesh(
        core_axis_name="c", subcore_axis_name="s",
        num_cores=NUM_CORES, num_subcores=NUM_SUBCORES),
    scratch_types=[
        pltpu.VMEM((BPW,), jnp.int32),
        pltpu.VMEM((BPW,), jnp.int32),
        pltpu.VMEM((NSLOTS, D, 128), jnp.float32),
        pltpu.VMEM((NSLOTS, D, 128), jnp.float32),
        pltpu.VMEM((NSLOTS, 128), jnp.float32),
        pltpu.VMEM((NSLOTS, 128), jnp.float32),
        pltpu.VMEM((BPW,), jnp.float32),
        pltpu.SemaphoreType.DMA,
        pltpu.SemaphoreType.DMA,
        pltpu.SemaphoreType.DMA,
        pltpu.SemaphoreType.DMA,
    ],
    compiler_params=pltpu.CompilerParams(needs_layout_passes=False),
)


@jax.jit
def kernel(user_id, item_id, Q, P, b_u, b_i):
    return _sc_call(
        user_id.astype(jnp.int32), item_id.astype(jnp.int32),
        Q.T, P.T, b_u.reshape(-1), b_i.reshape(-1))

# --- scband reference (transcript-rebuilt; emitter-appended) ---
"""Pipeline reference for scband-matrix-factorization-28905129902815 (READ-ONLY COPY).

The authoritative reference and input builder live on the scoring server;
editing this copy changes nothing except your own understanding.
"""

import jax, jax.numpy as jnp
import numpy as np

NUM_USERS = 1000000
NUM_ITEMS = 1000000
NUM_FACTORS = 32
BATCH = 16384


def setup_inputs(seed: int = 0) -> dict:
    key = jax.random.key(seed)
    k1, k2, k3, k4, k5, k6 = jax.random.split(key, 6)
    user_id = jax.random.randint(k1, (BATCH,), 0, NUM_USERS, dtype=jnp.int64 if jax.config.jax_enable_x64 else jnp.int32)
    item_id = jax.random.randint(k2, (BATCH,), 0, NUM_ITEMS, dtype=jnp.int64 if jax.config.jax_enable_x64 else jnp.int32)
    Q = jax.random.normal(k3, (NUM_USERS, NUM_FACTORS), dtype=jnp.float32) * 0.01
    P = jax.random.normal(k4, (NUM_ITEMS, NUM_FACTORS), dtype=jnp.float32) * 0.01
    b_u = jax.random.normal(k5, (NUM_USERS, 1), dtype=jnp.float32) * 0.01
    b_i = jax.random.normal(k6, (NUM_ITEMS, 1), dtype=jnp.float32) * 0.01
    return {"user_id": user_id, "item_id": item_id, "Q": Q, "P": P, "b_u": b_u, "b_i": b_i}


def reference(user_id, item_id, Q, P, b_u, b_i):
    Pe = jnp.take(P, item_id, axis=0)
    Qe = jnp.take(Q, user_id, axis=0)
    bu = jnp.take(b_u, user_id, axis=0)
    bi = jnp.take(b_i, item_id, axis=0)
    output = jnp.sum(Pe * Qe, axis=1, keepdims=True) + bu + bi
    return output.flatten()

if __name__ == "__main__":
    import jax
    _d = setup_inputs()
    print(jax.jit(kernel)(*tuple(_d.values())))

</pallas_src>

<mosaic_0001>
#map = affine_map<(d0, d1) -> (0)>
#map1 = affine_map<(d0, d1) -> (0, 0)>
module attributes {stable_mosaic.version = 14 : i64} {
  func.func @_sc_body(%arg0: i32, %arg1: i32, %arg2: memref<16384xi32, #tpu.memory_space<hbm>>, %arg3: memref<16384xi32, #tpu.memory_space<hbm>>, %arg4: memref<32x1000000xf32, #tpu.memory_space<hbm>>, %arg5: memref<32x1000000xf32, #tpu.memory_space<hbm>>, %arg6: memref<1000000xf32, #tpu.memory_space<hbm>>, %arg7: memref<1000000xf32, #tpu.memory_space<hbm>>, %arg8: memref<16384xf32, #tpu.memory_space<hbm>>, %arg9: memref<512xi32, #tpu.memory_space<vmem>>, %arg10: memref<512xi32, #tpu.memory_space<vmem>>, %arg11: memref<8x32x128xf32, #tpu.memory_space<vmem>>, %arg12: memref<8x32x128xf32, #tpu.memory_space<vmem>>, %arg13: memref<8x128xf32, #tpu.memory_space<vmem>>, %arg14: memref<8x128xf32, #tpu.memory_space<vmem>>, %arg15: memref<512xf32, #tpu.memory_space<vmem>>, %arg16: memref<!tpu.dma_semaphore, #tpu.memory_space<semaphore_mem>>, %arg17: memref<!tpu.dma_semaphore, #tpu.memory_space<semaphore_mem>>, %arg18: memref<!tpu.dma_semaphore, #tpu.memory_space<semaphore_mem>>, %arg19: memref<!tpu.dma_semaphore, #tpu.memory_space<semaphore_mem>>) attributes {dimension_semantics = [#tpu.dimension_semantics<core_parallel>, #tpu.dimension_semantics<subcore_parallel>], iteration_bounds = array<i64: 2, 16>, scalar_prefetch = 0 : i64, scratch_operands = 11 : i64, tpu.core_type = #tpu.core_type<sc_vector_subcore>, window_params = [{transform_indices = #map}, {transform_indices = #map}, {transform_indices = #map1}, {transform_indices = #map1}, {transform_indices = #map}, {transform_indices = #map}, {transform_indices = #map}]} {
    %mul3A = arith.constant 2 : i32
    %mul3A_0 = arith.muli %arg1, %mul3A : i32
    %add3A = arith.addi %mul3A_0, %arg0 : i32
    %mul3A_1 = arith.constant 512 : i32
    %mul3A_2 = arith.muli %add3A, %mul3A_1 : i32
    "tpu.region"() ({
      %run_scoped3A = tpu.sem_alloc : memref<!tpu.dma_semaphore, #tpu.memory_space<semaphore_mem>>
      %dma_start3A_474 = tpu.memref_slice %arg2[%mul3A_2] : memref<16384xi32, #tpu.memory_space<hbm>> -> memref<512xi32, #tpu.memory_space<hbm>>
      %dma_start3A_475 = tpu.memref_slice %arg2[%mul3A_2] : memref<16384xi32, #tpu.memory_space<hbm>> -> memref<512xi32, #tpu.memory_space<hbm>>
      tpu.enqueue_dma source(%dma_start3A_475 : memref<512xi32, #tpu.memory_space<hbm>>) target(%arg9 : memref<512xi32, #tpu.memory_space<vmem>>) target_semaphore(%run_scoped3A : memref<!tpu.dma_semaphore, #tpu.memory_space<semaphore_mem>>)
      %dma_wait3A = tpu.memref_slice %arg2[%mul3A_2] : memref<16384xi32, #tpu.memory_space<hbm>> -> memref<512xi32, #tpu.memory_space<hbm>>
      %dma_wait3A_476 = tpu.memref_slice %arg2[%mul3A_2] : memref<16384xi32, #tpu.memory_space<hbm>> -> memref<512xi32, #tpu.memory_space<hbm>>
      tpu.wait_dma2 semaphore(%run_scoped3A : memref<!tpu.dma_semaphore, #tpu.memory_space<semaphore_mem>>) src(%dma_wait3A_476 : memref<512xi32, #tpu.memory_space<hbm>>) dst(%arg9 : memref<512xi32, #tpu.memory_space<vmem>>)
      tpu.yield
    }) : () -> ()
    "tpu.region"() ({
      %run_scoped3A = tpu.sem_alloc : memref<!tpu.dma_semaphore, #tpu.memory_space<semaphore_mem>>
      %dma_start3A_474 = tpu.memref_slice %arg3[%mul3A_2] : memref<16384xi32, #tpu.memory_space<hbm>> -> memref<512xi32, #tpu.memory_space<hbm>>
      %dma_start3A_475 = tpu.memref_slice %arg3[%mul3A_2] : memref<16384xi32, #tpu.memory_space<hbm>> -> memref<512xi32, #tpu.memory_space<hbm>>
      tpu.enqueue_dma source(%dma_start3A_475 : memref<512xi32, #tpu.memory_space<hbm>>) target(%arg10 : memref<512xi32, #tpu.memory_space<vmem>>) target_semaphore(%run_scoped3A : memref<!tpu.dma_semaphore, #tpu.memory_space<semaphore_mem>>)
      %dma_wait3A = tpu.memref_slice %arg3[%mul3A_2] : memref<16384xi32, #tpu.memory_space<hbm>> -> memref<512xi32, #tpu.memory_space<hbm>>
      %dma_wait3A_476 = tpu.memref_slice %arg3[%mul3A_2] : memref<16384xi32, #tpu.memory_space<hbm>> -> memref<512xi32, #tpu.memory_space<hbm>>
      tpu.wait_dma2 semaphore(%run_scoped3A : memref<!tpu.dma_semaphore, #tpu.memory_space<semaphore_mem>>) src(%dma_wait3A_476 : memref<512xi32, #tpu.memory_space<hbm>>) dst(%arg10 : memref<512xi32, #tpu.memory_space<vmem>>)
      tpu.yield
    }) : () -> ()
    %iota3A = tpu.iota {dimensions = array<i32: 0>} : vector<16xi32>
    %add3A_3 = arith.constant 16 : i32
    %add3A_4 = vector.broadcast %add3A_3 : i32 to vector<16xi32>
    %add3A_5 = arith.addi %iota3A, %add3A_4 : vector<16xi32>
    %broadcast_in_dim3A = arith.constant 0 : i32
    %broadcast_in_dim3A_6 = vector.broadcast %broadcast_in_dim3A : i32 to vector<16xi32>
    %get3A = arith.constant 0 : index
    %get3A_7 = tpu.vector_load %arg9[%get3A] {strides = array<i32>} : memref<512xi32, #tpu.memory_space<vmem>>, vector<16xi32>,
    %get3A_8 = arith.constant 0 : index
    %get3A_9 = tpu.vector_load %arg10[%get3A_8] {strides = array<i32>} : memref<512xi32, #tpu.memory_space<vmem>>, vector<16xi32>,
    %slice3A = vector.extract_strided_slice %get3A_7 {offsets = [0], sizes = [1], strides = [1]} : vector<16xi32> to vector<1xi32>
    %squeeze3A = vector.extract %slice3A[0] : i32 from vector<1xi32>
    %slice3A_10 = vector.extract_strided_slice %get3A_9 {offsets = [0], sizes = [1], strides = [1]} : vector<16xi32> to vector<1xi32>
    %squeeze3A_11 = vector.extract %slice3A_10[0] : i32 from vector<1xi32>
    %shift_right_arithmetic3A = arith.constant 7 : i32
    %shift_right_arithmetic3A_12 = arith.shrsi %squeeze3A, %shift_right_arithmetic3A : i32
    %mul3A_13 = arith.constant 128 : i32
    %mul3A_14 = arith.muli %shift_right_arithmetic3A_12, %mul3A_13 : i32
    %multiple_of3A = tpu.assume_multiple %mul3A_14, 128 : i32
    %shift_right_arithmetic3A_15 = arith.constant 7 : i32
    %shift_right_arithmetic3A_16 = arith.shrsi %squeeze3A_11, %shift_right_arithmetic3A_15 : i32
    %mul3A_17 = arith.constant 128 : i32
    %mul3A_18 = arith.muli %shift_right_arithmetic3A_16, %mul3A_17 : i32
    %multiple_of3A_19 = tpu.assume_multiple %mul3A_18, 128 : i32
    %dma_start3A = arith.constant 0 : i32
    %dma_start3A_20 = arith.constant 0 : i32
    %dma_start3A_21 = arith.constant 0 : i32
    %dma_start3A_22 = tpu.memref_slice %arg11[%dma_start3A, %dma_start3A_20, %dma_start3A_21] : memref<8x32x128xf32, #tpu.memory_space<vmem>> -> memref<1x32x128xf32, #tpu.memory_space<vmem>>
    %dma_start3A_23 = tpu.memref_squeeze %dma_start3A_22 : memref<1x32x128xf32, #tpu.memory_space<vmem>> -> memref<32x128xf32, #tpu.memory_space<vmem>>
    %dma_start3A_24 = arith.constant 0 : i32
    %dma_start3A_25 = tpu.memref_slice %arg4[%dma_start3A_24, %multiple_of3A] : memref<32x1000000xf32, #tpu.memory_space<hbm>> -> memref<32x128xf32, #tpu.memory_space<hbm>>
    %dma_start3A_26 = arith.constant 0 : i32
    %dma_start3A_27 = arith.constant 0 : i32
    %dma_start3A_28 = tpu.memref_slice %arg11[%dma_start3A, %dma_start3A_26, %dma_start3A_27] : memref<8x32x128xf32, #tpu.memory_space<vmem>> -> memref<1x32x128xf32, #tpu.memory_space<vmem>>
    %dma_start3A_29 = tpu.memref_squeeze %dma_start3A_28 : memref<1x32x128xf32, #tpu.memory_space<vmem>> -> memref<32x128xf32, #tpu.memory_space<vmem>>
    %dma_start3A_30 = arith.constant 0 : i32
    %dma_start3A_31 = tpu.memref_slice %arg4[%dma_start3A_30, %multiple_of3A] : memref<32x1000000xf32, #tpu.memory_space<hbm>> -> memref<32x128xf32, #tpu.memory_space<hbm>>
    tpu.enqueue_dma source(%dma_start3A_31 : memref<32x128xf32, #tpu.memory_space<hbm>>) target(%dma_start3A_29 : memref<32x128xf32, #tpu.memory_space<vmem>>) target_semaphore(%arg16 : memref<!tpu.dma_semaphore, #tpu.memory_space<semaphore_mem>>)
    %dma_start3A_32 = arith.constant 0 : i32
    %dma_start3A_33 = arith.constant 0 : i32
    %dma_start3A_34 = arith.constant 0 : i32
    %dma_start3A_35 = tpu.memref_slice %arg12[%dma_start3A_32, %dma_start3A_33, %dma_start3A_34] : memref<8x32x128xf32, #tpu.memory_space<vmem>> -> memref<1x32x128xf32, #tpu.memory_space<vmem>>
    %dma_start3A_36 = tpu.memref_squeeze %dma_start3A_35 : memref<1x32x128xf32, #tpu.memory_space<vmem>> -> memref<32x128xf32, #tpu.memory_space<vmem>>
    %dma_start3A_37 = arith.constant 0 : i32
    %dma_start3A_38 = tpu.memref_slice %arg5[%dma_start3A_37, %multiple_of3A_19] : memref<32x1000000xf32, #tpu.memory_space<hbm>> -> memref<32x128xf32, #tpu.memory_space<hbm>>
    %dma_start3A_39 = arith.constant 0 : i32
    %dma_start3A_40 = arith.constant 0 : i32
    %dma_start3A_41 = tpu.memref_slice %arg12[%dma_start3A_32, %dma_start3A_39, %dma_start3A_40] : memref<8x32x128xf32, #tpu.memory_space<vmem>> -> memref<1x32x128xf32, #tpu.memory_space<vmem>>
    %dma_start3A_42 = tpu.memref_squeeze %dma_start3A_41 : memref<1x32x128xf32, #tpu.memory_space<vmem>> -> memref<32x128xf32, #tpu.memory_space<vmem>>
    %dma_start3A_43 = arith.constant 0 : i32
    %dma_start3A_44 = tpu.memref_slice %arg5[%dma_start3A_43, %multiple_of3A_19] : memref<32x1000000xf32, #tpu.memory_space<hbm>> -> memref<32x128xf32, #tpu.memory_space<hbm>>
    tpu.enqueue_dma source(%dma_start3A_44 : memref<32x128xf32, #tpu.memory_space<hbm>>) target(%dma_start3A_42 : memref<32x128xf32, #tpu.memory_space<vmem>>) target_semaphore(%arg17 : memref<!tpu.dma_semaphore, #tpu.memory_space<semaphore_mem>>)
    %dma_start3A_45 = arith.constant 0 : i32
    %dma_start3A_46 = arith.constant 0 : i32
    %dma_start3A_47 = tpu.memref_slice %arg13[%dma_start3A_45, %dma_start3A_46] : memref<8x128xf32, #tpu.memory_space<vmem>> -> memref<1x128xf32, #tpu.memory_space<vmem>>
    %dma_start3A_48 = tpu.memref_squeeze %dma_start3A_47 : memref<1x128xf32, #tpu.memory_space<vmem>> -> memref<128xf32, #tpu.memory_space<vmem>>
    %dma_start3A_49 = tpu.memref_slice %arg6[%multiple_of3A] : memref<1000000xf32, #tpu.memory_space<hbm>> -> memref<128xf32, #tpu.memory_space<hbm>>
    %dma_start3A_50 = arith.constant 0 : i32
    %dma_start3A_51 = tpu.memref_slice %arg13[%dma_start3A_45, %dma_start3A_50] : memref<8x128xf32, #tpu.memory_space<vmem>> -> memref<1x128xf32, #tpu.memory_space<vmem>>
    %dma_start3A_52 = tpu.memref_squeeze %dma_start3A_51 : memref<1x128xf32, #tpu.memory_space<vmem>> -> memref<128xf32, #tpu.memory_space<vmem>>
    %dma_start3A_53 = tpu.memref_slice %arg6[%multiple_of3A] : memref<1000000xf32, #tpu.memory_space<hbm>> -> memref<128xf32, #tpu.memory_space<hbm>>
    tpu.enqueue_dma source(%dma_start3A_53 : memref<128xf32, #tpu.memory_space<hbm>>) target(%dma_start3A_52 : memref<128xf32, #tpu.memory_space<vmem>>) target_semaphore(%arg18 : memref<!tpu.dma_semaphore, #tpu.memory_space<semaphore_mem>>)
    %dma_start3A_54 = arith.constant 0 : i32
    %dma_start3A_55 = arith.constant 0 : i32
    %dma_start3A_56 = tpu.memref_slice %arg14[%dma_start3A_54, %dma_start3A_55] : memref<8x128xf32, #tpu.memory_space<vmem>> -> memref<1x128xf32, #tpu.memory_space<vmem>>
    %dma_start3A_57 = tpu.memref_squeeze %dma_start3A_56 : memref<1x128xf32, #tpu.memory_space<vmem>> -> memref<128xf32, #tpu.memory_space<vmem>>
    %dma_start3A_58 = tpu.memref_slice %arg7[%multiple_of3A_19] : memref<1000000xf32, #tpu.memory_space<hbm>> -> memref<128xf32, #tpu.memory_space<hbm>>
    %dma_start3A_59 = arith.constant 0 : i32
    %dma_start3A_60 = tpu.memref_slice %arg14[%dma_start3A_54, %dma_start3A_59] : memref<8x128xf32, #tpu.memory_space<vmem>> -> memref<1x128xf32, #tpu.memory_space<vmem>>
    %dma_start3A_61 = tpu.memref_squeeze %dma_start3A_60 : memref<1x128xf32, #tpu.memory_space<vmem>> -> memref<128xf32, #tpu.memory_space<vmem>>
    %dma_start3A_62 = tpu.memref_slice %arg7[%multiple_of3A_19] : memref<1000000xf32, #tpu.memory_space<hbm>> -> memref<128xf32, #tpu.memory_space<hbm>>
    tpu.enqueue_dma source(%dma_start3A_62 : memref<128xf32, #tpu.memory_space<hbm>>) target(%dma_start3A_61 : memref<128xf32, #tpu.memory_space<vmem>>) target_semaphore(%arg19 : memref<!tpu.dma_semaphore, #tpu.memory_space<semaphore_mem>>)
    %slice3A_63 = vector.extract_strided_slice %get3A_7 {offsets = [1], sizes = [1], strides = [1]} : vector<16xi32> to vector<1xi32>
    %squeeze3A_64 = vector.extract %slice3A_63[0] : i32 from vector<1xi32>
    %slice3A_65 = vector.extract_strided_slice %get3A_9 {offsets = [1], sizes = [1], strides = [1]} : vector<16xi32> to vector<1xi32>
    %squeeze3A_66 = vector.extract %slice3A_65[0] : i32 from vector<1xi32>
    %shift_right_arithmetic3A_67 = arith.constant 7 : i32
    %shift_right_arithmetic3A_68 = arith.shrsi %squeeze3A_64, %shift_right_arithmetic3A_67 : i32
    %mul3A_69 = arith.constant 128 : i32
    %mul3A_70 = arith.muli %shift_right_arithmetic3A_68, %mul3A_69 : i32
    %multiple_of3A_71 = tpu.assume_multiple %mul3A_70, 128 : i32
    %shift_right_arithmetic3A_72 = arith.constant 7 : i32
    %shift_right_arithmetic3A_73 = arith.shrsi %squeeze3A_66, %shift_right_arithmetic3A_72 : i32
    %mul3A_74 = arith.constant 128 : i32
    %mul3A_75 = arith.muli %shift_right_arithmetic3A_73, %mul3A_74 : i32
    %multiple_of3A_76 = tpu.assume_multiple %mul3A_75, 128 : i32
    %dma_start3A_77 = arith.constant 1 : i32
    %dma_start3A_78 = arith.constant 0 : i32
    %dma_start3A_79 = arith.constant 0 : i32
    %dma_start3A_80 = tpu.memref_slice %arg11[%dma_start3A_77, %dma_start3A_78, %dma_start3A_79] : memref<8x32x128xf32, #tpu.memory_space<vmem>> -> memref<1x32x128xf32, #tpu.memory_space<vmem>>
    %dma_start3A_81 = tpu.memref_squeeze %dma_start3A_80 : memref<1x32x128xf32, #tpu.memory_space<vmem>> -> memref<32x128xf32, #tpu.memory_space<vmem>>
    %dma_start3A_82 = arith.constant 0 : i32
    %dma_start3A_83 = tpu.memref_slice %arg4[%dma_start3A_82, %multiple_of3A_71] : memref<32x1000000xf32, #tpu.memory_space<hbm>> -> memref<32x128xf32, #tpu.memory_space<hbm>>
    %dma_start3A_84 = arith.constant 0 : i32
    %dma_start3A_85 = arith.constant 0 : i32
    %dma_start3A_86 = tpu.memref_slice %arg11[%dma_start3A_77, %dma_start3A_84, %dma_start3A_85] : memref<8x32x128xf32, #tpu.memory_space<vmem>> -> memref<1x32x128xf32, #tpu.memory_space<vmem>>
    %dma_start3A_87 = tpu.memref_squeeze %dma_start3A_86 : memref<1x32x128xf32, #tpu.memory_space<vmem>> -> memref<32x128xf32, #tpu.memory_space<vmem>>
    %dma_start3A_88 = arith.constant 0 : i32
    %dma_start3A_89 = tpu.memref_slice %arg4[%dma_start3A_88, %multiple_of3A_71] : memref<32x1000000xf32, #tpu.memory_space<hbm>> -> memref<32x128xf32, #tpu.memory_space<hbm>>
    tpu.enqueue_dma source(%dma_start3A_89 : memref<32x128xf32, #tpu.memory_space<hbm>>) target(%dma_start3A_87 : memref<32x128xf32, #tpu.memory_space<vmem>>) target_semaphore(%arg16 : memref<!tpu.dma_semaphore, #tpu.memory_space<semaphore_mem>>)
    %dma_start3A_90 = arith.constant 1 : i32
    %dma_start3A_91 = arith.constant 0 : i32
    %dma_start3A_92 = arith.constant 0 : i32
    %dma_start3A_93 = tpu.memref_slice %arg12[%dma_start3A_90, %dma_start3A_91, %dma_start3A_92] : memref<8x32x128xf32, #tpu.memory_space<vmem>> -> memref<1x32x128xf32, #tpu.memory_space<vmem>>
    %dma_start3A_94 = tpu.memref_squeeze %dma_start3A_93 : memref<1x32x128xf32, #tpu.memory_space<vmem>> -> memref<32x128xf32, #tpu.memory_space<vmem>>
    %dma_start3A_95 = arith.constant 0 : i32
    %dma_start3A_96 = tpu.memref_slice %arg5[%dma_start3A_95, %multiple_of3A_76] : memref<32x1000000xf32, #tpu.memory_space<hbm>> -> memref<32x128xf32, #tpu.memory_space<hbm>>
    %dma_start3A_97 = arith.constant 0 : i32
    %dma_start3A_98 = arith.constant 0 : i32
    %dma_start3A_99 = tpu.memref_slice %arg12[%dma_start3A_90, %dma_start3A_97, %dma_start3A_98] : memref<8x32x128xf32, #tpu.memory_space<vmem>> -> memref<1x32x128xf32, #tpu.memory_space<vmem>>
    %dma_start3A_100 = tpu.memref_squeeze %dma_start3A_99 : memref<1x32x128xf32, #tpu.memory_space<vmem>> -> memref<32x128xf32, #tpu.memory_space<vmem>>
    %dma_start3A_101 = arith.constant 0 : i32
    %dma_start3A_102 = tpu.memref_slice %arg5[%dma_start3A_101, %multiple_of3A_76] : memref<32x1000000xf32, #tpu.memory_space<hbm>> -> memref<32x128xf32, #tpu.memory_space<hbm>>
    tpu.enqueue_dma source(%dma_start3A_102 : memref<32x128xf32, #tpu.memory_space<hbm>>) target(%dma_start3A_100 : memref<32x128xf32, #tpu.memory_space<vmem>>) target_semaphore(%arg17 : memref<!tpu.dma_semaphore, #tpu.memory_space<semaphore_mem>>)
    %dma_start3A_103 = arith.constant 1 : i32
    %dma_start3A_104 = arith.constant 0 : i32
    %dma_start3A_105 = tpu.memref_slice %arg13[%dma_start3A_103, %dma_start3A_104] : memref<8x128xf32, #tpu.memory_space<vmem>> -> memref<1x128xf32, #tpu.memory_space<vmem>>
    %dma_start3A_106 = tpu.memref_squeeze %dma_start3A_105 : memref<1x128xf32, #tpu.memory_space<vmem>> -> memref<128xf32, #tpu.memory_space<vmem>>
    %dma_start3A_107 = tpu.memref_slice %arg6[%multiple_of3A_71] : memref<1000000xf32, #tpu.memory_space<hbm>> -> memref<128xf32, #tpu.memory_space<hbm>>
    %dma_start3A_108 = arith.constant 0 : i32
    %dma_start3A_109 = tpu.memref_slice %arg13[%dma_start3A_103, %dma_start3A_108] : memref<8x128xf32, #tpu.memory_space<vmem>> -> memref<1x128xf32, #tpu.memory_space<vmem>>
    %dma_start3A_110 = tpu.memref_squeeze %dma_start3A_109 : memref<1x128xf32, #tpu.memory_space<vmem>> -> memref<128xf32, #tpu.memory_space<vmem>>
    %dma_start3A_111 = tpu.memref_slice %arg6[%multiple_of3A_71] : memref<1000000xf32, #tpu.memory_space<hbm>> -> memref<128xf32, #tpu.memory_space<hbm>>
    tpu.enqueue_dma source(%dma_start3A_111 : memref<128xf32, #tpu.memory_space<hbm>>) target(%dma_start3A_110 : memref<128xf32, #tpu.memory_space<vmem>>) target_semaphore(%arg18 : memref<!tpu.dma_semaphore, #tpu.memory_space<semaphore_mem>>)
    %dma_start3A_112 = arith.constant 1 : i32
    %dma_start3A_113 = arith.constant 0 : i32
    %dma_start3A_114 = tpu.memref_slice %arg14[%dma_start3A_112, %dma_start3A_113] : memref<8x128xf32, #tpu.memory_space<vmem>> -> memref<1x128xf32, #tpu.memory_space<vmem>>
    %dma_start3A_115 = tpu.memref_squeeze %dma_start3A_114 : memref<1x128xf32, #tpu.memory_space<vmem>> -> memref<128xf32, #tpu.memory_space<vmem>>
    %dma_start3A_116 = tpu.memref_slice %arg7[%multiple_of3A_76] : memref<1000000xf32, #tpu.memory_space<hbm>> -> memref<128xf32, #tpu.memory_space<hbm>>
    %dma_start3A_117 = arith.constant 0 : i32
    %dma_start3A_118 = tpu.memref_slice %arg14[%dma_start3A_112, %dma_start3A_117] : memref<8x128xf32, #tpu.memory_space<vmem>> -> memref<1x128xf32, #tpu.memory_space<vmem>>
    %dma_start3A_119 = tpu.memref_squeeze %dma_start3A_118 : memref<1x128xf32, #tpu.memory_space<vmem>> -> memref<128xf32, #tpu.memory_space<vmem>>
    %dma_start3A_120 = tpu.memref_slice %arg7[%multiple_of3A_76] : memref<1000000xf32, #tpu.memory_space<hbm>> -> memref<128xf32, #tpu.memory_space<hbm>>
    tpu.enqueue_dma source(%dma_start3A_120 : memref<128xf32, #tpu.memory_space<hbm>>) target(%dma_start3A_119 : memref<128xf32, #tpu.memory_space<vmem>>) target_semaphore(%arg19 : memref<!tpu.dma_semaphore, #tpu.memory_space<semaphore_mem>>)
    %slice3A_121 = vector.extract_strided_slice %get3A_7 {offsets = [2], sizes = [1], strides = [1]} : vector<16xi32> to vector<1xi32>
    %squeeze3A_122 = vector.extract %slice3A_121[0] : i32 from vector<1xi32>
    %slice3A_123 = vector.extract_strided_slice %get3A_9 {offsets = [2], sizes = [1], strides = [1]} : vector<16xi32> to vector<1xi32>
    %squeeze3A_124 = vector.extract %slice3A_123[0] : i32 from vector<1xi32>
    %shift_right_arithmetic3A_125 = arith.constant 7 : i32
    %shift_right_arithmetic3A_126 = arith.shrsi %squeeze3A_122, %shift_right_arithmetic3A_125 : i32
    %mul3A_127 = arith.constant 128 : i32
    %mul3A_128 = arith.muli %shift_right_arithmetic3A_126, %mul3A_127 : i32
    %multiple_of3A_129 = tpu.assume_multiple %mul3A_128, 128 : i32
    %shift_right_arithmetic3A_130 = arith.constant 7 : i32
    %shift_right_arithmetic3A_131 = arith.shrsi %squeeze3A_124, %shift_right_arithmetic3A_130 : i32
    %mul3A_132 = arith.constant 128 : i32
    %mul3A_133 = arith.muli %shift_right_arithmetic3A_131, %mul3A_132 : i32
    %multiple_of3A_134 = tpu.assume_multiple %mul3A_133, 128 : i32
    %dma_start3A_135 = arith.constant 2 : i32
    %dma_start3A_136 = arith.constant 0 : i32
    %dma_start3A_137 = arith.constant 0 : i32
    %dma_start3A_138 = tpu.memref_slice %arg11[%dma_start3A_135, %dma_start3A_136, %dma_start3A_137] : memref<8x32x128xf32, #tpu.memory_space<vmem>> -> memref<1x32x128xf32, #tpu.memory_space<vmem>>
    %dma_start3A_139 = tpu.memref_squeeze %dma_start3A_138 : memref<1x32x128xf32, #tpu.memory_space<vmem>> -> memref<32x128xf32, #tpu.memory_space<vmem>>
    %dma_start3A_140 = arith.constant 0 : i32
    %dma_start3A_141 = tpu.memref_slice %arg4[%dma_start3A_140, %multiple_of3A_129] : memref<32x1000000xf32, #tpu.memory_space<hbm>> -> memref<32x128xf32, #tpu.memory_space<hbm>>
    %dma_start3A_142 = arith.constant 0 : i32
    %dma_start3A_143 = arith.constant 0 : i32
    %dma_start3A_144 = tpu.memref_slice %arg11[%dma_start3A_135, %dma_start3A_142, %dma_start3A_143] : memref<8x32x128xf32, #tpu.memory_space<vmem>> -> memref<1x32x128xf32, #tpu.memory_space<vmem>>
    %dma_start3A_145 = tpu.memref_squeeze %dma_start3A_144 : memref<1x32x128xf32, #tpu.memory_space<vmem>> -> memref<32x128xf32, #tpu.memory_space<vmem>>
    %dma_start3A_146 = arith.constant 0 : i32
    %dma_start3A_147 = tpu.memref_slice %arg4[%dma_start3A_146, %multiple_of3A_129] : memref<32x1000000xf32, #tpu.memory_space<hbm>> -> memref<32x128xf32, #tpu.memory_space<hbm>>
    tpu.enqueue_dma source(%dma_start3A_147 : memref<32x128xf32, #tpu.memory_space<hbm>>) target(%dma_start3A_145 : memref<32x128xf32, #tpu.memory_space<vmem>>) target_semaphore(%arg16 : memref<!tpu.dma_semaphore, #tpu.memory_space<semaphore_mem>>)
    %dma_start3A_148 = arith.constant 2 : i32
    %dma_start3A_149 = arith.constant 0 : i32
    %dma_start3A_150 = arith.constant 0 : i32
    %dma_start3A_151 = tpu.memref_slice %arg12[%dma_start3A_148, %dma_start3A_149, %dma_start3A_150] : memref<8x32x128xf32, #tpu.memory_space<vmem>> -> memref<1x32x128xf32, #tpu.memory_space<vmem>>
    %dma_start3A_152 = tpu.memref_squeeze %dma_start3A_151 : memref<1x32x128xf32, #tpu.memory_space<vmem>> -> memref<32x128xf32, #tpu.memory_space<vmem>>
    %dma_start3A_153 = arith.constant 0 : i32
    %dma_start3A_154 = tpu.memref_slice %arg5[%dma_start3A_153, %multiple_of3A_134] : memref<32x1000000xf32, #tpu.memory_space<hbm>> -> memref<32x128xf32, #tpu.memory_space<hbm>>
    %dma_start3A_155 = arith.constant 0 : i32
    %dma_start3A_156 = arith.constant 0 : i32
    %dma_start3A_157 = tpu.memref_slice %arg12[%dma_start3A_148, %dma_start3A_155, %dma_start3A_156] : memref<8x32x128xf32, #tpu.memory_space<vmem>> -> memref<1x32x128xf32, #tpu.memory_space<vmem>>
    %dma_start3A_158 = tpu.memref_squeeze %dma_start3A_157 : memref<1x32x128xf32, #tpu.memory_space<vmem>> -> memref<32x128xf32, #tpu.memory_space<vmem>>
    %dma_start3A_159 = arith.constant 0 : i32
    %dma_start3A_160 = tpu.memref_slice %arg5[%dma_start3A_159, %multiple_of3A_134] : memref<32x1000000xf32, #tpu.memory_space<hbm>> -> memref<32x128xf32, #tpu.memory_space<hbm>>
    tpu.enqueue_dma source(%dma_start3A_160 : memref<32x128xf32, #tpu.memory_space<hbm>>) target(%dma_start3A_158 : memref<32x128xf32, #tpu.memory_space<vmem>>) target_semaphore(%arg17 : memref<!tpu.dma_semaphore, #tpu.memory_space<semaphore_mem>>)
    %dma_start3A_161 = arith.constant 2 : i32
    %dma_start3A_162 = arith.constant 0 : i32
    %dma_start3A_163 = tpu.memref_slice %arg13[%dma_start3A_161, %dma_start3A_162] : memref<8x128xf32, #tpu.memory_space<vmem>> -> memref<1x128xf32, #tpu.memory_space<vmem>>
    %dma_start3A_164 = tpu.memref_squeeze %dma_start3A_163 : memref<1x128xf32, #tpu.memory_space<vmem>> -> memref<128xf32, #tpu.memory_space<vmem>>
    %dma_start3A_165 = tpu.memref_slice %arg6[%multiple_of3A_129] : memref<1000000xf32, #tpu.memory_space<hbm>> -> memref<128xf32, #tpu.memory_space<hbm>>
    %dma_start3A_166 = arith.constant 0 : i32
    %dma_start3A_167 = tpu.memref_slice %arg13[%dma_start3A_161, %dma_start3A_166] : memref<8x128xf32, #tpu.memory_space<vmem>> -> memref<1x128xf32, #tpu.memory_space<vmem>>
    %dma_start3A_168 = tpu.memref_squeeze %dma_start3A_167 : memref<1x128xf32, #tpu.memory_space<vmem>> -> memref<128xf32, #tpu.memory_space<vmem>>
    %dma_start3A_169 = tpu.memref_slice %arg6[%multiple_of3A_129] : memref<1000000xf32, #tpu.memory_space<hbm>> -> memref<128xf32, #tpu.memory_space<hbm>>
    tpu.enqueue_dma source(%dma_start3A_169 : memref<128xf32, #tpu.memory_space<hbm>>) target(%dma_start3A_168 : memref<128xf32, #tpu.memory_space<vmem>>) target_semaphore(%arg18 : memref<!tpu.dma_semaphore, #tpu.memory_space<semaphore_mem>>)
    %dma_start3A_170 = arith.constant 2 : i32
    %dma_start3A_171 = arith.constant 0 : i32
    %dma_start3A_172 = tpu.memref_slice %arg14[%dma_start3A_170, %dma_start3A_171] : memref<8x128xf32, #tpu.memory_space<vmem>> -> memref<1x128xf32, #tpu.memory_space<vmem>>
    %dma_start3A_173 = tpu.memref_squeeze %dma_start3A_172 : memref<1x128xf32, #tpu.memory_space<vmem>> -> memref<128xf32, #tpu.memory_space<vmem>>
    %dma_start3A_174 = tpu.memref_slice %arg7[%multiple_of3A_134] : memref<1000000xf32, #tpu.memory_space<hbm>> -> memref<128xf32, #tpu.memory_space<hbm>>
    %dma_start3A_175 = arith.constant 0 : i32
    %dma_start3A_176 = tpu.memref_slice %arg14[%dma_start3A_170, %dma_start3A_175] : memref<8x128xf32, #tpu.memory_space<vmem>> -> memref<1x128xf32, #tpu.memory_space<vmem>>
    %dma_start3A_177 = tpu.memref_squeeze %dma_start3A_176 : memref<1x128xf32, #tpu.memory_space<vmem>> -> memref<128xf32, #tpu.memory_space<vmem>>
    %dma_start3A_178 = tpu.memref_slice %arg7[%multiple_of3A_134] : memref<1000000xf32, #tpu.memory_space<hbm>> -> memref<128xf32, #tpu.memory_space<hbm>>
    tpu.enqueue_dma source(%dma_start3A_178 : memref<128xf32, #tpu.memory_space<hbm>>) target(%dma_start3A_177 : memref<128xf32, #tpu.memory_space<vmem>>) target_semaphore(%arg19 : memref<!tpu.dma_semaphore, #tpu.memory_space<semaphore_mem>>)
    %slice3A_179 = vector.extract_strided_slice %get3A_7 {offsets = [3], sizes = [1], strides = [1]} : vector<16xi32> to vector<1xi32>
    %squeeze3A_180 = vector.extract %slice3A_179[0] : i32 from vector<1xi32>
    %slice3A_181 = vector.extract_strided_slice %get3A_9 {offsets = [3], sizes = [1], strides = [1]} : vector<16xi32> to vector<1xi32>
    %squeeze3A_182 = vector.extract %slice3A_181[0] : i32 from vector<1xi32>
    %shift_right_arithmetic3A_183 = arith.constant 7 : i32
    %shift_right_arithmetic3A_184 = arith.shrsi %squeeze3A_180, %shift_right_arithmetic3A_183 : i32
    %mul3A_185 = arith.constant 128 : i32
    %mul3A_186 = arith.muli %shift_right_arithmetic3A_184, %mul3A_185 : i32
    %multiple_of3A_187 = tpu.assume_multiple %mul3A_186, 128 : i32
    %shift_right_arithmetic3A_188 = arith.constant 7 : i32
    %shift_right_arithmetic3A_189 = arith.shrsi %squeeze3A_182, %shift_right_arithmetic3A_188 : i32
    %mul3A_190 = arith.constant 128 : i32
    %mul3A_191 = arith.muli %shift_right_arithmetic3A_189, %mul3A_190 : i32
    %multiple_of3A_192 = tpu.assume_multiple %mul3A_191, 128 : i32
    %dma_start3A_193 = arith.constant 3 : i32
    %dma_start3A_194 = arith.constant 0 : i32
    %dma_start3A_195 = arith.constant 0 : i32
    %dma_start3A_196 = tpu.memref_slice %arg11[%dma_start3A_193, %dma_start3A_194, %dma_start3A_195] : memref<8x32x128xf32, #tpu.memory_space<vmem>> -> memref<1x32x128xf32, #tpu.memory_space<vmem>>
    %dma_start3A_197 = tpu.memref_squeeze %dma_start3A_196 : memref<1x32x128xf32, #tpu.memory_space<vmem>> -> memref<32x128xf32, #tpu.memory_space<vmem>>
    %dma_start3A_198 = arith.constant 0 : i32
    %dma_start3A_199 = tpu.memref_slice %arg4[%dma_start3A_198, %multiple_of3A_187] : memref<32x1000000xf32, #tpu.memory_space<hbm>> -> memref<32x128xf32, #tpu.memory_space<hbm>>
    %dma_start3A_200 = arith.constant 0 : i32
    %dma_start3A_201 = arith.constant 0 : i32
    %dma_start3A_202 = tpu.memref_slice %arg11[%dma_start3A_193, %dma_start3A_200, %dma_start3A_201] : memref<8x32x128xf32, #tpu.memory_space<vmem>> -> memref<1x32x128xf32, #tpu.memory_space<vmem>>
    %dma_start3A_203 = tpu.memref_squeeze %dma_start3A_202 : memref<1x32x128xf32, #tpu.memory_space<vmem>> -> memref<32x128xf32, #tpu.memory_space<vmem>>
    %dma_start3A_204 = arith.constant 0 : i32
    %dma_start3A_205 = tpu.memref_slice %arg4[%dma_start3A_204, %multiple_of3A_187] : memref<32x1000000xf32, #tpu.memory_space<hbm>> -> memref<32x128xf32, #tpu.memory_space<hbm>>
    tpu.enqueue_dma source(%dma_start3A_205 : memref<32x128xf32, #tpu.memory_space<hbm>>) target(%dma_start3A_203 : memref<32x128xf32, #tpu.memory_space<vmem>>) target_semaphore(%arg16 : memref<!tpu.dma_semaphore, #tpu.memory_space<semaphore_mem>>)
    %dma_start3A_206 = arith.constant 3 : i32
    %dma_start3A_207 = arith.constant 0 : i32
    %dma_start3A_208 = arith.constant 0 : i32
    %dma_start3A_209 = tpu.memref_slice %arg12[%dma_start3A_206, %dma_start3A_207, %dma_start3A_208] : memref<8x32x128xf32, #tpu.memory_space<vmem>> -> memref<1x32x128xf32, #tpu.memory_space<vmem>>
    %dma_start3A_210 = tpu.memref_squeeze %dma_start3A_209 : memref<1x32x128xf32, #tpu.memory_space<vmem>> -> memref<32x128xf32, #tpu.memory_space<vmem>>
    %dma_start3A_211 = arith.constant 0 : i32
    %dma_start3A_212 = tpu.memref_slice %arg5[%dma_start3A_211, %multiple_of3A_192] : memref<32x1000000xf32, #tpu.memory_space<hbm>> -> memref<32x128xf32, #tpu.memory_space<hbm>>
    %dma_start3A_213 = arith.constant 0 : i32
    %dma_start3A_214 = arith.constant 0 : i32
    %dma_start3A_215 = tpu.memref_slice %arg12[%dma_start3A_206, %dma_start3A_213, %dma_start3A_214] : memref<8x32x128xf32, #tpu.memory_space<vmem>> -> memref<1x32x128xf32, #tpu.memory_space<vmem>>
    %dma_start3A_216 = tpu.memref_squeeze %dma_start3A_215 : memref<1x32x128xf32, #tpu.memory_space<vmem>> -> memref<32x128xf32, #tpu.memory_space<vmem>>
    %dma_start3A_217 = arith.constant 0 : i32
    %dma_start3A_218 = tpu.memref_slice %arg5[%dma_start3A_217, %multiple_of3A_192] : memref<32x1000000xf32, #tpu.memory_space<hbm>> -> memref<32x128xf32, #tpu.memory_space<hbm>>
    tpu.enqueue_dma source(%dma_start3A_218 : memref<32x128xf32, #tpu.memory_space<hbm>>) target(%dma_start3A_216 : memref<32x128xf32, #tpu.memory_space<vmem>>) target_semaphore(%arg17 : memref<!tpu.dma_semaphore, #tpu.memory_space<semaphore_mem>>)
    %dma_start3A_219 = arith.constant 3 : i32
    %dma_start3A_220 = arith.constant 0 : i32
    %dma_start3A_221 = tpu.memref_slice %arg13[%dma_start3A_219, %dma_start3A_220] : memref<8x128xf32, #tpu.memory_space<vmem>> -> memref<1x128xf32, #tpu.memory_space<vmem>>
    %dma_start3A_222 = tpu.memref_squeeze %dma_start3A_221 : memref<1x128xf32, #tpu.memory_space<vmem>> -> memref<128xf32, #tpu.memory_space<vmem>>
    %dma_start3A_223 = tpu.memref_slice %arg6[%multiple_of3A_187] : memref<1000000xf32, #tpu.memory_space<hbm>> -> memref<128xf32, #tpu.memory_space<hbm>>
    %dma_start3A_224 = arith.constant 0 : i32
    %dma_start3A_225 = tpu.memref_slice %arg13[%dma_start3A_219, %dma_start3A_224] : memref<8x128xf32, #tpu.memory_space<vmem>> -> memref<1x128xf32, #tpu.memory_space<vmem>>
    %dma_start3A_226 = tpu.memref_squeeze %dma_start3A_225 : memref<1x128xf32, #tpu.memory_space<vmem>> -> memref<128xf32, #tpu.memory_space<vmem>>
    %dma_start3A_227 = tpu.memref_slice %arg6[%multiple_of3A_187] : memref<1000000xf32, #tpu.memory_space<hbm>> -> memref<128xf32, #tpu.memory_space<hbm>>
    tpu.enqueue_dma source(%dma_start3A_227 : memref<128xf32, #tpu.memory_space<hbm>>) target(%dma_start3A_226 : memref<128xf32, #tpu.memory_space<vmem>>) target_semaphore(%arg18 : memref<!tpu.dma_semaphore, #tpu.memory_space<semaphore_mem>>)
    %dma_start3A_228 = arith.constant 3 : i32
    %dma_start3A_229 = arith.constant 0 : i32
    %dma_start3A_230 = tpu.memref_slice %arg14[%dma_start3A_228, %dma_start3A_229] : memref<8x128xf32, #tpu.memory_space<vmem>> -> memref<1x128xf32, #tpu.memory_space<vmem>>
    %dma_start3A_231 = tpu.memref_squeeze %dma_start3A_230 : memref<1x128xf32, #tpu.memory_space<vmem>> -> memref<128xf32, #tpu.memory_space<vmem>>
    %dma_start3A_232 = tpu.memref_slice %arg7[%multiple_of3A_192] : memref<1000000xf32, #tpu.memory_space<hbm>> -> memref<128xf32, #tpu.memory_space<hbm>>
    %dma_start3A_233 = arith.constant 0 : i32
    %dma_start3A_234 = tpu.memref_slice %arg14[%dma_start3A_228, %dma_start3A_233] : memref<8x128xf32, #tpu.memory_space<vmem>> -> memref<1x128xf32, #tpu.memory_space<vmem>>
    %dma_start3A_235 = tpu.memref_squeeze %dma_start3A_234 : memref<1x128xf32, #tpu.memory_space<vmem>> -> memref<128xf32, #tpu.memory_space<vmem>>
    %dma_start3A_236 = tpu.memref_slice %arg7[%multiple_of3A_192] : memref<1000000xf32, #tpu.memory_space<hbm>> -> memref<128xf32, #tpu.memory_space<hbm>>
    tpu.enqueue_dma source(%dma_start3A_236 : memref<128xf32, #tpu.memory_space<hbm>>) target(%dma_start3A_235 : memref<128xf32, #tpu.memory_space<vmem>>) target_semaphore(%arg19 : memref<!tpu.dma_semaphore, #tpu.memory_space<semaphore_mem>>)
    %slice3A_237 = vector.extract_strided_slice %get3A_7 {offsets = [4], sizes = [1], strides = [1]} : vector<16xi32> to vector<1xi32>
    %squeeze3A_238 = vector.extract %slice3A_237[0] : i32 from vector<1xi32>
    %slice3A_239 = vector.extract_strided_slice %get3A_9 {offsets = [4], sizes = [1], strides = [1]} : vector<16xi32> to vector<1xi32>
    %squeeze3A_240 = vector.extract %slice3A_239[0] : i32 from vector<1xi32>
    %shift_right_arithmetic3A_241 = arith.constant 7 : i32
    %shift_right_arithmetic3A_242 = arith.shrsi %squeeze3A_238, %shift_right_arithmetic3A_241 : i32
    %mul3A_243 = arith.constant 128 : i32
    %mul3A_244 = arith.muli %shift_right_arithmetic3A_242, %mul3A_243 : i32
    %multiple_of3A_245 = tpu.assume_multiple %mul3A_244, 128 : i32
    %shift_right_arithmetic3A_246 = arith.constant 7 : i32
    %shift_right_arithmetic3A_247 = arith.shrsi %squeeze3A_240, %shift_right_arithmetic3A_246 : i32
    %mul3A_248 = arith.constant 128 : i32
    %mul3A_249 = arith.muli %shift_right_arithmetic3A_247, %mul3A_248 : i32
    %multiple_of3A_250 = tpu.assume_multiple %mul3A_249, 128 : i32
    %dma_start3A_251 = arith.constant 4 : i32
    %dma_start3A_252 = arith.constant 0 : i32
    %dma_start3A_253 = arith.constant 0 : i32
    %dma_start3A_254 = tpu.memref_slice %arg11[%dma_start3A_251, %dma_start3A_252, %dma_start3A_253] : memref<8x32x128xf32, #tpu.memory_space<vmem>> -> memref<1x32x128xf32, #tpu.memory_space<vmem>>
    %dma_start3A_255 = tpu.memref_squeeze %dma_start3A_254 : memref<1x32x128xf32, #tpu.memory_space<vmem>> -> memref<32x128xf32, #tpu.memory_space<vmem>>
    %dma_start3A_256 = arith.constant 0 : i32
    %dma_start3A_257 = tpu.memref_slice %arg4[%dma_start3A_256, %multiple_of3A_245] : memref<32x1000000xf32, #tpu.memory_space<hbm>> -> memref<32x128xf32, #tpu.memory_space<hbm>>
    %dma_start3A_258 = arith.constant 0 : i32
    %dma_start3A_259 = arith.constant 0 : i32
    %dma_start3A_260 = tpu.memref_slice %arg11[%dma_start3A_251, %dma_start3A_258, %dma_start3A_259] : memref<8x32x128xf32, #tpu.memory_space<vmem>> -> memref<1x32x128xf32, #tpu.memory_space<vmem>>
    %dma_start3A_261 = tpu.memref_squeeze %dma_start3A_260 : memref<1x32x128xf32, #tpu.memory_space<vmem>> -> memref<32x128xf32, #tpu.memory_space<vmem>>
    %dma_start3A_262 = arith.constant 0 : i32
    %dma_start3A_263 = tpu.memref_slice %arg4[%dma_start3A_262, %multiple_of3A_245] : memref<32x1000000xf32, #tpu.memory_space<hbm>> -> memref<32x128xf32, #tpu.memory_space<hbm>>
    tpu.enqueue_dma source(%dma_start3A_263 : memref<32x128xf32, #tpu.memory_space<hbm>>) target(%dma_start3A_261 : memref<32x128xf32, #tpu.memory_space<vmem>>) target_semaphore(%arg16 : memref<!tpu.dma_semaphore, #tpu.memory_space<semaphore_mem>>)
    %dma_start3A_264 = arith.constant 4 : i32
    %dma_start3A_265 = arith.constant 0 : i32
    %dma_start3A_266 = arith.constant 0 : i32
    %dma_start3A_267 = tpu.memref_slice %arg12[%dma_start3A_264, %dma_start3A_265, %dma_start3A_266] : memref<8x32x128xf32, #tpu.memory_space<vmem>> -> memref<1x32x128xf32, #tpu.memory_space<vmem>>
    %dma_start3A_268 = tpu.memref_squeeze %dma_start3A_267 : memref<1x32x128xf32, #tpu.memory_space<vmem>> -> memref<32x128xf32, #tpu.memory_space<vmem>>
    %dma_start3A_269 = arith.constant 0 : i32
    %dma_start3A_270 = tpu.memref_slice %arg5[%dma_start3A_269, %multiple_of3A_250] : memref<32x1000000xf32, #tpu.memory_space<hbm>> -> memref<32x128xf32, #tpu.memory_space<hbm>>
    %dma_start3A_271 = arith.constant 0 : i32
    %dma_start3A_272 = arith.constant 0 : i32
    %dma_start3A_273 = tpu.memref_slice %arg12[%dma_start3A_264, %dma_start3A_271, %dma_start3A_272] : memref<8x32x128xf32, #tpu.memory_space<vmem>> -> memref<1x32x128xf32, #tpu.memory_space<vmem>>
    %dma_start3A_274 = tpu.memref_squeeze %dma_start3A_273 : memref<1x32x128xf32, #tpu.memory_space<vmem>> -> memref<32x128xf32, #tpu.memory_space<vmem>>
    %dma_start3A_275 = arith.constant 0 : i32
    %dma_start3A_276 = tpu.memref_slice %arg5[%dma_start3A_275, %multiple_of3A_250] : memref<32x1000000xf32, #tpu.memory_space<hbm>> -> memref<32x128xf32, #tpu.memory_space<hbm>>
    tpu.enqueue_dma source(%dma_start3A_276 : memref<32x128xf32, #tpu.memory_space<hbm>>) target(%dma_start3A_274 : memref<32x128xf32, #tpu.memory_space<vmem>>) target_semaphore(%arg17 : memref<!tpu.dma_semaphore, #tpu.memory_space<semaphore_mem>>)
    %dma_start3A_277 = arith.constant 4 : i32
    %dma_start3A_278 = arith.constant 0 : i32
    %dma_start3A_279 = tpu.memref_slice %arg13[%dma_start3A_277, %dma_start3A_278] : memref<8x128xf32, #tpu.memory_space<vmem>> -> memref<1x128xf32, #tpu.memory_space<vmem>>
    %dma_start3A_280 = tpu.memref_squeeze %dma_start3A_279 : memref<1x128xf32, #tpu.memory_space<vmem>> -> memref<128xf32, #tpu.memory_space<vmem>>
    %dma_start3A_281 = tpu.memref_slice %arg6[%multiple_of3A_245] : memref<1000000xf32, #tpu.memory_space<hbm>> -> memref<128xf32, #tpu.memory_space<hbm>>
    %dma_start3A_282 = arith.constant 0 : i32
    %dma_start3A_283 = tpu.memref_slice %arg13[%dma_start3A_277, %dma_start3A_282] : memref<8x128xf32, #tpu.memory_space<vmem>> -> memref<1x128xf32, #tpu.memory_space<vmem>>
    %dma_start3A_284 = tpu.memref_squeeze %dma_start3A_283 : memref<1x128xf32, #tpu.memory_space<vmem>> -> memref<128xf32, #tpu.memory_space<vmem>>
    %dma_start3A_285 = tpu.memref_slice %arg6[%multiple_of3A_245] : memref<1000000xf32, #tpu.memory_space<hbm>> -> memref<128xf32, #tpu.memory_space<hbm>>
    tpu.enqueue_dma source(%dma_start3A_285 : memref<128xf32, #tpu.memory_space<hbm>>) target(%dma_start3A_284 : memref<128xf32, #tpu.memory_space<vmem>>) target_semaphore(%arg18 : memref<!tpu.dma_semaphore, #tpu.memory_space<semaphore_mem>>)
    %dma_start3A_286 = arith.constant 4 : i32
    %dma_start3A_287 = arith.constant 0 : i32
    %dma_start3A_288 = tpu.memref_slice %arg14[%dma_start3A_286, %dma_start3A_287] : memref<8x128xf32, #tpu.memory_space<vmem>> -> memref<1x128xf32, #tpu.memory_space<vmem>>
    %dma_start3A_289 = tpu.memref_squeeze %dma_start3A_288 : memref<1x128xf32, #tpu.memory_space<vmem>> -> memref<128xf32, #tpu.memory_space<vmem>>
    %dma_start3A_290 = tpu.memref_slice %arg7[%multiple_of3A_250] : memref<1000000xf32, #tpu.memory_space<hbm>> -> memref<128xf32, #tpu.memory_space<hbm>>
    %dma_start3A_291 = arith.constant 0 : i32
    %dma_start3A_292 = tpu.memref_slice %arg14[%dma_start3A_286, %dma_start3A_291] : memref<8x128xf32, #tpu.memory_space<vmem>> -> memref<1x128xf32, #tpu.memory_space<vmem>>
    %dma_start3A_293 = tpu.memref_squeeze %dma_start3A_292 : memref<1x128xf32, #tpu.memory_space<vmem>> -> memref<128xf32, #tpu.memory_space<vmem>>
    %dma_start3A_294 = tpu.memref_slice %arg7[%multiple_of3A_250] : memref<1000000xf32, #tpu.memory_space<hbm>> -> memref<128xf32, #tpu.memory_space<hbm>>
    tpu.enqueue_dma source(%dma_start3A_294 : memref<128xf32, #tpu.memory_space<hbm>>) target(%dma_start3A_293 : memref<128xf32, #tpu.memory_space<vmem>>) target_semaphore(%arg19 : memref<!tpu.dma_semaphore, #tpu.memory_space<semaphore_mem>>)
    %slice3A_295 = vector.extract_strided_slice %get3A_7 {offsets = [5], sizes = [1], strides = [1]} : vector<16xi32> to vector<1xi32>
    %squeeze3A_296 = vector.extract %slice3A_295[0] : i32 from vector<1xi32>
    %slice3A_297 = vector.extract_strided_slice %get3A_9 {offsets = [5], sizes = [1], strides = [1]} : vector<16xi32> to vector<1xi32>
    %squeeze3A_298 = vector.extract %slice3A_297[0] : i32 from vector<1xi32>
    %shift_right_arithmetic3A_299 = arith.constant 7 : i32
    %shift_right_arithmetic3A_300 = arith.shrsi %squeeze3A_296, %shift_right_arithmetic3A_299 : i32
    %mul3A_301 = arith.constant 128 : i32
    %mul3A_302 = arith.muli %shift_right_arithmetic3A_300, %mul3A_301 : i32
    %multiple_of3A_303 = tpu.assume_multiple %mul3A_302, 128 : i32
    %shift_right_arithmetic3A_304 = arith.constant 7 : i32
    %shift_right_arithmetic3A_305 = arith.shrsi %squeeze3A_298, %shift_right_arithmetic3A_304 : i32
    %mul3A_306 = arith.constant 128 : i32
    %mul3A_307 = arith.muli %shift_right_arithmetic3A_305, %mul3A_306 : i32
    %multiple_of3A_308 = tpu.assume_multiple %mul3A_307, 128 : i32
    %dma_start3A_309 = arith.constant 5 : i32
    %dma_start3A_310 = arith.constant 0 : i32
    %dma_start3A_311 = arith.constant 0 : i32
    %dma_start3A_312 = tpu.memref_slice %arg11[%dma_start3A_309, %dma_start3A_310, %dma_start3A_311] : memref<8x32x128xf32, #tpu.memory_space<vmem>> -> memref<1x32x128xf32, #tpu.memory_space<vmem>>
    %dma_start3A_313 = tpu.memref_squeeze %dma_start3A_312 : memref<1x32x128xf32, #tpu.memory_space<vmem>> -> memref<32x128xf32, #tpu.memory_space<vmem>>
    %dma_start3A_314 = arith.constant 0 : i32
    %dma_start3A_315 = tpu.memref_slice %arg4[%dma_start3A_314, %multiple_of3A_303] : memref<32x1000000xf32, #tpu.memory_space<hbm>> -> memref<32x128xf32, #tpu.memory_space<hbm>>
    %dma_start3A_316 = arith.constant 0 : i32
    %dma_start3A_317 = arith.constant 0 : i32
    %dma_start3A_318 = tpu.memref_slice %arg11[%dma_start3A_309, %dma_start3A_316, %dma_start3A_317] : memref<8x32x128xf32, #tpu.memory_space<vmem>> -> memref<1x32x128xf32, #tpu.memory_space<vmem>>
    %dma_start3A_319 = tpu.memref_squeeze %dma_start3A_318 : memref<1x32x128xf32, #tpu.memory_space<vmem>> -> memref<32x128xf32, #tpu.memory_space<vmem>>
    %dma_start3A_320 = arith.constant 0 : i32
    %dma_start3A_321 = tpu.memref_slice %arg4[%dma_start3A_320, %multiple_of3A_303] : memref<32x1000000xf32, #tpu.memory_space<hbm>> -> memref<32x128xf32, #tpu.memory_space<hbm>>
    tpu.enqueue_dma source(%dma_start3A_321 : memref<32x128xf32, #tpu.memory_space<hbm>>) target(%dma_start3A_319 : memref<32x128xf32, #tpu.memory_space<vmem>>) target_semaphore(%arg16 : memref<!tpu.dma_semaphore, #tpu.memory_space<semaphore_mem>>)
    %dma_start3A_322 = arith.constant 5 : i32
    %dma_start3A_323 = arith.constant 0 : i32
    %dma_start3A_324 = arith.constant 0 : i32
    %dma_start3A_325 = tpu.memref_slice %arg12[%dma_start3A_322, %dma_start3A_323, %dma_start3A_324] : memref<8x32x128xf32, #tpu.memory_space<vmem>> -> memref<1x32x128xf32, #tpu.memory_space<vmem>>
    %dma_start3A_326 = tpu.memref_squeeze %dma_start3A_325 : memref<1x32x128xf32, #tpu.memory_space<vmem>> -> memref<32x128xf32, #tpu.memory_space<vmem>>
    %dma_start3A_327 = arith.constant 0 : i32
    %dma_start3A_328 = tpu.memref_slice %arg5[%dma_start3A_327, %multiple_of3A_308] : memref<32x1000000xf32, #tpu.memory_space<hbm>> -> memref<32x128xf32, #tpu.memory_space<hbm>>
    %dma_start3A_329 = arith.constant 0 : i32
    %dma_start3A_330 = arith.constant 0 : i32
    %dma_start3A_331 = tpu.memref_slice %arg12[%dma_start3A_322, %dma_start3A_329, %dma_start3A_330] : memref<8x32x128xf32, #tpu.memory_space<vmem>> -> memref<1x32x128xf32, #tpu.memory_space<vmem>>
    %dma_start3A_332 = tpu.memref_squeeze %dma_start3A_331 : memref<1x32x128xf32, #tpu.memory_space<vmem>> -> memref<32x128xf32, #tpu.memory_space<vmem>>
    %dma_start3A_333 = arith.constant 0 : i32
    %dma_start3A_334 = tpu.memref_slice %arg5[%dma_start3A_333, %multiple_of3A_308] : memref<32x1000000xf32, #tpu.memory_space<hbm>> -> memref<32x128xf32, #tpu.memory_space<hbm>>
    tpu.enqueue_dma source(%dma_start3A_334 : memref<32x128xf32, #tpu.memory_space<hbm>>) target(%dma_start3A_332 : memref<32x128xf32, #tpu.memory_space<vmem>>) target_semaphore(%arg17 : memref<!tpu.dma_semaphore, #tpu.memory_space<semaphore_mem>>)
    %dma_start3A_335 = arith.constant 5 : i32
    %dma_start3A_336 = arith.constant 0 : i32
    %dma_start3A_337 = tpu.memref_slice %arg13[%dma_start3A_335, %dma_start3A_336] : memref<8x128xf32, #tpu.memory_space<vmem>> -> memref<1x128xf32, #tpu.memory_space<vmem>>
    %dma_start3A_338 = tpu.memref_squeeze %dma_start3A_337 : memref<1x128xf32, #tpu.memory_space<vmem>> -> memref<128xf32, #tpu.memory_space<vmem>>
    %dma_start3A_339 = tpu.memref_slice %arg6[%multiple_of3A_303] : memref<1000000xf32, #tpu.memory_space<hbm>> -> memref<128xf32, #tpu.memory_space<hbm>>
    %dma_start3A_340 = arith.constant 0 : i32
    %dma_start3A_341 = tpu.memref_slice %arg13[%dma_start3A_335, %dma_start3A_340] : memref<8x128xf32, #tpu.memory_space<vmem>> -> memref<1x128xf32, #tpu.memory_space<vmem>>
    %dma_start3A_342 = tpu.memref_squeeze %dma_start3A_341 : memref<1x128xf32, #tpu.memory_space<vmem>> -> memref<128xf32, #tpu.memory_space<vmem>>
    %dma_start3A_343 = tpu.memref_slice %arg6[%multiple_of3A_303] : memref<1000000xf32, #tpu.memory_space<hbm>> -> memref<128xf32, #tpu.memory_space<hbm>>
    tpu.enqueue_dma source(%dma_start3A_343 : memref<128xf32, #tpu.memory_space<hbm>>) target(%dma_start3A_342 : memref<128xf32, #tpu.memory_space<vmem>>) target_semaphore(%arg18 : memref<!tpu.dma_semaphore, #tpu.memory_space<semaphore_mem>>)
    %dma_start3A_344 = arith.constant 5 : i32
    %dma_start3A_345 = arith.constant 0 : i32
    %dma_start3A_346 = tpu.memref_slice %arg14[%dma_start3A_344, %dma_start3A_345] : memref<8x128xf32, #tpu.memory_space<vmem>> -> memref<1x128xf32, #tpu.memory_space<vmem>>
    %dma_start3A_347 = tpu.memref_squeeze %dma_start3A_346 : memref<1x128xf32, #tpu.memory_space<vmem>> -> memref<128xf32, #tpu.memory_space<vmem>>
    %dma_start3A_348 = tpu.memref_slice %arg7[%multiple_of3A_308] : memref<1000000xf32, #tpu.memory_space<hbm>> -> memref<128xf32, #tpu.memory_space<hbm>>
    %dma_start3A_349 = arith.constant 0 : i32
    %dma_start3A_350 = tpu.memref_slice %arg14[%dma_start3A_344, %dma_start3A_349] : memref<8x128xf32, #tpu.memory_space<vmem>> -> memref<1x128xf32, #tpu.memory_space<vmem>>
    %dma_start3A_351 = tpu.memref_squeeze %dma_start3A_350 : memref<1x128xf32, #tpu.memory_space<vmem>> -> memref<128xf32, #tpu.memory_space<vmem>>
    %dma_start3A_352 = tpu.memref_slice %arg7[%multiple_of3A_308] : memref<1000000xf32, #tpu.memory_space<hbm>> -> memref<128xf32, #tpu.memory_space<hbm>>
    tpu.enqueue_dma source(%dma_start3A_352 : memref<128xf32, #tpu.memory_space<hbm>>) target(%dma_start3A_351 : memref<128xf32, #tpu.memory_space<vmem>>) target_semaphore(%arg19 : memref<!tpu.dma_semaphore, #tpu.memory_space<semaphore_mem>>)
    %slice3A_353 = vector.extract_strided_slice %get3A_7 {offsets = [6], sizes = [1], strides = [1]} : vector<16xi32> to vector<1xi32>
    %squeeze3A_354 = vector.extract %slice3A_353[0] : i32 from vector<1xi32>
    %slice3A_355 = vector.extract_strided_slice %get3A_9 {offsets = [6], sizes = [1], strides = [1]} : vector<16xi32> to vector<1xi32>
    %squeeze3A_356 = vector.extract %slice3A_355[0] : i32 from vector<1xi32>
    %shift_right_arithmetic3A_357 = arith.constant 7 : i32
    %shift_right_arithmetic3A_358 = arith.shrsi %squeeze3A_354, %shift_right_arithmetic3A_357 : i32
    %mul3A_359 = arith.constant 128 : i32
    %mul3A_360 = arith.muli %shift_right_arithmetic3A_358, %mul3A_359 : i32
    %multiple_of3A_361 = tpu.assume_multiple %mul3A_360, 128 : i32
    %shift_right_arithmetic3A_362 = arith.constant 7 : i32
    %shift_right_arithmetic3A_363 = arith.shrsi %squeeze3A_356, %shift_right_arithmetic3A_362 : i32
    %mul3A_364 = arith.constant 128 : i32
    %mul3A_365 = arith.muli %shift_right_arithmetic3A_363, %mul3A_364 : i32
    %multiple_of3A_366 = tpu.assume_multiple %mul3A_365, 128 : i32
    %dma_start3A_367 = arith.constant 6 : i32
    %dma_start3A_368 = arith.constant 0 : i32
    %dma_start3A_369 = arith.constant 0 : i32
    %dma_start3A_370 = tpu.memref_slice %arg11[%dma_start3A_367, %dma_start3A_368, %dma_start3A_369] : memref<8x32x128xf32, #tpu.memory_space<vmem>> -> memref<1x32x128xf32, #tpu.memory_space<vmem>>
    %dma_start3A_371 = tpu.memref_squeeze %dma_start3A_370 : memref<1x32x128xf32, #tpu.memory_space<vmem>> -> memref<32x128xf32, #tpu.memory_space<vmem>>
    %dma_start3A_372 = arith.constant 0 : i32
    %dma_start3A_373 = tpu.memref_slice %arg4[%dma_start3A_372, %multiple_of3A_361] : memref<32x1000000xf32, #tpu.memory_space<hbm>> -> memref<32x128xf32, #tpu.memory_space<hbm>>
    %dma_start3A_374 = arith.constant 0 : i32
    %dma_start3A_375 = arith.constant 0 : i32
    %dma_start3A_376 = tpu.memref_slice %arg11[%dma_start3A_367, %dma_start3A_374, %dma_start3A_375] : memref<8x32x128xf32, #tpu.memory_space<vmem>> -> memref<1x32x128xf32, #tpu.memory_space<vmem>>
    %dma_start3A_377 = tpu.memref_squeeze %dma_start3A_376 : memref<1x32x128xf32, #tpu.memory_space<vmem>> -> memref<32x128xf32, #tpu.memory_space<vmem>>
    %dma_start3A_378 = arith.constant 0 : i32
    %dma_start3A_379 = tpu.memref_slice %arg4[%dma_start3A_378, %multiple_of3A_361] : memref<32x1000000xf32, #tpu.memory_space<hbm>> -> memref<32x128xf32, #tpu.memory_space<hbm>>
    tpu.enqueue_dma source(%dma_start3A_379 : memref<32x128xf32, #tpu.memory_space<hbm>>) target(%dma_start3A_377 : memref<32x128xf32, #tpu.memory_space<vmem>>) target_semaphore(%arg16 : memref<!tpu.dma_semaphore, #tpu.memory_space<semaphore_mem>>)
    %dma_start3A_380 = arith.constant 6 : i32
    %dma_start3A_381 = arith.constant 0 : i32
    %dma_start3A_382 = arith.constant 0 : i32
    %dma_start3A_383 = tpu.memref_slice %arg12[%dma_start3A_380, %dma_start3A_381, %dma_start3A_382] : memref<8x32x128xf32, #tpu.memory_space<vmem>> -> memref<1x32x128xf32, #tpu.memory_space<vmem>>
    %dma_start3A_384 = tpu.memref_squeeze %dma_start3A_383 : memref<1x32x128xf32, #tpu.memory_space<vmem>> -> memref<32x128xf32, #tpu.memory_space<vmem>>
    %dma_start3A_385 = arith.constant 0 : i32
    %dma_start3A_386 = tpu.memref_slice %arg5[%dma_start3A_385, %multiple_of3A_366] : memref<32x1000000xf32, #tpu.memory_space<hbm>> -> memref<32x128xf32, #tpu.memory_space<hbm>>
    %dma_start3A_387 = arith.constant 0 : i32
    %dma_start3A_388 = arith.constant 0 : i32
    %dma_start3A_389 = tpu.memref_slice %arg12[%dma_start3A_380, %dma_start3A_387, %dma_start3A_388] : memref<8x32x128xf32, #tpu.memory_space<vmem>> -> memref<1x32x128xf32, #tpu.memory_space<vmem>>
    %dma_start3A_390 = tpu.memref_squeeze %dma_start3A_389 : memref<1x32x128xf32, #tpu.memory_space<vmem>> -> memref<32x128xf32, #tpu.memory_space<vmem>>
    %dma_start3A_391 = arith.constant 0 : i32
    %dma_start3A_392 = tpu.memref_slice %arg5[%dma_start3A_391, %multiple_of3A_366] : memref<32x1000000xf32, #tpu.memory_space<hbm>> -> memref<32x128xf32, #tpu.memory_space<hbm>>
    tpu.enqueue_dma source(%dma_start3A_392 : memref<32x128xf32, #tpu.memory_space<hbm>>) target(%dma_start3A_390 : memref<32x128xf32, #tpu.memory_space<vmem>>) target_semaphore(%arg17 : memref<!tpu.dma_semaphore, #tpu.memory_space<semaphore_mem>>)
    %dma_start3A_393 = arith.constant 6 : i32
    %dma_start3A_394 = arith.constant 0 : i32
    %dma_start3A_395 = tpu.memref_slice %arg13[%dma_start3A_393, %dma_start3A_394] : memref<8x128xf32, #tpu.memory_space<vmem>> -> memref<1x128xf32, #tpu.memory_space<vmem>>
    %dma_start3A_396 = tpu.memref_squeeze %dma_start3A_395 : memref<1x128xf32, #tpu.memory_space<vmem>> -> memref<128xf32, #tpu.memory_space<vmem>>
    %dma_start3A_397 = tpu.memref_slice %arg6[%multiple_of3A_361] : memref<1000000xf32, #tpu.memory_space<hbm>> -> memref<128xf32, #tpu.memory_space<hbm>>
    %dma_start3A_398 = arith.constant 0 : i32
    %dma_start3A_399 = tpu.memref_slice %arg13[%dma_start3A_393, %dma_start3A_398] : memref<8x128xf32, #tpu.memory_space<vmem>> -> memref<1x128xf32, #tpu.memory_space<vmem>>
    %dma_start3A_400 = tpu.memref_squeeze %dma_start3A_399 : memref<1x128xf32, #tpu.memory_space<vmem>> -> memref<128xf32, #tpu.memory_space<vmem>>
    %dma_start3A_401 = tpu.memref_slice %arg6[%multiple_of3A_361] : memref<1000000xf32, #tpu.memory_space<hbm>> -> memref<128xf32, #tpu.memory_space<hbm>>
    tpu.enqueue_dma source(%dma_start3A_401 : memref<128xf32, #tpu.memory_space<hbm>>) target(%dma_start3A_400 : memref<128xf32, #tpu.memory_space<vmem>>) target_semaphore(%arg18 : memref<!tpu.dma_semaphore, #tpu.memory_space<semaphore_mem>>)
    %dma_start3A_402 = arith.constant 6 : i32
    %dma_start3A_403 = arith.constant 0 : i32
    %dma_start3A_404 = tpu.memref_slice %arg14[%dma_start3A_402, %dma_start3A_403] : memref<8x128xf32, #tpu.memory_space<vmem>> -> memref<1x128xf32, #tpu.memory_space<vmem>>
    %dma_start3A_405 = tpu.memref_squeeze %dma_start3A_404 : memref<1x128xf32, #tpu.memory_space<vmem>> -> memref<128xf32, #tpu.memory_space<vmem>>
    %dma_start3A_406 = tpu.memref_slice %arg7[%multiple_of3A_366] : memref<1000000xf32, #tpu.memory_space<hbm>> -> memref<128xf32, #tpu.memory_space<hbm>>
    %dma_start3A_407 = arith.constant 0 : i32
    %dma_start3A_408 = tpu.memref_slice %arg14[%dma_start3A_402, %dma_start3A_407] : memref<8x128xf32, #tpu.memory_space<vmem>> -> memref<1x128xf32, #tpu.memory_space<vmem>>
    %dma_start3A_409 = tpu.memref_squeeze %dma_start3A_408 : memref<1x128xf32, #tpu.memory_space<vmem>> -> memref<128xf32, #tpu.memory_space<vmem>>
    %dma_start3A_410 = tpu.memref_slice %arg7[%multiple_of3A_366] : memref<1000000xf32, #tpu.memory_space<hbm>> -> memref<128xf32, #tpu.memory_space<hbm>>
    tpu.enqueue_dma source(%dma_start3A_410 : memref<128xf32, #tpu.memory_space<hbm>>) target(%dma_start3A_409 : memref<128xf32, #tpu.memory_space<vmem>>) target_semaphore(%arg19 : memref<!tpu.dma_semaphore, #tpu.memory_space<semaphore_mem>>)
    %slice3A_411 = vector.extract_strided_slice %get3A_7 {offsets = [7], sizes = [1], strides = [1]} : vector<16xi32> to vector<1xi32>
    %squeeze3A_412 = vector.extract %slice3A_411[0] : i32 from vector<1xi32>
    %slice3A_413 = vector.extract_strided_slice %get3A_9 {offsets = [7], sizes = [1], strides = [1]} : vector<16xi32> to vector<1xi32>
    %squeeze3A_414 = vector.extract %slice3A_413[0] : i32 from vector<1xi32>
    %shift_right_arithmetic3A_415 = arith.constant 7 : i32
    %shift_right_arithmetic3A_416 = arith.shrsi %squeeze3A_412, %shift_right_arithmetic3A_415 : i32
    %mul3A_417 = arith.constant 128 : i32
    %mul3A_418 = arith.muli %shift_right_arithmetic3A_416, %mul3A_417 : i32
    %multiple_of3A_419 = tpu.assume_multiple %mul3A_418, 128 : i32
    %shift_right_arithmetic3A_420 = arith.constant 7 : i32
    %shift_right_arithmetic3A_421 = arith.shrsi %squeeze3A_414, %shift_right_arithmetic3A_420 : i32
    %mul3A_422 = arith.constant 128 : i32
    %mul3A_423 = arith.muli %shift_right_arithmetic3A_421, %mul3A_422 : i32
    %multiple_of3A_424 = tpu.assume_multiple %mul3A_423, 128 : i32
    %dma_start3A_425 = arith.constant 7 : i32
    %dma_start3A_426 = arith.constant 0 : i32
    %dma_start3A_427 = arith.constant 0 : i32
    %dma_start3A_428 = tpu.memref_slice %arg11[%dma_start3A_425, %dma_start3A_426, %dma_start3A_427] : memref<8x32x128xf32, #tpu.memory_space<vmem>> -> memref<1x32x128xf32, #tpu.memory_space<vmem>>
    %dma_start3A_429 = tpu.memref_squeeze %dma_start3A_428 : memref<1x32x128xf32, #tpu.memory_space<vmem>> -> memref<32x128xf32, #tpu.memory_space<vmem>>
    %dma_start3A_430 = arith.constant 0 : i32
    %dma_start3A_431 = tpu.memref_slice %arg4[%dma_start3A_430, %multiple_of3A_419] : memref<32x1000000xf32, #tpu.memory_space<hbm>> -> memref<32x128xf32, #tpu.memory_space<hbm>>
    %dma_start3A_432 = arith.constant 0 : i32
    %dma_start3A_433 = arith.constant 0 : i32
    %dma_start3A_434 = tpu.memref_slice %arg11[%dma_start3A_425, %dma_start3A_432, %dma_start3A_433] : memref<8x32x128xf32, #tpu.memory_space<vmem>> -> memref<1x32x128xf32, #tpu.memory_space<vmem>>
    %dma_start3A_435 = tpu.memref_squeeze %dma_start3A_434 : memref<1x32x128xf32, #tpu.memory_space<vmem>> -> memref<32x128xf32, #tpu.memory_space<vmem>>
    %dma_start3A_436 = arith.constant 0 : i32
    %dma_start3A_437 = tpu.memref_slice %arg4[%dma_start3A_436, %multiple_of3A_419] : memref<32x1000000xf32, #tpu.memory_space<hbm>> -> memref<32x128xf32, #tpu.memory_space<hbm>>
    tpu.enqueue_dma source(%dma_start3A_437 : memref<32x128xf32, #tpu.memory_space<hbm>>) target(%dma_start3A_435 : memref<32x128xf32, #tpu.memory_space<vmem>>) target_semaphore(%arg16 : memref<!tpu.dma_semaphore, #tpu.memory_space<semaphore_mem>>)
    %dma_start3A_438 = arith.constant 7 : i32
    %dma_start3A_439 = arith.constant 0 : i32
    %dma_start3A_440 = arith.constant 0 : i32
    %dma_start3A_441 = tpu.memref_slice %arg12[%dma_start3A_438, %dma_start3A_439, %dma_start3A_440] : memref<8x32x128xf32, #tpu.memory_space<vmem>> -> memref<1x32x128xf32, #tpu.memory_space<vmem>>
    %dma_start3A_442 = tpu.memref_squeeze %dma_start3A_441 : memref<1x32x128xf32, #tpu.memory_space<vmem>> -> memref<32x128xf32, #tpu.memory_space<vmem>>
    %dma_start3A_443 = arith.constant 0 : i32
    %dma_start3A_444 = tpu.memref_slice %arg5[%dma_start3A_443, %multiple_of3A_424] : memref<32x1000000xf32, #tpu.memory_space<hbm>> -> memref<32x128xf32, #tpu.memory_space<hbm>>
    %dma_start3A_445 = arith.constant 0 : i32
    %dma_start3A_446 = arith.constant 0 : i32
    %dma_start3A_447 = tpu.memref_slice %arg12[%dma_start3A_438, %dma_start3A_445, %dma_start3A_446] : memref<8x32x128xf32, #tpu.memory_space<vmem>> -> memref<1x32x128xf32, #tpu.memory_space<vmem>>
    %dma_start3A_448 = tpu.memref_squeeze %dma_start3A_447 : memref<1x32x128xf32, #tpu.memory_space<vmem>> -> memref<32x128xf32, #tpu.memory_space<vmem>>
    %dma_start3A_449 = arith.constant 0 : i32
    %dma_start3A_450 = tpu.memref_slice %arg5[%dma_start3A_449, %multiple_of3A_424] : memref<32x1000000xf32, #tpu.memory_space<hbm>> -> memref<32x128xf32, #tpu.memory_space<hbm>>
    tpu.enqueue_dma source(%dma_start3A_450 : memref<32x128xf32, #tpu.memory_space<hbm>>) target(%dma_start3A_448 : memref<32x128xf32, #tpu.memory_space<vmem>>) target_semaphore(%arg17 : memref<!tpu.dma_semaphore, #tpu.memory_space<semaphore_mem>>)
    %dma_start3A_451 = arith.constant 7 : i32
    %dma_start3A_452 = arith.constant 0 : i32
    %dma_start3A_453 = tpu.memref_slice %arg13[%dma_start3A_451, %dma_start3A_452] : memref<8x128xf32, #tpu.memory_space<vmem>> -> memref<1x128xf32, #tpu.memory_space<vmem>>
    %dma_start3A_454 = tpu.memref_squeeze %dma_start3A_453 : memref<1x128xf32, #tpu.memory_space<vmem>> -> memref<128xf32, #tpu.memory_space<vmem>>
    %dma_start3A_455 = tpu.memref_slice %arg6[%multiple_of3A_419] : memref<1000000xf32, #tpu.memory_space<hbm>> -> memref<128xf32, #tpu.memory_space<hbm>>
    %dma_start3A_456 = arith.constant 0 : i32
    %dma_start3A_457 = tpu.memref_slice %arg13[%dma_start3A_451, %dma_start3A_456] : memref<8x128xf32, #tpu.memory_space<vmem>> -> memref<1x128xf32, #tpu.memory_space<vmem>>
    %dma_start3A_458 = tpu.memref_squeeze %dma_start3A_457 : memref<1x128xf32, #tpu.memory_space<vmem>> -> memref<128xf32, #tpu.memory_space<vmem>>
    %dma_start3A_459 = tpu.memref_slice %arg6[%multiple_of3A_419] : memref<1000000xf32, #tpu.memory_space<hbm>> -> memref<128xf32, #tpu.memory_space<hbm>>
    tpu.enqueue_dma source(%dma_start3A_459 : memref<128xf32, #tpu.memory_space<hbm>>) target(%dma_start3A_458 : memref<128xf32, #tpu.memory_space<vmem>>) target_semaphore(%arg18 : memref<!tpu.dma_semaphore, #tpu.memory_space<semaphore_mem>>)
    %dma_start3A_460 = arith.constant 7 : i32
    %dma_start3A_461 = arith.constant 0 : i32
    %dma_start3A_462 = tpu.memref_slice %arg14[%dma_start3A_460, %dma_start3A_461] : memref<8x128xf32, #tpu.memory_space<vmem>> -> memref<1x128xf32, #tpu.memory_space<vmem>>
    %dma_start3A_463 = tpu.memref_squeeze %dma_start3A_462 : memref<1x128xf32, #tpu.memory_space<vmem>> -> memref<128xf32, #tpu.memory_space<vmem>>
    %dma_start3A_464 = tpu.memref_slice %arg7[%multiple_of3A_424] : memref<1000000xf32, #tpu.memory_space<hbm>> -> memref<128xf32, #tpu.memory_space<hbm>>
    %dma_start3A_465 = arith.constant 0 : i32
    %dma_start3A_466 = tpu.memref_slice %arg14[%dma_start3A_460, %dma_start3A_465] : memref<8x128xf32, #tpu.memory_space<vmem>> -> memref<1x128xf32, #tpu.memory_space<vmem>>
    %dma_start3A_467 = tpu.memref_squeeze %dma_start3A_466 : memref<1x128xf32, #tpu.memory_space<vmem>> -> memref<128xf32, #tpu.memory_space<vmem>>
    %dma_start3A_468 = tpu.memref_slice %arg7[%multiple_of3A_424] : memref<1000000xf32, #tpu.memory_space<hbm>> -> memref<128xf32, #tpu.memory_space<hbm>>
    tpu.enqueue_dma source(%dma_start3A_468 : memref<128xf32, #tpu.memory_space<hbm>>) target(%dma_start3A_467 : memref<128xf32, #tpu.memory_space<vmem>>) target_semaphore(%arg19 : memref<!tpu.dma_semaphore, #tpu.memory_space<semaphore_mem>>)
    %scan3A = arith.constant 0 : i32
    %scan3A_469 = arith.constant 0 : i32
    %scan3A_470 = arith.constant 32 : i32
    %scan3A_471 = arith.addi %scan3A_469, %scan3A_470 : i32
    %scan3A_472 = arith.constant 1 : i32
    scf.for %scan3A_474 = %scan3A_469 to %scan3A_471 step %scan3A_472  : i32 {
      %mul3A_475 = arith.constant 16 : i32
      %mul3A_476 = arith.muli %scan3A_474, %mul3A_475 : i32
      %multiple_of3A_477 = tpu.assume_multiple %mul3A_476, 16 : i32
      %add3A_478 = arith.constant 1 : i32
      %add3A_479 = arith.addi %scan3A_474, %add3A_478 : i32
      %lt3A = arith.constant 32 : i32
      %lt3A_480 = arith.cmpi slt, %add3A_479, %lt3A : i32
      %add3A_481 = arith.constant 1 : i32
      %add3A_482 = arith.addi %scan3A_474, %add3A_481 : i32
      %mul3A_483 = arith.constant 16 : i32
      %mul3A_484 = arith.muli %add3A_482, %mul3A_483 : i32
      %jit3A = arith.constant 0 : i32
      %select_n3A = arith.select %lt3A_480, %mul3A_484, %jit3A : i32
      %multiple_of3A_485 = tpu.assume_multiple %select_n3A, 16 : i32
      %get3A_486 = arith.index_cast %multiple_of3A_477 : i32 to index
      %get3A_487 = tpu.vector_load %arg9[%get3A_486] {strides = array<i32>} : memref<512xi32, #tpu.memory_space<vmem>>, vector<16xi32>,
      %get3A_488 = arith.index_cast %multiple_of3A_477 : i32 to index
      %get3A_489 = tpu.vector_load %arg10[%get3A_488] {strides = array<i32>} : memref<512xi32, #tpu.memory_space<vmem>>, vector<16xi32>,
      %get3A_490 = arith.index_cast %multiple_of3A_485 : i32 to index
      %get3A_491 = tpu.vector_load %arg9[%get3A_490] {strides = array<i32>} : memref<512xi32, #tpu.memory_space<vmem>>, vector<16xi32>,
      %get3A_492 = arith.index_cast %multiple_of3A_485 : i32 to index
      %get3A_493 = tpu.vector_load %arg10[%get3A_492] {strides = array<i32>} : memref<512xi32, #tpu.memory_space<vmem>>, vector<16xi32>,
      %broadcast_in_dim3A_494 = arith.constant 0.000000e+00 : f32
      %broadcast_in_dim3A_495 = vector.broadcast %broadcast_in_dim3A_494 : f32 to vector<16xf32>
      %dma_wait3A = arith.constant 0 : i32
      %dma_wait3A_496 = arith.constant 0 : i32
      %dma_wait3A_497 = arith.constant 0 : i32
      %dma_wait3A_498 = tpu.memref_slice %arg11[%dma_wait3A, %dma_wait3A_496, %dma_wait3A_497] : memref<8x32x128xf32, #tpu.memory_space<vmem>> -> memref<1x32x128xf32, #tpu.memory_space<vmem>>
      %dma_wait3A_499 = tpu.memref_squeeze %dma_wait3A_498 : memref<1x32x128xf32, #tpu.memory_space<vmem>> -> memref<32x128xf32, #tpu.memory_space<vmem>>
      %dma_wait3A_500 = arith.constant 0 : i32
      %dma_wait3A_501 = arith.constant 0 : i32
      %dma_wait3A_502 = tpu.memref_slice %arg4[%dma_wait3A_500, %dma_wait3A_501] : memref<32x1000000xf32, #tpu.memory_space<hbm>> -> memref<32x128xf32, #tpu.memory_space<hbm>>
      %dma_wait3A_503 = arith.constant 0 : i32
      %dma_wait3A_504 = arith.constant 0 : i32
      %dma_wait3A_505 = tpu.memref_slice %arg11[%dma_wait3A, %dma_wait3A_503, %dma_wait3A_504] : memref<8x32x128xf32, #tpu.memory_space<vmem>> -> memref<1x32x128xf32, #tpu.memory_space<vmem>>
      %dma_wait3A_506 = tpu.memref_squeeze %dma_wait3A_505 : memref<1x32x128xf32, #tpu.memory_space<vmem>> -> memref<32x128xf32, #tpu.memory_space<vmem>>
      %dma_wait3A_507 = arith.constant 0 : i32
      %dma_wait3A_508 = arith.constant 0 : i32
      %dma_wait3A_509 = tpu.memref_slice %arg4[%dma_wait3A_507, %dma_wait3A_508] : memref<32x1000000xf32, #tpu.memory_space<hbm>> -> memref<32x128xf32, #tpu.memory_space<hbm>>
      tpu.wait_dma2 semaphore(%arg16 : memref<!tpu.dma_semaphore, #tpu.memory_space<semaphore_mem>>) src(%dma_wait3A_509 : memref<32x128xf32, #tpu.memory_space<hbm>>) dst(%dma_wait3A_506 : memref<32x128xf32, #tpu.memory_space<vmem>>)
      %dma_wait3A_510 = arith.constant 0 : i32
      %dma_wait3A_511 = arith.constant 0 : i32
      %dma_wait3A_512 = arith.constant 0 : i32
      %dma_wait3A_513 = tpu.memref_slice %arg12[%dma_wait3A_510, %dma_wait3A_511, %dma_wait3A_512] : memref<8x32x128xf32, #tpu.memory_space<vmem>> -> memref<1x32x128xf32, #tpu.memory_space<vmem>>
      %dma_wait3A_514 = tpu.memref_squeeze %dma_wait3A_513 : memref<1x32x128xf32, #tpu.memory_space<vmem>> -> memref<32x128xf32, #tpu.memory_space<vmem>>
      %dma_wait3A_515 = arith.constant 0 : i32
      %dma_wait3A_516 = arith.constant 0 : i32
      %dma_wait3A_517 = tpu.memref_slice %arg5[%dma_wait3A_515, %dma_wait3A_516] : memref<32x1000000xf32, #tpu.memory_space<hbm>> -> memref<32x128xf32, #tpu.memory_space<hbm>>
      %dma_wait3A_518 = arith.constant 0 : i32
      %dma_wait3A_519 = arith.constant 0 : i32
      %dma_wait3A_520 = tpu.memref_slice %arg12[%dma_wait3A_510, %dma_wait3A_518, %dma_wait3A_519] : memref<8x32x128xf32, #tpu.memory_space<vmem>> -> memref<1x32x128xf32, #tpu.memory_space<vmem>>
      %dma_wait3A_521 = tpu.memref_squeeze %dma_wait3A_520 : memref<1x32x128xf32, #tpu.memory_space<vmem>> -> memref<32x128xf32, #tpu.memory_space<vmem>>
      %dma_wait3A_522 = arith.constant 0 : i32
      %dma_wait3A_523 = arith.constant 0 : i32
      %dma_wait3A_524 = tpu.memref_slice %arg5[%dma_wait3A_522, %dma_wait3A_523] : memref<32x1000000xf32, #tpu.memory_space<hbm>> -> memref<32x128xf32, #tpu.memory_space<hbm>>
      tpu.wait_dma2 semaphore(%arg17 : memref<!tpu.dma_semaphore, #tpu.memory_space<semaphore_mem>>) src(%dma_wait3A_524 : memref<32x128xf32, #tpu.memory_space<hbm>>) dst(%dma_wait3A_521 : memref<32x128xf32, #tpu.memory_space<vmem>>)
      %dma_wait3A_525 = arith.constant 0 : i32
      %dma_wait3A_526 = arith.constant 0 : i32
      %dma_wait3A_527 = tpu.memref_slice %arg13[%dma_wait3A_525, %dma_wait3A_526] : memref<8x128xf32, #tpu.memory_space<vmem>> -> memref<1x128xf32, #tpu.memory_space<vmem>>
      %dma_wait3A_528 = tpu.memref_squeeze %dma_wait3A_527 : memref<1x128xf32, #tpu.memory_space<vmem>> -> memref<128xf32, #tpu.memory_space<vmem>>
      %dma_wait3A_529 = arith.constant 0 : i32
      %dma_wait3A_530 = tpu.memref_slice %arg6[%dma_wait3A_529] : memref<1000000xf32, #tpu.memory_space<hbm>> -> memref<128xf32, #tpu.memory_space<hbm>>
      %dma_wait3A_531 = arith.constant 0 : i32
      %dma_wait3A_532 = tpu.memref_slice %arg13[%dma_wait3A_525, %dma_wait3A_531] : memref<8x128xf32, #tpu.memory_space<vmem>> -> memref<1x128xf32, #tpu.memory_space<vmem>>
      %dma_wait3A_533 = tpu.memref_squeeze %dma_wait3A_532 : memref<1x128xf32, #tpu.memory_space<vmem>> -> memref<128xf32, #tpu.memory_space<vmem>>
      %dma_wait3A_534 = arith.constant 0 : i32
      %dma_wait3A_535 = tpu.memref_slice %arg6[%dma_wait3A_534] : memref<1000000xf32, #tpu.memory_space<hbm>> -> memref<128xf32, #tpu.memory_space<hbm>>
      tpu.wait_dma2 semaphore(%arg18 : memref<!tpu.dma_semaphore, #tpu.memory_space<semaphore_mem>>) src(%dma_wait3A_535 : memref<128xf32, #tpu.memory_space<hbm>>) dst(%dma_wait3A_533 : memref<128xf32, #tpu.memory_space<vmem>>)
      %dma_wait3A_536 = arith.constant 0 : i32
      %dma_wait3A_537 = arith.constant 0 : i32
      %dma_wait3A_538 = tpu.memref_slice %arg14[%dma_wait3A_536, %dma_wait3A_537] : memref<8x128xf32, #tpu.memory_space<vmem>> -> memref<1x128xf32, #tpu.memory_space<vmem>>
      %dma_wait3A_539 = tpu.memref_squeeze %dma_wait3A_538 : memref<1x128xf32, #tpu.memory_space<vmem>> -> memref<128xf32, #tpu.memory_space<vmem>>
      %dma_wait3A_540 = arith.constant 0 : i32
      %dma_wait3A_541 = tpu.memref_slice %arg7[%dma_wait3A_540] : memref<1000000xf32, #tpu.memory_space<hbm>> -> memref<128xf32, #tpu.memory_space<hbm>>
      %dma_wait3A_542 = arith.constant 0 : i32
      %dma_wait3A_543 = tpu.memref_slice %arg14[%dma_wait3A_536, %dma_wait3A_542] : memref<8x128xf32, #tpu.memory_space<vmem>> -> memref<1x128xf32, #tpu.memory_space<vmem>>
      %dma_wait3A_544 = tpu.memref_squeeze %dma_wait3A_543 : memref<1x128xf32, #tpu.memory_space<vmem>> -> memref<128xf32, #tpu.memory_space<vmem>>
      %dma_wait3A_545 = arith.constant 0 : i32
      %dma_wait3A_546 = tpu.memref_slice %arg7[%dma_wait3A_545] : memref<1000000xf32, #tpu.memory_space<hbm>> -> memref<128xf32, #tpu.memory_space<hbm>>
      tpu.wait_dma2 semaphore(%arg19 : memref<!tpu.dma_semaphore, #tpu.memory_space<semaphore_mem>>) src(%dma_wait3A_546 : memref<128xf32, #tpu.memory_space<hbm>>) dst(%dma_wait3A_544 : memref<128xf32, #tpu.memory_space<vmem>>)
      %slice3A_547 = vector.extract_strided_slice %get3A_487 {offsets = [0], sizes = [1], strides = [1]} : vector<16xi32> to vector<1xi32>
      %squeeze3A_548 = vector.extract %slice3A_547[0] : i32 from vector<1xi32>
      %slice3A_549 = vector.extract_strided_slice %get3A_489 {offsets = [0], sizes = [1], strides = [1]} : vector<16xi32> to vector<1xi32>
      %squeeze3A_550 = vector.extract %slice3A_549[0] : i32 from vector<1xi32>
      %and3A = arith.constant 127 : i32
      %and3A_551 = arith.andi %squeeze3A_548, %and3A : i32
      %add3A_552 = vector.broadcast %and3A_551 : i32 to vector<16xi32>
      %add3A_553 = arith.addi %broadcast_in_dim3A_6, %add3A_552 : vector<16xi32>
      %and3A_554 = arith.constant 127 : i32
      %and3A_555 = arith.andi %squeeze3A_550, %and3A_554 : i32
      %add3A_556 = vector.broadcast %and3A_555 : i32 to vector<16xi32>
      %add3A_557 = arith.addi %broadcast_in_dim3A_6, %add3A_556 : vector<16xi32>
      %add3A_558 = arith.constant 0 : i32
      %add3A_559 = vector.broadcast %add3A_558 : i32 to vector<16xi32>
      %add3A_560 = arith.addi %broadcast_in_dim3A_6, %add3A_559 : vector<16xi32>
      %gather3A = tpu.vector_load_idx %arg11[%add3A_560, %iota3A, %add3A_553] : memref<8x32x128xf32, #tpu.memory_space<vmem>>[vector<16xi32>, vector<16xi32>, vector<16xi32>], vector<16xf32>,
      %gather3A_561 = tpu.vector_load_idx %arg11[%add3A_560, %add3A_5, %add3A_553] : memref<8x32x128xf32, #tpu.memory_space<vmem>>[vector<16xi32>, vector<16xi32>, vector<16xi32>], vector<16xf32>,
      %gather3A_562 = tpu.vector_load_idx %arg12[%add3A_560, %iota3A, %add3A_557] : memref<8x32x128xf32, #tpu.memory_space<vmem>>[vector<16xi32>, vector<16xi32>, vector<16xi32>], vector<16xf32>,
      %gather3A_563 = tpu.vector_load_idx %arg12[%add3A_560, %add3A_5, %add3A_557] : memref<8x32x128xf32, #tpu.memory_space<vmem>>[vector<16xi32>, vector<16xi32>, vector<16xi32>], vector<16xf32>,
      %mul3A_564 = arith.mulf %gather3A, %gather3A_562 : vector<16xf32>
      %mul3A_565 = arith.mulf %gather3A_561, %gather3A_563 : vector<16xf32>
      %add3A_566 = arith.addf %mul3A_564, %mul3A_565 : vector<16xf32>
      %xor3A = arith.constant 1 : i32
      %xor3A_567 = vector.broadcast %xor3A : i32 to vector<16xi32>
      %xor3A_568 = arith.xori %iota3A, %xor3A_567 : vector<16xi32>
      %broadcast_in_dim3A_569 = vector.shape_cast %xor3A_568 : vector<16xi32> to vector<16x1xi32>
      %gather3A_570 = vector.shape_cast %broadcast_in_dim3A_569 : vector<16x1xi32> to vector<16xi32>
      %gather3A_571 = tpu.dynamic_gather %add3A_566[%gather3A_570] in [0] : vector<16xf32>, vector<16xi32> -> vector<16xf32>
      %add3A_572 = arith.addf %add3A_566, %gather3A_571 : vector<16xf32>
      %xor3A_573 = arith.constant 2 : i32
      %xor3A_574 = vector.broadcast %xor3A_573 : i32 to vector<16xi32>
      %xor3A_575 = arith.xori %iota3A, %xor3A_574 : vector<16xi32>
      %broadcast_in_dim3A_576 = vector.shape_cast %xor3A_575 : vector<16xi32> to vector<16x1xi32>
      %gather3A_577 = vector.shape_cast %broadcast_in_dim3A_576 : vector<16x1xi32> to vector<16xi32>
      %gather3A_578 = tpu.dynamic_gather %add3A_572[%gather3A_577] in [0] : vector<16xf32>, vector<16xi32> -> vector<16xf32>
      %add3A_579 = arith.addf %add3A_572, %gather3A_578 : vector<16xf32>
      %xor3A_580 = arith.constant 4 : i32
      %xor3A_581 = vector.broadcast %xor3A_580 : i32 to vector<16xi32>
      %xor3A_582 = arith.xori %iota3A, %xor3A_581 : vector<16xi32>
      %broadcast_in_dim3A_583 = vector.shape_cast %xor3A_582 : vector<16xi32> to vector<16x1xi32>
      %gather3A_584 = vector.shape_cast %broadcast_in_dim3A_583 : vector<16x1xi32> to vector<16xi32>
      %gather3A_585 = tpu.dynamic_gather %add3A_579[%gather3A_584] in [0] : vector<16xf32>, vector<16xi32> -> vector<16xf32>
      %add3A_586 = arith.addf %add3A_579, %gather3A_585 : vector<16xf32>
      %xor3A_587 = arith.constant 8 : i32
      %xor3A_588 = vector.broadcast %xor3A_587 : i32 to vector<16xi32>
      %xor3A_589 = arith.xori %iota3A, %xor3A_588 : vector<16xi32>
      %broadcast_in_dim3A_590 = vector.shape_cast %xor3A_589 : vector<16xi32> to vector<16x1xi32>
      %gather3A_591 = vector.shape_cast %broadcast_in_dim3A_590 : vector<16x1xi32> to vector<16xi32>
      %gather3A_592 = tpu.dynamic_gather %add3A_586[%gather3A_591] in [0] : vector<16xf32>, vector<16xi32> -> vector<16xf32>
      %add3A_593 = arith.addf %add3A_586, %gather3A_592 : vector<16xf32>
      %gather3A_594 = tpu.vector_load_idx %arg13[%add3A_560, %add3A_553] : memref<8x128xf32, #tpu.memory_space<vmem>>[vector<16xi32>, vector<16xi32>], vector<16xf32>,
      %gather3A_595 = tpu.vector_load_idx %arg14[%add3A_560, %add3A_557] : memref<8x128xf32, #tpu.memory_space<vmem>>[vector<16xi32>, vector<16xi32>], vector<16xf32>,
      %add3A_596 = arith.addf %add3A_593, %gather3A_594 : vector<16xf32>
      %add3A_597 = arith.addf %add3A_596, %gather3A_595 : vector<16xf32>
      %eq3A = arith.constant 0 : i32
      %eq3A_598 = vector.broadcast %eq3A : i32 to vector<16xi32>
      %eq3A_599 = arith.cmpi eq, %iota3A, %eq3A_598 : vector<16xi32>
      %select_n3A_600 = arith.select %eq3A_599, %add3A_597, %broadcast_in_dim3A_495 : vector<16xi1>, vector<16xf32>
      %slice3A_601 = vector.extract_strided_slice %get3A_487 {offsets = [8], sizes = [1], strides = [1]} : vector<16xi32> to vector<1xi32>
      %squeeze3A_602 = vector.extract %slice3A_601[0] : i32 from vector<1xi32>
      %slice3A_603 = vector.extract_strided_slice %get3A_489 {offsets = [8], sizes = [1], strides = [1]} : vector<16xi32> to vector<1xi32>
      %squeeze3A_604 = vector.extract %slice3A_603[0] : i32 from vector<1xi32>
      %shift_right_arithmetic3A_605 = arith.constant 7 : i32
      %shift_right_arithmetic3A_606 = arith.shrsi %squeeze3A_602, %shift_right_arithmetic3A_605 : i32
      %mul3A_607 = arith.constant 128 : i32
      %mul3A_608 = arith.muli %shift_right_arithmetic3A_606, %mul3A_607 : i32
      %multiple_of3A_609 = tpu.assume_multiple %mul3A_608, 128 : i32
      %shift_right_arithmetic3A_610 = arith.constant 7 : i32
      %shift_right_arithmetic3A_611 = arith.shrsi %squeeze3A_604, %shift_right_arithmetic3A_610 : i32
      %mul3A_612 = arith.constant 128 : i32
      %mul3A_613 = arith.muli %shift_right_arithmetic3A_611, %mul3A_612 : i32
      %multiple_of3A_614 = tpu.assume_multiple %mul3A_613, 128 : i32
      %dma_start3A_615 = arith.constant 0 : i32
      %dma_start3A_616 = arith.constant 0 : i32
      %dma_start3A_617 = arith.constant 0 : i32
      %dma_start3A_618 = tpu.memref_slice %arg11[%dma_start3A_615, %dma_start3A_616, %dma_start3A_617] : memref<8x32x128xf32, #tpu.memory_space<vmem>> -> memref<1x32x128xf32, #tpu.memory_space<vmem>>
      %dma_start3A_619 = tpu.memref_squeeze %dma_start3A_618 : memref<1x32x128xf32, #tpu.memory_space<vmem>> -> memref<32x128xf32, #tpu.memory_space<vmem>>
      %dma_start3A_620 = arith.constant 0 : i32
      %dma_start3A_621 = tpu.memref_slice %arg4[%dma_start3A_620, %multiple_of3A_609] : memref<32x1000000xf32, #tpu.memory_space<hbm>> -> memref<32x128xf32, #tpu.memory_space<hbm>>
      %dma_start3A_622 = arith.constant 0 : i32
      %dma_start3A_623 = arith.constant 0 : i32
      %dma_start3A_624 = tpu.memref_slice %arg11[%dma_start3A_615, %dma_start3A_622, %dma_start3A_623] : memref<8x32x128xf32, #tpu.memory_space<vmem>> -> memref<1x32x128xf32, #tpu.memory_space<vmem>>
      %dma_start3A_625 = tpu.memref_squeeze %dma_start3A_624 : memref<1x32x128xf32, #tpu.memory_space<vmem>> -> memref<32x128xf32, #tpu.memory_space<vmem>>
      %dma_start3A_626 = arith.constant 0 : i32
      %dma_start3A_627 = tpu.memref_slice %arg4[%dma_start3A_626, %multiple_of3A_609] : memref<32x1000000xf32, #tpu.memory_space<hbm>> -> memref<32x128xf32, #tpu.memory_space<hbm>>
      tpu.enqueue_dma source(%dma_start3A_627 : memref<32x128xf32, #tpu.memory_space<hbm>>) target(%dma_start3A_625 : memref<32x128xf32, #tpu.memory_space<vmem>>) target_semaphore(%arg16 : memref<!tpu.dma_semaphore, #tpu.memory_space<semaphore_mem>>)
      %dma_start3A_628 = arith.constant 0 : i32
      %dma_start3A_629 = arith.constant 0 : i32
      %dma_start3A_630 = arith.constant 0 : i32
      %dma_start3A_631 = tpu.memref_slice %arg12[%dma_start3A_628, %dma_start3A_629, %dma_start3A_630] : memref<8x32x128xf32, #tpu.memory_space<vmem>> -> memref<1x32x128xf32, #tpu.memory_space<vmem>>
      %dma_start3A_632 = tpu.memref_squeeze %dma_start3A_631 : memref<1x32x128xf32, #tpu.memory_space<vmem>> -> memref<32x128xf32, #tpu.memory_space<vmem>>
      %dma_start3A_633 = arith.constant 0 : i32
      %dma_start3A_634 = tpu.memref_slice %arg5[%dma_start3A_633, %multiple_of3A_614] : memref<32x1000000xf32, #tpu.memory_space<hbm>> -> memref<32x128xf32, #tpu.memory_space<hbm>>
      %dma_start3A_635 = arith.constant 0 : i32
      %dma_start3A_636 = arith.constant 0 : i32
      %dma_start3A_637 = tpu.memref_slice %arg12[%dma_start3A_628, %dma_start3A_635, %dma_start3A_636] : memref<8x32x128xf32, #tpu.memory_space<vmem>> -> memref<1x32x128xf32, #tpu.memory_space<vmem>>
      %dma_start3A_638 = tpu.memref_squeeze %dma_start3A_637 : memref<1x32x128xf32, #tpu.memory_space<vmem>> -> memref<32x128xf32, #tpu.memory_space<vmem>>
      %dma_start3A_639 = arith.constant 0 : i32
      %dma_start3A_640 = tpu.memref_slice %arg5[%dma_start3A_639, %multiple_of3A_614] : memref<32x1000000xf32, #tpu.memory_space<hbm>> -> memref<32x128xf32, #tpu.memory_space<hbm>>
      tpu.enqueue_dma source(%dma_start3A_640 : memref<32x128xf32, #tpu.memory_space<hbm>>) target(%dma_start3A_638 : memref<32x128xf32, #tpu.memory_space<vmem>>) target_semaphore(%arg17 : memref<!tpu.dma_semaphore, #tpu.memory_space<semaphore_mem>>)
      %dma_start3A_641 = arith.constant 0 : i32
      %dma_start3A_642 = arith.constant 0 : i32
      %dma_start3A_643 = tpu.memref_slice %arg13[%dma_start3A_641, %dma_start3A_642] : memref<8x128xf32, #tpu.memory_space<vmem>> -> memref<1x128xf32, #tpu.memory_space<vmem>>
      %dma_start3A_644 = tpu.memref_squeeze %dma_start3A_643 : memref<1x128xf32, #tpu.memory_space<vmem>> -> memref<128xf32, #tpu.memory_space<vmem>>
      %dma_start3A_645 = tpu.memref_slice %arg6[%multiple_of3A_609] : memref<1000000xf32, #tpu.memory_space<hbm>> -> memref<128xf32, #tpu.memory_space<hbm>>
      %dma_start3A_646 = arith.constant 0 : i32
      %dma_start3A_647 = tpu.memref_slice %arg13[%dma_start3A_641, %dma_start3A_646] : memref<8x128xf32, #tpu.memory_space<vmem>> -> memref<1x128xf32, #tpu.memory_space<vmem>>
      %dma_start3A_648 = tpu.memref_squeeze %dma_start3A_647 : memref<1x128xf32, #tpu.memory_space<vmem>> -> memref<128xf32, #tpu.memory_space<vmem>>
      %dma_start3A_649 = tpu.memref_slice %arg6[%multiple_of3A_609] : memref<1000000xf32, #tpu.memory_space<hbm>> -> memref<128xf32, #tpu.memory_space<hbm>>
      tpu.enqueue_dma source(%dma_start3A_649 : memref<128xf32, #tpu.memory_space<hbm>>) target(%dma_start3A_648 : memref<128xf32, #tpu.memory_space<vmem>>) target_semaphore(%arg18 : memref<!tpu.dma_semaphore, #tpu.memory_space<semaphore_mem>>)
      %dma_start3A_650 = arith.constant 0 : i32
      %dma_start3A_651 = arith.constant 0 : i32
      %dma_start3A_652 = tpu.memref_slice %arg14[%dma_start3A_650, %dma_start3A_651] : memref<8x128xf32, #tpu.memory_space<vmem>> -> memref<1x128xf32, #tpu.memory_space<vmem>>
      %dma_start3A_653 = tpu.memref_squeeze %dma_start3A_652 : memref<1x128xf32, #tpu.memory_space<vmem>> -> memref<128xf32, #tpu.memory_space<vmem>>
      %dma_start3A_654 = tpu.memref_slice %arg7[%multiple_of3A_614] : memref<1000000xf32, #tpu.memory_space<hbm>> -> memref<128xf32, #tpu.memory_space<hbm>>
      %dma_start3A_655 = arith.constant 0 : i32
      %dma_start3A_656 = tpu.memref_slice %arg14[%dma_start3A_650, %dma_start3A_655] : memref<8x128xf32, #tpu.memory_space<vmem>> -> memref<1x128xf32, #tpu.memory_space<vmem>>
      %dma_start3A_657 = tpu.memref_squeeze %dma_start3A_656 : memref<1x128xf32, #tpu.memory_space<vmem>> -> memref<128xf32, #tpu.memory_space<vmem>>
      %dma_start3A_658 = tpu.memref_slice %arg7[%multiple_of3A_614] : memref<1000000xf32, #tpu.memory_space<hbm>> -> memref<128xf32, #tpu.memory_space<hbm>>
      tpu.enqueue_dma source(%dma_start3A_658 : memref<128xf32, #tpu.memory_space<hbm>>) target(%dma_start3A_657 : memref<128xf32, #tpu.memory_space<vmem>>) target_semaphore(%arg19 : memref<!tpu.dma_semaphore, #tpu.memory_space<semaphore_mem>>)
      %dma_wait3A_659 = arith.constant 1 : i32
      %dma_wait3A_660 = arith.constant 0 : i32
      %dma_wait3A_661 = arith.constant 0 : i32
      %dma_wait3A_662 = tpu.memref_slice %arg11[%dma_wait3A_659, %dma_wait3A_660, %dma_wait3A_661] : memref<8x32x128xf32, #tpu.memory_space<vmem>> -> memref<1x32x128xf32, #tpu.memory_space<vmem>>
      %dma_wait3A_663 = tpu.memref_squeeze %dma_wait3A_662 : memref<1x32x128xf32, #tpu.memory_space<vmem>> -> memref<32x128xf32, #tpu.memory_space<vmem>>
      %dma_wait3A_664 = arith.constant 0 : i32
      %dma_wait3A_665 = arith.constant 0 : i32
      %dma_wait3A_666 = tpu.memref_slice %arg4[%dma_wait3A_664, %dma_wait3A_665] : memref<32x1000000xf32, #tpu.memory_space<hbm>> -> memref<32x128xf32, #tpu.memory_space<hbm>>
      %dma_wait3A_667 = arith.constant 0 : i32
      %dma_wait3A_668 = arith.constant 0 : i32
      %dma_wait3A_669 = tpu.memref_slice %arg11[%dma_wait3A_659, %dma_wait3A_667, %dma_wait3A_668] : memref<8x32x128xf32, #tpu.memory_space<vmem>> -> memref<1x32x128xf32, #tpu.memory_space<vmem>>
      %dma_wait3A_670 = tpu.memref_squeeze %dma_wait3A_669 : memref<1x32x128xf32, #tpu.memory_space<vmem>> -> memref<32x128xf32, #tpu.memory_space<vmem>>
      %dma_wait3A_671 = arith.constant 0 : i32
      %dma_wait3A_672 = arith.constant 0 : i32
      %dma_wait3A_673 = tpu.memref_slice %arg4[%dma_wait3A_671, %dma_wait3A_672] : memref<32x1000000xf32, #tpu.memory_space<hbm>> -> memref<32x128xf32, #tpu.memory_space<hbm>>
      tpu.wait_dma2 semaphore(%arg16 : memref<!tpu.dma_semaphore, #tpu.memory_space<semaphore_mem>>) src(%dma_wait3A_673 : memref<32x128xf32, #tpu.memory_space<hbm>>) dst(%dma_wait3A_670 : memref<32x128xf32, #tpu.memory_space<vmem>>)
      %dma_wait3A_674 = arith.constant 1 : i32
      %dma_wait3A_675 = arith.constant 0 : i32
      %dma_wait3A_676 = arith.constant 0 : i32
      %dma_wait3A_677 = tpu.memref_slice %arg12[%dma_wait3A_674, %dma_wait3A_675, %dma_wait3A_676] : memref<8x32x128xf32, #tpu.memory_space<vmem>> -> memref<1x32x128xf32, #tpu.memory_space<vmem>>
      %dma_wait3A_678 = tpu.memref_squeeze %dma_wait3A_677 : memref<1x32x128xf32, #tpu.memory_space<vmem>> -> memref<32x128xf32, #tpu.memory_space<vmem>>
      %dma_wait3A_679 = arith.constant 0 : i32
      %dma_wait3A_680 = arith.constant 0 : i32
      %dma_wait3A_681 = tpu.memref_slice %arg5[%dma_wait3A_679, %dma_wait3A_680] : memref<32x1000000xf32, #tpu.memory_space<hbm>> -> memref<32x128xf32, #tpu.memory_space<hbm>>
      %dma_wait3A_682 = arith.constant 0 : i32
      %dma_wait3A_683 = arith.constant 0 : i32
      %dma_wait3A_684 = tpu.memref_slice %arg12[%dma_wait3A_674, %dma_wait3A_682, %dma_wait3A_683] : memref<8x32x128xf32, #tpu.memory_space<vmem>> -> memref<1x32x128xf32, #tpu.memory_space<vmem>>
      %dma_wait3A_685 = tpu.memref_squeeze %dma_wait3A_684 : memref<1x32x128xf32, #tpu.memory_space<vmem>> -> memref<32x128xf32, #tpu.memory_space<vmem>>
      %dma_wait3A_686 = arith.constant 0 : i32
      %dma_wait3A_687 = arith.constant 0 : i32
      %dma_wait3A_688 = tpu.memref_slice %arg5[%dma_wait3A_686, %dma_wait3A_687] : memref<32x1000000xf32, #tpu.memory_space<hbm>> -> memref<32x128xf32, #tpu.memory_space<hbm>>
      tpu.wait_dma2 semaphore(%arg17 : memref<!tpu.dma_semaphore, #tpu.memory_space<semaphore_mem>>) src(%dma_wait3A_688 : memref<32x128xf32, #tpu.memory_space<hbm>>) dst(%dma_wait3A_685 : memref<32x128xf32, #tpu.memory_space<vmem>>)
      %dma_wait3A_689 = arith.constant 1 : i32
      %dma_wait3A_690 = arith.constant 0 : i32
      %dma_wait3A_691 = tpu.memref_slice %arg13[%dma_wait3A_689, %dma_wait3A_690] : memref<8x128xf32, #tpu.memory_space<vmem>> -> memref<1x128xf32, #tpu.memory_space<vmem>>
      %dma_wait3A_692 = tpu.memref_squeeze %dma_wait3A_691 : memref<1x128xf32, #tpu.memory_space<vmem>> -> memref<128xf32, #tpu.memory_space<vmem>>
      %dma_wait3A_693 = arith.constant 0 : i32
      %dma_wait3A_694 = tpu.memref_slice %arg6[%dma_wait3A_693] : memref<1000000xf32, #tpu.memory_space<hbm>> -> memref<128xf32, #tpu.memory_space<hbm>>
      %dma_wait3A_695 = arith.constant 0 : i32
      %dma_wait3A_696 = tpu.memref_slice %arg13[%dma_wait3A_689, %dma_wait3A_695] : memref<8x128xf32, #tpu.memory_space<vmem>> -> memref<1x128xf32, #tpu.memory_space<vmem>>
      %dma_wait3A_697 = tpu.memref_squeeze %dma_wait3A_696 : memref<1x128xf32, #tpu.memory_space<vmem>> -> memref<128xf32, #tpu.memory_space<vmem>>
      %dma_wait3A_698 = arith.constant 0 : i32
      %dma_wait3A_699 = tpu.memref_slice %arg6[%dma_wait3A_698] : memref<1000000xf32, #tpu.memory_space<hbm>> -> memref<128xf32, #tpu.memory_space<hbm>>
      tpu.wait_dma2 semaphore(%arg18 : memref<!tpu.dma_semaphore, #tpu.memory_space<semaphore_mem>>) src(%dma_wait3A_699 : memref<128xf32, #tpu.memory_space<hbm>>) dst(%dma_wait3A_697 : memref<128xf32, #tpu.memory_space<vmem>>)
      %dma_wait3A_700 = arith.constant 1 : i32
      %dma_wait3A_701 = arith.constant 0 : i32
      %dma_wait3A_702 = tpu.memref_slice %arg14[%dma_wait3A_700, %dma_wait3A_701] : memref<8x128xf32, #tpu.memory_space<vmem>> -> memref<1x128xf32, #tpu.memory_space<vmem>>
      %dma_wait3A_703 = tpu.memref_squeeze %dma_wait3A_702 : memref<1x128xf32, #tpu.memory_space<vmem>> -> memref<128xf32, #tpu.memory_space<vmem>>
      %dma_wait3A_704 = arith.constant 0 : i32
      %dma_wait3A_705 = tpu.memref_slice %arg7[%dma_wait3A_704] : memref<1000000xf32, #tpu.memory_space<hbm>> -> memref<128xf32, #tpu.memory_space<hbm>>
      %dma_wait3A_706 = arith.constant 0 : i32
      %dma_wait3A_707 = tpu.memref_slice %arg14[%dma_wait3A_700, %dma_wait3A_706] : memref<8x128xf32, #tpu.memory_space<vmem>> -> memref<1x128xf32, #tpu.memory_space<vmem>>
      %dma_wait3A_708 = tpu.memref_squeeze %dma_wait3A_707 : memref<1x128xf32, #tpu.memory_space<vmem>> -> memref<128xf32, #tpu.memory_space<vmem>>
      %dma_wait3A_709 = arith.constant 0 : i32
      %dma_wait3A_710 = tpu.memref_slice %arg7[%dma_wait3A_709] : memref<1000000xf32, #tpu.memory_space<hbm>> -> memref<128xf32, #tpu.memory_space<hbm>>
      tpu.wait_dma2 semaphore(%arg19 : memref<!tpu.dma_semaphore, #tpu.memory_space<semaphore_mem>>) src(%dma_wait3A_710 : memref<128xf32, #tpu.memory_space<hbm>>) dst(%dma_wait3A_708 : memref<128xf32, #tpu.memory_space<vmem>>)
      %slice3A_711 = vector.extract_strided_slice %get3A_487 {offsets = [1], sizes = [1], strides = [1]} : vector<16xi32> to vector<1xi32>
      %squeeze3A_712 = vector.extract %slice3A_711[0] : i32 from vector<1xi32>
      %slice3A_713 = vector.extract_strided_slice %get3A_489 {offsets = [1], sizes = [1], strides = [1]} : vector<16xi32> to vector<1xi32>
      %squeeze3A_714 = vector.extract %slice3A_713[0] : i32 from vector<1xi32>
      %and3A_715 = arith.constant 127 : i32
      %and3A_716 = arith.andi %squeeze3A_712, %and3A_715 : i32
      %add3A_717 = vector.broadcast %and3A_716 : i32 to vector<16xi32>
      %add3A_718 = arith.addi %broadcast_in_dim3A_6, %add3A_717 : vector<16xi32>
      %and3A_719 = arith.constant 127 : i32
      %and3A_720 = arith.andi %squeeze3A_714, %and3A_719 : i32
      %add3A_721 = vector.broadcast %and3A_720 : i32 to vector<16xi32>
      %add3A_722 = arith.addi %broadcast_in_dim3A_6, %add3A_721 : vector<16xi32>
      %add3A_723 = arith.constant 1 : i32
      %add3A_724 = vector.broadcast %add3A_723 : i32 to vector<16xi32>
      %add3A_725 = arith.addi %broadcast_in_dim3A_6, %add3A_724 : vector<16xi32>
      %gather3A_726 = tpu.vector_load_idx %arg11[%add3A_725, %iota3A, %add3A_718] : memref<8x32x128xf32, #tpu.memory_space<vmem>>[vector<16xi32>, vector<16xi32>, vector<16xi32>], vector<16xf32>,
      %gather3A_727 = tpu.vector_load_idx %arg11[%add3A_725, %add3A_5, %add3A_718] : memref<8x32x128xf32, #tpu.memory_space<vmem>>[vector<16xi32>, vector<16xi32>, vector<16xi32>], vector<16xf32>,
      %gather3A_728 = tpu.vector_load_idx %arg12[%add3A_725, %iota3A, %add3A_722] : memref<8x32x128xf32, #tpu.memory_space<vmem>>[vector<16xi32>, vector<16xi32>, vector<16xi32>], vector<16xf32>,
      %gather3A_729 = tpu.vector_load_idx %arg12[%add3A_725, %add3A_5, %add3A_722] : memref<8x32x128xf32, #tpu.memory_space<vmem>>[vector<16xi32>, vector<16xi32>, vector<16xi32>], vector<16xf32>,
      %mul3A_730 = arith.mulf %gather3A_726, %gather3A_728 : vector<16xf32>
      %mul3A_731 = arith.mulf %gather3A_727, %gather3A_729 : vector<16xf32>
      %add3A_732 = arith.addf %mul3A_730, %mul3A_731 : vector<16xf32>
      %xor3A_733 = arith.constant 1 : i32
      %xor3A_734 = vector.broadcast %xor3A_733 : i32 to vector<16xi32>
      %xor3A_735 = arith.xori %iota3A, %xor3A_734 : vector<16xi32>
      %broadcast_in_dim3A_736 = vector.shape_cast %xor3A_735 : vector<16xi32> to vector<16x1xi32>
      %gather3A_737 = vector.shape_cast %broadcast_in_dim3A_736 : vector<16x1xi32> to vector<16xi32>
      %gather3A_738 = tpu.dynamic_gather %add3A_732[%gather3A_737] in [0] : vector<16xf32>, vector<16xi32> -> vector<16xf32>
      %add3A_739 = arith.addf %add3A_732, %gather3A_738 : vector<16xf32>
      %xor3A_740 = arith.constant 2 : i32
      %xor3A_741 = vector.broadcast %xor3A_740 : i32 to vector<16xi32>
      %xor3A_742 = arith.xori %iota3A, %xor3A_741 : vector<16xi32>
      %broadcast_in_dim3A_743 = vector.shape_cast %xor3A_742 : vector<16xi32> to vector<16x1xi32>
      %gather3A_744 = vector.shape_cast %broadcast_in_dim3A_743 : vector<16x1xi32> to vector<16xi32>
      %gather3A_745 = tpu.dynamic_gather %add3A_739[%gather3A_744] in [0] : vector<16xf32>, vector<16xi32> -> vector<16xf32>
      %add3A_746 = arith.addf %add3A_739, %gather3A_745 : vector<16xf32>
      %xor3A_747 = arith.constant 4 : i32
      %xor3A_748 = vector.broadcast %xor3A_747 : i32 to vector<16xi32>
      %xor3A_749 = arith.xori %iota3A, %xor3A_748 : vector<16xi32>
      %broadcast_in_dim3A_750 = vector.shape_cast %xor3A_749 : vector<16xi32> to vector<16x1xi32>
      %gather3A_751 = vector.shape_cast %broadcast_in_dim3A_750 : vector<16x1xi32> to vector<16xi32>
      %gather3A_752 = tpu.dynamic_gather %add3A_746[%gather3A_751] in [0] : vector<16xf32>, vector<16xi32> -> vector<16xf32>
      %add3A_753 = arith.addf %add3A_746, %gather3A_752 : vector<16xf32>
      %xor3A_754 = arith.constant 8 : i32
      %xor3A_755 = vector.broadcast %xor3A_754 : i32 to vector<16xi32>
      %xor3A_756 = arith.xori %iota3A, %xor3A_755 : vector<16xi32>
      %broadcast_in_dim3A_757 = vector.shape_cast %xor3A_756 : vector<16xi32> to vector<16x1xi32>
      %gather3A_758 = vector.shape_cast %broadcast_in_dim3A_757 : vector<16x1xi32> to vector<16xi32>
      %gather3A_759 = tpu.dynamic_gather %add3A_753[%gather3A_758] in [0] : vector<16xf32>, vector<16xi32> -> vector<16xf32>
      %add3A_760 = arith.addf %add3A_753, %gather3A_759 : vector<16xf32>
      %gather3A_761 = tpu.vector_load_idx %arg13[%add3A_725, %add3A_718] : memref<8x128xf32, #tpu.memory_space<vmem>>[vector<16xi32>, vector<16xi32>], vector<16xf32>,
      %gather3A_762 = tpu.vector_load_idx %arg14[%add3A_725, %add3A_722] : memref<8x128xf32, #tpu.memory_space<vmem>>[vector<16xi32>, vector<16xi32>], vector<16xf32>,
      %add3A_763 = arith.addf %add3A_760, %gather3A_761 : vector<16xf32>
      %add3A_764 = arith.addf %add3A_763, %gather3A_762 : vector<16xf32>
      %eq3A_765 = arith.constant 1 : i32
      %eq3A_766 = vector.broadcast %eq3A_765 : i32 to vector<16xi32>
      %eq3A_767 = arith.cmpi eq, %iota3A, %eq3A_766 : vector<16xi32>
      %select_n3A_768 = arith.select %eq3A_767, %add3A_764, %select_n3A_600 : vector<16xi1>, vector<16xf32>
      %slice3A_769 = vector.extract_strided_slice %get3A_487 {offsets = [9], sizes = [1], strides = [1]} : vector<16xi32> to vector<1xi32>
      %squeeze3A_770 = vector.extract %slice3A_769[0] : i32 from vector<1xi32>
      %slice3A_771 = vector.extract_strided_slice %get3A_489 {offsets = [9], sizes = [1], strides = [1]} : vector<16xi32> to vector<1xi32>
      %squeeze3A_772 = vector.extract %slice3A_771[0] : i32 from vector<1xi32>
      %shift_right_arithmetic3A_773 = arith.constant 7 : i32
      %shift_right_arithmetic3A_774 = arith.shrsi %squeeze3A_770, %shift_right_arithmetic3A_773 : i32
      %mul3A_775 = arith.constant 128 : i32
      %mul3A_776 = arith.muli %shift_right_arithmetic3A_774, %mul3A_775 : i32
      %multiple_of3A_777 = tpu.assume_multiple %mul3A_776, 128 : i32
      %shift_right_arithmetic3A_778 = arith.constant 7 : i32
      %shift_right_arithmetic3A_779 = arith.shrsi %squeeze3A_772, %shift_right_arithmetic3A_778 : i32
      %mul3A_780 = arith.constant 128 : i32
      %mul3A_781 = arith.muli %shift_right_arithmetic3A_779, %mul3A_780 : i32
      %multiple_of3A_782 = tpu.assume_multiple %mul3A_781, 128 : i32
      %dma_start3A_783 = arith.constant 1 : i32
      %dma_start3A_784 = arith.constant 0 : i32
      %dma_start3A_785 = arith.constant 0 : i32
      %dma_start3A_786 = tpu.memref_slice %arg11[%dma_start3A_783, %dma_start3A_784, %dma_start3A_785] : memref<8x32x128xf32, #tpu.memory_space<vmem>> -> memref<1x32x128xf32, #tpu.memory_space<vmem>>
      %dma_start3A_787 = tpu.memref_squeeze %dma_start3A_786 : memref<1x32x128xf32, #tpu.memory_space<vmem>> -> memref<32x128xf32, #tpu.memory_space<vmem>>
      %dma_start3A_788 = arith.constant 0 : i32
      %dma_start3A_789 = tpu.memref_slice %arg4[%dma_start3A_788, %multiple_of3A_777] : memref<32x1000000xf32, #tpu.memory_space<hbm>> -> memref<32x128xf32, #tpu.memory_space<hbm>>
      %dma_start3A_790 = arith.constant 0 : i32
      %dma_start3A_791 = arith.constant 0 : i32
      %dma_start3A_792 = tpu.memref_slice %arg11[%dma_start3A_783, %dma_start3A_790, %dma_start3A_791] : memref<8x32x128xf32, #tpu.memory_space<vmem>> -> memref<1x32x128xf32, #tpu.memory_space<vmem>>
      %dma_start3A_793 = tpu.memref_squeeze %dma_start3A_792 : memref<1x32x128xf32, #tpu.memory_space<vmem>> -> memref<32x128xf32, #tpu.memory_space<vmem>>
      %dma_start3A_794 = arith.constant 0 : i32
      %dma_start3A_795 = tpu.memref_slice %arg4[%dma_start3A_794, %multiple_of3A_777] : memref<32x1000000xf32, #tpu.memory_space<hbm>> -> memref<32x128xf32, #tpu.memory_space<hbm>>
      tpu.enqueue_dma source(%dma_start3A_795 : memref<32x128xf32, #tpu.memory_space<hbm>>) target(%dma_start3A_793 : memref<32x128xf32, #tpu.memory_space<vmem>>) target_semaphore(%arg16 : memref<!tpu.dma_semaphore, #tpu.memory_space<semaphore_mem>>)
      %dma_start3A_796 = arith.constant 1 : i32
      %dma_start3A_797 = arith.constant 0 : i32
      %dma_start3A_798 = arith.constant 0 : i32
      %dma_start3A_799 = tpu.memref_slice %arg12[%dma_start3A_796, %dma_start3A_797, %dma_start3A_798] : memref<8x32x128xf32, #tpu.memory_space<vmem>> -> memref<1x32x128xf32, #tpu.memory_space<vmem>>
      %dma_start3A_800 = tpu.memref_squeeze %dma_start3A_799 : memref<1x32x128xf32, #tpu.memory_space<vmem>> -> memref<32x128xf32, #tpu.memory_space<vmem>>
      %dma_start3A_801 = arith.constant 0 : i32
      %dma_start3A_802 = tpu.memref_slice %arg5[%dma_start3A_801, %multiple_of3A_782] : memref<32x1000000xf32, #tpu.memory_space<hbm>> -> memref<32x128xf32, #tpu.memory_space<hbm>>
      %dma_start3A_803 = arith.constant 0 : i32
      %dma_start3A_804 = arith.constant 0 : i32
      %dma_start3A_805 = tpu.memref_slice %arg12[%dma_start3A_796, %dma_start3A_803, %dma_start3A_804] : memref<8x32x128xf32, #tpu.memory_space<vmem>> -> memref<1x32x128xf32, #tpu.memory_space<vmem>>
      %dma_start3A_806 = tpu.memref_squeeze %dma_start3A_805 : memref<1x32x128xf32, #tpu.memory_space<vmem>> -> memref<32x128xf32, #tpu.memory_space<vmem>>
      %dma_start3A_807 = arith.constant 0 : i32
      %dma_start3A_808 = tpu.memref_slice %arg5[%dma_start3A_807, %multiple_of3A_782] : memref<32x1000000xf32, #tpu.memory_space<hbm>> -> memref<32x128xf32, #tpu.memory_space<hbm>>
      tpu.enqueue_dma source(%dma_start3A_808 : memref<32x128xf32, #tpu.memory_space<hbm>>) target(%dma_start3A_806 : memref<32x128xf32, #tpu.memory_space<vmem>>) target_semaphore(%arg17 : memref<!tpu.dma_semaphore, #tpu.memory_space<semaphore_mem>>)
      %dma_start3A_809 = arith.constant 1 : i32
      %dma_start3A_810 = arith.constant 0 : i32
      %dma_start3A_811 = tpu.memref_slice %arg13[%dma_start3A_809, %dma_start3A_810] : memref<8x128xf32, #tpu.memory_space<vmem>> -> memref<1x128xf32, #tpu.memory_space<vmem>>
      %dma_start3A_812 = tpu.memref_squeeze %dma_start3A_811 : memref<1x128xf32, #tpu.memory_space<vmem>> -> memref<128xf32, #tpu.memory_space<vmem>>
      %dma_start3A_813 = tpu.memref_slice %arg6[%multiple_of3A_777] : memref<1000000xf32, #tpu.memory_space<hbm>> -> memref<128xf32, #tpu.memory_space<hbm>>
      %dma_start3A_814 = arith.constant 0 : i32
      %dma_start3A_815 = tpu.memref_slice %arg13[%dma_start3A_809, %dma_start3A_814] : memref<8x128xf32, #tpu.memory_space<vmem>> -> memref<1x128xf32, #tpu.memory_space<vmem>>
      %dma_start3A_816 = tpu.memref_squeeze %dma_start3A_815 : memref<1x128xf32, #tpu.memory_space<vmem>> -> memref<128xf32, #tpu.memory_space<vmem>>
      %dma_start3A_817 = tpu.memref_slice %arg6[%multiple_of3A_777] : memref<1000000xf32, #tpu.memory_space<hbm>> -> memref<128xf32, #tpu.memory_space<hbm>>
      tpu.enqueue_dma source(%dma_start3A_817 : memref<128xf32, #tpu.memory_space<hbm>>) target(%dma_start3A_816 : memref<128xf32, #tpu.memory_space<vmem>>) target_semaphore(%arg18 : memref<!tpu.dma_semaphore, #tpu.memory_space<semaphore_mem>>)
      %dma_start3A_818 = arith.constant 1 : i32
      %dma_start3A_819 = arith.constant 0 : i32
      %dma_start3A_820 = tpu.memref_slice %arg14[%dma_start3A_818, %dma_start3A_819] : memref<8x128xf32, #tpu.memory_space<vmem>> -> memref<1x128xf32, #tpu.memory_space<vmem>>
      %dma_start3A_821 = tpu.memref_squeeze %dma_start3A_820 : memref<1x128xf32, #tpu.memory_space<vmem>> -> memref<128xf32, #tpu.memory_space<vmem>>
      %dma_start3A_822 = tpu.memref_slice %arg7[%multiple_of3A_782] : memref<1000000xf32, #tpu.memory_space<hbm>> -> memref<128xf32, #tpu.memory_space<hbm>>
      %dma_start3A_823 = arith.constant 0 : i32
      %dma_start3A_824 = tpu.memref_slice %arg14[%dma_start3A_818, %dma_start3A_823] : memref<8x128xf32, #tpu.memory_space<vmem>> -> memref<1x128xf32, #tpu.memory_space<vmem>>
      %dma_start3A_825 = tpu.memref_squeeze %dma_start3A_824 : memref<1x128xf32, #tpu.memory_space<vmem>> -> memref<128xf32, #tpu.memory_space<vmem>>
      %dma_start3A_826 = tpu.memref_slice %arg7[%multiple_of3A_782] : memref<1000000xf32, #tpu.memory_space<hbm>> -> memref<128xf32, #tpu.memory_space<hbm>>
      tpu.enqueue_dma source(%dma_start3A_826 : memref<128xf32, #tpu.memory_space<hbm>>) target(%dma_start3A_825 : memref<128xf32, #tpu.memory_space<vmem>>) target_semaphore(%arg19 : memref<!tpu.dma_semaphore, #tpu.memory_space<semaphore_mem>>)
      %dma_wait3A_827 = arith.constant 2 : i32
      %dma_wait3A_828 = arith.constant 0 : i32
      %dma_wait3A_829 = arith.constant 0 : i32
      %dma_wait3A_830 = tpu.memref_slice %arg11[%dma_wait3A_827, %dma_wait3A_828, %dma_wait3A_829] : memref<8x32x128xf32, #tpu.memory_space<vmem>> -> memref<1x32x128xf32, #tpu.memory_space<vmem>>
      %dma_wait3A_831 = tpu.memref_squeeze %dma_wait3A_830 : memref<1x32x128xf32, #tpu.memory_space<vmem>> -> memref<32x128xf32, #tpu.memory_space<vmem>>
      %dma_wait3A_832 = arith.constant 0 : i32
      %dma_wait3A_833 = arith.constant 0 : i32
      %dma_wait3A_834 = tpu.memref_slice %arg4[%dma_wait3A_832, %dma_wait3A_833] : memref<32x1000000xf32, #tpu.memory_space<hbm>> -> memref<32x128xf32, #tpu.memory_space<hbm>>
      %dma_wait3A_835 = arith.constant 0 : i32
      %dma_wait3A_836 = arith.constant 0 : i32
      %dma_wait3A_837 = tpu.memref_slice %arg11[%dma_wait3A_827, %dma_wait3A_835, %dma_wait3A_836] : memref<8x32x128xf32, #tpu.memory_space<vmem>> -> memref<1x32x128xf32, #tpu.memory_space<vmem>>
      %dma_wait3A_838 = tpu.memref_squeeze %dma_wait3A_837 : memref<1x32x128xf32, #tpu.memory_space<vmem>> -> memref<32x128xf32, #tpu.memory_space<vmem>>
      %dma_wait3A_839 = arith.constant 0 : i32
      %dma_wait3A_840 = arith.constant 0 : i32
      %dma_wait3A_841 = tpu.memref_slice %arg4[%dma_wait3A_839, %dma_wait3A_840] : memref<32x1000000xf32, #tpu.memory_space<hbm>> -> memref<32x128xf32, #tpu.memory_space<hbm>>
      tpu.wait_dma2 semaphore(%arg16 : memref<!tpu.dma_semaphore, #tpu.memory_space<semaphore_mem>>) src(%dma_wait3A_841 : memref<32x128xf32, #tpu.memory_space<hbm>>) dst(%dma_wait3A_838 : memref<32x128xf32, #tpu.memory_space<vmem>>)
      %dma_wait3A_842 = arith.constant 2 : i32
      %dma_wait3A_843 = arith.constant 0 : i32
      %dma_wait3A_844 = arith.constant 0 : i32
      %dma_wait3A_845 = tpu.memref_slice %arg12[%dma_wait3A_842, %dma_wait3A_843, %dma_wait3A_844] : memref<8x32x128xf32, #tpu.memory_space<vmem>> -> memref<1x32x128xf32, #tpu.memory_space<vmem>>
      %dma_wait3A_846 = tpu.memref_squeeze %dma_wait3A_845 : memref<1x32x128xf32, #tpu.memory_space<vmem>> -> memref<32x128xf32, #tpu.memory_space<vmem>>
      %dma_wait3A_847 = arith.constant 0 : i32
      %dma_wait3A_848 = arith.constant 0 : i32
      %dma_wait3A_849 = tpu.memref_slice %arg5[%dma_wait3A_847, %dma_wait3A_848] : memref<32x1000000xf32, #tpu.memory_space<hbm>> -> memref<32x128xf32, #tpu.memory_space<hbm>>
      %dma_wait3A_850 = arith.constant 0 : i32
      %dma_wait3A_851 = arith.constant 0 : i32
      %dma_wait3A_852 = tpu.memref_slice %arg12[%dma_wait3A_842, %dma_wait3A_850, %dma_wait3A_851] : memref<8x32x128xf32, #tpu.memory_space<vmem>> -> memref<1x32x128xf32, #tpu.memory_space<vmem>>
      %dma_wait3A_853 = tpu.memref_squeeze %dma_wait3A_852 : memref<1x32x128xf32, #tpu.memory_space<vmem>> -> memref<32x128xf32, #tpu.memory_space<vmem>>
      %dma_wait3A_854 = arith.constant 0 : i32
      %dma_wait3A_855 = arith.constant 0 : i32
      %dma_wait3A_856 = tpu.memref_slice %arg5[%dma_wait3A_854, %dma_wait3A_855] : memref<32x1000000xf32, #tpu.memory_space<hbm>> -> memref<32x128xf32, #tpu.memory_space<hbm>>
      tpu.wait_dma2 semaphore(%arg17 : memref<!tpu.dma_semaphore, #tpu.memory_space<semaphore_mem>>) src(%dma_wait3A_856 : memref<32x128xf32, #tpu.memory_space<hbm>>) dst(%dma_wait3A_853 : memref<32x128xf32, #tpu.memory_space<vmem>>)
      %dma_wait3A_857 = arith.constant 2 : i32
      %dma_wait3A_858 = arith.constant 0 : i32
      %dma_wait3A_859 = tpu.memref_slice %arg13[%dma_wait3A_857, %dma_wait3A_858] : memref<8x128xf32, #tpu.memory_space<vmem>> -> memref<1x128xf32, #tpu.memory_space<vmem>>
      %dma_wait3A_860 = tpu.memref_squeeze %dma_wait3A_859 : memref<1x128xf32, #tpu.memory_space<vmem>> -> memref<128xf32, #tpu.memory_space<vmem>>
      %dma_wait3A_861 = arith.constant 0 : i32
      %dma_wait3A_862 = tpu.memref_slice %arg6[%dma_wait3A_861] : memref<1000000xf32, #tpu.memory_space<hbm>> -> memref<128xf32, #tpu.memory_space<hbm>>
      %dma_wait3A_863 = arith.constant 0 : i32
      %dma_wait3A_864 = tpu.memref_slice %arg13[%dma_wait3A_857, %dma_wait3A_863] : memref<8x128xf32, #tpu.memory_space<vmem>> -> memref<1x128xf32, #tpu.memory_space<vmem>>
      %dma_wait3A_865 = tpu.memref_squeeze %dma_wait3A_864 : memref<1x128xf32, #tpu.memory_space<vmem>> -> memref<128xf32, #tpu.memory_space<vmem>>
      %dma_wait3A_866 = arith.constant 0 : i32
      %dma_wait3A_867 = tpu.memref_slice %arg6[%dma_wait3A_866] : memref<1000000xf32, #tpu.memory_space<hbm>> -> memref<128xf32, #tpu.memory_space<hbm>>
      tpu.wait_dma2 semaphore(%arg18 : memref<!tpu.dma_semaphore, #tpu.memory_space<semaphore_mem>>) src(%dma_wait3A_867 : memref<128xf32, #tpu.memory_space<hbm>>) dst(%dma_wait3A_865 : memref<128xf32, #tpu.memory_space<vmem>>)
      %dma_wait3A_868 = arith.constant 2 : i32
      %dma_wait3A_869 = arith.constant 0 : i32
      %dma_wait3A_870 = tpu.memref_slice %arg14[%dma_wait3A_868, %dma_wait3A_869] : memref<8x128xf32, #tpu.memory_space<vmem>> -> memref<1x128xf32, #tpu.memory_space<vmem>>
      %dma_wait3A_871 = tpu.memref_squeeze %dma_wait3A_870 : memref<1x128xf32, #tpu.memory_space<vmem>> -> memref<128xf32, #tpu.memory_space<vmem>>
      %dma_wait3A_872 = arith.constant 0 : i32
      %dma_wait3A_873 = tpu.memref_slice %arg7[%dma_wait3A_872] : memref<1000000xf32, #tpu.memory_space<hbm>> -> memref<128xf32, #tpu.memory_space<hbm>>
      %dma_wait3A_874 = arith.constant 0 : i32
      %dma_wait3A_875 = tpu.memref_slice %arg14[%dma_wait3A_868, %dma_wait3A_874] : memref<8x128xf32, #tpu.memory_space<vmem>> -> memref<1x128xf32, #tpu.memory_space<vmem>>
      %dma_wait3A_876 = tpu.memref_squeeze %dma_wait3A_875 : memref<1x128xf32, #tpu.memory_space<vmem>> -> memref<128xf32, #tpu.memory_space<vmem>>
      %dma_wait3A_877 = arith.constant 0 : i32
      %dma_wait3A_878 = tpu.memref_slice %arg7[%dma_wait3A_877] : memref<1000000xf32, #tpu.memory_space<hbm>> -> memref<128xf32, #tpu.memory_space<hbm>>
      tpu.wait_dma2 semaphore(%arg19 : memref<!tpu.dma_semaphore, #tpu.memory_space<semaphore_mem>>) src(%dma_wait3A_878 : memref<128xf32, #tpu.memory_space<hbm>>) dst(%dma_wait3A_876 : memref<128xf32, #tpu.memory_space<vmem>>)
      %slice3A_879 = vector.extract_strided_slice %get3A_487 {offsets = [2], sizes = [1], strides = [1]} : vector<16xi32> to vector<1xi32>
      %squeeze3A_880 = vector.extract %slice3A_879[0] : i32 from vector<1xi32>
      %slice3A_881 = vector.extract_strided_slice %get3A_489 {offsets = [2], sizes = [1], strides = [1]} : vector<16xi32> to vector<1xi32>
      %squeeze3A_882 = vector.extract %slice3A_881[0] : i32 from vector<1xi32>
      %and3A_883 = arith.constant 127 : i32
      %and3A_884 = arith.andi %squeeze3A_880, %and3A_883 : i32
      %add3A_885 = vector.broadcast %and3A_884 : i32 to vector<16xi32>
      %add3A_886 = arith.addi %broadcast_in_dim3A_6, %add3A_885 : vector<16xi32>
      %and3A_887 = arith.constant 127 : i32
      %and3A_888 = arith.andi %squeeze3A_882, %and3A_887 : i32
      %add3A_889 = vector.broadcast %and3A_888 : i32 to vector<16xi32>
      %add3A_890 = arith.addi %broadcast_in_dim3A_6, %add3A_889 : vector<16xi32>
      %add3A_891 = arith.constant 2 : i32
      %add3A_892 = vector.broadcast %add3A_891 : i32 to vector<16xi32>
      %add3A_893 = arith.addi %broadcast_in_dim3A_6, %add3A_892 : vector<16xi32>
      %gather3A_894 = tpu.vector_load_idx %arg11[%add3A_893, %iota3A, %add3A_886] : memref<8x32x128xf32, #tpu.memory_space<vmem>>[vector<16xi32>, vector<16xi32>, vector<16xi32>], vector<16xf32>,
      %gather3A_895 = tpu.vector_load_idx %arg11[%add3A_893, %add3A_5, %add3A_886] : memref<8x32x128xf32, #tpu.memory_space<vmem>>[vector<16xi32>, vector<16xi32>, vector<16xi32>], vector<16xf32>,
      %gather3A_896 = tpu.vector_load_idx %arg12[%add3A_893, %iota3A, %add3A_890] : memref<8x32x128xf32, #tpu.memory_space<vmem>>[vector<16xi32>, vector<16xi32>, vector<16xi32>], vector<16xf32>,
      %gather3A_897 = tpu.vector_load_idx %arg12[%add3A_893, %add3A_5, %add3A_890] : memref<8x32x128xf32, #tpu.memory_space<vmem>>[vector<16xi32>, vector<16xi32>, vector<16xi32>], vector<16xf32>,
      %mul3A_898 = arith.mulf %gather3A_894, %gather3A_896 : vector<16xf32>
      %mul3A_899 = arith.mulf %gather3A_895, %gather3A_897 : vector<16xf32>
      %add3A_900 = arith.addf %mul3A_898, %mul3A_899 : vector<16xf32>
      %xor3A_901 = arith.constant 1 : i32
      %xor3A_902 = vector.broadcast %xor3A_901 : i32 to vector<16xi32>
      %xor3A_903 = arith.xori %iota3A, %xor3A_902 : vector<16xi32>
      %broadcast_in_dim3A_904 = vector.shape_cast %xor3A_903 : vector<16xi32> to vector<16x1xi32>
      %gather3A_905 = vector.shape_cast %broadcast_in_dim3A_904 : vector<16x1xi32> to vector<16xi32>
      %gather3A_906 = tpu.dynamic_gather %add3A_900[%gather3A_905] in [0] : vector<16xf32>, vector<16xi32> -> vector<16xf32>
      %add3A_907 = arith.addf %add3A_900, %gather3A_906 : vector<16xf32>
      %xor3A_908 = arith.constant 2 : i32
      %xor3A_909 = vector.broadcast %xor3A_908 : i32 to vector<16xi32>
      %xor3A_910 = arith.xori %iota3A, %xor3A_909 : vector<16xi32>
      %broadcast_in_dim3A_911 = vector.shape_cast %xor3A_910 : vector<16xi32> to vector<16x1xi32>
      %gather3A_912 = vector.shape_cast %broadcast_in_dim3A_911 : vector<16x1xi32> to vector<16xi32>
      %gather3A_913 = tpu.dynamic_gather %add3A_907[%gather3A_912] in [0] : vector<16xf32>, vector<16xi32> -> vector<16xf32>
      %add3A_914 = arith.addf %add3A_907, %gather3A_913 : vector<16xf32>
      %xor3A_915 = arith.constant 4 : i32
      %xor3A_916 = vector.broadcast %xor3A_915 : i32 to vector<16xi32>
      %xor3A_917 = arith.xori %iota3A, %xor3A_916 : vector<16xi32>
      %broadcast_in_dim3A_918 = vector.shape_cast %xor3A_917 : vector<16xi32> to vector<16x1xi32>
      %gather3A_919 = vector.shape_cast %broadcast_in_dim3A_918 : vector<16x1xi32> to vector<16xi32>
      %gather3A_920 = tpu.dynamic_gather %add3A_914[%gather3A_919] in [0] : vector<16xf32>, vector<16xi32> -> vector<16xf32>
      %add3A_921 = arith.addf %add3A_914, %gather3A_920 : vector<16xf32>
      %xor3A_922 = arith.constant 8 : i32
      %xor3A_923 = vector.broadcast %xor3A_922 : i32 to vector<16xi32>
      %xor3A_924 = arith.xori %iota3A, %xor3A_923 : vector<16xi32>
      %broadcast_in_dim3A_925 = vector.shape_cast %xor3A_924 : vector<16xi32> to vector<16x1xi32>
      %gather3A_926 = vector.shape_cast %broadcast_in_dim3A_925 : vector<16x1xi32> to vector<16xi32>
      %gather3A_927 = tpu.dynamic_gather %add3A_921[%gather3A_926] in [0] : vector<16xf32>, vector<16xi32> -> vector<16xf32>
      %add3A_928 = arith.addf %add3A_921, %gather3A_927 : vector<16xf32>
      %gather3A_929 = tpu.vector_load_idx %arg13[%add3A_893, %add3A_886] : memref<8x128xf32, #tpu.memory_space<vmem>>[vector<16xi32>, vector<16xi32>], vector<16xf32>,
      %gather3A_930 = tpu.vector_load_idx %arg14[%add3A_893, %add3A_890] : memref<8x128xf32, #tpu.memory_space<vmem>>[vector<16xi32>, vector<16xi32>], vector<16xf32>,
      %add3A_931 = arith.addf %add3A_928, %gather3A_929 : vector<16xf32>
      %add3A_932 = arith.addf %add3A_931, %gather3A_930 : vector<16xf32>
      %eq3A_933 = arith.constant 2 : i32
      %eq3A_934 = vector.broadcast %eq3A_933 : i32 to vector<16xi32>
      %eq3A_935 = arith.cmpi eq, %iota3A, %eq3A_934 : vector<16xi32>
      %select_n3A_936 = arith.select %eq3A_935, %add3A_932, %select_n3A_768 : vector<16xi1>, vector<16xf32>
      %slice3A_937 = vector.extract_strided_slice %get3A_487 {offsets = [10], sizes = [1], strides = [1]} : vector<16xi32> to vector<1xi32>
      %squeeze3A_938 = vector.extract %slice3A_937[0] : i32 from vector<1xi32>
      %slice3A_939 = vector.extract_strided_slice %get3A_489 {offsets = [10], sizes = [1], strides = [1]} : vector<16xi32> to vector<1xi32>
      %squeeze3A_940 = vector.extract %slice3A_939[0] : i32 from vector<1xi32>
      %shift_right_arithmetic3A_941 = arith.constant 7 : i32
      %shift_right_arithmetic3A_942 = arith.shrsi %squeeze3A_938, %shift_right_arithmetic3A_941 : i32
      %mul3A_943 = arith.constant 128 : i32
      %mul3A_944 = arith.muli %shift_right_arithmetic3A_942, %mul3A_943 : i32
      %multiple_of3A_945 = tpu.assume_multiple %mul3A_944, 128 : i32
      %shift_right_arithmetic3A_946 = arith.constant 7 : i32
      %shift_right_arithmetic3A_947 = arith.shrsi %squeeze3A_940, %shift_right_arithmetic3A_946 : i32
      %mul3A_948 = arith.constant 128 : i32
      %mul3A_949 = arith.muli %shift_right_arithmetic3A_947, %mul3A_948 : i32
      %multiple_of3A_950 = tpu.assume_multiple %mul3A_949, 128 : i32
      %dma_start3A_951 = arith.constant 2 : i32
      %dma_start3A_952 = arith.constant 0 : i32
      %dma_start3A_953 = arith.constant 0 : i32
      %dma_start3A_954 = tpu.memref_slice %arg11[%dma_start3A_951, %dma_start3A_952, %dma_start3A_953] : memref<8x32x128xf32, #tpu.memory_space<vmem>> -> memref<1x32x128xf32, #tpu.memory_space<vmem>>
      %dma_start3A_955 = tpu.memref_squeeze %dma_start3A_954 : memref<1x32x128xf32, #tpu.memory_space<vmem>> -> memref<32x128xf32, #tpu.memory_space<vmem>>
      %dma_start3A_956 = arith.constant 0 : i32
      %dma_start3A_957 = tpu.memref_slice %arg4[%dma_start3A_956, %multiple_of3A_945] : memref<32x1000000xf32, #tpu.memory_space<hbm>> -> memref<32x128xf32, #tpu.memory_space<hbm>>
      %dma_start3A_958 = arith.constant 0 : i32
      %dma_start3A_959 = arith.constant 0 : i32
      %dma_start3A_960 = tpu.memref_slice %arg11[%dma_start3A_951, %dma_start3A_958, %dma_start3A_959] : memref<8x32x128xf32, #tpu.memory_space<vmem>> -> memref<1x32x128xf32, #tpu.memory_space<vmem>>
      %dma_start3A_961 = tpu.memref_squeeze %dma_start3A_960 : memref<1x32x128xf32, #tpu.memory_space<vmem>> -> memref<32x128xf32, #tpu.memory_space<vmem>>
      %dma_start3A_962 = arith.constant 0 : i32
      %dma_start3A_963 = tpu.memref_slice %arg4[%dma_start3A_962, %multiple_of3A_945] : memref<32x1000000xf32, #tpu.memory_space<hbm>> -> memref<32x128xf32, #tpu.memory_space<hbm>>
      tpu.enqueue_dma source(%dma_start3A_963 : memref<32x128xf32, #tpu.memory_space<hbm>>) target(%dma_start3A_961 : memref<32x128xf32, #tpu.memory_space<vmem>>) target_semaphore(%arg16 : memref<!tpu.dma_semaphore, #tpu.memory_space<semaphore_mem>>)
      %dma_start3A_964 = arith.constant 2 : i32
      %dma_start3A_965 = arith.constant 0 : i32
      %dma_start3A_966 = arith.constant 0 : i32
      %dma_start3A_967 = tpu.memref_slice %arg12[%dma_start3A_964, %dma_start3A_965, %dma_start3A_966] : memref<8x32x128xf32, #tpu.memory_space<vmem>> -> memref<1x32x128xf32, #tpu.memory_space<vmem>>
      %dma_start3A_968 = tpu.memref_squeeze %dma_start3A_967 : memref<1x32x128xf32, #tpu.memory_space<vmem>> -> memref<32x128xf32, #tpu.memory_space<vmem>>
      %dma_start3A_969 = arith.constant 0 : i32
      %dma_start3A_970 = tpu.memref_slice %arg5[%dma_start3A_969, %multiple_of3A_950] : memref<32x1000000xf32, #tpu.memory_space<hbm>> -> memref<32x128xf32, #tpu.memory_space<hbm>>
      %dma_start3A_971 = arith.constant 0 : i32
      %dma_start3A_972 = arith.constant 0 : i32
      %dma_start3A_973 = tpu.memref_slice %arg12[%dma_start3A_964, %dma_start3A_971, %dma_start3A_972] : memref<8x32x128xf32, #tpu.memory_space<vmem>> -> memref<1x32x128xf32, #tpu.memory_space<vmem>>
      %dma_start3A_974 = tpu.memref_squeeze %dma_start3A_973 : memref<1x32x128xf32, #tpu.memory_space<vmem>> -> memref<32x128xf32, #tpu.memory_space<vmem>>
      %dma_start3A_975 = arith.constant 0 : i32
      %dma_start3A_976 = tpu.memref_slice %arg5[%dma_start3A_975, %multiple_of3A_950] : memref<32x1000000xf32, #tpu.memory_space<hbm>> -> memref<32x128xf32, #tpu.memory_space<hbm>>
      tpu.enqueue_dma source(%dma_start3A_976 : memref<32x128xf32, #tpu.memory_space<hbm>>) target(%dma_start3A_974 : memref<32x128xf32, #tpu.memory_space<vmem>>) target_semaphore(%arg17 : memref<!tpu.dma_semaphore, #tpu.memory_space<semaphore_mem>>)
      %dma_start3A_977 = arith.constant 2 : i32
      %dma_start3A_978 = arith.constant 0 : i32
      %dma_start3A_979 = tpu.memref_slice %arg13[%dma_start3A_977, %dma_start3A_978] : memref<8x128xf32, #tpu.memory_space<vmem>> -> memref<1x128xf32, #tpu.memory_space<vmem>>
      %dma_start3A_980 = tpu.memref_squeeze %dma_start3A_979 : memref<1x128xf32, #tpu.memory_space<vmem>> -> memref<128xf32, #tpu.memory_space<vmem>>
      %dma_start3A_981 = tpu.memref_slice %arg6[%multiple_of3A_945] : memref<1000000xf32, #tpu.memory_space<hbm>> -> memref<128xf32, #tpu.memory_space<hbm>>
      %dma_start3A_982 = arith.constant 0 : i32
      %dma_start3A_983 = tpu.memref_slice %arg13[%dma_start3A_977, %dma_start3A_982] : memref<8x128xf32, #tpu.memory_space<vmem>> -> memref<1x128xf32, #tpu.memory_space<vmem>>
      %dma_start3A_984 = tpu.memref_squeeze %dma_start3A_983 : memref<1x128xf32, #tpu.memory_space<vmem>> -> memref<128xf32, #tpu.memory_space<vmem>>
      %dma_start3A_985 = tpu.memref_slice %arg6[%multiple_of3A_945] : memref<1000000xf32, #tpu.memory_space<hbm>> -> memref<128xf32, #tpu.memory_space<hbm>>
      tpu.enqueue_dma source(%dma_start3A_985 : memref<128xf32, #tpu.memory_space<hbm>>) target(%dma_start3A_984 : memref<128xf32, #tpu.memory_space<vmem>>) target_semaphore(%arg18 : memref<!tpu.dma_semaphore, #tpu.memory_space<semaphore_mem>>)
      %dma_start3A_986 = arith.constant 2 : i32
      %dma_start3A_987 = arith.constant 0 : i32
      %dma_start3A_988 = tpu.memref_slice %arg14[%dma_start3A_986, %dma_start3A_987] : memref<8x128xf32, #tpu.memory_space<vmem>> -> memref<1x128xf32, #tpu.memory_space<vmem>>
      %dma_start3A_989 = tpu.memref_squeeze %dma_start3A_988 : memref<1x128xf32, #tpu.memory_space<vmem>> -> memref<128xf32, #tpu.memory_space<vmem>>
      %dma_start3A_990 = tpu.memref_slice %arg7[%multiple_of3A_950] : memref<1000000xf32, #tpu.memory_space<hbm>> -> memref<128xf32, #tpu.memory_space<hbm>>
      %dma_start3A_991 = arith.constant 0 : i32
      %dma_start3A_992 = tpu.memref_slice %arg14[%dma_start3A_986, %dma_start3A_991] : memref<8x128xf32, #tpu.memory_space<vmem>> -> memref<1x128xf32, #tpu.memory_space<vmem>>
      %dma_start3A_993 = tpu.memref_squeeze %dma_start3A_992 : memref<1x128xf32, #tpu.memory_space<vmem>> -> memref<128xf32, #tpu.memory_space<vmem>>
      %dma_start3A_994 = tpu.memref_slice %arg7[%multiple_of3A_950] : memref<1000000xf32, #tpu.memory_space<hbm>> -> memref<128xf32, #tpu.memory_space<hbm>>
      tpu.enqueue_dma source(%dma_start3A_994 : memref<128xf32, #tpu.memory_space<hbm>>) target(%dma_start3A_993 : memref<128xf32, #tpu.memory_space<vmem>>) target_semaphore(%arg19 : memref<!tpu.dma_semaphore, #tpu.memory_space<semaphore_mem>>)
      %dma_wait3A_995 = arith.constant 3 : i32
      %dma_wait3A_996 = arith.constant 0 : i32
      %dma_wait3A_997 = arith.constant 0 : i32
      %dma_wait3A_998 = tpu.memref_slice %arg11[%dma_wait3A_995, %dma_wait3A_996, %dma_wait3A_997] : memref<8x32x128xf32, #tpu.memory_space<vmem>> -> memref<1x32x128xf32, #tpu.memory_space<vmem>>
      %dma_wait3A_999 = tpu.memref_squeeze %dma_wait3A_998 : memref<1x32x128xf32, #tpu.memory_space<vmem>> -> memref<32x128xf32, #tpu.memory_space<vmem>>
      %dma_wait3A_1000 = arith.constant 0 : i32
      %dma_wait3A_1001 = arith.constant 0 : i32
      %dma_wait3A_1002 = tpu.memref_slice %arg4[%dma_wait3A_1000, %dma_wait3A_1001] : memref<32x1000000xf32, #tpu.memory_space<hbm>> -> memref<32x128xf32, #tpu.memory_space<hbm>>
      %dma_wait3A_1003 = arith.constant 0 : i32
      %dma_wait3A_1004 = arith.constant 0 : i32
      %dma_wait3A_1005 = tpu.memref_slice %arg11[%dma_wait3A_995, %dma_wait3A_1003, %dma_wait3A_1004] : memref<8x32x128xf32, #tpu.memory_space<vmem>> -> memref<1x32x128xf32, #tpu.memory_space<vmem>>
      %dma_wait3A_1006 = tpu.memref_squeeze %dma_wait3A_1005 : memref<1x32x128xf32, #tpu.memory_space<vmem>> -> memref<32x128xf32, #tpu.memory_space<vmem>>
      %dma_wait3A_1007 = arith.constant 0 : i32
      %dma_wait3A_1008 = arith.constant 0 : i32
      %dma_wait3A_1009 = tpu.memref_slice %arg4[%dma_wait3A_1007, %dma_wait3A_1008] : memref<32x1000000xf32, #tpu.memory_space<hbm>> -> memref<32x128xf32, #tpu.memory_space<hbm>>
      tpu.wait_dma2 semaphore(%arg16 : memref<!tpu.dma_semaphore, #tpu.memory_space<semaphore_mem>>) src(%dma_wait3A_1009 : memref<32x128xf32, #tpu.memory_space<hbm>>) dst(%dma_wait3A_1006 : memref<32x128xf32, #tpu.memory_space<vmem>>)
      %dma_wait3A_1010 = arith.constant 3 : i32
      %dma_wait3A_1011 = arith.constant 0 : i32
      %dma_wait3A_1012 = arith.constant 0 : i32
      %dma_wait3A_1013 = tpu.memref_slice %arg12[%dma_wait3A_1010, %dma_wait3A_1011, %dma_wait3A_1012] : memref<8x32x128xf32, #tpu.memory_space<vmem>> -> memref<1x32x128xf32, #tpu.memory_space<vmem>>
      %dma_wait3A_1014 = tpu.memref_squeeze %dma_wait3A_1013 : memref<1x32x128xf32, #tpu.memory_space<vmem>> -> memref<32x128xf32, #tpu.memory_space<vmem>>
      %dma_wait3A_1015 = arith.constant 0 : i32
      %dma_wait3A_1016 = arith.constant 0 : i32
      %dma_wait3A_1017 = tpu.memref_slice %arg5[%dma_wait3A_1015, %dma_wait3A_1016] : memref<32x1000000xf32, #tpu.memory_space<hbm>> -> memref<32x128xf32, #tpu.memory_space<hbm>>
      %dma_wait3A_1018 = arith.constant 0 : i32
      %dma_wait3A_1019 = arith.constant 0 : i32
      %dma_wait3A_1020 = tpu.memref_slice %arg12[%dma_wait3A_1010, %dma_wait3A_1018, %dma_wait3A_1019] : memref<8x32x128xf32, #tpu.memory_space<vmem>> -> memref<1x32x128xf32, #tpu.memory_space<vmem>>
      %dma_wait3A_1021 = tpu.memref_squeeze %dma_wait3A_1020 : memref<1x32x128xf32, #tpu.memory_space<vmem>> -> memref<32x128xf32, #tpu.memory_space<vmem>>
      %dma_wait3A_1022 = arith.constant 0 : i32
      %dma_wait3A_1023 = arith.constant 0 : i32
      %dma_wait3A_1024 = tpu.memref_slice %arg5[%dma_wait3A_1022, %dma_wait3A_1023] : memref<32x1000000xf32, #tpu.memory_space<hbm>> -> memref<32x128xf32, #tpu.memory_space<hbm>>
      tpu.wait_dma2 semaphore(%arg17 : memref<!tpu.dma_semaphore, #tpu.memory_space<semaphore_mem>>) src(%dma_wait3A_1024 : memref<32x128xf32, #tpu.memory_space<hbm>>) dst(%dma_wait3A_1021 : memref<32x128xf32, #tpu.memory_space<vmem>>)
      %dma_wait3A_1025 = arith.constant 3 : i32
      %dma_wait3A_1026 = arith.constant 0 : i32
      %dma_wait3A_1027 = tpu.memref_slice %arg13[%dma_wait3A_1025, %dma_wait3A_1026] : memref<8x128xf32, #tpu.memory_space<vmem>> -> memref<1x128xf32, #tpu.memory_space<vmem>>
      %dma_wait3A_1028 = tpu.memref_squeeze %dma_wait3A_1027 : memref<1x128xf32, #tpu.memory_space<vmem>> -> memref<128xf32, #tpu.memory_space<vmem>>
      %dma_wait3A_1029 = arith.constant 0 : i32
      %dma_wait3A_1030 = tpu.memref_slice %arg6[%dma_wait3A_1029] : memref<1000000xf32, #tpu.memory_space<hbm>> -> memref<128xf32, #tpu.memory_space<hbm>>
      %dma_wait3A_1031 = arith.constant 0 : i32
      %dma_wait3A_1032 = tpu.memref_slice %arg13[%dma_wait3A_1025, %dma_wait3A_1031] : memref<8x128xf32, #tpu.memory_space<vmem>> -> memref<1x128xf32, #tpu.memory_space<vmem>>
      %dma_wait3A_1033 = tpu.memref_squeeze %dma_wait3A_1032 : memref<1x128xf32, #tpu.memory_space<vmem>> -> memref<128xf32, #tpu.memory_space<vmem>>
      %dma_wait3A_1034 = arith.constant 0 : i32
      %dma_wait3A_1035 = tpu.memref_slice %arg6[%dma_wait3A_1034] : memref<1000000xf32, #tpu.memory_space<hbm>> -> memref<128xf32, #tpu.memory_space<hbm>>
      tpu.wait_dma2 semaphore(%arg18 : memref<!tpu.dma_semaphore, #tpu.memory_space<semaphore_mem>>) src(%dma_wait3A_1035 : memref<128xf32, #tpu.memory_space<hbm>>) dst(%dma_wait3A_1033 : memref<128xf32, #tpu.memory_space<vmem>>)
      %dma_wait3A_1036 = arith.constant 3 : i32
      %dma_wait3A_1037 = arith.constant 0 : i32
      %dma_wait3A_1038 = tpu.memref_slice %arg14[%dma_wait3A_1036, %dma_wait3A_1037] : memref<8x128xf32, #tpu.memory_space<vmem>> -> memref<1x128xf32, #tpu.memory_space<vmem>>
      %dma_wait3A_1039 = tpu.memref_squeeze %dma_wait3A_1038 : memref<1x128xf32, #tpu.memory_space<vmem>> -> memref<128xf32, #tpu.memory_space<vmem>>
      %dma_wait3A_1040 = arith.constant 0 : i32
      %dma_wait3A_1041 = tpu.memref_slice %arg7[%dma_wait3A_1040] : memref<1000000xf32, #tpu.memory_space<hbm>> -> memref<128xf32, #tpu.memory_space<hbm>>
      %dma_wait3A_1042 = arith.constant 0 : i32
      %dma_wait3A_1043 = tpu.memref_slice %arg14[%dma_wait3A_1036, %dma_wait3A_1042] : memref<8x128xf32, #tpu.memory_space<vmem>> -> memref<1x128xf32, #tpu.memory_space<vmem>>
      %dma_wait3A_1044 = tpu.memref_squeeze %dma_wait3A_1043 : memref<1x128xf32, #tpu.memory_space<vmem>> -> memref<128xf32, #tpu.memory_space<vmem>>
      %dma_wait3A_1045 = arith.constant 0 : i32
      %dma_wait3A_1046 = tpu.memref_slice %arg7[%dma_wait3A_1045] : memref<1000000xf32, #tpu.memory_space<hbm>> -> memref<128xf32, #tpu.memory_space<hbm>>
      tpu.wait_dma2 semaphore(%arg19 : memref<!tpu.dma_semaphore, #tpu.memory_space<semaphore_mem>>) src(%dma_wait3A_1046 : memref<128xf32, #tpu.memory_space<hbm>>) dst(%dma_wait3A_1044 : memref<128xf32, #tpu.memory_space<vmem>>)
      %slice3A_1047 = vector.extract_strided_slice %get3A_487 {offsets = [3], sizes = [1], strides = [1]} : vector<16xi32> to vector<1xi32>
      %squeeze3A_1048 = vector.extract %slice3A_1047[0] : i32 from vector<1xi32>
      %slice3A_1049 = vector.extract_strided_slice %get3A_489 {offsets = [3], sizes = [1], strides = [1]} : vector<16xi32> to vector<1xi32>
      %squeeze3A_1050 = vector.extract %slice3A_1049[0] : i32 from vector<1xi32>
      %and3A_1051 = arith.constant 127 : i32
      %and3A_1052 = arith.andi %squeeze3A_1048, %and3A_1051 : i32
      %add3A_1053 = vector.broadcast %and3A_1052 : i32 to vector<16xi32>
      %add3A_1054 = arith.addi %broadcast_in_dim3A_6, %add3A_1053 : vector<16xi32>
      %and3A_1055 = arith.constant 127 : i32
      %and3A_1056 = arith.andi %squeeze3A_1050, %and3A_1055 : i32
      %add3A_1057 = vector.broadcast %and3A_1056 : i32 to vector<16xi32>
      %add3A_1058 = arith.addi %broadcast_in_dim3A_6, %add3A_1057 : vector<16xi32>
      %add3A_1059 = arith.constant 3 : i32
      %add3A_1060 = vector.broadcast %add3A_1059 : i32 to vector<16xi32>
      %add3A_1061 = arith.addi %broadcast_in_dim3A_6, %add3A_1060 : vector<16xi32>
      %gather3A_1062 = tpu.vector_load_idx %arg11[%add3A_1061, %iota3A, %add3A_1054] : memref<8x32x128xf32, #tpu.memory_space<vmem>>[vector<16xi32>, vector<16xi32>, vector<16xi32>], vector<16xf32>,
      %gather3A_1063 = tpu.vector_load_idx %arg11[%add3A_1061, %add3A_5, %add3A_1054] : memref<8x32x128xf32, #tpu.memory_space<vmem>>[vector<16xi32>, vector<16xi32>, vector<16xi32>], vector<16xf32>,
      %gather3A_1064 = tpu.vector_load_idx %arg12[%add3A_1061, %iota3A, %add3A_1058] : memref<8x32x128xf32, #tpu.memory_space<vmem>>[vector<16xi32>, vector<16xi32>, vector<16xi32>], vector<16xf32>,
      %gather3A_1065 = tpu.vector_load_idx %arg12[%add3A_1061, %add3A_5, %add3A_1058] : memref<8x32x128xf32, #tpu.memory_space<vmem>>[vector<16xi32>, vector<16xi32>, vector<16xi32>], vector<16xf32>,
      %mul3A_1066 = arith.mulf %gather3A_1062, %gather3A_1064 : vector<16xf32>
      %mul3A_1067 = arith.mulf %gather3A_1063, %gather3A_1065 : vector<16xf32>
      %add3A_1068 = arith.addf %mul3A_1066, %mul3A_1067 : vector<16xf32>
      %xor3A_1069 = arith.constant 1 : i32
      %xor3A_1070 = vector.broadcast %xor3A_1069 : i32 to vector<16xi32>
      %xor3A_1071 = arith.xori %iota3A, %xor3A_1070 : vector<16xi32>
      %broadcast_in_dim3A_1072 = vector.shape_cast %xor3A_1071 : vector<16xi32> to vector<16x1xi32>
      %gather3A_1073 = vector.shape_cast %broadcast_in_dim3A_1072 : vector<16x1xi32> to vector<16xi32>
      %gather3A_1074 = tpu.dynamic_gather %add3A_1068[%gather3A_1073] in [0] : vector<16xf32>, vector<16xi32> -> vector<16xf32>
      %add3A_1075 = arith.addf %add3A_1068, %gather3A_1074 : vector<16xf32>
      %xor3A_1076 = arith.constant 2 : i32
      %xor3A_1077 = vector.broadcast %xor3A_1076 : i32 to vector<16xi32>
      %xor3A_1078 = arith.xori %iota3A, %xor3A_1077 : vector<16xi32>
      %broadcast_in_dim3A_1079 = vector.shape_cast %xor3A_1078 : vector<16xi32> to vector<16x1xi32>
      %gather3A_1080 = vector.shape_cast %broadcast_in_dim3A_1079 : vector<16x1xi32> to vector<16xi32>
      %gather3A_1081 = tpu.dynamic_gather %add3A_1075[%gather3A_1080] in [0] : vector<16xf32>, vector<16xi32> -> vector<16xf32>
      %add3A_1082 = arith.addf %add3A_1075, %gather3A_1081 : vector<16xf32>
      %xor3A_1083 = arith.constant 4 : i32
      %xor3A_1084 = vector.broadcast %xor3A_1083 : i32 to vector<16xi32>
      %xor3A_1085 = arith.xori %iota3A, %xor3A_1084 : vector<16xi32>
      %broadcast_in_dim3A_1086 = vector.shape_cast %xor3A_1085 : vector<16xi32> to vector<16x1xi32>
      %gather3A_1087 = vector.shape_cast %broadcast_in_dim3A_1086 : vector<16x1xi32> to vector<16xi32>
      %gather3A_1088 = tpu.dynamic_gather %add3A_1082[%gather3A_1087] in [0] : vector<16xf32>, vector<16xi32> -> vector<16xf32>
      %add3A_1089 = arith.addf %add3A_1082, %gather3A_1088 : vector<16xf32>
      %xor3A_1090 = arith.constant 8 : i32
      %xor3A_1091 = vector.broadcast %xor3A_1090 : i32 to vector<16xi32>
      %xor3A_1092 = arith.xori %iota3A, %xor3A_1091 : vector<16xi32>
      %broadcast_in_dim3A_1093 = vector.shape_cast %xor3A_1092 : vector<16xi32> to vector<16x1xi32>
      %gather3A_1094 = vector.shape_cast %broadcast_in_dim3A_1093 : vector<16x1xi32> to vector<16xi32>
      %gather3A_1095 = tpu.dynamic_gather %add3A_1089[%gather3A_1094] in [0] : vector<16xf32>, vector<16xi32> -> vector<16xf32>
      %add3A_1096 = arith.addf %add3A_1089, %gather3A_1095 : vector<16xf32>
      %gather3A_1097 = tpu.vector_load_idx %arg13[%add3A_1061, %add3A_1054] : memref<8x128xf32, #tpu.memory_space<vmem>>[vector<16xi32>, vector<16xi32>], vector<16xf32>,
      %gather3A_1098 = tpu.vector_load_idx %arg14[%add3A_1061, %add3A_1058] : memref<8x128xf32, #tpu.memory_space<vmem>>[vector<16xi32>, vector<16xi32>], vector<16xf32>,
      %add3A_1099 = arith.addf %add3A_1096, %gather3A_1097 : vector<16xf32>
      %add3A_1100 = arith.addf %add3A_1099, %gather3A_1098 : vector<16xf32>
      %eq3A_1101 = arith.constant 3 : i32
      %eq3A_1102 = vector.broadcast %eq3A_1101 : i32 to vector<16xi32>
      %eq3A_1103 = arith.cmpi eq, %iota3A, %eq3A_1102 : vector<16xi32>
      %select_n3A_1104 = arith.select %eq3A_1103, %add3A_1100, %select_n3A_936 : vector<16xi1>, vector<16xf32>
      %slice3A_1105 = vector.extract_strided_slice %get3A_487 {offsets = [11], sizes = [1], strides = [1]} : vector<16xi32> to vector<1xi32>
      %squeeze3A_1106 = vector.extract %slice3A_1105[0] : i32 from vector<1xi32>
      %slice3A_1107 = vector.extract_strided_slice %get3A_489 {offsets = [11], sizes = [1], strides = [1]} : vector<16xi32> to vector<1xi32>
      %squeeze3A_1108 = vector.extract %slice3A_1107[0] : i32 from vector<1xi32>
      %shift_right_arithmetic3A_1109 = arith.constant 7 : i32
      %shift_right_arithmetic3A_1110 = arith.shrsi %squeeze3A_1106, %shift_right_arithmetic3A_1109 : i32
      %mul3A_1111 = arith.constant 128 : i32
      %mul3A_1112 = arith.muli %shift_right_arithmetic3A_1110, %mul3A_1111 : i32
      %multiple_of3A_1113 = tpu.assume_multiple %mul3A_1112, 128 : i32
      %shift_right_arithmetic3A_1114 = arith.constant 7 : i32
      %shift_right_arithmetic3A_1115 = arith.shrsi %squeeze3A_1108, %shift_right_arithmetic3A_1114 : i32
      %mul3A_1116 = arith.constant 128 : i32
      %mul3A_1117 = arith.muli %shift_right_arithmetic3A_1115, %mul3A_1116 : i32
      %multiple_of3A_1118 = tpu.assume_multiple %mul3A_1117, 128 : i32
      %dma_start3A_1119 = arith.constant 3 : i32
      %dma_start3A_1120 = arith.constant 0 : i32
      %dma_start3A_1121 = arith.constant 0 : i32
      %dma_start3A_1122 = tpu.memref_slice %arg11[%dma_start3A_1119, %dma_start3A_1120, %dma_start3A_1121] : memref<8x32x128xf32, #tpu.memory_space<vmem>> -> memref<1x32x128xf32, #tpu.memory_space<vmem>>
      %dma_start3A_1123 = tpu.memref_squeeze %dma_start3A_1122 : memref<1x32x128xf32, #tpu.memory_space<vmem>> -> memref<32x128xf32, #tpu.memory_space<vmem>>
      %dma_start3A_1124 = arith.constant 0 : i32
      %dma_start3A_1125 = tpu.memref_slice %arg4[%dma_start3A_1124, %multiple_of3A_1113] : memref<32x1000000xf32, #tpu.memory_space<hbm>> -> memref<32x128xf32, #tpu.memory_space<hbm>>
      %dma_start3A_1126 = arith.constant 0 : i32
      %dma_start3A_1127 = arith.constant 0 : i32
      %dma_start3A_1128 = tpu.memref_slice %arg11[%dma_start3A_1119, %dma_start3A_1126, %dma_start3A_1127] : memref<8x32x128xf32, #tpu.memory_space<vmem>> -> memref<1x32x128xf32, #tpu.memory_space<vmem>>
      %dma_start3A_1129 = tpu.memref_squeeze %dma_start3A_1128 : memref<1x32x128xf32, #tpu.memory_space<vmem>> -> memref<32x128xf32, #tpu.memory_space<vmem>>
      %dma_start3A_1130 = arith.constant 0 : i32
      %dma_start3A_1131 = tpu.memref_slice %arg4[%dma_start3A_1130, %multiple_of3A_1113] : memref<32x1000000xf32, #tpu.memory_space<hbm>> -> memref<32x128xf32, #tpu.memory_space<hbm>>
      tpu.enqueue_dma source(%dma_start3A_1131 : memref<32x128xf32, #tpu.memory_space<hbm>>) target(%dma_start3A_1129 : memref<32x128xf32, #tpu.memory_space<vmem>>) target_semaphore(%arg16 : memref<!tpu.dma_semaphore, #tpu.memory_space<semaphore_mem>>)
      %dma_start3A_1132 = arith.constant 3 : i32
      %dma_start3A_1133 = arith.constant 0 : i32
      %dma_start3A_1134 = arith.constant 0 : i32
      %dma_start3A_1135 = tpu.memref_slice %arg12[%dma_start3A_1132, %dma_start3A_1133, %dma_start3A_1134] : memref<8x32x128xf32, #tpu.memory_space<vmem>> -> memref<1x32x128xf32, #tpu.memory_space<vmem>>
      %dma_start3A_1136 = tpu.memref_squeeze %dma_start3A_1135 : memref<1x32x128xf32, #tpu.memory_space<vmem>> -> memref<32x128xf32, #tpu.memory_space<vmem>>
      %dma_start3A_1137 = arith.constant 0 : i32
      %dma_start3A_1138 = tpu.memref_slice %arg5[%dma_start3A_1137, %multiple_of3A_1118] : memref<32x1000000xf32, #tpu.memory_space<hbm>> -> memref<32x128xf32, #tpu.memory_space<hbm>>
      %dma_start3A_1139 = arith.constant 0 : i32
      %dma_start3A_1140 = arith.constant 0 : i32
      %dma_start3A_1141 = tpu.memref_slice %arg12[%dma_start3A_1132, %dma_start3A_1139, %dma_start3A_1140] : memref<8x32x128xf32, #tpu.memory_space<vmem>> -> memref<1x32x128xf32, #tpu.memory_space<vmem>>
      %dma_start3A_1142 = tpu.memref_squeeze %dma_start3A_1141 : memref<1x32x128xf32, #tpu.memory_space<vmem>> -> memref<32x128xf32, #tpu.memory_space<vmem>>
      %dma_start3A_1143 = arith.constant 0 : i32
      %dma_start3A_1144 = tpu.memref_slice %arg5[%dma_start3A_1143, %multiple_of3A_1118] : memref<32x1000000xf32, #tpu.memory_space<hbm>> -> memref<32x128xf32, #tpu.memory_space<hbm>>
      tpu.enqueue_dma source(%dma_start3A_1144 : memref<32x128xf32, #tpu.memory_space<hbm>>) target(%dma_start3A_1142 : memref<32x128xf32, #tpu.memory_space<vmem>>) target_semaphore(%arg17 : memref<!tpu.dma_semaphore, #tpu.memory_space<semaphore_mem>>)
      %dma_start3A_1145 = arith.constant 3 : i32
      %dma_start3A_1146 = arith.constant 0 : i32
      %dma_start3A_1147 = tpu.memref_slice %arg13[%dma_start3A_1145, %dma_start3A_1146] : memref<8x128xf32, #tpu.memory_space<vmem>> -> memref<1x128xf32, #tpu.memory_space<vmem>>
      %dma_start3A_1148 = tpu.memref_squeeze %dma_start3A_1147 : memref<1x128xf32, #tpu.memory_space<vmem>> -> memref<128xf32, #tpu.memory_space<vmem>>
      %dma_start3A_1149 = tpu.memref_slice %arg6[%multiple_of3A_1113] : memref<1000000xf32, #tpu.memory_space<hbm>> -> memref<128xf32, #tpu.memory_space<hbm>>
      %dma_start3A_1150 = arith.constant 0 : i32
      %dma_start3A_1151 = tpu.memref_slice %arg13[%dma_start3A_1145, %dma_start3A_1150] : memref<8x128xf32, #tpu.memory_space<vmem>> -> memref<1x128xf32, #tpu.memory_space<vmem>>
      %dma_start3A_1152 = tpu.memref_squeeze %dma_start3A_1151 : memref<1x128xf32, #tpu.memory_space<vmem>> -> memref<128xf32, #tpu.memory_space<vmem>>
      %dma_start3A_1153 = tpu.memref_slice %arg6[%multiple_of3A_1113] : memref<1000000xf32, #tpu.memory_space<hbm>> -> memref<128xf32, #tpu.memory_space<hbm>>
      tpu.enqueue_dma source(%dma_start3A_1153 : memref<128xf32, #tpu.memory_space<hbm>>) target(%dma_start3A_1152 : memref<128xf32, #tpu.memory_space<vmem>>) target_semaphore(%arg18 : memref<!tpu.dma_semaphore, #tpu.memory_space<semaphore_mem>>)
      %dma_start3A_1154 = arith.constant 3 : i32
      %dma_start3A_1155 = arith.constant 0 : i32
      %dma_start3A_1156 = tpu.memref_slice %arg14[%dma_start3A_1154, %dma_start3A_1155] : memref<8x128xf32, #tpu.memory_space<vmem>> -> memref<1x128xf32, #tpu.memory_space<vmem>>
      %dma_start3A_1157 = tpu.memref_squeeze %dma_start3A_1156 : memref<1x128xf32, #tpu.memory_space<vmem>> -> memref<128xf32, #tpu.memory_space<vmem>>
      %dma_start3A_1158 = tpu.memref_slice %arg7[%multiple_of3A_1118] : memref<1000000xf32, #tpu.memory_space<hbm>> -> memref<128xf32, #tpu.memory_space<hbm>>
      %dma_start3A_1159 = arith.constant 0 : i32
      %dma_start3A_1160 = tpu.memref_slice %arg14[%dma_start3A_1154, %dma_start3A_1159] : memref<8x128xf32, #tpu.memory_space<vmem>> -> memref<1x128xf32, #tpu.memory_space<vmem>>
      %dma_start3A_1161 = tpu.memref_squeeze %dma_start3A_1160 : memref<1x128xf32, #tpu.memory_space<vmem>> -> memref<128xf32, #tpu.memory_space<vmem>>
      %dma_start3A_1162 = tpu.memref_slice %arg7[%multiple_of3A_1118] : memref<1000000xf32, #tpu.memory_space<hbm>> -> memref<128xf32, #tpu.memory_space<hbm>>
      tpu.enqueue_dma source(%dma_start3A_1162 : memref<128xf32, #tpu.memory_space<hbm>>) target(%dma_start3A_1161 : memref<128xf32, #tpu.memory_space<vmem>>) target_semaphore(%arg19 : memref<!tpu.dma_semaphore, #tpu.memory_space<semaphore_mem>>)
      %dma_wait3A_1163 = arith.constant 4 : i32
      %dma_wait3A_1164 = arith.constant 0 : i32
      %dma_wait3A_1165 = arith.constant 0 : i32
      %dma_wait3A_1166 = tpu.memref_slice %arg11[%dma_wait3A_1163, %dma_wait3A_1164, %dma_wait3A_1165] : memref<8x32x128xf32, #tpu.memory_space<vmem>> -> memref<1x32x128xf32, #tpu.memory_space<vmem>>
      %dma_wait3A_1167 = tpu.memref_squeeze %dma_wait3A_1166 : memref<1x32x128xf32, #tpu.memory_space<vmem>> -> memref<32x128xf32, #tpu.memory_space<vmem>>
      %dma_wait3A_1168 = arith.constant 0 : i32
      %dma_wait3A_1169 = arith.constant 0 : i32
      %dma_wait3A_1170 = tpu.memref_slice %arg4[%dma_wait3A_1168, %dma_wait3A_1169] : memref<32x1000000xf32, #tpu.memory_space<hbm>> -> memref<32x128xf32, #tpu.memory_space<hbm>>
      %dma_wait3A_1171 = arith.constant 0 : i32
      %dma_wait3A_1172 = arith.constant 0 : i32
      %dma_wait3A_1173 = tpu.memref_slice %arg11[%dma_wait3A_1163, %dma_wait3A_1171, %dma_wait3A_1172] : memref<8x32x128xf32, #tpu.memory_space<vmem>> -> memref<1x32x128xf32, #tpu.memory_space<vmem>>
      %dma_wait3A_1174 = tpu.memref_squeeze %dma_wait3A_1173 : memref<1x32x128xf32, #tpu.memory_space<vmem>> -> memref<32x128xf32, #tpu.memory_space<vmem>>
      %dma_wait3A_1175 = arith.constant 0 : i32
      %dma_wait3A_1176 = arith.constant 0 : i32
      %dma_wait3A_1177 = tpu.memref_slice %arg4[%dma_wait3A_1175, %dma_wait3A_1176] : memref<32x1000000xf32, #tpu.memory_space<hbm>> -> memref<32x128xf32, #tpu.memory_space<hbm>>
      tpu.wait_dma2 semaphore(%arg16 : memref<!tpu.dma_semaphore, #tpu.memory_space<semaphore_mem>>) src(%dma_wait3A_1177 : memref<32x128xf32, #tpu.memory_space<hbm>>) dst(%dma_wait3A_1174 : memref<32x128xf32, #tpu.memory_space<vmem>>)
      %dma_wait3A_1178 = arith.constant 4 : i32
      %dma_wait3A_1179 = arith.constant 0 : i32
      %dma_wait3A_1180 = arith.constant 0 : i32
      %dma_wait3A_1181 = tpu.memref_slice %arg12[%dma_wait3A_1178, %dma_wait3A_1179, %dma_wait3A_1180] : memref<8x32x128xf32, #tpu.memory_space<vmem>> -> memref<1x32x128xf32, #tpu.memory_space<vmem>>
      %dma_wait3A_1182 = tpu.memref_squeeze %dma_wait3A_1181 : memref<1x32x128xf32, #tpu.memory_space<vmem>> -> memref<32x128xf32, #tpu.memory_space<vmem>>
      %dma_wait3A_1183 = arith.constant 0 : i32
      %dma_wait3A_1184 = arith.constant 0 : i32
      %dma_wait3A_1185 = tpu.memref_slice %arg5[%dma_wait3A_1183, %dma_wait3A_1184] : memref<32x1000000xf32, #tpu.memory_space<hbm>> -> memref<32x128xf32, #tpu.memory_space<hbm>>
      %dma_wait3A_1186 = arith.constant 0 : i32
      %dma_wait3A_1187 = arith.constant 0 : i32
      %dma_wait3A_1188 = tpu.memref_slice %arg12[%dma_wait3A_1178, %dma_wait3A_1186, %dma_wait3A_1187] : memref<8x32x128xf32, #tpu.memory_space<vmem>> -> memref<1x32x128xf32, #tpu.memory_space<vmem>>
      %dma_wait3A_1189 = tpu.memref_squeeze %dma_wait3A_1188 : memref<1x32x128xf32, #tpu.memory_space<vmem>> -> memref<32x128xf32, #tpu.memory_space<vmem>>
      %dma_wait3A_1190 = arith.constant 0 : i32
      %dma_wait3A_1191 = arith.constant 0 : i32
      %dma_wait3A_1192 = tpu.memref_slice %arg5[%dma_wait3A_1190, %dma_wait3A_1191] : memref<32x1000000xf32, #tpu.memory_space<hbm>> -> memref<32x128xf32, #tpu.memory_space<hbm>>
      tpu.wait_dma2 semaphore(%arg17 : memref<!tpu.dma_semaphore, #tpu.memory_space<semaphore_mem>>) src(%dma_wait3A_1192 : memref<32x128xf32, #tpu.memory_space<hbm>>) dst(%dma_wait3A_1189 : memref<32x128xf32, #tpu.memory_space<vmem>>)
      %dma_wait3A_1193 = arith.constant 4 : i32
      %dma_wait3A_1194 = arith.constant 0 : i32
      %dma_wait3A_1195 = tpu.memref_slice %arg13[%dma_wait3A_1193, %dma_wait3A_1194] : memref<8x128xf32, #tpu.memory_space<vmem>> -> memref<1x128xf32, #tpu.memory_space<vmem>>
      %dma_wait3A_1196 = tpu.memref_squeeze %dma_wait3A_1195 : memref<1x128xf32, #tpu.memory_space<vmem>> -> memref<128xf32, #tpu.memory_space<vmem>>
      %dma_wait3A_1197 = arith.constant 0 : i32
      %dma_wait3A_1198 = tpu.memref_slice %arg6[%dma_wait3A_1197] : memref<1000000xf32, #tpu.memory_space<hbm>> -> memref<128xf32, #tpu.memory_space<hbm>>
      %dma_wait3A_1199 = arith.constant 0 : i32
      %dma_wait3A_1200 = tpu.memref_slice %arg13[%dma_wait3A_1193, %dma_wait3A_1199] : memref<8x128xf32, #tpu.memory_space<vmem>> -> memref<1x128xf32, #tpu.memory_space<vmem>>
      %dma_wait3A_1201 = tpu.memref_squeeze %dma_wait3A_1200 : memref<1x128xf32, #tpu.memory_space<vmem>> -> memref<128xf32, #tpu.memory_space<vmem>>
      %dma_wait3A_1202 = arith.constant 0 : i32
      %dma_wait3A_1203 = tpu.memref_slice %arg6[%dma_wait3A_1202] : memref<1000000xf32, #tpu.memory_space<hbm>> -> memref<128xf32, #tpu.memory_space<hbm>>
      tpu.wait_dma2 semaphore(%arg18 : memref<!tpu.dma_semaphore, #tpu.memory_space<semaphore_mem>>) src(%dma_wait3A_1203 : memref<128xf32, #tpu.memory_space<hbm>>) dst(%dma_wait3A_1201 : memref<128xf32, #tpu.memory_space<vmem>>)
      %dma_wait3A_1204 = arith.constant 4 : i32
      %dma_wait3A_1205 = arith.constant 0 : i32
      %dma_wait3A_1206 = tpu.memref_slice %arg14[%dma_wait3A_1204, %dma_wait3A_1205] : memref<8x128xf32, #tpu.memory_space<vmem>> -> memref<1x128xf32, #tpu.memory_space<vmem>>
      %dma_wait3A_1207 = tpu.memref_squeeze %dma_wait3A_1206 : memref<1x128xf32, #tpu.memory_space<vmem>> -> memref<128xf32, #tpu.memory_space<vmem>>
      %dma_wait3A_1208 = arith.constant 0 : i32
      %dma_wait3A_1209 = tpu.memref_slice %arg7[%dma_wait3A_1208] : memref<1000000xf32, #tpu.memory_space<hbm>> -> memref<128xf32, #tpu.memory_space<hbm>>
      %dma_wait3A_1210 = arith.constant 0 : i32
      %dma_wait3A_1211 = tpu.memref_slice %arg14[%dma_wait3A_1204, %dma_wait3A_1210] : memref<8x128xf32, #tpu.memory_space<vmem>> -> memref<1x128xf32, #tpu.memory_space<vmem>>
      %dma_wait3A_1212 = tpu.memref_squeeze %dma_wait3A_1211 : memref<1x128xf32, #tpu.memory_space<vmem>> -> memref<128xf32, #tpu.memory_space<vmem>>
      %dma_wait3A_1213 = arith.constant 0 : i32
      %dma_wait3A_1214 = tpu.memref_slice %arg7[%dma_wait3A_1213] : memref<1000000xf32, #tpu.memory_space<hbm>> -> memref<128xf32, #tpu.memory_space<hbm>>
      tpu.wait_dma2 semaphore(%arg19 : memref<!tpu.dma_semaphore, #tpu.memory_space<semaphore_mem>>) src(%dma_wait3A_1214 : memref<128xf32, #tpu.memory_space<hbm>>) dst(%dma_wait3A_1212 : memref<128xf32, #tpu.memory_space<vmem>>)
      %slice3A_1215 = vector.extract_strided_slice %get3A_487 {offsets = [4], sizes = [1], strides = [1]} : vector<16xi32> to vector<1xi32>
      %squeeze3A_1216 = vector.extract %slice3A_1215[0] : i32 from vector<1xi32>
      %slice3A_1217 = vector.extract_strided_slice %get3A_489 {offsets = [4], sizes = [1], strides = [1]} : vector<16xi32> to vector<1xi32>
      %squeeze3A_1218 = vector.extract %slice3A_1217[0] : i32 from vector<1xi32>
      %and3A_1219 = arith.constant 127 : i32
      %and3A_1220 = arith.andi %squeeze3A_1216, %and3A_1219 : i32
      %add3A_1221 = vector.broadcast %and3A_1220 : i32 to vector<16xi32>
      %add3A_1222 = arith.addi %broadcast_in_dim3A_6, %add3A_1221 : vector<16xi32>
      %and3A_1223 = arith.constant 127 : i32
      %and3A_1224 = arith.andi %squeeze3A_1218, %and3A_1223 : i32
      %add3A_1225 = vector.broadcast %and3A_1224 : i32 to vector<16xi32>
      %add3A_1226 = arith.addi %broadcast_in_dim3A_6, %add3A_1225 : vector<16xi32>
      %add3A_1227 = arith.constant 4 : i32
      %add3A_1228 = vector.broadcast %add3A_1227 : i32 to vector<16xi32>
      %add3A_1229 = arith.addi %broadcast_in_dim3A_6, %add3A_1228 : vector<16xi32>
      %gather3A_1230 = tpu.vector_load_idx %arg11[%add3A_1229, %iota3A, %add3A_1222] : memref<8x32x128xf32, #tpu.memory_space<vmem>>[vector<16xi32>, vector<16xi32>, vector<16xi32>], vector<16xf32>,
      %gather3A_1231 = tpu.vector_load_idx %arg11[%add3A_1229, %add3A_5, %add3A_1222] : memref<8x32x128xf32, #tpu.memory_space<vmem>>[vector<16xi32>, vector<16xi32>, vector<16xi32>], vector<16xf32>,
      %gather3A_1232 = tpu.vector_load_idx %arg12[%add3A_1229, %iota3A, %add3A_1226] : memref<8x32x128xf32, #tpu.memory_space<vmem>>[vector<16xi32>, vector<16xi32>, vector<16xi32>], vector<16xf32>,
      %gather3A_1233 = tpu.vector_load_idx %arg12[%add3A_1229, %add3A_5, %add3A_1226] : memref<8x32x128xf32, #tpu.memory_space<vmem>>[vector<16xi32>, vector<16xi32>, vector<16xi32>], vector<16xf32>,
      %mul3A_1234 = arith.mulf %gather3A_1230, %gather3A_1232 : vector<16xf32>
      %mul3A_1235 = arith.mulf %gather3A_1231, %gather3A_1233 : vector<16xf32>
      %add3A_1236 = arith.addf %mul3A_1234, %mul3A_1235 : vector<16xf32>
      %xor3A_1237 = arith.constant 1 : i32
      %xor3A_1238 = vector.broadcast %xor3A_1237 : i32 to vector<16xi32>
      %xor3A_1239 = arith.xori %iota3A, %xor3A_1238 : vector<16xi32>
      %broadcast_in_dim3A_1240 = vector.shape_cast %xor3A_1239 : vector<16xi32> to vector<16x1xi32>
      %gather3A_1241 = vector.shape_cast %broadcast_in_dim3A_1240 : vector<16x1xi32> to vector<16xi32>
      %gather3A_1242 = tpu.dynamic_gather %add3A_1236[%gather3A_1241] in [0] : vector<16xf32>, vector<16xi32> -> vector<16xf32>
      %add3A_1243 = arith.addf %add3A_1236, %gather3A_1242 : vector<16xf32>
      %xor3A_1244 = arith.constant 2 : i32
      %xor3A_1245 = vector.broadcast %xor3A_1244 : i32 to vector<16xi32>
      %xor3A_1246 = arith.xori %iota3A, %xor3A_1245 : vector<16xi32>
      %broadcast_in_dim3A_1247 = vector.shape_cast %xor3A_1246 : vector<16xi32> to vector<16x1xi32>
      %gather3A_1248 = vector.shape_cast %broadcast_in_dim3A_1247 : vector<16x1xi32> to vector<16xi32>
      %gather3A_1249 = tpu.dynamic_gather %add3A_1243[%gather3A_1248] in [0] : vector<16xf32>, vector<16xi32> -> vector<16xf32>
      %add3A_1250 = arith.addf %add3A_1243, %gather3A_1249 : vector<16xf32>
      %xor3A_1251 = arith.constant 4 : i32
      %xor3A_1252 = vector.broadcast %xor3A_1251 : i32 to vector<16xi32>
      %xor3A_1253 = arith.xori %iota3A, %xor3A_1252 : vector<16xi32>
      %broadcast_in_dim3A_1254 = vector.shape_cast %xor3A_1253 : vector<16xi32> to vector<16x1xi32>
      %gather3A_1255 = vector.shape_cast %broadcast_in_dim3A_1254 : vector<16x1xi32> to vector<16xi32>
      %gather3A_1256 = tpu.dynamic_gather %add3A_1250[%gather3A_1255] in [0] : vector<16xf32>, vector<16xi32> -> vector<16xf32>
      %add3A_1257 = arith.addf %add3A_1250, %gather3A_1256 : vector<16xf32>
      %xor3A_1258 = arith.constant 8 : i32
      %xor3A_1259 = vector.broadcast %xor3A_1258 : i32 to vector<16xi32>
      %xor3A_1260 = arith.xori %iota3A, %xor3A_1259 : vector<16xi32>
      %broadcast_in_dim3A_1261 = vector.shape_cast %xor3A_1260 : vector<16xi32> to vector<16x1xi32>
      %gather3A_1262 = vector.shape_cast %broadcast_in_dim3A_1261 : vector<16x1xi32> to vector<16xi32>
      %gather3A_1263 = tpu.dynamic_gather %add3A_1257[%gather3A_1262] in [0] : vector<16xf32>, vector<16xi32> -> vector<16xf32>
      %add3A_1264 = arith.addf %add3A_1257, %gather3A_1263 : vector<16xf32>
      %gather3A_1265 = tpu.vector_load_idx %arg13[%add3A_1229, %add3A_1222] : memref<8x128xf32, #tpu.memory_space<vmem>>[vector<16xi32>, vector<16xi32>], vector<16xf32>,
      %gather3A_1266 = tpu.vector_load_idx %arg14[%add3A_1229, %add3A_1226] : memref<8x128xf32, #tpu.memory_space<vmem>>[vector<16xi32>, vector<16xi32>], vector<16xf32>,
      %add3A_1267 = arith.addf %add3A_1264, %gather3A_1265 : vector<16xf32>
      %add3A_1268 = arith.addf %add3A_1267, %gather3A_1266 : vector<16xf32>
      %eq3A_1269 = arith.constant 4 : i32
      %eq3A_1270 = vector.broadcast %eq3A_1269 : i32 to vector<16xi32>
      %eq3A_1271 = arith.cmpi eq, %iota3A, %eq3A_1270 : vector<16xi32>
      %select_n3A_1272 = arith.select %eq3A_1271, %add3A_1268, %select_n3A_1104 : vector<16xi1>, vector<16xf32>
      %slice3A_1273 = vector.extract_strided_slice %get3A_487 {offsets = [12], sizes = [1], strides = [1]} : vector<16xi32> to vector<1xi32>
      %squeeze3A_1274 = vector.extract %slice3A_1273[0] : i32 from vector<1xi32>
      %slice3A_1275 = vector.extract_strided_slice %get3A_489 {offsets = [12], sizes = [1], strides = [1]} : vector<16xi32> to vector<1xi32>
      %squeeze3A_1276 = vector.extract %slice3A_1275[0] : i32 from vector<1xi32>
      %shift_right_arithmetic3A_1277 = arith.constant 7 : i32
      %shift_right_arithmetic3A_1278 = arith.shrsi %squeeze3A_1274, %shift_right_arithmetic3A_1277 : i32
      %mul3A_1279 = arith.constant 128 : i32
      %mul3A_1280 = arith.muli %shift_right_arithmetic3A_1278, %mul3A_1279 : i32
      %multiple_of3A_1281 = tpu.assume_multiple %mul3A_1280, 128 : i32
      %shift_right_arithmetic3A_1282 = arith.constant 7 : i32
      %shift_right_arithmetic3A_1283 = arith.shrsi %squeeze3A_1276, %shift_right_arithmetic3A_1282 : i32
      %mul3A_1284 = arith.constant 128 : i32
      %mul3A_1285 = arith.muli %shift_right_arithmetic3A_1283, %mul3A_1284 : i32
      %multiple_of3A_1286 = tpu.assume_multiple %mul3A_1285, 128 : i32
      %dma_start3A_1287 = arith.constant 4 : i32
      %dma_start3A_1288 = arith.constant 0 : i32
      %dma_start3A_1289 = arith.constant 0 : i32
      %dma_start3A_1290 = tpu.memref_slice %arg11[%dma_start3A_1287, %dma_start3A_1288, %dma_start3A_1289] : memref<8x32x128xf32, #tpu.memory_space<vmem>> -> memref<1x32x128xf32, #tpu.memory_space<vmem>>
      %dma_start3A_1291 = tpu.memref_squeeze %dma_start3A_1290 : memref<1x32x128xf32, #tpu.memory_space<vmem>> -> memref<32x128xf32, #tpu.memory_space<vmem>>
      %dma_start3A_1292 = arith.constant 0 : i32
      %dma_start3A_1293 = tpu.memref_slice %arg4[%dma_start3A_1292, %multiple_of3A_1281] : memref<32x1000000xf32, #tpu.memory_space<hbm>> -> memref<32x128xf32, #tpu.memory_space<hbm>>
      %dma_start3A_1294 = arith.constant 0 : i32
      %dma_start3A_1295 = arith.constant 0 : i32
      %dma_start3A_1296 = tpu.memref_slice %arg11[%dma_start3A_1287, %dma_start3A_1294, %dma_start3A_1295] : memref<8x32x128xf32, #tpu.memory_space<vmem>> -> memref<1x32x128xf32, #tpu.memory_space<vmem>>
      %dma_start3A_1297 = tpu.memref_squeeze %dma_start3A_1296 : memref<1x32x128xf32, #tpu.memory_space<vmem>> -> memref<32x128xf32, #tpu.memory_space<vmem>>
      %dma_start3A_1298 = arith.constant 0 : i32
      %dma_start3A_1299 = tpu.memref_slice %arg4[%dma_start3A_1298, %multiple_of3A_1281] : memref<32x1000000xf32, #tpu.memory_space<hbm>> -> memref<32x128xf32, #tpu.memory_space<hbm>>
      tpu.enqueue_dma source(%dma_start3A_1299 : memref<32x128xf32, #tpu.memory_space<hbm>>) target(%dma_start3A_1297 : memref<32x128xf32, #tpu.memory_space<vmem>>) target_semaphore(%arg16 : memref<!tpu.dma_semaphore, #tpu.memory_space<semaphore_mem>>)
      %dma_start3A_1300 = arith.constant 4 : i32
      %dma_start3A_1301 = arith.constant 0 : i32
      %dma_start3A_1302 = arith.constant 0 : i32
      %dma_start3A_1303 = tpu.memref_slice %arg12[%dma_start3A_1300, %dma_start3A_1301, %dma_start3A_1302] : memref<8x32x128xf32, #tpu.memory_space<vmem>> -> memref<1x32x128xf32, #tpu.memory_space<vmem>>
      %dma_start3A_1304 = tpu.memref_squeeze %dma_start3A_1303 : memref<1x32x128xf32, #tpu.memory_space<vmem>> -> memref<32x128xf32, #tpu.memory_space<vmem>>
      %dma_start3A_1305 = arith.constant 0 : i32
      %dma_start3A_1306 = tpu.memref_slice %arg5[%dma_start3A_1305, %multiple_of3A_1286] : memref<32x1000000xf32, #tpu.memory_space<hbm>> -> memref<32x128xf32, #tpu.memory_space<hbm>>
      %dma_start3A_1307 = arith.constant 0 : i32
      %dma_start3A_1308 = arith.constant 0 : i32
      %dma_start3A_1309 = tpu.memref_slice %arg12[%dma_start3A_1300, %dma_start3A_1307, %dma_start3A_1308] : memref<8x32x128xf32, #tpu.memory_space<vmem>> -> memref<1x32x128xf32, #tpu.memory_space<vmem>>
      %dma_start3A_1310 = tpu.memref_squeeze %dma_start3A_1309 : memref<1x32x128xf32, #tpu.memory_space<vmem>> -> memref<32x128xf32, #tpu.memory_space<vmem>>
      %dma_start3A_1311 = arith.constant 0 : i32
      %dma_start3A_1312 = tpu.memref_slice %arg5[%dma_start3A_1311, %multiple_of3A_1286] : memref<32x1000000xf32, #tpu.memory_space<hbm>> -> memref<32x128xf32, #tpu.memory_space<hbm>>
      tpu.enqueue_dma source(%dma_start3A_1312 : memref<32x128xf32, #tpu.memory_space<hbm>>) target(%dma_start3A_1310 : memref<32x128xf32, #tpu.memory_space<vmem>>) target_semaphore(%arg17 : memref<!tpu.dma_semaphore, #tpu.memory_space<semaphore_mem>>)
      %dma_start3A_1313 = arith.constant 4 : i32
      %dma_start3A_1314 = arith.constant 0 : i32
      %dma_start3A_1315 = tpu.memref_slice %arg13[%dma_start3A_1313, %dma_start3A_1314] : memref<8x128xf32, #tpu.memory_space<vmem>> -> memref<1x128xf32, #tpu.memory_space<vmem>>
      %dma_start3A_1316 = tpu.memref_squeeze %dma_start3A_1315 : memref<1x128xf32, #tpu.memory_space<vmem>> -> memref<128xf32, #tpu.memory_space<vmem>>
      %dma_start3A_1317 = tpu.memref_slice %arg6[%multiple_of3A_1281] : memref<1000000xf32, #tpu.memory_space<hbm>> -> memref<128xf32, #tpu.memory_space<hbm>>
      %dma_start3A_1318 = arith.constant 0 : i32
      %dma_start3A_1319 = tpu.memref_slice %arg13[%dma_start3A_1313, %dma_start3A_1318] : memref<8x128xf32, #tpu.memory_space<vmem>> -> memref<1x128xf32, #tpu.memory_space<vmem>>
      %dma_start3A_1320 = tpu.memref_squeeze %dma_start3A_1319 : memref<1x128xf32, #tpu.memory_space<vmem>> -> memref<128xf32, #tpu.memory_space<vmem>>
      %dma_start3A_1321 = tpu.memref_slice %arg6[%multiple_of3A_1281] : memref<1000000xf32, #tpu.memory_space<hbm>> -> memref<128xf32, #tpu.memory_space<hbm>>
      tpu.enqueue_dma source(%dma_start3A_1321 : memref<128xf32, #tpu.memory_space<hbm>>) target(%dma_start3A_1320 : memref<128xf32, #tpu.memory_space<vmem>>) target_semaphore(%arg18 : memref<!tpu.dma_semaphore, #tpu.memory_space<semaphore_mem>>)
      %dma_start3A_1322 = arith.constant 4 : i32
      %dma_start3A_1323 = arith.constant 0 : i32
      %dma_start3A_1324 = tpu.memref_slice %arg14[%dma_start3A_1322, %dma_start3A_1323] : memref<8x128xf32, #tpu.memory_space<vmem>> -> memref<1x128xf32, #tpu.memory_space<vmem>>
      %dma_start3A_1325 = tpu.memref_squeeze %dma_start3A_1324 : memref<1x128xf32, #tpu.memory_space<vmem>> -> memref<128xf32, #tpu.memory_space<vmem>>
      %dma_start3A_1326 = tpu.memref_slice %arg7[%multiple_of3A_1286] : memref<1000000xf32, #tpu.memory_space<hbm>> -> memref<128xf32, #tpu.memory_space<hbm>>
      %dma_start3A_1327 = arith.constant 0 : i32
      %dma_start3A_1328 = tpu.memref_slice %arg14[%dma_start3A_1322, %dma_start3A_1327] : memref<8x128xf32, #tpu.memory_space<vmem>> -> memref<1x128xf32, #tpu.memory_space<vmem>>
      %dma_start3A_1329 = tpu.memref_squeeze %dma_start3A_1328 : memref<1x128xf32, #tpu.memory_space<vmem>> -> memref<128xf32, #tpu.memory_space<vmem>>
      %dma_start3A_1330 = tpu.memref_slice %arg7[%multiple_of3A_1286] : memref<1000000xf32, #tpu.memory_space<hbm>> -> memref<128xf32, #tpu.memory_space<hbm>>
      tpu.enqueue_dma source(%dma_start3A_1330 : memref<128xf32, #tpu.memory_space<hbm>>) target(%dma_start3A_1329 : memref<128xf32, #tpu.memory_space<vmem>>) target_semaphore(%arg19 : memref<!tpu.dma_semaphore, #tpu.memory_space<semaphore_mem>>)
      %dma_wait3A_1331 = arith.constant 5 : i32
      %dma_wait3A_1332 = arith.constant 0 : i32
      %dma_wait3A_1333 = arith.constant 0 : i32
      %dma_wait3A_1334 = tpu.memref_slice %arg11[%dma_wait3A_1331, %dma_wait3A_1332, %dma_wait3A_1333] : memref<8x32x128xf32, #tpu.memory_space<vmem>> -> memref<1x32x128xf32, #tpu.memory_space<vmem>>
      %dma_wait3A_1335 = tpu.memref_squeeze %dma_wait3A_1334 : memref<1x32x128xf32, #tpu.memory_space<vmem>> -> memref<32x128xf32, #tpu.memory_space<vmem>>
      %dma_wait3A_1336 = arith.constant 0 : i32
      %dma_wait3A_1337 = arith.constant 0 : i32
      %dma_wait3A_1338 = tpu.memref_slice %arg4[%dma_wait3A_1336, %dma_wait3A_1337] : memref<32x1000000xf32, #tpu.memory_space<hbm>> -> memref<32x128xf32, #tpu.memory_space<hbm>>
      %dma_wait3A_1339 = arith.constant 0 : i32
      %dma_wait3A_1340 = arith.constant 0 : i32
      %dma_wait3A_1341 = tpu.memref_slice %arg11[%dma_wait3A_1331, %dma_wait3A_1339, %dma_wait3A_1340] : memref<8x32x128xf32, #tpu.memory_space<vmem>> -> memref<1x32x128xf32, #tpu.memory_space<vmem>>
      %dma_wait3A_1342 = tpu.memref_squeeze %dma_wait3A_1341 : memref<1x32x128xf32, #tpu.memory_space<vmem>> -> memref<32x128xf32, #tpu.memory_space<vmem>>
      %dma_wait3A_1343 = arith.constant 0 : i32
      %dma_wait3A_1344 = arith.constant 0 : i32
      %dma_wait3A_1345 = tpu.memref_slice %arg4[%dma_wait3A_1343, %dma_wait3A_1344] : memref<32x1000000xf32, #tpu.memory_space<hbm>> -> memref<32x128xf32, #tpu.memory_space<hbm>>
      tpu.wait_dma2 semaphore(%arg16 : memref<!tpu.dma_semaphore, #tpu.memory_space<semaphore_mem>>) src(%dma_wait3A_1345 : memref<32x128xf32, #tpu.memory_space<hbm>>) dst(%dma_wait3A_1342 : memref<32x128xf32, #tpu.memory_space<vmem>>)
      %dma_wait3A_1346 = arith.constant 5 : i32
      %dma_wait3A_1347 = arith.constant 0 : i32
      %dma_wait3A_1348 = arith.constant 0 : i32
      %dma_wait3A_1349 = tpu.memref_slice %arg12[%dma_wait3A_1346, %dma_wait3A_1347, %dma_wait3A_1348] : memref<8x32x128xf32, #tpu.memory_space<vmem>> -> memref<1x32x128xf32, #tpu.memory_space<vmem>>
      %dma_wait3A_1350 = tpu.memref_squeeze %dma_wait3A_1349 : memref<1x32x128xf32, #tpu.memory_space<vmem>> -> memref<32x128xf32, #tpu.memory_space<vmem>>
      %dma_wait3A_1351 = arith.constant 0 : i32
      %dma_wait3A_1352 = arith.constant 0 : i32
      %dma_wait3A_1353 = tpu.memref_slice %arg5[%dma_wait3A_1351, %dma_wait3A_1352] : memref<32x1000000xf32, #tpu.memory_space<hbm>> -> memref<32x128xf32, #tpu.memory_space<hbm>>
      %dma_wait3A_1354 = arith.constant 0 : i32
      %dma_wait3A_1355 = arith.constant 0 : i32
      %dma_wait3A_1356 = tpu.memref_slice %arg12[%dma_wait3A_1346, %dma_wait3A_1354, %dma_wait3A_1355] : memref<8x32x128xf32, #tpu.memory_space<vmem>> -> memref<1x32x128xf32, #tpu.memory_space<vmem>>
      %dma_wait3A_1357 = tpu.memref_squeeze %dma_wait3A_1356 : memref<1x32x128xf32, #tpu.memory_space<vmem>> -> memref<32x128xf32, #tpu.memory_space<vmem>>
      %dma_wait3A_1358 = arith.constant 0 : i32
      %dma_wait3A_1359 = arith.constant 0 : i32
      %dma_wait3A_1360 = tpu.memref_slice %arg5[%dma_wait3A_1358, %dma_wait3A_1359] : memref<32x1000000xf32, #tpu.memory_space<hbm>> -> memref<32x128xf32, #tpu.memory_space<hbm>>
      tpu.wait_dma2 semaphore(%arg17 : memref<!tpu.dma_semaphore, #tpu.memory_space<semaphore_mem>>) src(%dma_wait3A_1360 : memref<32x128xf32, #tpu.memory_space<hbm>>) dst(%dma_wait3A_1357 : memref<32x128xf32, #tpu.memory_space<vmem>>)
      %dma_wait3A_1361 = arith.constant 5 : i32
      %dma_wait3A_1362 = arith.constant 0 : i32
      %dma_wait3A_1363 = tpu.memref_slice %arg13[%dma_wait3A_1361, %dma_wait3A_1362] : memref<8x128xf32, #tpu.memory_space<vmem>> -> memref<1x128xf32, #tpu.memory_space<vmem>>
      %dma_wait3A_1364 = tpu.memref_squeeze %dma_wait3A_1363 : memref<1x128xf32, #tpu.memory_space<vmem>> -> memref<128xf32, #tpu.memory_space<vmem>>
      %dma_wait3A_1365 = arith.constant 0 : i32
      %dma_wait3A_1366 = tpu.memref_slice %arg6[%dma_wait3A_1365] : memref<1000000xf32, #tpu.memory_space<hbm>> -> memref<128xf32, #tpu.memory_space<hbm>>
      %dma_wait3A_1367 = arith.constant 0 : i32
      %dma_wait3A_1368 = tpu.memref_slice %arg13[%dma_wait3A_1361, %dma_wait3A_1367] : memref<8x128xf32, #tpu.memory_space<vmem>> -> memref<1x128xf32, #tpu.memory_space<vmem>>
      %dma_wait3A_1369 = tpu.memref_squeeze %dma_wait3A_1368 : memref<1x128xf32, #tpu.memory_space<vmem>> -> memref<128xf32, #tpu.memory_space<vmem>>
      %dma_wait3A_1370 = arith.constant 0 : i32
      %dma_wait3A_1371 = tpu.memref_slice %arg6[%dma_wait3A_1370] : memref<1000000xf32, #tpu.memory_space<hbm>> -> memref<128xf32, #tpu.memory_space<hbm>>
      tpu.wait_dma2 semaphore(%arg18 : memref<!tpu.dma_semaphore, #tpu.memory_space<semaphore_mem>>) src(%dma_wait3A_1371 : memref<128xf32, #tpu.memory_space<hbm>>) dst(%dma_wait3A_1369 : memref<128xf32, #tpu.memory_space<vmem>>)
      %dma_wait3A_1372 = arith.constant 5 : i32
      %dma_wait3A_1373 = arith.constant 0 : i32
      %dma_wait3A_1374 = tpu.memref_slice %arg14[%dma_wait3A_1372, %dma_wait3A_1373] : memref<8x128xf32, #tpu.memory_space<vmem>> -> memref<1x128xf32, #tpu.memory_space<vmem>>
      %dma_wait3A_1375 = tpu.memref_squeeze %dma_wait3A_1374 : memref<1x128xf32, #tpu.memory_space<vmem>> -> memref<128xf32, #tpu.memory_space<vmem>>
      %dma_wait3A_1376 = arith.constant 0 : i32
      %dma_wait3A_1377 = tpu.memref_slice %arg7[%dma_wait3A_1376] : memref<1000000xf32, #tpu.memory_space<hbm>> -> memref<128xf32, #tpu.memory_space<hbm>>
      %dma_wait3A_1378 = arith.constant 0 : i32
      %dma_wait3A_1379 = tpu.memref_slice %arg14[%dma_wait3A_1372, %dma_wait3A_1378] : memref<8x128xf32, #tpu.memory_space<vmem>> -> memref<1x128xf32, #tpu.memory_space<vmem>>
      %dma_wait3A_1380 = tpu.memref_squeeze %dma_wait3A_1379 : memref<1x128xf32, #tpu.memory_space<vmem>> -> memref<128xf32, #tpu.memory_space<vmem>>
      %dma_wait3A_1381 = arith.constant 0 : i32
      %dma_wait3A_1382 = tpu.memref_slice %arg7[%dma_wait3A_1381] : memref<1000000xf32, #tpu.memory_space<hbm>> -> memref<128xf32, #tpu.memory_space<hbm>>
      tpu.wait_dma2 semaphore(%arg19 : memref<!tpu.dma_semaphore, #tpu.memory_space<semaphore_mem>>) src(%dma_wait3A_1382 : memref<128xf32, #tpu.memory_space<hbm>>) dst(%dma_wait3A_1380 : memref<128xf32, #tpu.memory_space<vmem>>)
      %slice3A_1383 = vector.extract_strided_slice %get3A_487 {offsets = [5], sizes = [1], strides = [1]} : vector<16xi32> to vector<1xi32>
      %squeeze3A_1384 = vector.extract %slice3A_1383[0] : i32 from vector<1xi32>
      %slice3A_1385 = vector.extract_strided_slice %get3A_489 {offsets = [5], sizes = [1], strides = [1]} : vector<16xi32> to vector<1xi32>
      %squeeze3A_1386 = vector.extract %slice3A_1385[0] : i32 from vector<1xi32>
      %and3A_1387 = arith.constant 127 : i32
      %and3A_1388 = arith.andi %squeeze3A_1384, %and3A_1387 : i32
      %add3A_1389 = vector.broadcast %and3A_1388 : i32 to vector<16xi32>
      %add3A_1390 = arith.addi %broadcast_in_dim3A_6, %add3A_1389 : vector<16xi32>
      %and3A_1391 = arith.constant 127 : i32
      %and3A_1392 = arith.andi %squeeze3A_1386, %and3A_1391 : i32
      %add3A_1393 = vector.broadcast %and3A_1392 : i32 to vector<16xi32>
      %add3A_1394 = arith.addi %broadcast_in_dim3A_6, %add3A_1393 : vector<16xi32>
      %add3A_1395 = arith.constant 5 : i32
      %add3A_1396 = vector.broadcast %add3A_1395 : i32 to vector<16xi32>
      %add3A_1397 = arith.addi %broadcast_in_dim3A_6, %add3A_1396 : vector<16xi32>
      %gather3A_1398 = tpu.vector_load_idx %arg11[%add3A_1397, %iota3A, %add3A_1390] : memref<8x32x128xf32, #tpu.memory_space<vmem>>[vector<16xi32>, vector<16xi32>, vector<16xi32>], vector<16xf32>,
      %gather3A_1399 = tpu.vector_load_idx %arg11[%add3A_1397, %add3A_5, %add3A_1390] : memref<8x32x128xf32, #tpu.memory_space<vmem>>[vector<16xi32>, vector<16xi32>, vector<16xi32>], vector<16xf32>,
      %gather3A_1400 = tpu.vector_load_idx %arg12[%add3A_1397, %iota3A, %add3A_1394] : memref<8x32x128xf32, #tpu.memory_space<vmem>>[vector<16xi32>, vector<16xi32>, vector<16xi32>], vector<16xf32>,
      %gather3A_1401 = tpu.vector_load_idx %arg12[%add3A_1397, %add3A_5, %add3A_1394] : memref<8x32x128xf32, #tpu.memory_space<vmem>>[vector<16xi32>, vector<16xi32>, vector<16xi32>], vector<16xf32>,
      %mul3A_1402 = arith.mulf %gather3A_1398, %gather3A_1400 : vector<16xf32>
      %mul3A_1403 = arith.mulf %gather3A_1399, %gather3A_1401 : vector<16xf32>
      %add3A_1404 = arith.addf %mul3A_1402, %mul3A_1403 : vector<16xf32>
      %xor3A_1405 = arith.constant 1 : i32
      %xor3A_1406 = vector.broadcast %xor3A_1405 : i32 to vector<16xi32>
      %xor3A_1407 = arith.xori %iota3A, %xor3A_1406 : vector<16xi32>
      %broadcast_in_dim3A_1408 = vector.shape_cast %xor3A_1407 : vector<16xi32> to vector<16x1xi32>
      %gather3A_1409 = vector.shape_cast %broadcast_in_dim3A_1408 : vector<16x1xi32> to vector<16xi32>
      %gather3A_1410 = tpu.dynamic_gather %add3A_1404[%gather3A_1409] in [0] : vector<16xf32>, vector<16xi32> -> vector<16xf32>
      %add3A_1411 = arith.addf %add3A_1404, %gather3A_1410 : vector<16xf32>
      %xor3A_1412 = arith.constant 2 : i32
      %xor3A_1413 = vector.broadcast %xor3A_1412 : i32 to vector<16xi32>
      %xor3A_1414 = arith.xori %iota3A, %xor3A_1413 : vector<16xi32>
      %broadcast_in_dim3A_1415 = vector.shape_cast %xor3A_1414 : vector<16xi32> to vector<16x1xi32>
      %gather3A_1416 = vector.shape_cast %broadcast_in_dim3A_1415 : vector<16x1xi32> to vector<16xi32>
      %gather3A_1417 = tpu.dynamic_gather %add3A_1411[%gather3A_1416] in [0] : vector<16xf32>, vector<16xi32> -> vector<16xf32>
      %add3A_1418 = arith.addf %add3A_1411, %gather3A_1417 : vector<16xf32>
      %xor3A_1419 = arith.constant 4 : i32
      %xor3A_1420 = vector.broadcast %xor3A_1419 : i32 to vector<16xi32>
      %xor3A_1421 = arith.xori %iota3A, %xor3A_1420 : vector<16xi32>
      %broadcast_in_dim3A_1422 = vector.shape_cast %xor3A_1421 : vector<16xi32> to vector<16x1xi32>
      %gather3A_1423 = vector.shape_cast %broadcast_in_dim3A_1422 : vector<16x1xi32> to vector<16xi32>
      %gather3A_1424 = tpu.dynamic_gather %add3A_1418[%gather3A_1423] in [0] : vector<16xf32>, vector<16xi32> -> vector<16xf32>
      %add3A_1425 = arith.addf %add3A_1418, %gather3A_1424 : vector<16xf32>
      %xor3A_1426 = arith.constant 8 : i32
      %xor3A_1427 = vector.broadcast %xor3A_1426 : i32 to vector<16xi32>
      %xor3A_1428 = arith.xori %iota3A, %xor3A_1427 : vector<16xi32>
      %broadcast_in_dim3A_1429 = vector.shape_cast %xor3A_1428 : vector<16xi32> to vector<16x1xi32>
      %gather3A_1430 = vector.shape_cast %broadcast_in_dim3A_1429 : vector<16x1xi32> to vector<16xi32>
      %gather3A_1431 = tpu.dynamic_gather %add3A_1425[%gather3A_1430] in [0] : vector<16xf32>, vector<16xi32> -> vector<16xf32>
      %add3A_1432 = arith.addf %add3A_1425, %gather3A_1431 : vector<16xf32>
      %gather3A_1433 = tpu.vector_load_idx %arg13[%add3A_1397, %add3A_1390] : memref<8x128xf32, #tpu.memory_space<vmem>>[vector<16xi32>, vector<16xi32>], vector<16xf32>,
      %gather3A_1434 = tpu.vector_load_idx %arg14[%add3A_1397, %add3A_1394] : memref<8x128xf32, #tpu.memory_space<vmem>>[vector<16xi32>, vector<16xi32>], vector<16xf32>,
      %add3A_1435 = arith.addf %add3A_1432, %gather3A_1433 : vector<16xf32>
      %add3A_1436 = arith.addf %add3A_1435, %gather3A_1434 : vector<16xf32>
      %eq3A_1437 = arith.constant 5 : i32
      %eq3A_1438 = vector.broadcast %eq3A_1437 : i32 to vector<16xi32>
      %eq3A_1439 = arith.cmpi eq, %iota3A, %eq3A_1438 : vector<16xi32>
      %select_n3A_1440 = arith.select %eq3A_1439, %add3A_1436, %select_n3A_1272 : vector<16xi1>, vector<16xf32>
      %slice3A_1441 = vector.extract_strided_slice %get3A_487 {offsets = [13], sizes = [1], strides = [1]} : vector<16xi32> to vector<1xi32>
      %squeeze3A_1442 = vector.extract %slice3A_1441[0] : i32 from vector<1xi32>
      %slice3A_1443 = vector.extract_strided_slice %get3A_489 {offsets = [13], sizes = [1], strides = [1]} : vector<16xi32> to vector<1xi32>
      %squeeze3A_1444 = vector.extract %slice3A_1443[0] : i32 from vector<1xi32>
      %shift_right_arithmetic3A_1445 = arith.constant 7 : i32
      %shift_right_arithmetic3A_1446 = arith.shrsi %squeeze3A_1442, %shift_right_arithmetic3A_1445 : i32
      %mul3A_1447 = arith.constant 128 : i32
      %mul3A_1448 = arith.muli %shift_right_arithmetic3A_1446, %mul3A_1447 : i32
      %multiple_of3A_1449 = tpu.assume_multiple %mul3A_1448, 128 : i32
      %shift_right_arithmetic3A_1450 = arith.constant 7 : i32
      %shift_right_arithmetic3A_1451 = arith.shrsi %squeeze3A_1444, %shift_right_arithmetic3A_1450 : i32
      %mul3A_1452 = arith.constant 128 : i32
      %mul3A_1453 = arith.muli %shift_right_arithmetic3A_1451, %mul3A_1452 : i32
      %multiple_of3A_1454 = tpu.assume_multiple %mul3A_1453, 128 : i32
      %dma_start3A_1455 = arith.constant 5 : i32
      %dma_start3A_1456 = arith.constant 0 : i32
      %dma_start3A_1457 = arith.constant 0 : i32
      %dma_start3A_1458 = tpu.memref_slice %arg11[%dma_start3A_1455, %dma_start3A_1456, %dma_start3A_1457] : memref<8x32x128xf32, #tpu.memory_space<vmem>> -> memref<1x32x128xf32, #tpu.memory_space<vmem>>
      %dma_start3A_1459 = tpu.memref_squeeze %dma_start3A_1458 : memref<1x32x128xf32, #tpu.memory_space<vmem>> -> memref<32x128xf32, #tpu.memory_space<vmem>>
      %dma_start3A_1460 = arith.constant 0 : i32
      %dma_start3A_1461 = tpu.memref_slice %arg4[%dma_start3A_1460, %multiple_of3A_1449] : memref<32x1000000xf32, #tpu.memory_space<hbm>> -> memref<32x128xf32, #tpu.memory_space<hbm>>
      %dma_start3A_1462 = arith.constant 0 : i32
      %dma_start3A_1463 = arith.constant 0 : i32
      %dma_start3A_1464 = tpu.memref_slice %arg11[%dma_start3A_1455, %dma_start3A_1462, %dma_start3A_1463] : memref<8x32x128xf32, #tpu.memory_space<vmem>> -> memref<1x32x128xf32, #tpu.memory_space<vmem>>
      %dma_start3A_1465 = tpu.memref_squeeze %dma_start3A_1464 : memref<1x32x128xf32, #tpu.memory_space<vmem>> -> memref<32x128xf32, #tpu.memory_space<vmem>>
      %dma_start3A_1466 = arith.constant 0 : i32
      %dma_start3A_1467 = tpu.memref_slice %arg4[%dma_start3A_1466, %multiple_of3A_1449] : memref<32x1000000xf32, #tpu.memory_space<hbm>> -> memref<32x128xf32, #tpu.memory_space<hbm>>
      tpu.enqueue_dma source(%dma_start3A_1467 : memref<32x128xf32, #tpu.memory_space<hbm>>) target(%dma_start3A_1465 : memref<32x128xf32, #tpu.memory_space<vmem>>) target_semaphore(%arg16 : memref<!tpu.dma_semaphore, #tpu.memory_space<semaphore_mem>>)
      %dma_start3A_1468 = arith.constant 5 : i32
      %dma_start3A_1469 = arith.constant 0 : i32
      %dma_start3A_1470 = arith.constant 0 : i32
      %dma_start3A_1471 = tpu.memref_slice %arg12[%dma_start3A_1468, %dma_start3A_1469, %dma_start3A_1470] : memref<8x32x128xf32, #tpu.memory_space<vmem>> -> memref<1x32x128xf32, #tpu.memory_space<vmem>>
      %dma_start3A_1472 = tpu.memref_squeeze %dma_start3A_1471 : memref<1x32x128xf32, #tpu.memory_space<vmem>> -> memref<32x128xf32, #tpu.memory_space<vmem>>
      %dma_start3A_1473 = arith.constant 0 : i32
      %dma_start3A_1474 = tpu.memref_slice %arg5[%dma_start3A_1473, %multiple_of3A_1454] : memref<32x1000000xf32, #tpu.memory_space<hbm>> -> memref<32x128xf32, #tpu.memory_space<hbm>>
      %dma_start3A_1475 = arith.constant 0 : i32
      %dma_start3A_1476 = arith.constant 0 : i32
      %dma_start3A_1477 = tpu.memref_slice %arg12[%dma_start3A_1468, %dma_start3A_1475, %dma_start3A_1476] : memref<8x32x128xf32, #tpu.memory_space<vmem>> -> memref<1x32x128xf32, #tpu.memory_space<vmem>>
      %dma_start3A_1478 = tpu.memref_squeeze %dma_start3A_1477 : memref<1x32x128xf32, #tpu.memory_space<vmem>> -> memref<32x128xf32, #tpu.memory_space<vmem>>
      %dma_start3A_1479 = arith.constant 0 : i32
      %dma_start3A_1480 = tpu.memref_slice %arg5[%dma_start3A_1479, %multiple_of3A_1454] : memref<32x1000000xf32, #tpu.memory_space<hbm>> -> memref<32x128xf32, #tpu.memory_space<hbm>>
      tpu.enqueue_dma source(%dma_start3A_1480 : memref<32x128xf32, #tpu.memory_space<hbm>>) target(%dma_start3A_1478 : memref<32x128xf32, #tpu.memory_space<vmem>>) target_semaphore(%arg17 : memref<!tpu.dma_semaphore, #tpu.memory_space<semaphore_mem>>)
      %dma_start3A_1481 = arith.constant 5 : i32
      %dma_start3A_1482 = arith.constant 0 : i32
      %dma_start3A_1483 = tpu.memref_slice %arg13[%dma_start3A_1481, %dma_start3A_1482] : memref<8x128xf32, #tpu.memory_space<vmem>> -> memref<1x128xf32, #tpu.memory_space<vmem>>
      %dma_start3A_1484 = tpu.memref_squeeze %dma_start3A_1483 : memref<1x128xf32, #tpu.memory_space<vmem>> -> memref<128xf32, #tpu.memory_space<vmem>>
      %dma_start3A_1485 = tpu.memref_slice %arg6[%multiple_of3A_1449] : memref<1000000xf32, #tpu.memory_space<hbm>> -> memref<128xf32, #tpu.memory_space<hbm>>
      %dma_start3A_1486 = arith.constant 0 : i32
      %dma_start3A_1487 = tpu.memref_slice %arg13[%dma_start3A_1481, %dma_start3A_1486] : memref<8x128xf32, #tpu.memory_space<vmem>> -> memref<1x128xf32, #tpu.memory_space<vmem>>
      %dma_start3A_1488 = tpu.memref_squeeze %dma_start3A_1487 : memref<1x128xf32, #tpu.memory_space<vmem>> -> memref<128xf32, #tpu.memory_space<vmem>>
      %dma_start3A_1489 = tpu.memref_slice %arg6[%multiple_of3A_1449] : memref<1000000xf32, #tpu.memory_space<hbm>> -> memref<128xf32, #tpu.memory_space<hbm>>
      tpu.enqueue_dma source(%dma_start3A_1489 : memref<128xf32, #tpu.memory_space<hbm>>) target(%dma_start3A_1488 : memref<128xf32, #tpu.memory_space<vmem>>) target_semaphore(%arg18 : memref<!tpu.dma_semaphore, #tpu.memory_space<semaphore_mem>>)
      %dma_start3A_1490 = arith.constant 5 : i32
      %dma_start3A_1491 = arith.constant 0 : i32
      %dma_start3A_1492 = tpu.memref_slice %arg14[%dma_start3A_1490, %dma_start3A_1491] : memref<8x128xf32, #tpu.memory_space<vmem>> -> memref<1x128xf32, #tpu.memory_space<vmem>>
      %dma_start3A_1493 = tpu.memref_squeeze %dma_start3A_1492 : memref<1x128xf32, #tpu.memory_space<vmem>> -> memref<128xf32, #tpu.memory_space<vmem>>
      %dma_start3A_1494 = tpu.memref_slice %arg7[%multiple_of3A_1454] : memref<1000000xf32, #tpu.memory_space<hbm>> -> memref<128xf32, #tpu.memory_space<hbm>>
      %dma_start3A_1495 = arith.constant 0 : i32
      %dma_start3A_1496 = tpu.memref_slice %arg14[%dma_start3A_1490, %dma_start3A_1495] : memref<8x128xf32, #tpu.memory_space<vmem>> -> memref<1x128xf32, #tpu.memory_space<vmem>>
      %dma_start3A_1497 = tpu.memref_squeeze %dma_start3A_1496 : memref<1x128xf32, #tpu.memory_space<vmem>> -> memref<128xf32, #tpu.memory_space<vmem>>
      %dma_start3A_1498 = tpu.memref_slice %arg7[%multiple_of3A_1454] : memref<1000000xf32, #tpu.memory_space<hbm>> -> memref<128xf32, #tpu.memory_space<hbm>>
      tpu.enqueue_dma source(%dma_start3A_1498 : memref<128xf32, #tpu.memory_space<hbm>>) target(%dma_start3A_1497 : memref<128xf32, #tpu.memory_space<vmem>>) target_semaphore(%arg19 : memref<!tpu.dma_semaphore, #tpu.memory_space<semaphore_mem>>)
      %dma_wait3A_1499 = arith.constant 6 : i32
      %dma_wait3A_1500 = arith.constant 0 : i32
      %dma_wait3A_1501 = arith.constant 0 : i32
      %dma_wait3A_1502 = tpu.memref_slice %arg11[%dma_wait3A_1499, %dma_wait3A_1500, %dma_wait3A_1501] : memref<8x32x128xf32, #tpu.memory_space<vmem>> -> memref<1x32x128xf32, #tpu.memory_space<vmem>>
      %dma_wait3A_1503 = tpu.memref_squeeze %dma_wait3A_1502 : memref<1x32x128xf32, #tpu.memory_space<vmem>> -> memref<32x128xf32, #tpu.memory_space<vmem>>
      %dma_wait3A_1504 = arith.constant 0 : i32
      %dma_wait3A_1505 = arith.constant 0 : i32
      %dma_wait3A_1506 = tpu.memref_slice %arg4[%dma_wait3A_1504, %dma_wait3A_1505] : memref<32x1000000xf32, #tpu.memory_space<hbm>> -> memref<32x128xf32, #tpu.memory_space<hbm>>
      %dma_wait3A_1507 = arith.constant 0 : i32
      %dma_wait3A_1508 = arith.constant 0 : i32
      %dma_wait3A_1509 = tpu.memref_slice %arg11[%dma_wait3A_1499, %dma_wait3A_1507, %dma_wait3A_1508] : memref<8x32x128xf32, #tpu.memory_space<vmem>> -> memref<1x32x128xf32, #tpu.memory_space<vmem>>
      %dma_wait3A_1510 = tpu.memref_squeeze %dma_wait3A_1509 : memref<1x32x128xf32, #tpu.memory_space<vmem>> -> memref<32x128xf32, #tpu.memory_space<vmem>>
      %dma_wait3A_1511 = arith.constant 0 : i32
      %dma_wait3A_1512 = arith.constant 0 : i32
      %dma_wait3A_1513 = tpu.memref_slice %arg4[%dma_wait3A_1511, %dma_wait3A_1512] : memref<32x1000000xf32, #tpu.memory_space<hbm>> -> memref<32x128xf32, #tpu.memory_space<hbm>>
      tpu.wait_dma2 semaphore(%arg16 : memref<!tpu.dma_semaphore, #tpu.memory_space<semaphore_mem>>) src(%dma_wait3A_1513 : memref<32x128xf32, #tpu.memory_space<hbm>>) dst(%dma_wait3A_1510 : memref<32x128xf32, #tpu.memory_space<vmem>>)
      %dma_wait3A_1514 = arith.constant 6 : i32
      %dma_wait3A_1515 = arith.constant 0 : i32
      %dma_wait3A_1516 = arith.constant 0 : i32
      %dma_wait3A_1517 = tpu.memref_slice %arg12[%dma_wait3A_1514, %dma_wait3A_1515, %dma_wait3A_1516] : memref<8x32x128xf32, #tpu.memory_space<vmem>> -> memref<1x32x128xf32, #tpu.memory_space<vmem>>
      %dma_wait3A_1518 = tpu.memref_squeeze %dma_wait3A_1517 : memref<1x32x128xf32, #tpu.memory_space<vmem>> -> memref<32x128xf32, #tpu.memory_space<vmem>>
      %dma_wait3A_1519 = arith.constant 0 : i32
      %dma_wait3A_1520 = arith.constant 0 : i32
      %dma_wait3A_1521 = tpu.memref_slice %arg5[%dma_wait3A_1519, %dma_wait3A_1520] : memref<32x1000000xf32, #tpu.memory_space<hbm>> -> memref<32x128xf32, #tpu.memory_space<hbm>>
      %dma_wait3A_1522 = arith.constant 0 : i32
      %dma_wait3A_1523 = arith.constant 0 : i32
      %dma_wait3A_1524 = tpu.memref_slice %arg12[%dma_wait3A_1514, %dma_wait3A_1522, %dma_wait3A_1523] : memref<8x32x128xf32, #tpu.memory_space<vmem>> -> memref<1x32x128xf32, #tpu.memory_space<vmem>>
      %dma_wait3A_1525 = tpu.memref_squeeze %dma_wait3A_1524 : memref<1x32x128xf32, #tpu.memory_space<vmem>> -> memref<32x128xf32, #tpu.memory_space<vmem>>
      %dma_wait3A_1526 = arith.constant 0 : i32
      %dma_wait3A_1527 = arith.constant 0 : i32
      %dma_wait3A_1528 = tpu.memref_slice %arg5[%dma_wait3A_1526, %dma_wait3A_1527] : memref<32x1000000xf32, #tpu.memory_space<hbm>> -> memref<32x128xf32, #tpu.memory_space<hbm>>
      tpu.wait_dma2 semaphore(%arg17 : memref<!tpu.dma_semaphore, #tpu.memory_space<semaphore_mem>>) src(%dma_wait3A_1528 : memref<32x128xf32, #tpu.memory_space<hbm>>) dst(%dma_wait3A_1525 : memref<32x128xf32, #tpu.memory_space<vmem>>)
      %dma_wait3A_1529 = arith.constant 6 : i32
      %dma_wait3A_1530 = arith.constant 0 : i32
      %dma_wait3A_1531 = tpu.memref_slice %arg13[%dma_wait3A_1529, %dma_wait3A_1530] : memref<8x128xf32, #tpu.memory_space<vmem>> -> memref<1x128xf32, #tpu.memory_space<vmem>>
      %dma_wait3A_1532 = tpu.memref_squeeze %dma_wait3A_1531 : memref<1x128xf32, #tpu.memory_space<vmem>> -> memref<128xf32, #tpu.memory_space<vmem>>
      %dma_wait3A_1533 = arith.constant 0 : i32
      %dma_wait3A_1534 = tpu.memref_slice %arg6[%dma_wait3A_1533] : memref<1000000xf32, #tpu.memory_space<hbm>> -> memref<128xf32, #tpu.memory_space<hbm>>
      %dma_wait3A_1535 = arith.constant 0 : i32
      %dma_wait3A_1536 = tpu.memref_slice %arg13[%dma_wait3A_1529, %dma_wait3A_1535] : memref<8x128xf32, #tpu.memory_space<vmem>> -> memref<1x128xf32, #tpu.memory_space<vmem>>
      %dma_wait3A_1537 = tpu.memref_squeeze %dma_wait3A_1536 : memref<1x128xf32, #tpu.memory_space<vmem>> -> memref<128xf32, #tpu.memory_space<vmem>>
      %dma_wait3A_1538 = arith.constant 0 : i32
      %dma_wait3A_1539 = tpu.memref_slice %arg6[%dma_wait3A_1538] : memref<1000000xf32, #tpu.memory_space<hbm>> -> memref<128xf32, #tpu.memory_space<hbm>>
      tpu.wait_dma2 semaphore(%arg18 : memref<!tpu.dma_semaphore, #tpu.memory_space<semaphore_mem>>) src(%dma_wait3A_1539 : memref<128xf32, #tpu.memory_space<hbm>>) dst(%dma_wait3A_1537 : memref<128xf32, #tpu.memory_space<vmem>>)
      %dma_wait3A_1540 = arith.constant 6 : i32
      %dma_wait3A_1541 = arith.constant 0 : i32
      %dma_wait3A_1542 = tpu.memref_slice %arg14[%dma_wait3A_1540, %dma_wait3A_1541] : memref<8x128xf32, #tpu.memory_space<vmem>> -> memref<1x128xf32, #tpu.memory_space<vmem>>
      %dma_wait3A_1543 = tpu.memref_squeeze %dma_wait3A_1542 : memref<1x128xf32, #tpu.memory_space<vmem>> -> memref<128xf32, #tpu.memory_space<vmem>>
      %dma_wait3A_1544 = arith.constant 0 : i32
      %dma_wait3A_1545 = tpu.memref_slice %arg7[%dma_wait3A_1544] : memref<1000000xf32, #tpu.memory_space<hbm>> -> memref<128xf32, #tpu.memory_space<hbm>>
      %dma_wait3A_1546 = arith.constant 0 : i32
      %dma_wait3A_1547 = tpu.memref_slice %arg14[%dma_wait3A_1540, %dma_wait3A_1546] : memref<8x128xf32, #tpu.memory_space<vmem>> -> memref<1x128xf32, #tpu.memory_space<vmem>>
      %dma_wait3A_1548 = tpu.memref_squeeze %dma_wait3A_1547 : memref<1x128xf32, #tpu.memory_space<vmem>> -> memref<128xf32, #tpu.memory_space<vmem>>
      %dma_wait3A_1549 = arith.constant 0 : i32
      %dma_wait3A_1550 = tpu.memref_slice %arg7[%dma_wait3A_1549] : memref<1000000xf32, #tpu.memory_space<hbm>> -> memref<128xf32, #tpu.memory_space<hbm>>
      tpu.wait_dma2 semaphore(%arg19 : memref<!tpu.dma_semaphore, #tpu.memory_space<semaphore_mem>>) src(%dma_wait3A_1550 : memref<128xf32, #tpu.memory_space<hbm>>) dst(%dma_wait3A_1548 : memref<128xf32, #tpu.memory_space<vmem>>)
      %slice3A_1551 = vector.extract_strided_slice %get3A_487 {offsets = [6], sizes = [1], strides = [1]} : vector<16xi32> to vector<1xi32>
      %squeeze3A_1552 = vector.extract %slice3A_1551[0] : i32 from vector<1xi32>
      %slice3A_1553 = vector.extract_strided_slice %get3A_489 {offsets = [6], sizes = [1], strides = [1]} : vector<16xi32> to vector<1xi32>
      %squeeze3A_1554 = vector.extract %slice3A_1553[0] : i32 from vector<1xi32>
      %and3A_1555 = arith.constant 127 : i32
      %and3A_1556 = arith.andi %squeeze3A_1552, %and3A_1555 : i32
      %add3A_1557 = vector.broadcast %and3A_1556 : i32 to vector<16xi32>
      %add3A_1558 = arith.addi %broadcast_in_dim3A_6, %add3A_1557 : vector<16xi32>
      %and3A_1559 = arith.constant 127 : i32
      %and3A_1560 = arith.andi %squeeze3A_1554, %and3A_1559 : i32
      %add3A_1561 = vector.broadcast %and3A_1560 : i32 to vector<16xi32>
      %add3A_1562 = arith.addi %broadcast_in_dim3A_6, %add3A_1561 : vector<16xi32>
      %add3A_1563 = arith.constant 6 : i32
      %add3A_1564 = vector.broadcast %add3A_1563 : i32 to vector<16xi32>
      %add3A_1565 = arith.addi %broadcast_in_dim3A_6, %add3A_1564 : vector<16xi32>
      %gather3A_1566 = tpu.vector_load_idx %arg11[%add3A_1565, %iota3A, %add3A_1558] : memref<8x32x128xf32, #tpu.memory_space<vmem>>[vector<16xi32>, vector<16xi32>, vector<16xi32>], vector<16xf32>,
      %gather3A_1567 = tpu.vector_load_idx %arg11[%add3A_1565, %add3A_5, %add3A_1558] : memref<8x32x128xf32, #tpu.memory_space<vmem>>[vector<16xi32>, vector<16xi32>, vector<16xi32>], vector<16xf32>,
      %gather3A_1568 = tpu.vector_load_idx %arg12[%add3A_1565, %iota3A, %add3A_1562] : memref<8x32x128xf32, #tpu.memory_space<vmem>>[vector<16xi32>, vector<16xi32>, vector<16xi32>], vector<16xf32>,
      %gather3A_1569 = tpu.vector_load_idx %arg12[%add3A_1565, %add3A_5, %add3A_1562] : memref<8x32x128xf32, #tpu.memory_space<vmem>>[vector<16xi32>, vector<16xi32>, vector<16xi32>], vector<16xf32>,
      %mul3A_1570 = arith.mulf %gather3A_1566, %gather3A_1568 : vector<16xf32>
      %mul3A_1571 = arith.mulf %gather3A_1567, %gather3A_1569 : vector<16xf32>
      %add3A_1572 = arith.addf %mul3A_1570, %mul3A_1571 : vector<16xf32>
      %xor3A_1573 = arith.constant 1 : i32
      %xor3A_1574 = vector.broadcast %xor3A_1573 : i32 to vector<16xi32>
      %xor3A_1575 = arith.xori %iota3A, %xor3A_1574 : vector<16xi32>
      %broadcast_in_dim3A_1576 = vector.shape_cast %xor3A_1575 : vector<16xi32> to vector<16x1xi32>
      %gather3A_1577 = vector.shape_cast %broadcast_in_dim3A_1576 : vector<16x1xi32> to vector<16xi32>
      %gather3A_1578 = tpu.dynamic_gather %add3A_1572[%gather3A_1577] in [0] : vector<16xf32>, vector<16xi32> -> vector<16xf32>
      %add3A_1579 = arith.addf %add3A_1572, %gather3A_1578 : vector<16xf32>
      %xor3A_1580 = arith.constant 2 : i32
      %xor3A_1581 = vector.broadcast %xor3A_1580 : i32 to vector<16xi32>
      %xor3A_1582 = arith.xori %iota3A, %xor3A_1581 : vector<16xi32>
      %broadcast_in_dim3A_1583 = vector.shape_cast %xor3A_1582 : vector<16xi32> to vector<16x1xi32>
      %gather3A_1584 = vector.shape_cast %broadcast_in_dim3A_1583 : vector<16x1xi32> to vector<16xi32>
      %gather3A_1585 = tpu.dynamic_gather %add3A_1579[%gather3A_1584] in [0] : vector<16xf32>, vector<16xi32> -> vector<16xf32>
      %add3A_1586 = arith.addf %add3A_1579, %gather3A_1585 : vector<16xf32>
      %xor3A_1587 = arith.constant 4 : i32
      %xor3A_1588 = vector.broadcast %xor3A_1587 : i32 to vector<16xi32>
      %xor3A_1589 = arith.xori %iota3A, %xor3A_1588 : vector<16xi32>
      %broadcast_in_dim3A_1590 = vector.shape_cast %xor3A_1589 : vector<16xi32> to vector<16x1xi32>
      %gather3A_1591 = vector.shape_cast %broadcast_in_dim3A_1590 : vector<16x1xi32> to vector<16xi32>
      %gather3A_1592 = tpu.dynamic_gather %add3A_1586[%gather3A_1591] in [0] : vector<16xf32>, vector<16xi32> -> vector<16xf32>
      %add3A_1593 = arith.addf %add3A_1586, %gather3A_1592 : vector<16xf32>
      %xor3A_1594 = arith.constant 8 : i32
      %xor3A_1595 = vector.broadcast %xor3A_1594 : i32 to vector<16xi32>
      %xor3A_1596 = arith.xori %iota3A, %xor3A_1595 : vector<16xi32>
      %broadcast_in_dim3A_1597 = vector.shape_cast %xor3A_1596 : vector<16xi32> to vector<16x1xi32>
      %gather3A_1598 = vector.shape_cast %broadcast_in_dim3A_1597 : vector<16x1xi32> to vector<16xi32>
      %gather3A_1599 = tpu.dynamic_gather %add3A_1593[%gather3A_1598] in [0] : vector<16xf32>, vector<16xi32> -> vector<16xf32>
      %add3A_1600 = arith.addf %add3A_1593, %gather3A_1599 : vector<16xf32>
      %gather3A_1601 = tpu.vector_load_idx %arg13[%add3A_1565, %add3A_1558] : memref<8x128xf32, #tpu.memory_space<vmem>>[vector<16xi32>, vector<16xi32>], vector<16xf32>,
      %gather3A_1602 = tpu.vector_load_idx %arg14[%add3A_1565, %add3A_1562] : memref<8x128xf32, #tpu.memory_space<vmem>>[vector<16xi32>, vector<16xi32>], vector<16xf32>,
      %add3A_1603 = arith.addf %add3A_1600, %gather3A_1601 : vector<16xf32>
      %add3A_1604 = arith.addf %add3A_1603, %gather3A_1602 : vector<16xf32>
      %eq3A_1605 = arith.constant 6 : i32
      %eq3A_1606 = vector.broadcast %eq3A_1605 : i32 to vector<16xi32>
      %eq3A_1607 = arith.cmpi eq, %iota3A, %eq3A_1606 : vector<16xi32>
      %select_n3A_1608 = arith.select %eq3A_1607, %add3A_1604, %select_n3A_1440 : vector<16xi1>, vector<16xf32>
      %slice3A_1609 = vector.extract_strided_slice %get3A_487 {offsets = [14], sizes = [1], strides = [1]} : vector<16xi32> to vector<1xi32>
      %squeeze3A_1610 = vector.extract %slice3A_1609[0] : i32 from vector<1xi32>
      %slice3A_1611 = vector.extract_strided_slice %get3A_489 {offsets = [14], sizes = [1], strides = [1]} : vector<16xi32> to vector<1xi32>
      %squeeze3A_1612 = vector.extract %slice3A_1611[0] : i32 from vector<1xi32>
      %shift_right_arithmetic3A_1613 = arith.constant 7 : i32
      %shift_right_arithmetic3A_1614 = arith.shrsi %squeeze3A_1610, %shift_right_arithmetic3A_1613 : i32
      %mul3A_1615 = arith.constant 128 : i32
      %mul3A_1616 = arith.muli %shift_right_arithmetic3A_1614, %mul3A_1615 : i32
      %multiple_of3A_1617 = tpu.assume_multiple %mul3A_1616, 128 : i32
      %shift_right_arithmetic3A_1618 = arith.constant 7 : i32
      %shift_right_arithmetic3A_1619 = arith.shrsi %squeeze3A_1612, %shift_right_arithmetic3A_1618 : i32
      %mul3A_1620 = arith.constant 128 : i32
      %mul3A_1621 = arith.muli %shift_right_arithmetic3A_1619, %mul3A_1620 : i32
      %multiple_of3A_1622 = tpu.assume_multiple %mul3A_1621, 128 : i32
      %dma_start3A_1623 = arith.constant 6 : i32
      %dma_start3A_1624 = arith.constant 0 : i32
      %dma_start3A_1625 = arith.constant 0 : i32
      %dma_start3A_1626 = tpu.memref_slice %arg11[%dma_start3A_1623, %dma_start3A_1624, %dma_start3A_1625] : memref<8x32x128xf32, #tpu.memory_space<vmem>> -> memref<1x32x128xf32, #tpu.memory_space<vmem>>
      %dma_start3A_1627 = tpu.memref_squeeze %dma_start3A_1626 : memref<1x32x128xf32, #tpu.memory_space<vmem>> -> memref<32x128xf32, #tpu.memory_space<vmem>>
      %dma_start3A_1628 = arith.constant 0 : i32
      %dma_start3A_1629 = tpu.memref_slice %arg4[%dma_start3A_1628, %multiple_of3A_1617] : memref<32x1000000xf32, #tpu.memory_space<hbm>> -> memref<32x128xf32, #tpu.memory_space<hbm>>
      %dma_start3A_1630 = arith.constant 0 : i32
      %dma_start3A_1631 = arith.constant 0 : i32
      %dma_start3A_1632 = tpu.memref_slice %arg11[%dma_start3A_1623, %dma_start3A_1630, %dma_start3A_1631] : memref<8x32x128xf32, #tpu.memory_space<vmem>> -> memref<1x32x128xf32, #tpu.memory_space<vmem>>
      %dma_start3A_1633 = tpu.memref_squeeze %dma_start3A_1632 : memref<1x32x128xf32, #tpu.memory_space<vmem>> -> memref<32x128xf32, #tpu.memory_space<vmem>>
      %dma_start3A_1634 = arith.constant 0 : i32
      %dma_start3A_1635 = tpu.memref_slice %arg4[%dma_start3A_1634, %multiple_of3A_1617] : memref<32x1000000xf32, #tpu.memory_space<hbm>> -> memref<32x128xf32, #tpu.memory_space<hbm>>
      tpu.enqueue_dma source(%dma_start3A_1635 : memref<32x128xf32, #tpu.memory_space<hbm>>) target(%dma_start3A_1633 : memref<32x128xf32, #tpu.memory_space<vmem>>) target_semaphore(%arg16 : memref<!tpu.dma_semaphore, #tpu.memory_space<semaphore_mem>>)
      %dma_start3A_1636 = arith.constant 6 : i32
      %dma_start3A_1637 = arith.constant 0 : i32
      %dma_start3A_1638 = arith.constant 0 : i32
      %dma_start3A_1639 = tpu.memref_slice %arg12[%dma_start3A_1636, %dma_start3A_1637, %dma_start3A_1638] : memref<8x32x128xf32, #tpu.memory_space<vmem>> -> memref<1x32x128xf32, #tpu.memory_space<vmem>>
      %dma_start3A_1640 = tpu.memref_squeeze %dma_start3A_1639 : memref<1x32x128xf32, #tpu.memory_space<vmem>> -> memref<32x128xf32, #tpu.memory_space<vmem>>
      %dma_start3A_1641 = arith.constant 0 : i32
      %dma_start3A_1642 = tpu.memref_slice %arg5[%dma_start3A_1641, %multiple_of3A_1622] : memref<32x1000000xf32, #tpu.memory_space<hbm>> -> memref<32x128xf32, #tpu.memory_space<hbm>>
      %dma_start3A_1643 = arith.constant 0 : i32
      %dma_start3A_1644 = arith.constant 0 : i32
      %dma_start3A_1645 = tpu.memref_slice %arg12[%dma_start3A_1636, %dma_start3A_1643, %dma_start3A_1644] : memref<8x32x128xf32, #tpu.memory_space<vmem>> -> memref<1x32x128xf32, #tpu.memory_space<vmem>>
      %dma_start3A_1646 = tpu.memref_squeeze %dma_start3A_1645 : memref<1x32x128xf32, #tpu.memory_space<vmem>> -> memref<32x128xf32, #tpu.memory_space<vmem>>
      %dma_start3A_1647 = arith.constant 0 : i32
      %dma_start3A_1648 = tpu.memref_slice %arg5[%dma_start3A_1647, %multiple_of3A_1622] : memref<32x1000000xf32, #tpu.memory_space<hbm>> -> memref<32x128xf32, #tpu.memory_space<hbm>>
      tpu.enqueue_dma source(%dma_start3A_1648 : memref<32x128xf32, #tpu.memory_space<hbm>>) target(%dma_start3A_1646 : memref<32x128xf32, #tpu.memory_space<vmem>>) target_semaphore(%arg17 : memref<!tpu.dma_semaphore, #tpu.memory_space<semaphore_mem>>)
      %dma_start3A_1649 = arith.constant 6 : i32
      %dma_start3A_1650 = arith.constant 0 : i32
      %dma_start3A_1651 = tpu.memref_slice %arg13[%dma_start3A_1649, %dma_start3A_1650] : memref<8x128xf32, #tpu.memory_space<vmem>> -> memref<1x128xf32, #tpu.memory_space<vmem>>
      %dma_start3A_1652 = tpu.memref_squeeze %dma_start3A_1651 : memref<1x128xf32, #tpu.memory_space<vmem>> -> memref<128xf32, #tpu.memory_space<vmem>>
      %dma_start3A_1653 = tpu.memref_slice %arg6[%multiple_of3A_1617] : memref<1000000xf32, #tpu.memory_space<hbm>> -> memref<128xf32, #tpu.memory_space<hbm>>
      %dma_start3A_1654 = arith.constant 0 : i32
      %dma_start3A_1655 = tpu.memref_slice %arg13[%dma_start3A_1649, %dma_start3A_1654] : memref<8x128xf32, #tpu.memory_space<vmem>> -> memref<1x128xf32, #tpu.memory_space<vmem>>
      %dma_start3A_1656 = tpu.memref_squeeze %dma_start3A_1655 : memref<1x128xf32, #tpu.memory_space<vmem>> -> memref<128xf32, #tpu.memory_space<vmem>>
      %dma_start3A_1657 = tpu.memref_slice %arg6[%multiple_of3A_1617] : memref<1000000xf32, #tpu.memory_space<hbm>> -> memref<128xf32, #tpu.memory_space<hbm>>
      tpu.enqueue_dma source(%dma_start3A_1657 : memref<128xf32, #tpu.memory_space<hbm>>) target(%dma_start3A_1656 : memref<128xf32, #tpu.memory_space<vmem>>) target_semaphore(%arg18 : memref<!tpu.dma_semaphore, #tpu.memory_space<semaphore_mem>>)
      %dma_start3A_1658 = arith.constant 6 : i32
      %dma_start3A_1659 = arith.constant 0 : i32
      %dma_start3A_1660 = tpu.memref_slice %arg14[%dma_start3A_1658, %dma_start3A_1659] : memref<8x128xf32, #tpu.memory_space<vmem>> -> memref<1x128xf32, #tpu.memory_space<vmem>>
      %dma_start3A_1661 = tpu.memref_squeeze %dma_start3A_1660 : memref<1x128xf32, #tpu.memory_space<vmem>> -> memref<128xf32, #tpu.memory_space<vmem>>
      %dma_start3A_1662 = tpu.memref_slice %arg7[%multiple_of3A_1622] : memref<1000000xf32, #tpu.memory_space<hbm>> -> memref<128xf32, #tpu.memory_space<hbm>>
      %dma_start3A_1663 = arith.constant 0 : i32
      %dma_start3A_1664 = tpu.memref_slice %arg14[%dma_start3A_1658, %dma_start3A_1663] : memref<8x128xf32, #tpu.memory_space<vmem>> -> memref<1x128xf32, #tpu.memory_space<vmem>>
      %dma_start3A_1665 = tpu.memref_squeeze %dma_start3A_1664 : memref<1x128xf32, #tpu.memory_space<vmem>> -> memref<128xf32, #tpu.memory_space<vmem>>
      %dma_start3A_1666 = tpu.memref_slice %arg7[%multiple_of3A_1622] : memref<1000000xf32, #tpu.memory_space<hbm>> -> memref<128xf32, #tpu.memory_space<hbm>>
      tpu.enqueue_dma source(%dma_start3A_1666 : memref<128xf32, #tpu.memory_space<hbm>>) target(%dma_start3A_1665 : memref<128xf32, #tpu.memory_space<vmem>>) target_semaphore(%arg19 : memref<!tpu.dma_semaphore, #tpu.memory_space<semaphore_mem>>)
      %dma_wait3A_1667 = arith.constant 7 : i32
      %dma_wait3A_1668 = arith.constant 0 : i32
      %dma_wait3A_1669 = arith.constant 0 : i32
      %dma_wait3A_1670 = tpu.memref_slice %arg11[%dma_wait3A_1667, %dma_wait3A_1668, %dma_wait3A_1669] : memref<8x32x128xf32, #tpu.memory_space<vmem>> -> memref<1x32x128xf32, #tpu.memory_space<vmem>>
      %dma_wait3A_1671 = tpu.memref_squeeze %dma_wait3A_1670 : memref<1x32x128xf32, #tpu.memory_space<vmem>> -> memref<32x128xf32, #tpu.memory_space<vmem>>
      %dma_wait3A_1672 = arith.constant 0 : i32
      %dma_wait3A_1673 = arith.constant 0 : i32
      %dma_wait3A_1674 = tpu.memref_slice %arg4[%dma_wait3A_1672, %dma_wait3A_1673] : memref<32x1000000xf32, #tpu.memory_space<hbm>> -> memref<32x128xf32, #tpu.memory_space<hbm>>
      %dma_wait3A_1675 = arith.constant 0 : i32
      %dma_wait3A_1676 = arith.constant 0 : i32
      %dma_wait3A_1677 = tpu.memref_slice %arg11[%dma_wait3A_1667, %dma_wait3A_1675, %dma_wait3A_1676] : memref<8x32x128xf32, #tpu.memory_space<vmem>> -> memref<1x32x128xf32, #tpu.memory_space<vmem>>
      %dma_wait3A_1678 = tpu.memref_squeeze %dma_wait3A_1677 : memref<1x32x128xf32, #tpu.memory_space<vmem>> -> memref<32x128xf32, #tpu.memory_space<vmem>>
      %dma_wait3A_1679 = arith.constant 0 : i32
      %dma_wait3A_1680 = arith.constant 0 : i32
      %dma_wait3A_1681 = tpu.memref_slice %arg4[%dma_wait3A_1679, %dma_wait3A_1680] : memref<32x1000000xf32, #tpu.memory_space<hbm>> -> memref<32x128xf32, #tpu.memory_space<hbm>>
      tpu.wait_dma2 semaphore(%arg16 : memref<!tpu.dma_semaphore, #tpu.memory_space<semaphore_mem>>) src(%dma_wait3A_1681 : memref<32x128xf32, #tpu.memory_space<hbm>>) dst(%dma_wait3A_1678 : memref<32x128xf32, #tpu.memory_space<vmem>>)
      %dma_wait3A_1682 = arith.constant 7 : i32
      %dma_wait3A_1683 = arith.constant 0 : i32
      %dma_wait3A_1684 = arith.constant 0 : i32
      %dma_wait3A_1685 = tpu.memref_slice %arg12[%dma_wait3A_1682, %dma_wait3A_1683, %dma_wait3A_1684] : memref<8x32x128xf32, #tpu.memory_space<vmem>> -> memref<1x32x128xf32, #tpu.memory_space<vmem>>
      %dma_wait3A_1686 = tpu.memref_squeeze %dma_wait3A_1685 : memref<1x32x128xf32, #tpu.memory_space<vmem>> -> memref<32x128xf32, #tpu.memory_space<vmem>>
      %dma_wait3A_1687 = arith.constant 0 : i32
      %dma_wait3A_1688 = arith.constant 0 : i32
      %dma_wait3A_1689 = tpu.memref_slice %arg5[%dma_wait3A_1687, %dma_wait3A_1688] : memref<32x1000000xf32, #tpu.memory_space<hbm>> -> memref<32x128xf32, #tpu.memory_space<hbm>>
      %dma_wait3A_1690 = arith.constant 0 : i32
      %dma_wait3A_1691 = arith.constant 0 : i32
      %dma_wait3A_1692 = tpu.memref_slice %arg12[%dma_wait3A_1682, %dma_wait3A_1690, %dma_wait3A_1691] : memref<8x32x128xf32, #tpu.memory_space<vmem>> -> memref<1x32x128xf32, #tpu.memory_space<vmem>>
      %dma_wait3A_1693 = tpu.memref_squeeze %dma_wait3A_1692 : memref<1x32x128xf32, #tpu.memory_space<vmem>> -> memref<32x128xf32, #tpu.memory_space<vmem>>
      %dma_wait3A_1694 = arith.constant 0 : i32
      %dma_wait3A_1695 = arith.constant 0 : i32
      %dma_wait3A_1696 = tpu.memref_slice %arg5[%dma_wait3A_1694, %dma_wait3A_1695] : memref<32x1000000xf32, #tpu.memory_space<hbm>> -> memref<32x128xf32, #tpu.memory_space<hbm>>
      tpu.wait_dma2 semaphore(%arg17 : memref<!tpu.dma_semaphore, #tpu.memory_space<semaphore_mem>>) src(%dma_wait3A_1696 : memref<32x128xf32, #tpu.memory_space<hbm>>) dst(%dma_wait3A_1693 : memref<32x128xf32, #tpu.memory_space<vmem>>)
      %dma_wait3A_1697 = arith.constant 7 : i32
      %dma_wait3A_1698 = arith.constant 0 : i32
      %dma_wait3A_1699 = tpu.memref_slice %arg13[%dma_wait3A_1697, %dma_wait3A_1698] : memref<8x128xf32, #tpu.memory_space<vmem>> -> memref<1x128xf32, #tpu.memory_space<vmem>>
      %dma_wait3A_1700 = tpu.memref_squeeze %dma_wait3A_1699 : memref<1x128xf32, #tpu.memory_space<vmem>> -> memref<128xf32, #tpu.memory_space<vmem>>
      %dma_wait3A_1701 = arith.constant 0 : i32
      %dma_wait3A_1702 = tpu.memref_slice %arg6[%dma_wait3A_1701] : memref<1000000xf32, #tpu.memory_space<hbm>> -> memref<128xf32, #tpu.memory_space<hbm>>
      %dma_wait3A_1703 = arith.constant 0 : i32
      %dma_wait3A_1704 = tpu.memref_slice %arg13[%dma_wait3A_1697, %dma_wait3A_1703] : memref<8x128xf32, #tpu.memory_space<vmem>> -> memref<1x128xf32, #tpu.memory_space<vmem>>
      %dma_wait3A_1705 = tpu.memref_squeeze %dma_wait3A_1704 : memref<1x128xf32, #tpu.memory_space<vmem>> -> memref<128xf32, #tpu.memory_space<vmem>>
      %dma_wait3A_1706 = arith.constant 0 : i32
      %dma_wait3A_1707 = tpu.memref_slice %arg6[%dma_wait3A_1706] : memref<1000000xf32, #tpu.memory_space<hbm>> -> memref<128xf32, #tpu.memory_space<hbm>>
      tpu.wait_dma2 semaphore(%arg18 : memref<!tpu.dma_semaphore, #tpu.memory_space<semaphore_mem>>) src(%dma_wait3A_1707 : memref<128xf32, #tpu.memory_space<hbm>>) dst(%dma_wait3A_1705 : memref<128xf32, #tpu.memory_space<vmem>>)
      %dma_wait3A_1708 = arith.constant 7 : i32
      %dma_wait3A_1709 = arith.constant 0 : i32
      %dma_wait3A_1710 = tpu.memref_slice %arg14[%dma_wait3A_1708, %dma_wait3A_1709] : memref<8x128xf32, #tpu.memory_space<vmem>> -> memref<1x128xf32, #tpu.memory_space<vmem>>
      %dma_wait3A_1711 = tpu.memref_squeeze %dma_wait3A_1710 : memref<1x128xf32, #tpu.memory_space<vmem>> -> memref<128xf32, #tpu.memory_space<vmem>>
      %dma_wait3A_1712 = arith.constant 0 : i32
      %dma_wait3A_1713 = tpu.memref_slice %arg7[%dma_wait3A_1712] : memref<1000000xf32, #tpu.memory_space<hbm>> -> memref<128xf32, #tpu.memory_space<hbm>>
      %dma_wait3A_1714 = arith.constant 0 : i32
      %dma_wait3A_1715 = tpu.memref_slice %arg14[%dma_wait3A_1708, %dma_wait3A_1714] : memref<8x128xf32, #tpu.memory_space<vmem>> -> memref<1x128xf32, #tpu.memory_space<vmem>>
      %dma_wait3A_1716 = tpu.memref_squeeze %dma_wait3A_1715 : memref<1x128xf32, #tpu.memory_space<vmem>> -> memref<128xf32, #tpu.memory_space<vmem>>
      %dma_wait3A_1717 = arith.constant 0 : i32
      %dma_wait3A_1718 = tpu.memref_slice %arg7[%dma_wait3A_1717] : memref<1000000xf32, #tpu.memory_space<hbm>> -> memref<128xf32, #tpu.memory_space<hbm>>
      tpu.wait_dma2 semaphore(%arg19 : memref<!tpu.dma_semaphore, #tpu.memory_space<semaphore_mem>>) src(%dma_wait3A_1718 : memref<128xf32, #tpu.memory_space<hbm>>) dst(%dma_wait3A_1716 : memref<128xf32, #tpu.memory_space<vmem>>)
      %slice3A_1719 = vector.extract_strided_slice %get3A_487 {offsets = [7], sizes = [1], strides = [1]} : vector<16xi32> to vector<1xi32>
      %squeeze3A_1720 = vector.extract %slice3A_1719[0] : i32 from vector<1xi32>
      %slice3A_1721 = vector.extract_strided_slice %get3A_489 {offsets = [7], sizes = [1], strides = [1]} : vector<16xi32> to vector<1xi32>
      %squeeze3A_1722 = vector.extract %slice3A_1721[0] : i32 from vector<1xi32>
      %and3A_1723 = arith.constant 127 : i32
      %and3A_1724 = arith.andi %squeeze3A_1720, %and3A_1723 : i32
      %add3A_1725 = vector.broadcast %and3A_1724 : i32 to vector<16xi32>
      %add3A_1726 = arith.addi %broadcast_in_dim3A_6, %add3A_1725 : vector<16xi32>
      %and3A_1727 = arith.constant 127 : i32
      %and3A_1728 = arith.andi %squeeze3A_1722, %and3A_1727 : i32
      %add3A_1729 = vector.broadcast %and3A_1728 : i32 to vector<16xi32>
      %add3A_1730 = arith.addi %broadcast_in_dim3A_6, %add3A_1729 : vector<16xi32>
      %add3A_1731 = arith.constant 7 : i32
      %add3A_1732 = vector.broadcast %add3A_1731 : i32 to vector<16xi32>
      %add3A_1733 = arith.addi %broadcast_in_dim3A_6, %add3A_1732 : vector<16xi32>
      %gather3A_1734 = tpu.vector_load_idx %arg11[%add3A_1733, %iota3A, %add3A_1726] : memref<8x32x128xf32, #tpu.memory_space<vmem>>[vector<16xi32>, vector<16xi32>, vector<16xi32>], vector<16xf32>,
      %gather3A_1735 = tpu.vector_load_idx %arg11[%add3A_1733, %add3A_5, %add3A_1726] : memref<8x32x128xf32, #tpu.memory_space<vmem>>[vector<16xi32>, vector<16xi32>, vector<16xi32>], vector<16xf32>,
      %gather3A_1736 = tpu.vector_load_idx %arg12[%add3A_1733, %iota3A, %add3A_1730] : memref<8x32x128xf32, #tpu.memory_space<vmem>>[vector<16xi32>, vector<16xi32>, vector<16xi32>], vector<16xf32>,
      %gather3A_1737 = tpu.vector_load_idx %arg12[%add3A_1733, %add3A_5, %add3A_1730] : memref<8x32x128xf32, #tpu.memory_space<vmem>>[vector<16xi32>, vector<16xi32>, vector<16xi32>], vector<16xf32>,
      %mul3A_1738 = arith.mulf %gather3A_1734, %gather3A_1736 : vector<16xf32>
      %mul3A_1739 = arith.mulf %gather3A_1735, %gather3A_1737 : vector<16xf32>
      %add3A_1740 = arith.addf %mul3A_1738, %mul3A_1739 : vector<16xf32>
      %xor3A_1741 = arith.constant 1 : i32
      %xor3A_1742 = vector.broadcast %xor3A_1741 : i32 to vector<16xi32>
      %xor3A_1743 = arith.xori %iota3A, %xor3A_1742 : vector<16xi32>
      %broadcast_in_dim3A_1744 = vector.shape_cast %xor3A_1743 : vector<16xi32> to vector<16x1xi32>
      %gather3A_1745 = vector.shape_cast %broadcast_in_dim3A_1744 : vector<16x1xi32> to vector<16xi32>
      %gather3A_1746 = tpu.dynamic_gather %add3A_1740[%gather3A_1745] in [0] : vector<16xf32>, vector<16xi32> -> vector<16xf32>
      %add3A_1747 = arith.addf %add3A_1740, %gather3A_1746 : vector<16xf32>
      %xor3A_1748 = arith.constant 2 : i32
      %xor3A_1749 = vector.broadcast %xor3A_1748 : i32 to vector<16xi32>
      %xor3A_1750 = arith.xori %iota3A, %xor3A_1749 : vector<16xi32>
      %broadcast_in_dim3A_1751 = vector.shape_cast %xor3A_1750 : vector<16xi32> to vector<16x1xi32>
      %gather3A_1752 = vector.shape_cast %broadcast_in_dim3A_1751 : vector<16x1xi32> to vector<16xi32>
      %gather3A_1753 = tpu.dynamic_gather %add3A_1747[%gather3A_1752] in [0] : vector<16xf32>, vector<16xi32> -> vector<16xf32>
      %add3A_1754 = arith.addf %add3A_1747, %gather3A_1753 : vector<16xf32>
      %xor3A_1755 = arith.constant 4 : i32
      %xor3A_1756 = vector.broadcast %xor3A_1755 : i32 to vector<16xi32>
      %xor3A_1757 = arith.xori %iota3A, %xor3A_1756 : vector<16xi32>
      %broadcast_in_dim3A_1758 = vector.shape_cast %xor3A_1757 : vector<16xi32> to vector<16x1xi32>
      %gather3A_1759 = vector.shape_cast %broadcast_in_dim3A_1758 : vector<16x1xi32> to vector<16xi32>
      %gather3A_1760 = tpu.dynamic_gather %add3A_1754[%gather3A_1759] in [0] : vector<16xf32>, vector<16xi32> -> vector<16xf32>
      %add3A_1761 = arith.addf %add3A_1754, %gather3A_1760 : vector<16xf32>
      %xor3A_1762 = arith.constant 8 : i32
      %xor3A_1763 = vector.broadcast %xor3A_1762 : i32 to vector<16xi32>
      %xor3A_1764 = arith.xori %iota3A, %xor3A_1763 : vector<16xi32>
      %broadcast_in_dim3A_1765 = vector.shape_cast %xor3A_1764 : vector<16xi32> to vector<16x1xi32>
      %gather3A_1766 = vector.shape_cast %broadcast_in_dim3A_1765 : vector<16x1xi32> to vector<16xi32>
      %gather3A_1767 = tpu.dynamic_gather %add3A_1761[%gather3A_1766] in [0] : vector<16xf32>, vector<16xi32> -> vector<16xf32>
      %add3A_1768 = arith.addf %add3A_1761, %gather3A_1767 : vector<16xf32>
      %gather3A_1769 = tpu.vector_load_idx %arg13[%add3A_1733, %add3A_1726] : memref<8x128xf32, #tpu.memory_space<vmem>>[vector<16xi32>, vector<16xi32>], vector<16xf32>,
      %gather3A_1770 = tpu.vector_load_idx %arg14[%add3A_1733, %add3A_1730] : memref<8x128xf32, #tpu.memory_space<vmem>>[vector<16xi32>, vector<16xi32>], vector<16xf32>,
      %add3A_1771 = arith.addf %add3A_1768, %gather3A_1769 : vector<16xf32>
      %add3A_1772 = arith.addf %add3A_1771, %gather3A_1770 : vector<16xf32>
      %eq3A_1773 = arith.constant 7 : i32
      %eq3A_1774 = vector.broadcast %eq3A_1773 : i32 to vector<16xi32>
      %eq3A_1775 = arith.cmpi eq, %iota3A, %eq3A_1774 : vector<16xi32>
      %select_n3A_1776 = arith.select %eq3A_1775, %add3A_1772, %select_n3A_1608 : vector<16xi1>, vector<16xf32>
      %slice3A_1777 = vector.extract_strided_slice %get3A_487 {offsets = [15], sizes = [1], strides = [1]} : vector<16xi32> to vector<1xi32>
      %squeeze3A_1778 = vector.extract %slice3A_1777[0] : i32 from vector<1xi32>
      %slice3A_1779 = vector.extract_strided_slice %get3A_489 {offsets = [15], sizes = [1], strides = [1]} : vector<16xi32> to vector<1xi32>
      %squeeze3A_1780 = vector.extract %slice3A_1779[0] : i32 from vector<1xi32>
      %shift_right_arithmetic3A_1781 = arith.constant 7 : i32
      %shift_right_arithmetic3A_1782 = arith.shrsi %squeeze3A_1778, %shift_right_arithmetic3A_1781 : i32
      %mul3A_1783 = arith.constant 128 : i32
      %mul3A_1784 = arith.muli %shift_right_arithmetic3A_1782, %mul3A_1783 : i32
      %multiple_of3A_1785 = tpu.assume_multiple %mul3A_1784, 128 : i32
      %shift_right_arithmetic3A_1786 = arith.constant 7 : i32
      %shift_right_arithmetic3A_1787 = arith.shrsi %squeeze3A_1780, %shift_right_arithmetic3A_1786 : i32
      %mul3A_1788 = arith.constant 128 : i32
      %mul3A_1789 = arith.muli %shift_right_arithmetic3A_1787, %mul3A_1788 : i32
      %multiple_of3A_1790 = tpu.assume_multiple %mul3A_1789, 128 : i32
      %dma_start3A_1791 = arith.constant 7 : i32
      %dma_start3A_1792 = arith.constant 0 : i32
      %dma_start3A_1793 = arith.constant 0 : i32
      %dma_start3A_1794 = tpu.memref_slice %arg11[%dma_start3A_1791, %dma_start3A_1792, %dma_start3A_1793] : memref<8x32x128xf32, #tpu.memory_space<vmem>> -> memref<1x32x128xf32, #tpu.memory_space<vmem>>
      %dma_start3A_1795 = tpu.memref_squeeze %dma_start3A_1794 : memref<1x32x128xf32, #tpu.memory_space<vmem>> -> memref<32x128xf32, #tpu.memory_space<vmem>>
      %dma_start3A_1796 = arith.constant 0 : i32
      %dma_start3A_1797 = tpu.memref_slice %arg4[%dma_start3A_1796, %multiple_of3A_1785] : memref<32x1000000xf32, #tpu.memory_space<hbm>> -> memref<32x128xf32, #tpu.memory_space<hbm>>
      %dma_start3A_1798 = arith.constant 0 : i32
      %dma_start3A_1799 = arith.constant 0 : i32
      %dma_start3A_1800 = tpu.memref_slice %arg11[%dma_start3A_1791, %dma_start3A_1798, %dma_start3A_1799] : memref<8x32x128xf32, #tpu.memory_space<vmem>> -> memref<1x32x128xf32, #tpu.memory_space<vmem>>
      %dma_start3A_1801 = tpu.memref_squeeze %dma_start3A_1800 : memref<1x32x128xf32, #tpu.memory_space<vmem>> -> memref<32x128xf32, #tpu.memory_space<vmem>>
      %dma_start3A_1802 = arith.constant 0 : i32
      %dma_start3A_1803 = tpu.memref_slice %arg4[%dma_start3A_1802, %multiple_of3A_1785] : memref<32x1000000xf32, #tpu.memory_space<hbm>> -> memref<32x128xf32, #tpu.memory_space<hbm>>
      tpu.enqueue_dma source(%dma_start3A_1803 : memref<32x128xf32, #tpu.memory_space<hbm>>) target(%dma_start3A_1801 : memref<32x128xf32, #tpu.memory_space<vmem>>) target_semaphore(%arg16 : memref<!tpu.dma_semaphore, #tpu.memory_space<semaphore_mem>>)
      %dma_start3A_1804 = arith.constant 7 : i32
      %dma_start3A_1805 = arith.constant 0 : i32
      %dma_start3A_1806 = arith.constant 0 : i32
      %dma_start3A_1807 = tpu.memref_slice %arg12[%dma_start3A_1804, %dma_start3A_1805, %dma_start3A_1806] : memref<8x32x128xf32, #tpu.memory_space<vmem>> -> memref<1x32x128xf32, #tpu.memory_space<vmem>>
      %dma_start3A_1808 = tpu.memref_squeeze %dma_start3A_1807 : memref<1x32x128xf32, #tpu.memory_space<vmem>> -> memref<32x128xf32, #tpu.memory_space<vmem>>
      %dma_start3A_1809 = arith.constant 0 : i32
      %dma_start3A_1810 = tpu.memref_slice %arg5[%dma_start3A_1809, %multiple_of3A_1790] : memref<32x1000000xf32, #tpu.memory_space<hbm>> -> memref<32x128xf32, #tpu.memory_space<hbm>>
      %dma_start3A_1811 = arith.constant 0 : i32
      %dma_start3A_1812 = arith.constant 0 : i32
      %dma_start3A_1813 = tpu.memref_slice %arg12[%dma_start3A_1804, %dma_start3A_1811, %dma_start3A_1812] : memref<8x32x128xf32, #tpu.memory_space<vmem>> -> memref<1x32x128xf32, #tpu.memory_space<vmem>>
      %dma_start3A_1814 = tpu.memref_squeeze %dma_start3A_1813 : memref<1x32x128xf32, #tpu.memory_space<vmem>> -> memref<32x128xf32, #tpu.memory_space<vmem>>
      %dma_start3A_1815 = arith.constant 0 : i32
      %dma_start3A_1816 = tpu.memref_slice %arg5[%dma_start3A_1815, %multiple_of3A_1790] : memref<32x1000000xf32, #tpu.memory_space<hbm>> -> memref<32x128xf32, #tpu.memory_space<hbm>>
      tpu.enqueue_dma source(%dma_start3A_1816 : memref<32x128xf32, #tpu.memory_space<hbm>>) target(%dma_start3A_1814 : memref<32x128xf32, #tpu.memory_space<vmem>>) target_semaphore(%arg17 : memref<!tpu.dma_semaphore, #tpu.memory_space<semaphore_mem>>)
      %dma_start3A_1817 = arith.constant 7 : i32
      %dma_start3A_1818 = arith.constant 0 : i32
      %dma_start3A_1819 = tpu.memref_slice %arg13[%dma_start3A_1817, %dma_start3A_1818] : memref<8x128xf32, #tpu.memory_space<vmem>> -> memref<1x128xf32, #tpu.memory_space<vmem>>
      %dma_start3A_1820 = tpu.memref_squeeze %dma_start3A_1819 : memref<1x128xf32, #tpu.memory_space<vmem>> -> memref<128xf32, #tpu.memory_space<vmem>>
      %dma_start3A_1821 = tpu.memref_slice %arg6[%multiple_of3A_1785] : memref<1000000xf32, #tpu.memory_space<hbm>> -> memref<128xf32, #tpu.memory_space<hbm>>
      %dma_start3A_1822 = arith.constant 0 : i32
      %dma_start3A_1823 = tpu.memref_slice %arg13[%dma_start3A_1817, %dma_start3A_1822] : memref<8x128xf32, #tpu.memory_space<vmem>> -> memref<1x128xf32, #tpu.memory_space<vmem>>
      %dma_start3A_1824 = tpu.memref_squeeze %dma_start3A_1823 : memref<1x128xf32, #tpu.memory_space<vmem>> -> memref<128xf32, #tpu.memory_space<vmem>>
      %dma_start3A_1825 = tpu.memref_slice %arg6[%multiple_of3A_1785] : memref<1000000xf32, #tpu.memory_space<hbm>> -> memref<128xf32, #tpu.memory_space<hbm>>
      tpu.enqueue_dma source(%dma_start3A_1825 : memref<128xf32, #tpu.memory_space<hbm>>) target(%dma_start3A_1824 : memref<128xf32, #tpu.memory_space<vmem>>) target_semaphore(%arg18 : memref<!tpu.dma_semaphore, #tpu.memory_space<semaphore_mem>>)
      %dma_start3A_1826 = arith.constant 7 : i32
      %dma_start3A_1827 = arith.constant 0 : i32
      %dma_start3A_1828 = tpu.memref_slice %arg14[%dma_start3A_1826, %dma_start3A_1827] : memref<8x128xf32, #tpu.memory_space<vmem>> -> memref<1x128xf32, #tpu.memory_space<vmem>>
      %dma_start3A_1829 = tpu.memref_squeeze %dma_start3A_1828 : memref<1x128xf32, #tpu.memory_space<vmem>> -> memref<128xf32, #tpu.memory_space<vmem>>
      %dma_start3A_1830 = tpu.memref_slice %arg7[%multiple_of3A_1790] : memref<1000000xf32, #tpu.memory_space<hbm>> -> memref<128xf32, #tpu.memory_space<hbm>>
      %dma_start3A_1831 = arith.constant 0 : i32
      %dma_start3A_1832 = tpu.memref_slice %arg14[%dma_start3A_1826, %dma_start3A_1831] : memref<8x128xf32, #tpu.memory_space<vmem>> -> memref<1x128xf32, #tpu.memory_space<vmem>>
      %dma_start3A_1833 = tpu.memref_squeeze %dma_start3A_1832 : memref<1x128xf32, #tpu.memory_space<vmem>> -> memref<128xf32, #tpu.memory_space<vmem>>
      %dma_start3A_1834 = tpu.memref_slice %arg7[%multiple_of3A_1790] : memref<1000000xf32, #tpu.memory_space<hbm>> -> memref<128xf32, #tpu.memory_space<hbm>>
      tpu.enqueue_dma source(%dma_start3A_1834 : memref<128xf32, #tpu.memory_space<hbm>>) target(%dma_start3A_1833 : memref<128xf32, #tpu.memory_space<vmem>>) target_semaphore(%arg19 : memref<!tpu.dma_semaphore, #tpu.memory_space<semaphore_mem>>)
      %dma_wait3A_1835 = arith.constant 0 : i32
      %dma_wait3A_1836 = arith.constant 0 : i32
      %dma_wait3A_1837 = arith.constant 0 : i32
      %dma_wait3A_1838 = tpu.memref_slice %arg11[%dma_wait3A_1835, %dma_wait3A_1836, %dma_wait3A_1837] : memref<8x32x128xf32, #tpu.memory_space<vmem>> -> memref<1x32x128xf32, #tpu.memory_space<vmem>>
      %dma_wait3A_1839 = tpu.memref_squeeze %dma_wait3A_1838 : memref<1x32x128xf32, #tpu.memory_space<vmem>> -> memref<32x128xf32, #tpu.memory_space<vmem>>
      %dma_wait3A_1840 = arith.constant 0 : i32
      %dma_wait3A_1841 = arith.constant 0 : i32
      %dma_wait3A_1842 = tpu.memref_slice %arg4[%dma_wait3A_1840, %dma_wait3A_1841] : memref<32x1000000xf32, #tpu.memory_space<hbm>> -> memref<32x128xf32, #tpu.memory_space<hbm>>
      %dma_wait3A_1843 = arith.constant 0 : i32
      %dma_wait3A_1844 = arith.constant 0 : i32
      %dma_wait3A_1845 = tpu.memref_slice %arg11[%dma_wait3A_1835, %dma_wait3A_1843, %dma_wait3A_1844] : memref<8x32x128xf32, #tpu.memory_space<vmem>> -> memref<1x32x128xf32, #tpu.memory_space<vmem>>
      %dma_wait3A_1846 = tpu.memref_squeeze %dma_wait3A_1845 : memref<1x32x128xf32, #tpu.memory_space<vmem>> -> memref<32x128xf32, #tpu.memory_space<vmem>>
      %dma_wait3A_1847 = arith.constant 0 : i32
      %dma_wait3A_1848 = arith.constant 0 : i32
      %dma_wait3A_1849 = tpu.memref_slice %arg4[%dma_wait3A_1847, %dma_wait3A_1848] : memref<32x1000000xf32, #tpu.memory_space<hbm>> -> memref<32x128xf32, #tpu.memory_space<hbm>>
      tpu.wait_dma2 semaphore(%arg16 : memref<!tpu.dma_semaphore, #tpu.memory_space<semaphore_mem>>) src(%dma_wait3A_1849 : memref<32x128xf32, #tpu.memory_space<hbm>>) dst(%dma_wait3A_1846 : memref<32x128xf32, #tpu.memory_space<vmem>>)
      %dma_wait3A_1850 = arith.constant 0 : i32
      %dma_wait3A_1851 = arith.constant 0 : i32
      %dma_wait3A_1852 = arith.constant 0 : i32
      %dma_wait3A_1853 = tpu.memref_slice %arg12[%dma_wait3A_1850, %dma_wait3A_1851, %dma_wait3A_1852] : memref<8x32x128xf32, #tpu.memory_space<vmem>> -> memref<1x32x128xf32, #tpu.memory_space<vmem>>
      %dma_wait3A_1854 = tpu.memref_squeeze %dma_wait3A_1853 : memref<1x32x128xf32, #tpu.memory_space<vmem>> -> memref<32x128xf32, #tpu.memory_space<vmem>>
      %dma_wait3A_1855 = arith.constant 0 : i32
      %dma_wait3A_1856 = arith.constant 0 : i32
      %dma_wait3A_1857 = tpu.memref_slice %arg5[%dma_wait3A_1855, %dma_wait3A_1856] : memref<32x1000000xf32, #tpu.memory_space<hbm>> -> memref<32x128xf32, #tpu.memory_space<hbm>>
      %dma_wait3A_1858 = arith.constant 0 : i32
      %dma_wait3A_1859 = arith.constant 0 : i32
      %dma_wait3A_1860 = tpu.memref_slice %arg12[%dma_wait3A_1850, %dma_wait3A_1858, %dma_wait3A_1859] : memref<8x32x128xf32, #tpu.memory_space<vmem>> -> memref<1x32x128xf32, #tpu.memory_space<vmem>>
      %dma_wait3A_1861 = tpu.memref_squeeze %dma_wait3A_1860 : memref<1x32x128xf32, #tpu.memory_space<vmem>> -> memref<32x128xf32, #tpu.memory_space<vmem>>
      %dma_wait3A_1862 = arith.constant 0 : i32
      %dma_wait3A_1863 = arith.constant 0 : i32
      %dma_wait3A_1864 = tpu.memref_slice %arg5[%dma_wait3A_1862, %dma_wait3A_1863] : memref<32x1000000xf32, #tpu.memory_space<hbm>> -> memref<32x128xf32, #tpu.memory_space<hbm>>
      tpu.wait_dma2 semaphore(%arg17 : memref<!tpu.dma_semaphore, #tpu.memory_space<semaphore_mem>>) src(%dma_wait3A_1864 : memref<32x128xf32, #tpu.memory_space<hbm>>) dst(%dma_wait3A_1861 : memref<32x128xf32, #tpu.memory_space<vmem>>)
      %dma_wait3A_1865 = arith.constant 0 : i32
      %dma_wait3A_1866 = arith.constant 0 : i32
      %dma_wait3A_1867 = tpu.memref_slice %arg13[%dma_wait3A_1865, %dma_wait3A_1866] : memref<8x128xf32, #tpu.memory_space<vmem>> -> memref<1x128xf32, #tpu.memory_space<vmem>>
      %dma_wait3A_1868 = tpu.memref_squeeze %dma_wait3A_1867 : memref<1x128xf32, #tpu.memory_space<vmem>> -> memref<128xf32, #tpu.memory_space<vmem>>
      %dma_wait3A_1869 = arith.constant 0 : i32
      %dma_wait3A_1870 = tpu.memref_slice %arg6[%dma_wait3A_1869] : memref<1000000xf32, #tpu.memory_space<hbm>> -> memref<128xf32, #tpu.memory_space<hbm>>
      %dma_wait3A_1871 = arith.constant 0 : i32
      %dma_wait3A_1872 = tpu.memref_slice %arg13[%dma_wait3A_1865, %dma_wait3A_1871] : memref<8x128xf32, #tpu.memory_space<vmem>> -> memref<1x128xf32, #tpu.memory_space<vmem>>
      %dma_wait3A_1873 = tpu.memref_squeeze %dma_wait3A_1872 : memref<1x128xf32, #tpu.memory_space<vmem>> -> memref<128xf32, #tpu.memory_space<vmem>>
      %dma_wait3A_1874 = arith.constant 0 : i32
      %dma_wait3A_1875 = tpu.memref_slice %arg6[%dma_wait3A_1874] : memref<1000000xf32, #tpu.memory_space<hbm>> -> memref<128xf32, #tpu.memory_space<hbm>>
      tpu.wait_dma2 semaphore(%arg18 : memref<!tpu.dma_semaphore, #tpu.memory_space<semaphore_mem>>) src(%dma_wait3A_1875 : memref<128xf32, #tpu.memory_space<hbm>>) dst(%dma_wait3A_1873 : memref<128xf32, #tpu.memory_space<vmem>>)
      %dma_wait3A_1876 = arith.constant 0 : i32
      %dma_wait3A_1877 = arith.constant 0 : i32
      %dma_wait3A_1878 = tpu.memref_slice %arg14[%dma_wait3A_1876, %dma_wait3A_1877] : memref<8x128xf32, #tpu.memory_space<vmem>> -> memref<1x128xf32, #tpu.memory_space<vmem>>
      %dma_wait3A_1879 = tpu.memref_squeeze %dma_wait3A_1878 : memref<1x128xf32, #tpu.memory_space<vmem>> -> memref<128xf32, #tpu.memory_space<vmem>>
      %dma_wait3A_1880 = arith.constant 0 : i32
      %dma_wait3A_1881 = tpu.memref_slice %arg7[%dma_wait3A_1880] : memref<1000000xf32, #tpu.memory_space<hbm>> -> memref<128xf32, #tpu.memory_space<hbm>>
      %dma_wait3A_1882 = arith.constant 0 : i32
      %dma_wait3A_1883 = tpu.memref_slice %arg14[%dma_wait3A_1876, %dma_wait3A_1882] : memref<8x128xf32, #tpu.memory_space<vmem>> -> memref<1x128xf32, #tpu.memory_space<vmem>>
      %dma_wait3A_1884 = tpu.memref_squeeze %dma_wait3A_1883 : memref<1x128xf32, #tpu.memory_space<vmem>> -> memref<128xf32, #tpu.memory_space<vmem>>
      %dma_wait3A_1885 = arith.constant 0 : i32
      %dma_wait3A_1886 = tpu.memref_slice %arg7[%dma_wait3A_1885] : memref<1000000xf32, #tpu.memory_space<hbm>> -> memref<128xf32, #tpu.memory_space<hbm>>
      tpu.wait_dma2 semaphore(%arg19 : memref<!tpu.dma_semaphore, #tpu.memory_space<semaphore_mem>>) src(%dma_wait3A_1886 : memref<128xf32, #tpu.memory_space<hbm>>) dst(%dma_wait3A_1884 : memref<128xf32, #tpu.memory_space<vmem>>)
      %slice3A_1887 = vector.extract_strided_slice %get3A_487 {offsets = [8], sizes = [1], strides = [1]} : vector<16xi32> to vector<1xi32>
      %squeeze3A_1888 = vector.extract %slice3A_1887[0] : i32 from vector<1xi32>
      %slice3A_1889 = vector.extract_strided_slice %get3A_489 {offsets = [8], sizes = [1], strides = [1]} : vector<16xi32> to vector<1xi32>
      %squeeze3A_1890 = vector.extract %slice3A_1889[0] : i32 from vector<1xi32>
      %and3A_1891 = arith.constant 127 : i32
      %and3A_1892 = arith.andi %squeeze3A_1888, %and3A_1891 : i32
      %add3A_1893 = vector.broadcast %and3A_1892 : i32 to vector<16xi32>
      %add3A_1894 = arith.addi %broadcast_in_dim3A_6, %add3A_1893 : vector<16xi32>
      %and3A_1895 = arith.constant 127 : i32
      %and3A_1896 = arith.andi %squeeze3A_1890, %and3A_1895 : i32
      %add3A_1897 = vector.broadcast %and3A_1896 : i32 to vector<16xi32>
      %add3A_1898 = arith.addi %broadcast_in_dim3A_6, %add3A_1897 : vector<16xi32>
      %add3A_1899 = arith.constant 0 : i32
      %add3A_1900 = vector.broadcast %add3A_1899 : i32 to vector<16xi32>
      %add3A_1901 = arith.addi %broadcast_in_dim3A_6, %add3A_1900 : vector<16xi32>
      %gather3A_1902 = tpu.vector_load_idx %arg11[%add3A_1901, %iota3A, %add3A_1894] : memref<8x32x128xf32, #tpu.memory_space<vmem>>[vector<16xi32>, vector<16xi32>, vector<16xi32>], vector<16xf32>,
      %gather3A_1903 = tpu.vector_load_idx %arg11[%add3A_1901, %add3A_5, %add3A_1894] : memref<8x32x128xf32, #tpu.memory_space<vmem>>[vector<16xi32>, vector<16xi32>, vector<16xi32>], vector<16xf32>,
      %gather3A_1904 = tpu.vector_load_idx %arg12[%add3A_1901, %iota3A, %add3A_1898] : memref<8x32x128xf32, #tpu.memory_space<vmem>>[vector<16xi32>, vector<16xi32>, vector<16xi32>], vector<16xf32>,
      %gather3A_1905 = tpu.vector_load_idx %arg12[%add3A_1901, %add3A_5, %add3A_1898] : memref<8x32x128xf32, #tpu.memory_space<vmem>>[vector<16xi32>, vector<16xi32>, vector<16xi32>], vector<16xf32>,
      %mul3A_1906 = arith.mulf %gather3A_1902, %gather3A_1904 : vector<16xf32>
      %mul3A_1907 = arith.mulf %gather3A_1903, %gather3A_1905 : vector<16xf32>
      %add3A_1908 = arith.addf %mul3A_1906, %mul3A_1907 : vector<16xf32>
      %xor3A_1909 = arith.constant 1 : i32
      %xor3A_1910 = vector.broadcast %xor3A_1909 : i32 to vector<16xi32>
      %xor3A_1911 = arith.xori %iota3A, %xor3A_1910 : vector<16xi32>
      %broadcast_in_dim3A_1912 = vector.shape_cast %xor3A_1911 : vector<16xi32> to vector<16x1xi32>
      %gather3A_1913 = vector.shape_cast %broadcast_in_dim3A_1912 : vector<16x1xi32> to vector<16xi32>
      %gather3A_1914 = tpu.dynamic_gather %add3A_1908[%gather3A_1913] in [0] : vector<16xf32>, vector<16xi32> -> vector<16xf32>
      %add3A_1915 = arith.addf %add3A_1908, %gather3A_1914 : vector<16xf32>
      %xor3A_1916 = arith.constant 2 : i32
      %xor3A_1917 = vector.broadcast %xor3A_1916 : i32 to vector<16xi32>
      %xor3A_1918 = arith.xori %iota3A, %xor3A_1917 : vector<16xi32>
      %broadcast_in_dim3A_1919 = vector.shape_cast %xor3A_1918 : vector<16xi32> to vector<16x1xi32>
      %gather3A_1920 = vector.shape_cast %broadcast_in_dim3A_1919 : vector<16x1xi32> to vector<16xi32>
      %gather3A_1921 = tpu.dynamic_gather %add3A_1915[%gather3A_1920] in [0] : vector<16xf32>, vector<16xi32> -> vector<16xf32>
      %add3A_1922 = arith.addf %add3A_1915, %gather3A_1921 : vector<16xf32>
      %xor3A_1923 = arith.constant 4 : i32
      %xor3A_1924 = vector.broadcast %xor3A_1923 : i32 to vector<16xi32>
      %xor3A_1925 = arith.xori %iota3A, %xor3A_1924 : vector<16xi32>
      %broadcast_in_dim3A_1926 = vector.shape_cast %xor3A_1925 : vector<16xi32> to vector<16x1xi32>
      %gather3A_1927 = vector.shape_cast %broadcast_in_dim3A_1926 : vector<16x1xi32> to vector<16xi32>
      %gather3A_1928 = tpu.dynamic_gather %add3A_1922[%gather3A_1927] in [0] : vector<16xf32>, vector<16xi32> -> vector<16xf32>
      %add3A_1929 = arith.addf %add3A_1922, %gather3A_1928 : vector<16xf32>
      %xor3A_1930 = arith.constant 8 : i32
      %xor3A_1931 = vector.broadcast %xor3A_1930 : i32 to vector<16xi32>
      %xor3A_1932 = arith.xori %iota3A, %xor3A_1931 : vector<16xi32>
      %broadcast_in_dim3A_1933 = vector.shape_cast %xor3A_1932 : vector<16xi32> to vector<16x1xi32>
      %gather3A_1934 = vector.shape_cast %broadcast_in_dim3A_1933 : vector<16x1xi32> to vector<16xi32>
      %gather3A_1935 = tpu.dynamic_gather %add3A_1929[%gather3A_1934] in [0] : vector<16xf32>, vector<16xi32> -> vector<16xf32>
      %add3A_1936 = arith.addf %add3A_1929, %gather3A_1935 : vector<16xf32>
      %gather3A_1937 = tpu.vector_load_idx %arg13[%add3A_1901, %add3A_1894] : memref<8x128xf32, #tpu.memory_space<vmem>>[vector<16xi32>, vector<16xi32>], vector<16xf32>,
      %gather3A_1938 = tpu.vector_load_idx %arg14[%add3A_1901, %add3A_1898] : memref<8x128xf32, #tpu.memory_space<vmem>>[vector<16xi32>, vector<16xi32>], vector<16xf32>,
      %add3A_1939 = arith.addf %add3A_1936, %gather3A_1937 : vector<16xf32>
      %add3A_1940 = arith.addf %add3A_1939, %gather3A_1938 : vector<16xf32>
      %eq3A_1941 = arith.constant 8 : i32
      %eq3A_1942 = vector.broadcast %eq3A_1941 : i32 to vector<16xi32>
      %eq3A_1943 = arith.cmpi eq, %iota3A, %eq3A_1942 : vector<16xi32>
      %select_n3A_1944 = arith.select %eq3A_1943, %add3A_1940, %select_n3A_1776 : vector<16xi1>, vector<16xf32>
      %add3A_1945 = arith.constant 1 : i32
      %add3A_1946 = arith.addi %scan3A_474, %add3A_1945 : i32
      %lt3A_1947 = arith.constant 32 : i32
      %lt3A_1948 = arith.cmpi slt, %add3A_1946, %lt3A_1947 : i32
      %convert_element_type3A = arith.extui %lt3A_1948 : i1 to i32
      %cond3A = arith.constant 0 : i32
      %cond3A_1949 = arith.cmpi ne, %convert_element_type3A, %cond3A : i32
      scf.if %cond3A_1949 {
        %slice3A_2770 = vector.extract_strided_slice %get3A_491 {offsets = [0], sizes = [1], strides = [1]} : vector<16xi32> to vector<1xi32>
        %squeeze3A_2771 = vector.extract %slice3A_2770[0] : i32 from vector<1xi32>
        %slice3A_2772 = vector.extract_strided_slice %get3A_493 {offsets = [0], sizes = [1], strides = [1]} : vector<16xi32> to vector<1xi32>
        %squeeze3A_2773 = vector.extract %slice3A_2772[0] : i32 from vector<1xi32>
        %shift_right_arithmetic3A_2774 = arith.constant 7 : i32
        %shift_right_arithmetic3A_2775 = arith.shrsi %squeeze3A_2771, %shift_right_arithmetic3A_2774 : i32
        %mul3A_2776 = arith.constant 128 : i32
        %mul3A_2777 = arith.muli %shift_right_arithmetic3A_2775, %mul3A_2776 : i32
        %multiple_of3A_2778 = tpu.assume_multiple %mul3A_2777, 128 : i32
        %shift_right_arithmetic3A_2779 = arith.constant 7 : i32
        %shift_right_arithmetic3A_2780 = arith.shrsi %squeeze3A_2773, %shift_right_arithmetic3A_2779 : i32
        %mul3A_2781 = arith.constant 128 : i32
        %mul3A_2782 = arith.muli %shift_right_arithmetic3A_2780, %mul3A_2781 : i32
        %multiple_of3A_2783 = tpu.assume_multiple %mul3A_2782, 128 : i32
        %dma_start3A_2784 = arith.constant 0 : i32
        %dma_start3A_2785 = arith.constant 0 : i32
        %dma_start3A_2786 = arith.constant 0 : i32
        %dma_start3A_2787 = tpu.memref_slice %arg11[%dma_start3A_2784, %dma_start3A_2785, %dma_start3A_2786] : memref<8x32x128xf32, #tpu.memory_space<vmem>> -> memref<1x32x128xf32, #tpu.memory_space<vmem>>
        %dma_start3A_2788 = tpu.memref_squeeze %dma_start3A_2787 : memref<1x32x128xf32, #tpu.memory_space<vmem>> -> memref<32x128xf32, #tpu.memory_space<vmem>>
        %dma_start3A_2789 = arith.constant 0 : i32
        %dma_start3A_2790 = tpu.memref_slice %arg4[%dma_start3A_2789, %multiple_of3A_2778] : memref<32x1000000xf32, #tpu.memory_space<hbm>> -> memref<32x128xf32, #tpu.memory_space<hbm>>
        %dma_start3A_2791 = arith.constant 0 : i32
        %dma_start3A_2792 = arith.constant 0 : i32
        %dma_start3A_2793 = tpu.memref_slice %arg11[%dma_start3A_2784, %dma_start3A_2791, %dma_start3A_2792] : memref<8x32x128xf32, #tpu.memory_space<vmem>> -> memref<1x32x128xf32, #tpu.memory_space<vmem>>
        %dma_start3A_2794 = tpu.memref_squeeze %dma_start3A_2793 : memref<1x32x128xf32, #tpu.memory_space<vmem>> -> memref<32x128xf32, #tpu.memory_space<vmem>>
        %dma_start3A_2795 = arith.constant 0 : i32
        %dma_start3A_2796 = tpu.memref_slice %arg4[%dma_start3A_2795, %multiple_of3A_2778] : memref<32x1000000xf32, #tpu.memory_space<hbm>> -> memref<32x128xf32, #tpu.memory_space<hbm>>
        tpu.enqueue_dma source(%dma_start3A_2796 : memref<32x128xf32, #tpu.memory_space<hbm>>) target(%dma_start3A_2794 : memref<32x128xf32, #tpu.memory_space<vmem>>) target_semaphore(%arg16 : memref<!tpu.dma_semaphore, #tpu.memory_space<semaphore_mem>>)
        %dma_start3A_2797 = arith.constant 0 : i32
        %dma_start3A_2798 = arith.constant 0 : i32
        %dma_start3A_2799 = arith.constant 0 : i32
        %dma_start3A_2800 = tpu.memref_slice %arg12[%dma_start3A_2797, %dma_start3A_2798, %dma_start3A_2799] : memref<8x32x128xf32, #tpu.memory_space<vmem>> -> memref<1x32x128xf32, #tpu.memory_space<vmem>>
        %dma_start3A_2801 = tpu.memref_squeeze %dma_start3A_2800 : memref<1x32x128xf32, #tpu.memory_space<vmem>> -> memref<32x128xf32, #tpu.memory_space<vmem>>
        %dma_start3A_2802 = arith.constant 0 : i32
        %dma_start3A_2803 = tpu.memref_slice %arg5[%dma_start3A_2802, %multiple_of3A_2783] : memref<32x1000000xf32, #tpu.memory_space<hbm>> -> memref<32x128xf32, #tpu.memory_space<hbm>>
        %dma_start3A_2804 = arith.constant 0 : i32
        %dma_start3A_2805 = arith.constant 0 : i32
        %dma_start3A_2806 = tpu.memref_slice %arg12[%dma_start3A_2797, %dma_start3A_2804, %dma_start3A_2805] : memref<8x32x128xf32, #tpu.memory_space<vmem>> -> memref<1x32x128xf32, #tpu.memory_space<vmem>>
        %dma_start3A_2807 = tpu.memref_squeeze %dma_start3A_2806 : memref<1x32x128xf32, #tpu.memory_space<vmem>> -> memref<32x128xf32, #tpu.memory_space<vmem>>
        %dma_start3A_2808 = arith.constant 0 : i32
        %dma_start3A_2809 = tpu.memref_slice %arg5[%dma_start3A_2808, %multiple_of3A_2783] : memref<32x1000000xf32, #tpu.memory_space<hbm>> -> memref<32x128xf32, #tpu.memory_space<hbm>>
        tpu.enqueue_dma source(%dma_start3A_2809 : memref<32x128xf32, #tpu.memory_space<hbm>>) target(%dma_start3A_2807 : memref<32x128xf32, #tpu.memory_space<vmem>>) target_semaphore(%arg17 : memref<!tpu.dma_semaphore, #tpu.memory_space<semaphore_mem>>)
        %dma_start3A_2810 = arith.constant 0 : i32
        %dma_start3A_2811 = arith.constant 0 : i32
        %dma_start3A_2812 = tpu.memref_slice %arg13[%dma_start3A_2810, %dma_start3A_2811] : memref<8x128xf32, #tpu.memory_space<vmem>> -> memref<1x128xf32, #tpu.memory_space<vmem>>
        %dma_start3A_2813 = tpu.memref_squeeze %dma_start3A_2812 : memref<1x128xf32, #tpu.memory_space<vmem>> -> memref<128xf32, #tpu.memory_space<vmem>>
        %dma_start3A_2814 = tpu.memref_slice %arg6[%multiple_of3A_2778] : memref<1000000xf32, #tpu.memory_space<hbm>> -> memref<128xf32, #tpu.memory_space<hbm>>
        %dma_start3A_2815 = arith.constant 0 : i32
        %dma_start3A_2816 = tpu.memref_slice %arg13[%dma_start3A_2810, %dma_start3A_2815] : memref<8x128xf32, #tpu.memory_space<vmem>> -> memref<1x128xf32, #tpu.memory_space<vmem>>
        %dma_start3A_2817 = tpu.memref_squeeze %dma_start3A_2816 : memref<1x128xf32, #tpu.memory_space<vmem>> -> memref<128xf32, #tpu.memory_space<vmem>>
        %dma_start3A_2818 = tpu.memref_slice %arg6[%multiple_of3A_2778] : memref<1000000xf32, #tpu.memory_space<hbm>> -> memref<128xf32, #tpu.memory_space<hbm>>
        tpu.enqueue_dma source(%dma_start3A_2818 : memref<128xf32, #tpu.memory_space<hbm>>) target(%dma_start3A_2817 : memref<128xf32, #tpu.memory_space<vmem>>) target_semaphore(%arg18 : memref<!tpu.dma_semaphore, #tpu.memory_space<semaphore_mem>>)
        %dma_start3A_2819 = arith.constant 0 : i32
        %dma_start3A_2820 = arith.constant 0 : i32
        %dma_start3A_2821 = tpu.memref_slice %arg14[%dma_start3A_2819, %dma_start3A_2820] : memref<8x128xf32, #tpu.memory_space<vmem>> -> memref<1x128xf32, #tpu.memory_space<vmem>>
        %dma_start3A_2822 = tpu.memref_squeeze %dma_start3A_2821 : memref<1x128xf32, #tpu.memory_space<vmem>> -> memref<128xf32, #tpu.memory_space<vmem>>
        %dma_start3A_2823 = tpu.memref_slice %arg7[%multiple_of3A_2783] : memref<1000000xf32, #tpu.memory_space<hbm>> -> memref<128xf32, #tpu.memory_space<hbm>>
        %dma_start3A_2824 = arith.constant 0 : i32
        %dma_start3A_2825 = tpu.memref_slice %arg14[%dma_start3A_2819, %dma_start3A_2824] : memref<8x128xf32, #tpu.memory_space<vmem>> -> memref<1x128xf32, #tpu.memory_space<vmem>>
        %dma_start3A_2826 = tpu.memref_squeeze %dma_start3A_2825 : memref<1x128xf32, #tpu.memory_space<vmem>> -> memref<128xf32, #tpu.memory_space<vmem>>
        %dma_start3A_2827 = tpu.memref_slice %arg7[%multiple_of3A_2783] : memref<1000000xf32, #tpu.memory_space<hbm>> -> memref<128xf32, #tpu.memory_space<hbm>>
        tpu.enqueue_dma source(%dma_start3A_2827 : memref<128xf32, #tpu.memory_space<hbm>>) target(%dma_start3A_2826 : memref<128xf32, #tpu.memory_space<vmem>>) target_semaphore(%arg19 : memref<!tpu.dma_semaphore, #tpu.memory_space<semaphore_mem>>)
      } else {
      }
      %dma_wait3A_1950 = arith.constant 1 : i32
      %dma_wait3A_1951 = arith.constant 0 : i32
      %dma_wait3A_1952 = arith.constant 0 : i32
      %dma_wait3A_1953 = tpu.memref_slice %arg11[%dma_wait3A_1950, %dma_wait3A_1951, %dma_wait3A_1952] : memref<8x32x128xf32, #tpu.memory_space<vmem>> -> memref<1x32x128xf32, #tpu.memory_space<vmem>>
      %dma_wait3A_1954 = tpu.memref_squeeze %dma_wait3A_1953 : memref<1x32x128xf32, #tpu.memory_space<vmem>> -> memref<32x128xf32, #tpu.memory_space<vmem>>
      %dma_wait3A_1955 = arith.constant 0 : i32
      %dma_wait3A_1956 = arith.constant 0 : i32
      %dma_wait3A_1957 = tpu.memref_slice %arg4[%dma_wait3A_1955, %dma_wait3A_1956] : memref<32x1000000xf32, #tpu.memory_space<hbm>> -> memref<32x128xf32, #tpu.memory_space<hbm>>
      %dma_wait3A_1958 = arith.constant 0 : i32
      %dma_wait3A_1959 = arith.constant 0 : i32
      %dma_wait3A_1960 = tpu.memref_slice %arg11[%dma_wait3A_1950, %dma_wait3A_1958, %dma_wait3A_1959] : memref<8x32x128xf32, #tpu.memory_space<vmem>> -> memref<1x32x128xf32, #tpu.memory_space<vmem>>
      %dma_wait3A_1961 = tpu.memref_squeeze %dma_wait3A_1960 : memref<1x32x128xf32, #tpu.memory_space<vmem>> -> memref<32x128xf32, #tpu.memory_space<vmem>>
      %dma_wait3A_1962 = arith.constant 0 : i32
      %dma_wait3A_1963 = arith.constant 0 : i32
      %dma_wait3A_1964 = tpu.memref_slice %arg4[%dma_wait3A_1962, %dma_wait3A_1963] : memref<32x1000000xf32, #tpu.memory_space<hbm>> -> memref<32x128xf32, #tpu.memory_space<hbm>>
      tpu.wait_dma2 semaphore(%arg16 : memref<!tpu.dma_semaphore, #tpu.memory_space<semaphore_mem>>) src(%dma_wait3A_1964 : memref<32x128xf32, #tpu.memory_space<hbm>>) dst(%dma_wait3A_1961 : memref<32x128xf32, #tpu.memory_space<vmem>>)
      %dma_wait3A_1965 = arith.constant 1 : i32
      %dma_wait3A_1966 = arith.constant 0 : i32
      %dma_wait3A_1967 = arith.constant 0 : i32
      %dma_wait3A_1968 = tpu.memref_slice %arg12[%dma_wait3A_1965, %dma_wait3A_1966, %dma_wait3A_1967] : memref<8x32x128xf32, #tpu.memory_space<vmem>> -> memref<1x32x128xf32, #tpu.memory_space<vmem>>
      %dma_wait3A_1969 = tpu.memref_squeeze %dma_wait3A_1968 : memref<1x32x128xf32, #tpu.memory_space<vmem>> -> memref<32x128xf32, #tpu.memory_space<vmem>>
      %dma_wait3A_1970 = arith.constant 0 : i32
      %dma_wait3A_1971 = arith.constant 0 : i32
      %dma_wait3A_1972 = tpu.memref_slice %arg5[%dma_wait3A_1970, %dma_wait3A_1971] : memref<32x1000000xf32, #tpu.memory_space<hbm>> -> memref<32x128xf32, #tpu.memory_space<hbm>>
      %dma_wait3A_1973 = arith.constant 0 : i32
      %dma_wait3A_1974 = arith.constant 0 : i32
      %dma_wait3A_1975 = tpu.memref_slice %arg12[%dma_wait3A_1965, %dma_wait3A_1973, %dma_wait3A_1974] : memref<8x32x128xf32, #tpu.memory_space<vmem>> -> memref<1x32x128xf32, #tpu.memory_space<vmem>>
      %dma_wait3A_1976 = tpu.memref_squeeze %dma_wait3A_1975 : memref<1x32x128xf32, #tpu.memory_space<vmem>> -> memref<32x128xf32, #tpu.memory_space<vmem>>
      %dma_wait3A_1977 = arith.constant 0 : i32
      %dma_wait3A_1978 = arith.constant 0 : i32
      %dma_wait3A_1979 = tpu.memref_slice %arg5[%dma_wait3A_1977, %dma_wait3A_1978] : memref<32x1000000xf32, #tpu.memory_space<hbm>> -> memref<32x128xf32, #tpu.memory_space<hbm>>
      tpu.wait_dma2 semaphore(%arg17 : memref<!tpu.dma_semaphore, #tpu.memory_space<semaphore_mem>>) src(%dma_wait3A_1979 : memref<32x128xf32, #tpu.memory_space<hbm>>) dst(%dma_wait3A_1976 : memref<32x128xf32, #tpu.memory_space<vmem>>)
      %dma_wait3A_1980 = arith.constant 1 : i32
      %dma_wait3A_1981 = arith.constant 0 : i32
      %dma_wait3A_1982 = tpu.memref_slice %arg13[%dma_wait3A_1980, %dma_wait3A_1981] : memref<8x128xf32, #tpu.memory_space<vmem>> -> memref<1x128xf32, #tpu.memory_space<vmem>>
      %dma_wait3A_1983 = tpu.memref_squeeze %dma_wait3A_1982 : memref<1x128xf32, #tpu.memory_space<vmem>> -> memref<128xf32, #tpu.memory_space<vmem>>
      %dma_wait3A_1984 = arith.constant 0 : i32
      %dma_wait3A_1985 = tpu.memref_slice %arg6[%dma_wait3A_1984] : memref<1000000xf32, #tpu.memory_space<hbm>> -> memref<128xf32, #tpu.memory_space<hbm>>
      %dma_wait3A_1986 = arith.constant 0 : i32
      %dma_wait3A_1987 = tpu.memref_slice %arg13[%dma_wait3A_1980, %dma_wait3A_1986] : memref<8x128xf32, #tpu.memory_space<vmem>> -> memref<1x128xf32, #tpu.memory_space<vmem>>
      %dma_wait3A_1988 = tpu.memref_squeeze %dma_wait3A_1987 : memref<1x128xf32, #tpu.memory_space<vmem>> -> memref<128xf32, #tpu.memory_space<vmem>>
      %dma_wait3A_1989 = arith.constant 0 : i32
      %dma_wait3A_1990 = tpu.memref_slice %arg6[%dma_wait3A_1989] : memref<1000000xf32, #tpu.memory_space<hbm>> -> memref<128xf32, #tpu.memory_space<hbm>>
      tpu.wait_dma2 semaphore(%arg18 : memref<!tpu.dma_semaphore, #tpu.memory_space<semaphore_mem>>) src(%dma_wait3A_1990 : memref<128xf32, #tpu.memory_space<hbm>>) dst(%dma_wait3A_1988 : memref<128xf32, #tpu.memory_space<vmem>>)
      %dma_wait3A_1991 = arith.constant 1 : i32
      %dma_wait3A_1992 = arith.constant 0 : i32
      %dma_wait3A_1993 = tpu.memref_slice %arg14[%dma_wait3A_1991, %dma_wait3A_1992] : memref<8x128xf32, #tpu.memory_space<vmem>> -> memref<1x128xf32, #tpu.memory_space<vmem>>
      %dma_wait3A_1994 = tpu.memref_squeeze %dma_wait3A_1993 : memref<1x128xf32, #tpu.memory_space<vmem>> -> memref<128xf32, #tpu.memory_space<vmem>>
      %dma_wait3A_1995 = arith.constant 0 : i32
      %dma_wait3A_1996 = tpu.memref_slice %arg7[%dma_wait3A_1995] : memref<1000000xf32, #tpu.memory_space<hbm>> -> memref<128xf32, #tpu.memory_space<hbm>>
      %dma_wait3A_1997 = arith.constant 0 : i32
      %dma_wait3A_1998 = tpu.memref_slice %arg14[%dma_wait3A_1991, %dma_wait3A_1997] : memref<8x128xf32, #tpu.memory_space<vmem>> -> memref<1x128xf32, #tpu.memory_space<vmem>>
      %dma_wait3A_1999 = tpu.memref_squeeze %dma_wait3A_1998 : memref<1x128xf32, #tpu.memory_space<vmem>> -> memref<128xf32, #tpu.memory_space<vmem>>
      %dma_wait3A_2000 = arith.constant 0 : i32
      %dma_wait3A_2001 = tpu.memref_slice %arg7[%dma_wait3A_2000] : memref<1000000xf32, #tpu.memory_space<hbm>> -> memref<128xf32, #tpu.memory_space<hbm>>
      tpu.wait_dma2 semaphore(%arg19 : memref<!tpu.dma_semaphore, #tpu.memory_space<semaphore_mem>>) src(%dma_wait3A_2001 : memref<128xf32, #tpu.memory_space<hbm>>) dst(%dma_wait3A_1999 : memref<128xf32, #tpu.memory_space<vmem>>)
      %slice3A_2002 = vector.extract_strided_slice %get3A_487 {offsets = [9], sizes = [1], strides = [1]} : vector<16xi32> to vector<1xi32>
      %squeeze3A_2003 = vector.extract %slice3A_2002[0] : i32 from vector<1xi32>
      %slice3A_2004 = vector.extract_strided_slice %get3A_489 {offsets = [9], sizes = [1], strides = [1]} : vector<16xi32> to vector<1xi32>
      %squeeze3A_2005 = vector.extract %slice3A_2004[0] : i32 from vector<1xi32>
      %and3A_2006 = arith.constant 127 : i32
      %and3A_2007 = arith.andi %squeeze3A_2003, %and3A_2006 : i32
      %add3A_2008 = vector.broadcast %and3A_2007 : i32 to vector<16xi32>
      %add3A_2009 = arith.addi %broadcast_in_dim3A_6, %add3A_2008 : vector<16xi32>
      %and3A_2010 = arith.constant 127 : i32
      %and3A_2011 = arith.andi %squeeze3A_2005, %and3A_2010 : i32
      %add3A_2012 = vector.broadcast %and3A_2011 : i32 to vector<16xi32>
      %add3A_2013 = arith.addi %broadcast_in_dim3A_6, %add3A_2012 : vector<16xi32>
      %add3A_2014 = arith.constant 1 : i32
      %add3A_2015 = vector.broadcast %add3A_2014 : i32 to vector<16xi32>
      %add3A_2016 = arith.addi %broadcast_in_dim3A_6, %add3A_2015 : vector<16xi32>
      %gather3A_2017 = tpu.vector_load_idx %arg11[%add3A_2016, %iota3A, %add3A_2009] : memref<8x32x128xf32, #tpu.memory_space<vmem>>[vector<16xi32>, vector<16xi32>, vector<16xi32>], vector<16xf32>,
      %gather3A_2018 = tpu.vector_load_idx %arg11[%add3A_2016, %add3A_5, %add3A_2009] : memref<8x32x128xf32, #tpu.memory_space<vmem>>[vector<16xi32>, vector<16xi32>, vector<16xi32>], vector<16xf32>,
      %gather3A_2019 = tpu.vector_load_idx %arg12[%add3A_2016, %iota3A, %add3A_2013] : memref<8x32x128xf32, #tpu.memory_space<vmem>>[vector<16xi32>, vector<16xi32>, vector<16xi32>], vector<16xf32>,
      %gather3A_2020 = tpu.vector_load_idx %arg12[%add3A_2016, %add3A_5, %add3A_2013] : memref<8x32x128xf32, #tpu.memory_space<vmem>>[vector<16xi32>, vector<16xi32>, vector<16xi32>], vector<16xf32>,
      %mul3A_2021 = arith.mulf %gather3A_2017, %gather3A_2019 : vector<16xf32>
      %mul3A_2022 = arith.mulf %gather3A_2018, %gather3A_2020 : vector<16xf32>
      %add3A_2023 = arith.addf %mul3A_2021, %mul3A_2022 : vector<16xf32>
      %xor3A_2024 = arith.constant 1 : i32
      %xor3A_2025 = vector.broadcast %xor3A_2024 : i32 to vector<16xi32>
      %xor3A_2026 = arith.xori %iota3A, %xor3A_2025 : vector<16xi32>
      %broadcast_in_dim3A_2027 = vector.shape_cast %xor3A_2026 : vector<16xi32> to vector<16x1xi32>
      %gather3A_2028 = vector.shape_cast %broadcast_in_dim3A_2027 : vector<16x1xi32> to vector<16xi32>
      %gather3A_2029 = tpu.dynamic_gather %add3A_2023[%gather3A_2028] in [0] : vector<16xf32>, vector<16xi32> -> vector<16xf32>
      %add3A_2030 = arith.addf %add3A_2023, %gather3A_2029 : vector<16xf32>
      %xor3A_2031 = arith.constant 2 : i32
      %xor3A_2032 = vector.broadcast %xor3A_2031 : i32 to vector<16xi32>
      %xor3A_2033 = arith.xori %iota3A, %xor3A_2032 : vector<16xi32>
      %broadcast_in_dim3A_2034 = vector.shape_cast %xor3A_2033 : vector<16xi32> to vector<16x1xi32>
      %gather3A_2035 = vector.shape_cast %broadcast_in_dim3A_2034 : vector<16x1xi32> to vector<16xi32>
      %gather3A_2036 = tpu.dynamic_gather %add3A_2030[%gather3A_2035] in [0] : vector<16xf32>, vector<16xi32> -> vector<16xf32>
      %add3A_2037 = arith.addf %add3A_2030, %gather3A_2036 : vector<16xf32>
      %xor3A_2038 = arith.constant 4 : i32
      %xor3A_2039 = vector.broadcast %xor3A_2038 : i32 to vector<16xi32>
      %xor3A_2040 = arith.xori %iota3A, %xor3A_2039 : vector<16xi32>
      %broadcast_in_dim3A_2041 = vector.shape_cast %xor3A_2040 : vector<16xi32> to vector<16x1xi32>
      %gather3A_2042 = vector.shape_cast %broadcast_in_dim3A_2041 : vector<16x1xi32> to vector<16xi32>
      %gather3A_2043 = tpu.dynamic_gather %add3A_2037[%gather3A_2042] in [0] : vector<16xf32>, vector<16xi32> -> vector<16xf32>
      %add3A_2044 = arith.addf %add3A_2037, %gather3A_2043 : vector<16xf32>
      %xor3A_2045 = arith.constant 8 : i32
      %xor3A_2046 = vector.broadcast %xor3A_2045 : i32 to vector<16xi32>
      %xor3A_2047 = arith.xori %iota3A, %xor3A_2046 : vector<16xi32>
      %broadcast_in_dim3A_2048 = vector.shape_cast %xor3A_2047 : vector<16xi32> to vector<16x1xi32>
      %gather3A_2049 = vector.shape_cast %broadcast_in_dim3A_2048 : vector<16x1xi32> to vector<16xi32>
      %gather3A_2050 = tpu.dynamic_gather %add3A_2044[%gather3A_2049] in [0] : vector<16xf32>, vector<16xi32> -> vector<16xf32>
      %add3A_2051 = arith.addf %add3A_2044, %gather3A_2050 : vector<16xf32>
      %gather3A_2052 = tpu.vector_load_idx %arg13[%add3A_2016, %add3A_2009] : memref<8x128xf32, #tpu.memory_space<vmem>>[vector<16xi32>, vector<16xi32>], vector<16xf32>,
      %gather3A_2053 = tpu.vector_load_idx %arg14[%add3A_2016, %add3A_2013] : memref<8x128xf32, #tpu.memory_space<vmem>>[vector<16xi32>, vector<16xi32>], vector<16xf32>,
      %add3A_2054 = arith.addf %add3A_2051, %gather3A_2052 : vector<16xf32>
      %add3A_2055 = arith.addf %add3A_2054, %gather3A_2053 : vector<16xf32>
      %eq3A_2056 = arith.constant 9 : i32
      %eq3A_2057 = vector.broadcast %eq3A_2056 : i32 to vector<16xi32>
      %eq3A_2058 = arith.cmpi eq, %iota3A, %eq3A_2057 : vector<16xi32>
      %select_n3A_2059 = arith.select %eq3A_2058, %add3A_2055, %select_n3A_1944 : vector<16xi1>, vector<16xf32>
      %add3A_2060 = arith.constant 1 : i32
      %add3A_2061 = arith.addi %scan3A_474, %add3A_2060 : i32
      %lt3A_2062 = arith.constant 32 : i32
      %lt3A_2063 = arith.cmpi slt, %add3A_2061, %lt3A_2062 : i32
      %convert_element_type3A_2064 = arith.extui %lt3A_2063 : i1 to i32
      %cond3A_2065 = arith.constant 0 : i32
      %cond3A_2066 = arith.cmpi ne, %convert_element_type3A_2064, %cond3A_2065 : i32
      scf.if %cond3A_2066 {
        %slice3A_2770 = vector.extract_strided_slice %get3A_491 {offsets = [1], sizes = [1], strides = [1]} : vector<16xi32> to vector<1xi32>
        %squeeze3A_2771 = vector.extract %slice3A_2770[0] : i32 from vector<1xi32>
        %slice3A_2772 = vector.extract_strided_slice %get3A_493 {offsets = [1], sizes = [1], strides = [1]} : vector<16xi32> to vector<1xi32>
        %squeeze3A_2773 = vector.extract %slice3A_2772[0] : i32 from vector<1xi32>
        %shift_right_arithmetic3A_2774 = arith.constant 7 : i32
        %shift_right_arithmetic3A_2775 = arith.shrsi %squeeze3A_2771, %shift_right_arithmetic3A_2774 : i32
        %mul3A_2776 = arith.constant 128 : i32
        %mul3A_2777 = arith.muli %shift_right_arithmetic3A_2775, %mul3A_2776 : i32
        %multiple_of3A_2778 = tpu.assume_multiple %mul3A_2777, 128 : i32
        %shift_right_arithmetic3A_2779 = arith.constant 7 : i32
        %shift_right_arithmetic3A_2780 = arith.shrsi %squeeze3A_2773, %shift_right_arithmetic3A_2779 : i32
        %mul3A_2781 = arith.constant 128 : i32
        %mul3A_2782 = arith.muli %shift_right_arithmetic3A_2780, %mul3A_2781 : i32
        %multiple_of3A_2783 = tpu.assume_multiple %mul3A_2782, 128 : i32
        %dma_start3A_2784 = arith.constant 1 : i32
        %dma_start3A_2785 = arith.constant 0 : i32
        %dma_start3A_2786 = arith.constant 0 : i32
        %dma_start3A_2787 = tpu.memref_slice %arg11[%dma_start3A_2784, %dma_start3A_2785, %dma_start3A_2786] : memref<8x32x128xf32, #tpu.memory_space<vmem>> -> memref<1x32x128xf32, #tpu.memory_space<vmem>>
        %dma_start3A_2788 = tpu.memref_squeeze %dma_start3A_2787 : memref<1x32x128xf32, #tpu.memory_space<vmem>> -> memref<32x128xf32, #tpu.memory_space<vmem>>
        %dma_start3A_2789 = arith.constant 0 : i32
        %dma_start3A_2790 = tpu.memref_slice %arg4[%dma_start3A_2789, %multiple_of3A_2778] : memref<32x1000000xf32, #tpu.memory_space<hbm>> -> memref<32x128xf32, #tpu.memory_space<hbm>>
        %dma_start3A_2791 = arith.constant 0 : i32
        %dma_start3A_2792 = arith.constant 0 : i32
        %dma_start3A_2793 = tpu.memref_slice %arg11[%dma_start3A_2784, %dma_start3A_2791, %dma_start3A_2792] : memref<8x32x128xf32, #tpu.memory_space<vmem>> -> memref<1x32x128xf32, #tpu.memory_space<vmem>>
        %dma_start3A_2794 = tpu.memref_squeeze %dma_start3A_2793 : memref<1x32x128xf32, #tpu.memory_space<vmem>> -> memref<32x128xf32, #tpu.memory_space<vmem>>
        %dma_start3A_2795 = arith.constant 0 : i32
        %dma_start3A_2796 = tpu.memref_slice %arg4[%dma_start3A_2795, %multiple_of3A_2778] : memref<32x1000000xf32, #tpu.memory_space<hbm>> -> memref<32x128xf32, #tpu.memory_space<hbm>>
        tpu.enqueue_dma source(%dma_start3A_2796 : memref<32x128xf32, #tpu.memory_space<hbm>>) target(%dma_start3A_2794 : memref<32x128xf32, #tpu.memory_space<vmem>>) target_semaphore(%arg16 : memref<!tpu.dma_semaphore, #tpu.memory_space<semaphore_mem>>)
        %dma_start3A_2797 = arith.constant 1 : i32
        %dma_start3A_2798 = arith.constant 0 : i32
        %dma_start3A_2799 = arith.constant 0 : i32
        %dma_start3A_2800 = tpu.memref_slice %arg12[%dma_start3A_2797, %dma_start3A_2798, %dma_start3A_2799] : memref<8x32x128xf32, #tpu.memory_space<vmem>> -> memref<1x32x128xf32, #tpu.memory_space<vmem>>
        %dma_start3A_2801 = tpu.memref_squeeze %dma_start3A_2800 : memref<1x32x128xf32, #tpu.memory_space<vmem>> -> memref<32x128xf32, #tpu.memory_space<vmem>>
        %dma_start3A_2802 = arith.constant 0 : i32
        %dma_start3A_2803 = tpu.memref_slice %arg5[%dma_start3A_2802, %multiple_of3A_2783] : memref<32x1000000xf32, #tpu.memory_space<hbm>> -> memref<32x128xf32, #tpu.memory_space<hbm>>
        %dma_start3A_2804 = arith.constant 0 : i32
        %dma_start3A_2805 = arith.constant 0 : i32
        %dma_start3A_2806 = tpu.memref_slice %arg12[%dma_start3A_2797, %dma_start3A_2804, %dma_start3A_2805] : memref<8x32x128xf32, #tpu.memory_space<vmem>> -> memref<1x32x128xf32, #tpu.memory_space<vmem>>
        %dma_start3A_2807 = tpu.memref_squeeze %dma_start3A_2806 : memref<1x32x128xf32, #tpu.memory_space<vmem>> -> memref<32x128xf32, #tpu.memory_space<vmem>>
        %dma_start3A_2808 = arith.constant 0 : i32
        %dma_start3A_2809 = tpu.memref_slice %arg5[%dma_start3A_2808, %multiple_of3A_2783] : memref<32x1000000xf32, #tpu.memory_space<hbm>> -> memref<32x128xf32, #tpu.memory_space<hbm>>
        tpu.enqueue_dma source(%dma_start3A_2809 : memref<32x128xf32, #tpu.memory_space<hbm>>) target(%dma_start3A_2807 : memref<32x128xf32, #tpu.memory_space<vmem>>) target_semaphore(%arg17 : memref<!tpu.dma_semaphore, #tpu.memory_space<semaphore_mem>>)
        %dma_start3A_2810 = arith.constant 1 : i32
        %dma_start3A_2811 = arith.constant 0 : i32
        %dma_start3A_2812 = tpu.memref_slice %arg13[%dma_start3A_2810, %dma_start3A_2811] : memref<8x128xf32, #tpu.memory_space<vmem>> -> memref<1x128xf32, #tpu.memory_space<vmem>>
        %dma_start3A_2813 = tpu.memref_squeeze %dma_start3A_2812 : memref<1x128xf32, #tpu.memory_space<vmem>> -> memref<128xf32, #tpu.memory_space<vmem>>
        %dma_start3A_2814 = tpu.memref_slice %arg6[%multiple_of3A_2778] : memref<1000000xf32, #tpu.memory_space<hbm>> -> memref<128xf32, #tpu.memory_space<hbm>>
        %dma_start3A_2815 = arith.constant 0 : i32
        %dma_start3A_2816 = tpu.memref_slice %arg13[%dma_start3A_2810, %dma_start3A_2815] : memref<8x128xf32, #tpu.memory_space<vmem>> -> memref<1x128xf32, #tpu.memory_space<vmem>>
        %dma_start3A_2817 = tpu.memref_squeeze %dma_start3A_2816 : memref<1x128xf32, #tpu.memory_space<vmem>> -> memref<128xf32, #tpu.memory_space<vmem>>
        %dma_start3A_2818 = tpu.memref_slice %arg6[%multiple_of3A_2778] : memref<1000000xf32, #tpu.memory_space<hbm>> -> memref<128xf32, #tpu.memory_space<hbm>>
        tpu.enqueue_dma source(%dma_start3A_2818 : memref<128xf32, #tpu.memory_space<hbm>>) target(%dma_start3A_2817 : memref<128xf32, #tpu.memory_space<vmem>>) target_semaphore(%arg18 : memref<!tpu.dma_semaphore, #tpu.memory_space<semaphore_mem>>)
        %dma_start3A_2819 = arith.constant 1 : i32
        %dma_start3A_2820 = arith.constant 0 : i32
        %dma_start3A_2821 = tpu.memref_slice %arg14[%dma_start3A_2819, %dma_start3A_2820] : memref<8x128xf32, #tpu.memory_space<vmem>> -> memref<1x128xf32, #tpu.memory_space<vmem>>
        %dma_start3A_2822 = tpu.memref_squeeze %dma_start3A_2821 : memref<1x128xf32, #tpu.memory_space<vmem>> -> memref<128xf32, #tpu.memory_space<vmem>>
        %dma_start3A_2823 = tpu.memref_slice %arg7[%multiple_of3A_2783] : memref<1000000xf32, #tpu.memory_space<hbm>> -> memref<128xf32, #tpu.memory_space<hbm>>
        %dma_start3A_2824 = arith.constant 0 : i32
        %dma_start3A_2825 = tpu.memref_slice %arg14[%dma_start3A_2819, %dma_start3A_2824] : memref<8x128xf32, #tpu.memory_space<vmem>> -> memref<1x128xf32, #tpu.memory_space<vmem>>
        %dma_start3A_2826 = tpu.memref_squeeze %dma_start3A_2825 : memref<1x128xf32, #tpu.memory_space<vmem>> -> memref<128xf32, #tpu.memory_space<vmem>>
        %dma_start3A_2827 = tpu.memref_slice %arg7[%multiple_of3A_2783] : memref<1000000xf32, #tpu.memory_space<hbm>> -> memref<128xf32, #tpu.memory_space<hbm>>
        tpu.enqueue_dma source(%dma_start3A_2827 : memref<128xf32, #tpu.memory_space<hbm>>) target(%dma_start3A_2826 : memref<128xf32, #tpu.memory_space<vmem>>) target_semaphore(%arg19 : memref<!tpu.dma_semaphore, #tpu.memory_space<semaphore_mem>>)
      } else {
      }
      %dma_wait3A_2067 = arith.constant 2 : i32
      %dma_wait3A_2068 = arith.constant 0 : i32
      %dma_wait3A_2069 = arith.constant 0 : i32
      %dma_wait3A_2070 = tpu.memref_slice %arg11[%dma_wait3A_2067, %dma_wait3A_2068, %dma_wait3A_2069] : memref<8x32x128xf32, #tpu.memory_space<vmem>> -> memref<1x32x128xf32, #tpu.memory_space<vmem>>
      %dma_wait3A_2071 = tpu.memref_squeeze %dma_wait3A_2070 : memref<1x32x128xf32, #tpu.memory_space<vmem>> -> memref<32x128xf32, #tpu.memory_space<vmem>>
      %dma_wait3A_2072 = arith.constant 0 : i32
      %dma_wait3A_2073 = arith.constant 0 : i32
      %dma_wait3A_2074 = tpu.memref_slice %arg4[%dma_wait3A_2072, %dma_wait3A_2073] : memref<32x1000000xf32, #tpu.memory_space<hbm>> -> memref<32x128xf32, #tpu.memory_space<hbm>>
      %dma_wait3A_2075 = arith.constant 0 : i32
      %dma_wait3A_2076 = arith.constant 0 : i32
      %dma_wait3A_2077 = tpu.memref_slice %arg11[%dma_wait3A_2067, %dma_wait3A_2075, %dma_wait3A_2076] : memref<8x32x128xf32, #tpu.memory_space<vmem>> -> memref<1x32x128xf32, #tpu.memory_space<vmem>>
      %dma_wait3A_2078 = tpu.memref_squeeze %dma_wait3A_2077 : memref<1x32x128xf32, #tpu.memory_space<vmem>> -> memref<32x128xf32, #tpu.memory_space<vmem>>
      %dma_wait3A_2079 = arith.constant 0 : i32
      %dma_wait3A_2080 = arith.constant 0 : i32
      %dma_wait3A_2081 = tpu.memref_slice %arg4[%dma_wait3A_2079, %dma_wait3A_2080] : memref<32x1000000xf32, #tpu.memory_space<hbm>> -> memref<32x128xf32, #tpu.memory_space<hbm>>
      tpu.wait_dma2 semaphore(%arg16 : memref<!tpu.dma_semaphore, #tpu.memory_space<semaphore_mem>>) src(%dma_wait3A_2081 : memref<32x128xf32, #tpu.memory_space<hbm>>) dst(%dma_wait3A_2078 : memref<32x128xf32, #tpu.memory_space<vmem>>)
      %dma_wait3A_2082 = arith.constant 2 : i32
      %dma_wait3A_2083 = arith.constant 0 : i32
      %dma_wait3A_2084 = arith.constant 0 : i32
      %dma_wait3A_2085 = tpu.memref_slice %arg12[%dma_wait3A_2082, %dma_wait3A_2083, %dma_wait3A_2084] : memref<8x32x128xf32, #tpu.memory_space<vmem>> -> memref<1x32x128xf32, #tpu.memory_space<vmem>>
      %dma_wait3A_2086 = tpu.memref_squeeze %dma_wait3A_2085 : memref<1x32x128xf32, #tpu.memory_space<vmem>> -> memref<32x128xf32, #tpu.memory_space<vmem>>
      %dma_wait3A_2087 = arith.constant 0 : i32
      %dma_wait3A_2088 = arith.constant 0 : i32
      %dma_wait3A_2089 = tpu.memref_slice %arg5[%dma_wait3A_2087, %dma_wait3A_2088] : memref<32x1000000xf32, #tpu.memory_space<hbm>> -> memref<32x128xf32, #tpu.memory_space<hbm>>
      %dma_wait3A_2090 = arith.constant 0 : i32
      %dma_wait3A_2091 = arith.constant 0 : i32
      %dma_wait3A_2092 = tpu.memref_slice %arg12[%dma_wait3A_2082, %dma_wait3A_2090, %dma_wait3A_2091] : memref<8x32x128xf32, #tpu.memory_space<vmem>> -> memref<1x32x128xf32, #tpu.memory_space<vmem>>
      %dma_wait3A_2093 = tpu.memref_squeeze %dma_wait3A_2092 : memref<1x32x128xf32, #tpu.memory_space<vmem>> -> memref<32x128xf32, #tpu.memory_space<vmem>>
      %dma_wait3A_2094 = arith.constant 0 : i32
      %dma_wait3A_2095 = arith.constant 0 : i32
      %dma_wait3A_2096 = tpu.memref_slice %arg5[%dma_wait3A_2094, %dma_wait3A_2095] : memref<32x1000000xf32, #tpu.memory_space<hbm>> -> memref<32x128xf32, #tpu.memory_space<hbm>>
      tpu.wait_dma2 semaphore(%arg17 : memref<!tpu.dma_semaphore, #tpu.memory_space<semaphore_mem>>) src(%dma_wait3A_2096 : memref<32x128xf32, #tpu.memory_space<hbm>>) dst(%dma_wait3A_2093 : memref<32x128xf32, #tpu.memory_space<vmem>>)
      %dma_wait3A_2097 = arith.constant 2 : i32
      %dma_wait3A_2098 = arith.constant 0 : i32
      %dma_wait3A_2099 = tpu.memref_slice %arg13[%dma_wait3A_2097, %dma_wait3A_2098] : memref<8x128xf32, #tpu.memory_space<vmem>> -> memref<1x128xf32, #tpu.memory_space<vmem>>
      %dma_wait3A_2100 = tpu.memref_squeeze %dma_wait3A_2099 : memref<1x128xf32, #tpu.memory_space<vmem>> -> memref<128xf32, #tpu.memory_space<vmem>>
      %dma_wait3A_2101 = arith.constant 0 : i32
      %dma_wait3A_2102 = tpu.memref_slice %arg6[%dma_wait3A_2101] : memref<1000000xf32, #tpu.memory_space<hbm>> -> memref<128xf32, #tpu.memory_space<hbm>>
      %dma_wait3A_2103 = arith.constant 0 : i32
      %dma_wait3A_2104 = tpu.memref_slice %arg13[%dma_wait3A_2097, %dma_wait3A_2103] : memref<8x128xf32, #tpu.memory_space<vmem>> -> memref<1x128xf32, #tpu.memory_space<vmem>>
      %dma_wait3A_2105 = tpu.memref_squeeze %dma_wait3A_2104 : memref<1x128xf32, #tpu.memory_space<vmem>> -> memref<128xf32, #tpu.memory_space<vmem>>
      %dma_wait3A_2106 = arith.constant 0 : i32
      %dma_wait3A_2107 = tpu.memref_slice %arg6[%dma_wait3A_2106] : memref<1000000xf32, #tpu.memory_space<hbm>> -> memref<128xf32, #tpu.memory_space<hbm>>
      tpu.wait_dma2 semaphore(%arg18 : memref<!tpu.dma_semaphore, #tpu.memory_space<semaphore_mem>>) src(%dma_wait3A_2107 : memref<128xf32, #tpu.memory_space<hbm>>) dst(%dma_wait3A_2105 : memref<128xf32, #tpu.memory_space<vmem>>)
      %dma_wait3A_2108 = arith.constant 2 : i32
      %dma_wait3A_2109 = arith.constant 0 : i32
      %dma_wait3A_2110 = tpu.memref_slice %arg14[%dma_wait3A_2108, %dma_wait3A_2109] : memref<8x128xf32, #tpu.memory_space<vmem>> -> memref<1x128xf32, #tpu.memory_space<vmem>>
      %dma_wait3A_2111 = tpu.memref_squeeze %dma_wait3A_2110 : memref<1x128xf32, #tpu.memory_space<vmem>> -> memref<128xf32, #tpu.memory_space<vmem>>
      %dma_wait3A_2112 = arith.constant 0 : i32
      %dma_wait3A_2113 = tpu.memref_slice %arg7[%dma_wait3A_2112] : memref<1000000xf32, #tpu.memory_space<hbm>> -> memref<128xf32, #tpu.memory_space<hbm>>
      %dma_wait3A_2114 = arith.constant 0 : i32
      %dma_wait3A_2115 = tpu.memref_slice %arg14[%dma_wait3A_2108, %dma_wait3A_2114] : memref<8x128xf32, #tpu.memory_space<vmem>> -> memref<1x128xf32, #tpu.memory_space<vmem>>
      %dma_wait3A_2116 = tpu.memref_squeeze %dma_wait3A_2115 : memref<1x128xf32, #tpu.memory_space<vmem>> -> memref<128xf32, #tpu.memory_space<vmem>>
      %dma_wait3A_2117 = arith.constant 0 : i32
      %dma_wait3A_2118 = tpu.memref_slice %arg7[%dma_wait3A_2117] : memref<1000000xf32, #tpu.memory_space<hbm>> -> memref<128xf32, #tpu.memory_space<hbm>>
      tpu.wait_dma2 semaphore(%arg19 : memref<!tpu.dma_semaphore, #tpu.memory_space<semaphore_mem>>) src(%dma_wait3A_2118 : memref<128xf32, #tpu.memory_space<hbm>>) dst(%dma_wait3A_2116 : memref<128xf32, #tpu.memory_space<vmem>>)
      %slice3A_2119 = vector.extract_strided_slice %get3A_487 {offsets = [10], sizes = [1], strides = [1]} : vector<16xi32> to vector<1xi32>
      %squeeze3A_2120 = vector.extract %slice3A_2119[0] : i32 from vector<1xi32>
      %slice3A_2121 = vector.extract_strided_slice %get3A_489 {offsets = [10], sizes = [1], strides = [1]} : vector<16xi32> to vector<1xi32>
      %squeeze3A_2122 = vector.extract %slice3A_2121[0] : i32 from vector<1xi32>
      %and3A_2123 = arith.constant 127 : i32
      %and3A_2124 = arith.andi %squeeze3A_2120, %and3A_2123 : i32
      %add3A_2125 = vector.broadcast %and3A_2124 : i32 to vector<16xi32>
      %add3A_2126 = arith.addi %broadcast_in_dim3A_6, %add3A_2125 : vector<16xi32>
      %and3A_2127 = arith.constant 127 : i32
      %and3A_2128 = arith.andi %squeeze3A_2122, %and3A_2127 : i32
      %add3A_2129 = vector.broadcast %and3A_2128 : i32 to vector<16xi32>
      %add3A_2130 = arith.addi %broadcast_in_dim3A_6, %add3A_2129 : vector<16xi32>
      %add3A_2131 = arith.constant 2 : i32
      %add3A_2132 = vector.broadcast %add3A_2131 : i32 to vector<16xi32>
      %add3A_2133 = arith.addi %broadcast_in_dim3A_6, %add3A_2132 : vector<16xi32>
      %gather3A_2134 = tpu.vector_load_idx %arg11[%add3A_2133, %iota3A, %add3A_2126] : memref<8x32x128xf32, #tpu.memory_space<vmem>>[vector<16xi32>, vector<16xi32>, vector<16xi32>], vector<16xf32>,
      %gather3A_2135 = tpu.vector_load_idx %arg11[%add3A_2133, %add3A_5, %add3A_2126] : memref<8x32x128xf32, #tpu.memory_space<vmem>>[vector<16xi32>, vector<16xi32>, vector<16xi32>], vector<16xf32>,
      %gather3A_2136 = tpu.vector_load_idx %arg12[%add3A_2133, %iota3A, %add3A_2130] : memref<8x32x128xf32, #tpu.memory_space<vmem>>[vector<16xi32>, vector<16xi32>, vector<16xi32>], vector<16xf32>,
      %gather3A_2137 = tpu.vector_load_idx %arg12[%add3A_2133, %add3A_5, %add3A_2130] : memref<8x32x128xf32, #tpu.memory_space<vmem>>[vector<16xi32>, vector<16xi32>, vector<16xi32>], vector<16xf32>,
      %mul3A_2138 = arith.mulf %gather3A_2134, %gather3A_2136 : vector<16xf32>
      %mul3A_2139 = arith.mulf %gather3A_2135, %gather3A_2137 : vector<16xf32>
      %add3A_2140 = arith.addf %mul3A_2138, %mul3A_2139 : vector<16xf32>
      %xor3A_2141 = arith.constant 1 : i32
      %xor3A_2142 = vector.broadcast %xor3A_2141 : i32 to vector<16xi32>
      %xor3A_2143 = arith.xori %iota3A, %xor3A_2142 : vector<16xi32>
      %broadcast_in_dim3A_2144 = vector.shape_cast %xor3A_2143 : vector<16xi32> to vector<16x1xi32>
      %gather3A_2145 = vector.shape_cast %broadcast_in_dim3A_2144 : vector<16x1xi32> to vector<16xi32>
      %gather3A_2146 = tpu.dynamic_gather %add3A_2140[%gather3A_2145] in [0] : vector<16xf32>, vector<16xi32> -> vector<16xf32>
      %add3A_2147 = arith.addf %add3A_2140, %gather3A_2146 : vector<16xf32>
      %xor3A_2148 = arith.constant 2 : i32
      %xor3A_2149 = vector.broadcast %xor3A_2148 : i32 to vector<16xi32>
      %xor3A_2150 = arith.xori %iota3A, %xor3A_2149 : vector<16xi32>
      %broadcast_in_dim3A_2151 = vector.shape_cast %xor3A_2150 : vector<16xi32> to vector<16x1xi32>
      %gather3A_2152 = vector.shape_cast %broadcast_in_dim3A_2151 : vector<16x1xi32> to vector<16xi32>
      %gather3A_2153 = tpu.dynamic_gather %add3A_2147[%gather3A_2152] in [0] : vector<16xf32>, vector<16xi32> -> vector<16xf32>
      %add3A_2154 = arith.addf %add3A_2147, %gather3A_2153 : vector<16xf32>
      %xor3A_2155 = arith.constant 4 : i32
      %xor3A_2156 = vector.broadcast %xor3A_2155 : i32 to vector<16xi32>
      %xor3A_2157 = arith.xori %iota3A, %xor3A_2156 : vector<16xi32>
      %broadcast_in_dim3A_2158 = vector.shape_cast %xor3A_2157 : vector<16xi32> to vector<16x1xi32>
      %gather3A_2159 = vector.shape_cast %broadcast_in_dim3A_2158 : vector<16x1xi32> to vector<16xi32>
      %gather3A_2160 = tpu.dynamic_gather %add3A_2154[%gather3A_2159] in [0] : vector<16xf32>, vector<16xi32> -> vector<16xf32>
      %add3A_2161 = arith.addf %add3A_2154, %gather3A_2160 : vector<16xf32>
      %xor3A_2162 = arith.constant 8 : i32
      %xor3A_2163 = vector.broadcast %xor3A_2162 : i32 to vector<16xi32>
      %xor3A_2164 = arith.xori %iota3A, %xor3A_2163 : vector<16xi32>
      %broadcast_in_dim3A_2165 = vector.shape_cast %xor3A_2164 : vector<16xi32> to vector<16x1xi32>
      %gather3A_2166 = vector.shape_cast %broadcast_in_dim3A_2165 : vector<16x1xi32> to vector<16xi32>
      %gather3A_2167 = tpu.dynamic_gather %add3A_2161[%gather3A_2166] in [0] : vector<16xf32>, vector<16xi32> -> vector<16xf32>
      %add3A_2168 = arith.addf %add3A_2161, %gather3A_2167 : vector<16xf32>
      %gather3A_2169 = tpu.vector_load_idx %arg13[%add3A_2133, %add3A_2126] : memref<8x128xf32, #tpu.memory_space<vmem>>[vector<16xi32>, vector<16xi32>], vector<16xf32>,
      %gather3A_2170 = tpu.vector_load_idx %arg14[%add3A_2133, %add3A_2130] : memref<8x128xf32, #tpu.memory_space<vmem>>[vector<16xi32>, vector<16xi32>], vector<16xf32>,
      %add3A_2171 = arith.addf %add3A_2168, %gather3A_2169 : vector<16xf32>
      %add3A_2172 = arith.addf %add3A_2171, %gather3A_2170 : vector<16xf32>
      %eq3A_2173 = arith.constant 10 : i32
      %eq3A_2174 = vector.broadcast %eq3A_2173 : i32 to vector<16xi32>
      %eq3A_2175 = arith.cmpi eq, %iota3A, %eq3A_2174 : vector<16xi32>
      %select_n3A_2176 = arith.select %eq3A_2175, %add3A_2172, %select_n3A_2059 : vector<16xi1>, vector<16xf32>
      %add3A_2177 = arith.constant 1 : i32
      %add3A_2178 = arith.addi %scan3A_474, %add3A_2177 : i32
      %lt3A_2179 = arith.constant 32 : i32
      %lt3A_2180 = arith.cmpi slt, %add3A_2178, %lt3A_2179 : i32
      %convert_element_type3A_2181 = arith.extui %lt3A_2180 : i1 to i32
      %cond3A_2182 = arith.constant 0 : i32
      %cond3A_2183 = arith.cmpi ne, %convert_element_type3A_2181, %cond3A_2182 : i32
      scf.if %cond3A_2183 {
        %slice3A_2770 = vector.extract_strided_slice %get3A_491 {offsets = [2], sizes = [1], strides = [1]} : vector<16xi32> to vector<1xi32>
        %squeeze3A_2771 = vector.extract %slice3A_2770[0] : i32 from vector<1xi32>
        %slice3A_2772 = vector.extract_strided_slice %get3A_493 {offsets = [2], sizes = [1], strides = [1]} : vector<16xi32> to vector<1xi32>
        %squeeze3A_2773 = vector.extract %slice3A_2772[0] : i32 from vector<1xi32>
        %shift_right_arithmetic3A_2774 = arith.constant 7 : i32
        %shift_right_arithmetic3A_2775 = arith.shrsi %squeeze3A_2771, %shift_right_arithmetic3A_2774 : i32
        %mul3A_2776 = arith.constant 128 : i32
        %mul3A_2777 = arith.muli %shift_right_arithmetic3A_2775, %mul3A_2776 : i32
        %multiple_of3A_2778 = tpu.assume_multiple %mul3A_2777, 128 : i32
        %shift_right_arithmetic3A_2779 = arith.constant 7 : i32
        %shift_right_arithmetic3A_2780 = arith.shrsi %squeeze3A_2773, %shift_right_arithmetic3A_2779 : i32
        %mul3A_2781 = arith.constant 128 : i32
        %mul3A_2782 = arith.muli %shift_right_arithmetic3A_2780, %mul3A_2781 : i32
        %multiple_of3A_2783 = tpu.assume_multiple %mul3A_2782, 128 : i32
        %dma_start3A_2784 = arith.constant 2 : i32
        %dma_start3A_2785 = arith.constant 0 : i32
        %dma_start3A_2786 = arith.constant 0 : i32
        %dma_start3A_2787 = tpu.memref_slice %arg11[%dma_start3A_2784, %dma_start3A_2785, %dma_start3A_2786] : memref<8x32x128xf32, #tpu.memory_space<vmem>> -> memref<1x32x128xf32, #tpu.memory_space<vmem>>
        %dma_start3A_2788 = tpu.memref_squeeze %dma_start3A_2787 : memref<1x32x128xf32, #tpu.memory_space<vmem>> -> memref<32x128xf32, #tpu.memory_space<vmem>>
        %dma_start3A_2789 = arith.constant 0 : i32
        %dma_start3A_2790 = tpu.memref_slice %arg4[%dma_start3A_2789, %multiple_of3A_2778] : memref<32x1000000xf32, #tpu.memory_space<hbm>> -> memref<32x128xf32, #tpu.memory_space<hbm>>
        %dma_start3A_2791 = arith.constant 0 : i32
        %dma_start3A_2792 = arith.constant 0 : i32
        %dma_start3A_2793 = tpu.memref_slice %arg11[%dma_start3A_2784, %dma_start3A_2791, %dma_start3A_2792] : memref<8x32x128xf32, #tpu.memory_space<vmem>> -> memref<1x32x128xf32, #tpu.memory_space<vmem>>
        %dma_start3A_2794 = tpu.memref_squeeze %dma_start3A_2793 : memref<1x32x128xf32, #tpu.memory_space<vmem>> -> memref<32x128xf32, #tpu.memory_space<vmem>>
        %dma_start3A_2795 = arith.constant 0 : i32
        %dma_start3A_2796 = tpu.memref_slice %arg4[%dma_start3A_2795, %multiple_of3A_2778] : memref<32x1000000xf32, #tpu.memory_space<hbm>> -> memref<32x128xf32, #tpu.memory_space<hbm>>
        tpu.enqueue_dma source(%dma_start3A_2796 : memref<32x128xf32, #tpu.memory_space<hbm>>) target(%dma_start3A_2794 : memref<32x128xf32, #tpu.memory_space<vmem>>) target_semaphore(%arg16 : memref<!tpu.dma_semaphore, #tpu.memory_space<semaphore_mem>>)
        %dma_start3A_2797 = arith.constant 2 : i32
        %dma_start3A_2798 = arith.constant 0 : i32
        %dma_start3A_2799 = arith.constant 0 : i32
        %dma_start3A_2800 = tpu.memref_slice %arg12[%dma_start3A_2797, %dma_start3A_2798, %dma_start3A_2799] : memref<8x32x128xf32, #tpu.memory_space<vmem>> -> memref<1x32x128xf32, #tpu.memory_space<vmem>>
        %dma_start3A_2801 = tpu.memref_squeeze %dma_start3A_2800 : memref<1x32x128xf32, #tpu.memory_space<vmem>> -> memref<32x128xf32, #tpu.memory_space<vmem>>
        %dma_start3A_2802 = arith.constant 0 : i32
        %dma_start3A_2803 = tpu.memref_slice %arg5[%dma_start3A_2802, %multiple_of3A_2783] : memref<32x1000000xf32, #tpu.memory_space<hbm>> -> memref<32x128xf32, #tpu.memory_space<hbm>>
        %dma_start3A_2804 = arith.constant 0 : i32
        %dma_start3A_2805 = arith.constant 0 : i32
        %dma_start3A_2806 = tpu.memref_slice %arg12[%dma_start3A_2797, %dma_start3A_2804, %dma_start3A_2805] : memref<8x32x128xf32, #tpu.memory_space<vmem>> -> memref<1x32x128xf32, #tpu.memory_space<vmem>>
        %dma_start3A_2807 = tpu.memref_squeeze %dma_start3A_2806 : memref<1x32x128xf32, #tpu.memory_space<vmem>> -> memref<32x128xf32, #tpu.memory_space<vmem>>
        %dma_start3A_2808 = arith.constant 0 : i32
        %dma_start3A_2809 = tpu.memref_slice %arg5[%dma_start3A_2808, %multiple_of3A_2783] : memref<32x1000000xf32, #tpu.memory_space<hbm>> -> memref<32x128xf32, #tpu.memory_space<hbm>>
        tpu.enqueue_dma source(%dma_start3A_2809 : memref<32x128xf32, #tpu.memory_space<hbm>>) target(%dma_start3A_2807 : memref<32x128xf32, #tpu.memory_space<vmem>>) target_semaphore(%arg17 : memref<!tpu.dma_semaphore, #tpu.memory_space<semaphore_mem>>)
        %dma_start3A_2810 = arith.constant 2 : i32
        %dma_start3A_2811 = arith.constant 0 : i32
        %dma_start3A_2812 = tpu.memref_slice %arg13[%dma_start3A_2810, %dma_start3A_2811] : memref<8x128xf32, #tpu.memory_space<vmem>> -> memref<1x128xf32, #tpu.memory_space<vmem>>
        %dma_start3A_2813 = tpu.memref_squeeze %dma_start3A_2812 : memref<1x128xf32, #tpu.memory_space<vmem>> -> memref<128xf32, #tpu.memory_space<vmem>>
        %dma_start3A_2814 = tpu.memref_slice %arg6[%multiple_of3A_2778] : memref<1000000xf32, #tpu.memory_space<hbm>> -> memref<128xf32, #tpu.memory_space<hbm>>
        %dma_start3A_2815 = arith.constant 0 : i32
        %dma_start3A_2816 = tpu.memref_slice %arg13[%dma_start3A_2810, %dma_start3A_2815] : memref<8x128xf32, #tpu.memory_space<vmem>> -> memref<1x128xf32, #tpu.memory_space<vmem>>
        %dma_start3A_2817 = tpu.memref_squeeze %dma_start3A_2816 : memref<1x128xf32, #tpu.memory_space<vmem>> -> memref<128xf32, #tpu.memory_space<vmem>>
        %dma_start3A_2818 = tpu.memref_slice %arg6[%multiple_of3A_2778] : memref<1000000xf32, #tpu.memory_space<hbm>> -> memref<128xf32, #tpu.memory_space<hbm>>
        tpu.enqueue_dma source(%dma_start3A_2818 : memref<128xf32, #tpu.memory_space<hbm>>) target(%dma_start3A_2817 : memref<128xf32, #tpu.memory_space<vmem>>) target_semaphore(%arg18 : memref<!tpu.dma_semaphore, #tpu.memory_space<semaphore_mem>>)
        %dma_start3A_2819 = arith.constant 2 : i32
        %dma_start3A_2820 = arith.constant 0 : i32
        %dma_start3A_2821 = tpu.memref_slice %arg14[%dma_start3A_2819, %dma_start3A_2820] : memref<8x128xf32, #tpu.memory_space<vmem>> -> memref<1x128xf32, #tpu.memory_space<vmem>>
        %dma_start3A_2822 = tpu.memref_squeeze %dma_start3A_2821 : memref<1x128xf32, #tpu.memory_space<vmem>> -> memref<128xf32, #tpu.memory_space<vmem>>
        %dma_start3A_2823 = tpu.memref_slice %arg7[%multiple_of3A_2783] : memref<1000000xf32, #tpu.memory_space<hbm>> -> memref<128xf32, #tpu.memory_space<hbm>>
        %dma_start3A_2824 = arith.constant 0 : i32
        %dma_start3A_2825 = tpu.memref_slice %arg14[%dma_start3A_2819, %dma_start3A_2824] : memref<8x128xf32, #tpu.memory_space<vmem>> -> memref<1x128xf32, #tpu.memory_space<vmem>>
        %dma_start3A_2826 = tpu.memref_squeeze %dma_start3A_2825 : memref<1x128xf32, #tpu.memory_space<vmem>> -> memref<128xf32, #tpu.memory_space<vmem>>
        %dma_start3A_2827 = tpu.memref_slice %arg7[%multiple_of3A_2783] : memref<1000000xf32, #tpu.memory_space<hbm>> -> memref<128xf32, #tpu.memory_space<hbm>>
        tpu.enqueue_dma source(%dma_start3A_2827 : memref<128xf32, #tpu.memory_space<hbm>>) target(%dma_start3A_2826 : memref<128xf32, #tpu.memory_space<vmem>>) target_semaphore(%arg19 : memref<!tpu.dma_semaphore, #tpu.memory_space<semaphore_mem>>)
      } else {
      }
      %dma_wait3A_2184 = arith.constant 3 : i32
      %dma_wait3A_2185 = arith.constant 0 : i32
      %dma_wait3A_2186 = arith.constant 0 : i32
      %dma_wait3A_2187 = tpu.memref_slice %arg11[%dma_wait3A_2184, %dma_wait3A_2185, %dma_wait3A_2186] : memref<8x32x128xf32, #tpu.memory_space<vmem>> -> memref<1x32x128xf32, #tpu.memory_space<vmem>>
      %dma_wait3A_2188 = tpu.memref_squeeze %dma_wait3A_2187 : memref<1x32x128xf32, #tpu.memory_space<vmem>> -> memref<32x128xf32, #tpu.memory_space<vmem>>
      %dma_wait3A_2189 = arith.constant 0 : i32
      %dma_wait3A_2190 = arith.constant 0 : i32
      %dma_wait3A_2191 = tpu.memref_slice %arg4[%dma_wait3A_2189, %dma_wait3A_2190] : memref<32x1000000xf32, #tpu.memory_space<hbm>> -> memref<32x128xf32, #tpu.memory_space<hbm>>
      %dma_wait3A_2192 = arith.constant 0 : i32
      %dma_wait3A_2193 = arith.constant 0 : i32
      %dma_wait3A_2194 = tpu.memref_slice %arg11[%dma_wait3A_2184, %dma_wait3A_2192, %dma_wait3A_2193] : memref<8x32x128xf32, #tpu.memory_space<vmem>> -> memref<1x32x128xf32, #tpu.memory_space<vmem>>
      %dma_wait3A_2195 = tpu.memref_squeeze %dma_wait3A_2194 : memref<1x32x128xf32, #tpu.memory_space<vmem>> -> memref<32x128xf32, #tpu.memory_space<vmem>>
      %dma_wait3A_2196 = arith.constant 0 : i32
      %dma_wait3A_2197 = arith.constant 0 : i32
      %dma_wait3A_2198 = tpu.memref_slice %arg4[%dma_wait3A_2196, %dma_wait3A_2197] : memref<32x1000000xf32, #tpu.memory_space<hbm>> -> memref<32x128xf32, #tpu.memory_space<hbm>>
      tpu.wait_dma2 semaphore(%arg16 : memref<!tpu.dma_semaphore, #tpu.memory_space<semaphore_mem>>) src(%dma_wait3A_2198 : memref<32x128xf32, #tpu.memory_space<hbm>>) dst(%dma_wait3A_2195 : memref<32x128xf32, #tpu.memory_space<vmem>>)
      %dma_wait3A_2199 = arith.constant 3 : i32
      %dma_wait3A_2200 = arith.constant 0 : i32
      %dma_wait3A_2201 = arith.constant 0 : i32
      %dma_wait3A_2202 = tpu.memref_slice %arg12[%dma_wait3A_2199, %dma_wait3A_2200, %dma_wait3A_2201] : memref<8x32x128xf32, #tpu.memory_space<vmem>> -> memref<1x32x128xf32, #tpu.memory_space<vmem>>
      %dma_wait3A_2203 = tpu.memref_squeeze %dma_wait3A_2202 : memref<1x32x128xf32, #tpu.memory_space<vmem>> -> memref<32x128xf32, #tpu.memory_space<vmem>>
      %dma_wait3A_2204 = arith.constant 0 : i32
      %dma_wait3A_2205 = arith.constant 0 : i32
      %dma_wait3A_2206 = tpu.memref_slice %arg5[%dma_wait3A_2204, %dma_wait3A_2205] : memref<32x1000000xf32, #tpu.memory_space<hbm>> -> memref<32x128xf32, #tpu.memory_space<hbm>>
      %dma_wait3A_2207 = arith.constant 0 : i32
      %dma_wait3A_2208 = arith.constant 0 : i32
      %dma_wait3A_2209 = tpu.memref_slice %arg12[%dma_wait3A_2199, %dma_wait3A_2207, %dma_wait3A_2208] : memref<8x32x128xf32, #tpu.memory_space<vmem>> -> memref<1x32x128xf32, #tpu.memory_space<vmem>>
      %dma_wait3A_2210 = tpu.memref_squeeze %dma_wait3A_2209 : memref<1x32x128xf32, #tpu.memory_space<vmem>> -> memref<32x128xf32, #tpu.memory_space<vmem>>
      %dma_wait3A_2211 = arith.constant 0 : i32
      %dma_wait3A_2212 = arith.constant 0 : i32
      %dma_wait3A_2213 = tpu.memref_slice %arg5[%dma_wait3A_2211, %dma_wait3A_2212] : memref<32x1000000xf32, #tpu.memory_space<hbm>> -> memref<32x128xf32, #tpu.memory_space<hbm>>
      tpu.wait_dma2 semaphore(%arg17 : memref<!tpu.dma_semaphore, #tpu.memory_space<semaphore_mem>>) src(%dma_wait3A_2213 : memref<32x128xf32, #tpu.memory_space<hbm>>) dst(%dma_wait3A_2210 : memref<32x128xf32, #tpu.memory_space<vmem>>)
      %dma_wait3A_2214 = arith.constant 3 : i32
      %dma_wait3A_2215 = arith.constant 0 : i32
      %dma_wait3A_2216 = tpu.memref_slice %arg13[%dma_wait3A_2214, %dma_wait3A_2215] : memref<8x128xf32, #tpu.memory_space<vmem>> -> memref<1x128xf32, #tpu.memory_space<vmem>>
      %dma_wait3A_2217 = tpu.memref_squeeze %dma_wait3A_2216 : memref<1x128xf32, #tpu.memory_space<vmem>> -> memref<128xf32, #tpu.memory_space<vmem>>
      %dma_wait3A_2218 = arith.constant 0 : i32
      %dma_wait3A_2219 = tpu.memref_slice %arg6[%dma_wait3A_2218] : memref<1000000xf32, #tpu.memory_space<hbm>> -> memref<128xf32, #tpu.memory_space<hbm>>
      %dma_wait3A_2220 = arith.constant 0 : i32
      %dma_wait3A_2221 = tpu.memref_slice %arg13[%dma_wait3A_2214, %dma_wait3A_2220] : memref<8x128xf32, #tpu.memory_space<vmem>> -> memref<1x128xf32, #tpu.memory_space<vmem>>
      %dma_wait3A_2222 = tpu.memref_squeeze %dma_wait3A_2221 : memref<1x128xf32, #tpu.memory_space<vmem>> -> memref<128xf32, #tpu.memory_space<vmem>>
      %dma_wait3A_2223 = arith.constant 0 : i32
      %dma_wait3A_2224 = tpu.memref_slice %arg6[%dma_wait3A_2223] : memref<1000000xf32, #tpu.memory_space<hbm>> -> memref<128xf32, #tpu.memory_space<hbm>>
      tpu.wait_dma2 semaphore(%arg18 : memref<!tpu.dma_semaphore, #tpu.memory_space<semaphore_mem>>) src(%dma_wait3A_2224 : memref<128xf32, #tpu.memory_space<hbm>>) dst(%dma_wait3A_2222 : memref<128xf32, #tpu.memory_space<vmem>>)
      %dma_wait3A_2225 = arith.constant 3 : i32
      %dma_wait3A_2226 = arith.constant 0 : i32
      %dma_wait3A_2227 = tpu.memref_slice %arg14[%dma_wait3A_2225, %dma_wait3A_2226] : memref<8x128xf32, #tpu.memory_space<vmem>> -> memref<1x128xf32, #tpu.memory_space<vmem>>
      %dma_wait3A_2228 = tpu.memref_squeeze %dma_wait3A_2227 : memref<1x128xf32, #tpu.memory_space<vmem>> -> memref<128xf32, #tpu.memory_space<vmem>>
      %dma_wait3A_2229 = arith.constant 0 : i32
      %dma_wait3A_2230 = tpu.memref_slice %arg7[%dma_wait3A_2229] : memref<1000000xf32, #tpu.memory_space<hbm>> -> memref<128xf32, #tpu.memory_space<hbm>>
      %dma_wait3A_2231 = arith.constant 0 : i32
      %dma_wait3A_2232 = tpu.memref_slice %arg14[%dma_wait3A_2225, %dma_wait3A_2231] : memref<8x128xf32, #tpu.memory_space<vmem>> -> memref<1x128xf32, #tpu.memory_space<vmem>>
      %dma_wait3A_2233 = tpu.memref_squeeze %dma_wait3A_2232 : memref<1x128xf32, #tpu.memory_space<vmem>> -> memref<128xf32, #tpu.memory_space<vmem>>
      %dma_wait3A_2234 = arith.constant 0 : i32
      %dma_wait3A_2235 = tpu.memref_slice %arg7[%dma_wait3A_2234] : memref<1000000xf32, #tpu.memory_space<hbm>> -> memref<128xf32, #tpu.memory_space<hbm>>
      tpu.wait_dma2 semaphore(%arg19 : memref<!tpu.dma_semaphore, #tpu.memory_space<semaphore_mem>>) src(%dma_wait3A_2235 : memref<128xf32, #tpu.memory_space<hbm>>) dst(%dma_wait3A_2233 : memref<128xf32, #tpu.memory_space<vmem>>)
      %slice3A_2236 = vector.extract_strided_slice %get3A_487 {offsets = [11], sizes = [1], strides = [1]} : vector<16xi32> to vector<1xi32>
      %squeeze3A_2237 = vector.extract %slice3A_2236[0] : i32 from vector<1xi32>
      %slice3A_2238 = vector.extract_strided_slice %get3A_489 {offsets = [11], sizes = [1], strides = [1]} : vector<16xi32> to vector<1xi32>
      %squeeze3A_2239 = vector.extract %slice3A_2238[0] : i32 from vector<1xi32>
      %and3A_2240 = arith.constant 127 : i32
      %and3A_2241 = arith.andi %squeeze3A_2237, %and3A_2240 : i32
      %add3A_2242 = vector.broadcast %and3A_2241 : i32 to vector<16xi32>
      %add3A_2243 = arith.addi %broadcast_in_dim3A_6, %add3A_2242 : vector<16xi32>
      %and3A_2244 = arith.constant 127 : i32
      %and3A_2245 = arith.andi %squeeze3A_2239, %and3A_2244 : i32
      %add3A_2246 = vector.broadcast %and3A_2245 : i32 to vector<16xi32>
      %add3A_2247 = arith.addi %broadcast_in_dim3A_6, %add3A_2246 : vector<16xi32>
      %add3A_2248 = arith.constant 3 : i32
      %add3A_2249 = vector.broadcast %add3A_2248 : i32 to vector<16xi32>
      %add3A_2250 = arith.addi %broadcast_in_dim3A_6, %add3A_2249 : vector<16xi32>
      %gather3A_2251 = tpu.vector_load_idx %arg11[%add3A_2250, %iota3A, %add3A_2243] : memref<8x32x128xf32, #tpu.memory_space<vmem>>[vector<16xi32>, vector<16xi32>, vector<16xi32>], vector<16xf32>,
      %gather3A_2252 = tpu.vector_load_idx %arg11[%add3A_2250, %add3A_5, %add3A_2243] : memref<8x32x128xf32, #tpu.memory_space<vmem>>[vector<16xi32>, vector<16xi32>, vector<16xi32>], vector<16xf32>,
      %gather3A_2253 = tpu.vector_load_idx %arg12[%add3A_2250, %iota3A, %add3A_2247] : memref<8x32x128xf32, #tpu.memory_space<vmem>>[vector<16xi32>, vector<16xi32>, vector<16xi32>], vector<16xf32>,
      %gather3A_2254 = tpu.vector_load_idx %arg12[%add3A_2250, %add3A_5, %add3A_2247] : memref<8x32x128xf32, #tpu.memory_space<vmem>>[vector<16xi32>, vector<16xi32>, vector<16xi32>], vector<16xf32>,
      %mul3A_2255 = arith.mulf %gather3A_2251, %gather3A_2253 : vector<16xf32>
      %mul3A_2256 = arith.mulf %gather3A_2252, %gather3A_2254 : vector<16xf32>
      %add3A_2257 = arith.addf %mul3A_2255, %mul3A_2256 : vector<16xf32>
      %xor3A_2258 = arith.constant 1 : i32
      %xor3A_2259 = vector.broadcast %xor3A_2258 : i32 to vector<16xi32>
      %xor3A_2260 = arith.xori %iota3A, %xor3A_2259 : vector<16xi32>
      %broadcast_in_dim3A_2261 = vector.shape_cast %xor3A_2260 : vector<16xi32> to vector<16x1xi32>
      %gather3A_2262 = vector.shape_cast %broadcast_in_dim3A_2261 : vector<16x1xi32> to vector<16xi32>
      %gather3A_2263 = tpu.dynamic_gather %add3A_2257[%gather3A_2262] in [0] : vector<16xf32>, vector<16xi32> -> vector<16xf32>
      %add3A_2264 = arith.addf %add3A_2257, %gather3A_2263 : vector<16xf32>
      %xor3A_2265 = arith.constant 2 : i32
      %xor3A_2266 = vector.broadcast %xor3A_2265 : i32 to vector<16xi32>
      %xor3A_2267 = arith.xori %iota3A, %xor3A_2266 : vector<16xi32>
      %broadcast_in_dim3A_2268 = vector.shape_cast %xor3A_2267 : vector<16xi32> to vector<16x1xi32>
      %gather3A_2269 = vector.shape_cast %broadcast_in_dim3A_2268 : vector<16x1xi32> to vector<16xi32>
      %gather3A_2270 = tpu.dynamic_gather %add3A_2264[%gather3A_2269] in [0] : vector<16xf32>, vector<16xi32> -> vector<16xf32>
      %add3A_2271 = arith.addf %add3A_2264, %gather3A_2270 : vector<16xf32>
      %xor3A_2272 = arith.constant 4 : i32
      %xor3A_2273 = vector.broadcast %xor3A_2272 : i32 to vector<16xi32>
      %xor3A_2274 = arith.xori %iota3A, %xor3A_2273 : vector<16xi32>
      %broadcast_in_dim3A_2275 = vector.shape_cast %xor3A_2274 : vector<16xi32> to vector<16x1xi32>
      %gather3A_2276 = vector.shape_cast %broadcast_in_dim3A_2275 : vector<16x1xi32> to vector<16xi32>
      %gather3A_2277 = tpu.dynamic_gather %add3A_2271[%gather3A_2276] in [0] : vector<16xf32>, vector<16xi32> -> vector<16xf32>
      %add3A_2278 = arith.addf %add3A_2271, %gather3A_2277 : vector<16xf32>
      %xor3A_2279 = arith.constant 8 : i32
      %xor3A_2280 = vector.broadcast %xor3A_2279 : i32 to vector<16xi32>
      %xor3A_2281 = arith.xori %iota3A, %xor3A_2280 : vector<16xi32>
      %broadcast_in_dim3A_2282 = vector.shape_cast %xor3A_2281 : vector<16xi32> to vector<16x1xi32>
      %gather3A_2283 = vector.shape_cast %broadcast_in_dim3A_2282 : vector<16x1xi32> to vector<16xi32>
      %gather3A_2284 = tpu.dynamic_gather %add3A_2278[%gather3A_2283] in [0] : vector<16xf32>, vector<16xi32> -> vector<16xf32>
      %add3A_2285 = arith.addf %add3A_2278, %gather3A_2284 : vector<16xf32>
      %gather3A_2286 = tpu.vector_load_idx %arg13[%add3A_2250, %add3A_2243] : memref<8x128xf32, #tpu.memory_space<vmem>>[vector<16xi32>, vector<16xi32>], vector<16xf32>,
      %gather3A_2287 = tpu.vector_load_idx %arg14[%add3A_2250, %add3A_2247] : memref<8x128xf32, #tpu.memory_space<vmem>>[vector<16xi32>, vector<16xi32>], vector<16xf32>,
      %add3A_2288 = arith.addf %add3A_2285, %gather3A_2286 : vector<16xf32>
      %add3A_2289 = arith.addf %add3A_2288, %gather3A_2287 : vector<16xf32>
      %eq3A_2290 = arith.constant 11 : i32
      %eq3A_2291 = vector.broadcast %eq3A_2290 : i32 to vector<16xi32>
      %eq3A_2292 = arith.cmpi eq, %iota3A, %eq3A_2291 : vector<16xi32>
      %select_n3A_2293 = arith.select %eq3A_2292, %add3A_2289, %select_n3A_2176 : vector<16xi1>, vector<16xf32>
      %add3A_2294 = arith.constant 1 : i32
      %add3A_2295 = arith.addi %scan3A_474, %add3A_2294 : i32
      %lt3A_2296 = arith.constant 32 : i32
      %lt3A_2297 = arith.cmpi slt, %add3A_2295, %lt3A_2296 : i32
      %convert_element_type3A_2298 = arith.extui %lt3A_2297 : i1 to i32
      %cond3A_2299 = arith.constant 0 : i32
      %cond3A_2300 = arith.cmpi ne, %convert_element_type3A_2298, %cond3A_2299 : i32
      scf.if %cond3A_2300 {
        %slice3A_2770 = vector.extract_strided_slice %get3A_491 {offsets = [3], sizes = [1], strides = [1]} : vector<16xi32> to vector<1xi32>
        %squeeze3A_2771 = vector.extract %slice3A_2770[0] : i32 from vector<1xi32>
        %slice3A_2772 = vector.extract_strided_slice %get3A_493 {offsets = [3], sizes = [1], strides = [1]} : vector<16xi32> to vector<1xi32>
        %squeeze3A_2773 = vector.extract %slice3A_2772[0] : i32 from vector<1xi32>
        %shift_right_arithmetic3A_2774 = arith.constant 7 : i32
        %shift_right_arithmetic3A_2775 = arith.shrsi %squeeze3A_2771, %shift_right_arithmetic3A_2774 : i32
        %mul3A_2776 = arith.constant 128 : i32
        %mul3A_2777 = arith.muli %shift_right_arithmetic3A_2775, %mul3A_2776 : i32
        %multiple_of3A_2778 = tpu.assume_multiple %mul3A_2777, 128 : i32
        %shift_right_arithmetic3A_2779 = arith.constant 7 : i32
        %shift_right_arithmetic3A_2780 = arith.shrsi %squeeze3A_2773, %shift_right_arithmetic3A_2779 : i32
        %mul3A_2781 = arith.constant 128 : i32
        %mul3A_2782 = arith.muli %shift_right_arithmetic3A_2780, %mul3A_2781 : i32
        %multiple_of3A_2783 = tpu.assume_multiple %mul3A_2782, 128 : i32
        %dma_start3A_2784 = arith.constant 3 : i32
        %dma_start3A_2785 = arith.constant 0 : i32
        %dma_start3A_2786 = arith.constant 0 : i32
        %dma_start3A_2787 = tpu.memref_slice %arg11[%dma_start3A_2784, %dma_start3A_2785, %dma_start3A_2786] : memref<8x32x128xf32, #tpu.memory_space<vmem>> -> memref<1x32x128xf32, #tpu.memory_space<vmem>>
        %dma_start3A_2788 = tpu.memref_squeeze %dma_start3A_2787 : memref<1x32x128xf32, #tpu.memory_space<vmem>> -> memref<32x128xf32, #tpu.memory_space<vmem>>
        %dma_start3A_2789 = arith.constant 0 : i32
        %dma_start3A_2790 = tpu.memref_slice %arg4[%dma_start3A_2789, %multiple_of3A_2778] : memref<32x1000000xf32, #tpu.memory_space<hbm>> -> memref<32x128xf32, #tpu.memory_space<hbm>>
        %dma_start3A_2791 = arith.constant 0 : i32
        %dma_start3A_2792 = arith.constant 0 : i32
        %dma_start3A_2793 = tpu.memref_slice %arg11[%dma_start3A_2784, %dma_start3A_2791, %dma_start3A_2792] : memref<8x32x128xf32, #tpu.memory_space<vmem>> -> memref<1x32x128xf32, #tpu.memory_space<vmem>>
        %dma_start3A_2794 = tpu.memref_squeeze %dma_start3A_2793 : memref<1x32x128xf32, #tpu.memory_space<vmem>> -> memref<32x128xf32, #tpu.memory_space<vmem>>
        %dma_start3A_2795 = arith.constant 0 : i32
        %dma_start3A_2796 = tpu.memref_slice %arg4[%dma_start3A_2795, %multiple_of3A_2778] : memref<32x1000000xf32, #tpu.memory_space<hbm>> -> memref<32x128xf32, #tpu.memory_space<hbm>>
        tpu.enqueue_dma source(%dma_start3A_2796 : memref<32x128xf32, #tpu.memory_space<hbm>>) target(%dma_start3A_2794 : memref<32x128xf32, #tpu.memory_space<vmem>>) target_semaphore(%arg16 : memref<!tpu.dma_semaphore, #tpu.memory_space<semaphore_mem>>)
        %dma_start3A_2797 = arith.constant 3 : i32
        %dma_start3A_2798 = arith.constant 0 : i32
        %dma_start3A_2799 = arith.constant 0 : i32
        %dma_start3A_2800 = tpu.memref_slice %arg12[%dma_start3A_2797, %dma_start3A_2798, %dma_start3A_2799] : memref<8x32x128xf32, #tpu.memory_space<vmem>> -> memref<1x32x128xf32, #tpu.memory_space<vmem>>
        %dma_start3A_2801 = tpu.memref_squeeze %dma_start3A_2800 : memref<1x32x128xf32, #tpu.memory_space<vmem>> -> memref<32x128xf32, #tpu.memory_space<vmem>>
        %dma_start3A_2802 = arith.constant 0 : i32
        %dma_start3A_2803 = tpu.memref_slice %arg5[%dma_start3A_2802, %multiple_of3A_2783] : memref<32x1000000xf32, #tpu.memory_space<hbm>> -> memref<32x128xf32, #tpu.memory_space<hbm>>
        %dma_start3A_2804 = arith.constant 0 : i32
        %dma_start3A_2805 = arith.constant 0 : i32
        %dma_start3A_2806 = tpu.memref_slice %arg12[%dma_start3A_2797, %dma_start3A_2804, %dma_start3A_2805] : memref<8x32x128xf32, #tpu.memory_space<vmem>> -> memref<1x32x128xf32, #tpu.memory_space<vmem>>
        %dma_start3A_2807 = tpu.memref_squeeze %dma_start3A_2806 : memref<1x32x128xf32, #tpu.memory_space<vmem>> -> memref<32x128xf32, #tpu.memory_space<vmem>>
        %dma_start3A_2808 = arith.constant 0 : i32
        %dma_start3A_2809 = tpu.memref_slice %arg5[%dma_start3A_2808, %multiple_of3A_2783] : memref<32x1000000xf32, #tpu.memory_space<hbm>> -> memref<32x128xf32, #tpu.memory_space<hbm>>
        tpu.enqueue_dma source(%dma_start3A_2809 : memref<32x128xf32, #tpu.memory_space<hbm>>) target(%dma_start3A_2807 : memref<32x128xf32, #tpu.memory_space<vmem>>) target_semaphore(%arg17 : memref<!tpu.dma_semaphore, #tpu.memory_space<semaphore_mem>>)
        %dma_start3A_2810 = arith.constant 3 : i32
        %dma_start3A_2811 = arith.constant 0 : i32
        %dma_start3A_2812 = tpu.memref_slice %arg13[%dma_start3A_2810, %dma_start3A_2811] : memref<8x128xf32, #tpu.memory_space<vmem>> -> memref<1x128xf32, #tpu.memory_space<vmem>>
        %dma_start3A_2813 = tpu.memref_squeeze %dma_start3A_2812 : memref<1x128xf32, #tpu.memory_space<vmem>> -> memref<128xf32, #tpu.memory_space<vmem>>
        %dma_start3A_2814 = tpu.memref_slice %arg6[%multiple_of3A_2778] : memref<1000000xf32, #tpu.memory_space<hbm>> -> memref<128xf32, #tpu.memory_space<hbm>>
        %dma_start3A_2815 = arith.constant 0 : i32
        %dma_start3A_2816 = tpu.memref_slice %arg13[%dma_start3A_2810, %dma_start3A_2815] : memref<8x128xf32, #tpu.memory_space<vmem>> -> memref<1x128xf32, #tpu.memory_space<vmem>>
        %dma_start3A_2817 = tpu.memref_squeeze %dma_start3A_2816 : memref<1x128xf32, #tpu.memory_space<vmem>> -> memref<128xf32, #tpu.memory_space<vmem>>
        %dma_start3A_2818 = tpu.memref_slice %arg6[%multiple_of3A_2778] : memref<1000000xf32, #tpu.memory_space<hbm>> -> memref<128xf32, #tpu.memory_space<hbm>>
        tpu.enqueue_dma source(%dma_start3A_2818 : memref<128xf32, #tpu.memory_space<hbm>>) target(%dma_start3A_2817 : memref<128xf32, #tpu.memory_space<vmem>>) target_semaphore(%arg18 : memref<!tpu.dma_semaphore, #tpu.memory_space<semaphore_mem>>)
        %dma_start3A_2819 = arith.constant 3 : i32
        %dma_start3A_2820 = arith.constant 0 : i32
        %dma_start3A_2821 = tpu.memref_slice %arg14[%dma_start3A_2819, %dma_start3A_2820] : memref<8x128xf32, #tpu.memory_space<vmem>> -> memref<1x128xf32, #tpu.memory_space<vmem>>
        %dma_start3A_2822 = tpu.memref_squeeze %dma_start3A_2821 : memref<1x128xf32, #tpu.memory_space<vmem>> -> memref<128xf32, #tpu.memory_space<vmem>>
        %dma_start3A_2823 = tpu.memref_slice %arg7[%multiple_of3A_2783] : memref<1000000xf32, #tpu.memory_space<hbm>> -> memref<128xf32, #tpu.memory_space<hbm>>
        %dma_start3A_2824 = arith.constant 0 : i32
        %dma_start3A_2825 = tpu.memref_slice %arg14[%dma_start3A_2819, %dma_start3A_2824] : memref<8x128xf32, #tpu.memory_space<vmem>> -> memref<1x128xf32, #tpu.memory_space<vmem>>
        %dma_start3A_2826 = tpu.memref_squeeze %dma_start3A_2825 : memref<1x128xf32, #tpu.memory_space<vmem>> -> memref<128xf32, #tpu.memory_space<vmem>>
        %dma_start3A_2827 = tpu.memref_slice %arg7[%multiple_of3A_2783] : memref<1000000xf32, #tpu.memory_space<hbm>> -> memref<128xf32, #tpu.memory_space<hbm>>
        tpu.enqueue_dma source(%dma_start3A_2827 : memref<128xf32, #tpu.memory_space<hbm>>) target(%dma_start3A_2826 : memref<128xf32, #tpu.memory_space<vmem>>) target_semaphore(%arg19 : memref<!tpu.dma_semaphore, #tpu.memory_space<semaphore_mem>>)
      } else {
      }
      %dma_wait3A_2301 = arith.constant 4 : i32
      %dma_wait3A_2302 = arith.constant 0 : i32
      %dma_wait3A_2303 = arith.constant 0 : i32
      %dma_wait3A_2304 = tpu.memref_slice %arg11[%dma_wait3A_2301, %dma_wait3A_2302, %dma_wait3A_2303] : memref<8x32x128xf32, #tpu.memory_space<vmem>> -> memref<1x32x128xf32, #tpu.memory_space<vmem>>
      %dma_wait3A_2305 = tpu.memref_squeeze %dma_wait3A_2304 : memref<1x32x128xf32, #tpu.memory_space<vmem>> -> memref<32x128xf32, #tpu.memory_space<vmem>>
      %dma_wait3A_2306 = arith.constant 0 : i32
      %dma_wait3A_2307 = arith.constant 0 : i32
      %dma_wait3A_2308 = tpu.memref_slice %arg4[%dma_wait3A_2306, %dma_wait3A_2307] : memref<32x1000000xf32, #tpu.memory_space<hbm>> -> memref<32x128xf32, #tpu.memory_space<hbm>>
      %dma_wait3A_2309 = arith.constant 0 : i32
      %dma_wait3A_2310 = arith.constant 0 : i32
      %dma_wait3A_2311 = tpu.memref_slice %arg11[%dma_wait3A_2301, %dma_wait3A_2309, %dma_wait3A_2310] : memref<8x32x128xf32, #tpu.memory_space<vmem>> -> memref<1x32x128xf32, #tpu.memory_space<vmem>>
      %dma_wait3A_2312 = tpu.memref_squeeze %dma_wait3A_2311 : memref<1x32x128xf32, #tpu.memory_space<vmem>> -> memref<32x128xf32, #tpu.memory_space<vmem>>
      %dma_wait3A_2313 = arith.constant 0 : i32
      %dma_wait3A_2314 = arith.constant 0 : i32
      %dma_wait3A_2315 = tpu.memref_slice %arg4[%dma_wait3A_2313, %dma_wait3A_2314] : memref<32x1000000xf32, #tpu.memory_space<hbm>> -> memref<32x128xf32, #tpu.memory_space<hbm>>
      tpu.wait_dma2 semaphore(%arg16 : memref<!tpu.dma_semaphore, #tpu.memory_space<semaphore_mem>>) src(%dma_wait3A_2315 : memref<32x128xf32, #tpu.memory_space<hbm>>) dst(%dma_wait3A_2312 : memref<32x128xf32, #tpu.memory_space<vmem>>)
      %dma_wait3A_2316 = arith.constant 4 : i32
      %dma_wait3A_2317 = arith.constant 0 : i32
      %dma_wait3A_2318 = arith.constant 0 : i32
      %dma_wait3A_2319 = tpu.memref_slice %arg12[%dma_wait3A_2316, %dma_wait3A_2317, %dma_wait3A_2318] : memref<8x32x128xf32, #tpu.memory_space<vmem>> -> memref<1x32x128xf32, #tpu.memory_space<vmem>>
      %dma_wait3A_2320 = tpu.memref_squeeze %dma_wait3A_2319 : memref<1x32x128xf32, #tpu.memory_space<vmem>> -> memref<32x128xf32, #tpu.memory_space<vmem>>
      %dma_wait3A_2321 = arith.constant 0 : i32
      %dma_wait3A_2322 = arith.constant 0 : i32
      %dma_wait3A_2323 = tpu.memref_slice %arg5[%dma_wait3A_2321, %dma_wait3A_2322] : memref<32x1000000xf32, #tpu.memory_space<hbm>> -> memref<32x128xf32, #tpu.memory_space<hbm>>
      %dma_wait3A_2324 = arith.constant 0 : i32
      %dma_wait3A_2325 = arith.constant 0 : i32
      %dma_wait3A_2326 = tpu.memref_slice %arg12[%dma_wait3A_2316, %dma_wait3A_2324, %dma_wait3A_2325] : memref<8x32x128xf32, #tpu.memory_space<vmem>> -> memref<1x32x128xf32, #tpu.memory_space<vmem>>
      %dma_wait3A_2327 = tpu.memref_squeeze %dma_wait3A_2326 : memref<1x32x128xf32, #tpu.memory_space<vmem>> -> memref<32x128xf32, #tpu.memory_space<vmem>>
      %dma_wait3A_2328 = arith.constant 0 : i32
      %dma_wait3A_2329 = arith.constant 0 : i32
      %dma_wait3A_2330 = tpu.memref_slice %arg5[%dma_wait3A_2328, %dma_wait3A_2329] : memref<32x1000000xf32, #tpu.memory_space<hbm>> -> memref<32x128xf32, #tpu.memory_space<hbm>>
      tpu.wait_dma2 semaphore(%arg17 : memref<!tpu.dma_semaphore, #tpu.memory_space<semaphore_mem>>) src(%dma_wait3A_2330 : memref<32x128xf32, #tpu.memory_space<hbm>>) dst(%dma_wait3A_2327 : memref<32x128xf32, #tpu.memory_space<vmem>>)
      %dma_wait3A_2331 = arith.constant 4 : i32
      %dma_wait3A_2332 = arith.constant 0 : i32
      %dma_wait3A_2333 = tpu.memref_slice %arg13[%dma_wait3A_2331, %dma_wait3A_2332] : memref<8x128xf32, #tpu.memory_space<vmem>> -> memref<1x128xf32, #tpu.memory_space<vmem>>
      %dma_wait3A_2334 = tpu.memref_squeeze %dma_wait3A_2333 : memref<1x128xf32, #tpu.memory_space<vmem>> -> memref<128xf32, #tpu.memory_space<vmem>>
      %dma_wait3A_2335 = arith.constant 0 : i32
      %dma_wait3A_2336 = tpu.memref_slice %arg6[%dma_wait3A_2335] : memref<1000000xf32, #tpu.memory_space<hbm>> -> memref<128xf32, #tpu.memory_space<hbm>>
      %dma_wait3A_2337 = arith.constant 0 : i32
      %dma_wait3A_2338 = tpu.memref_slice %arg13[%dma_wait3A_2331, %dma_wait3A_2337] : memref<8x128xf32, #tpu.memory_space<vmem>> -> memref<1x128xf32, #tpu.memory_space<vmem>>
      %dma_wait3A_2339 = tpu.memref_squeeze %dma_wait3A_2338 : memref<1x128xf32, #tpu.memory_space<vmem>> -> memref<128xf32, #tpu.memory_space<vmem>>
      %dma_wait3A_2340 = arith.constant 0 : i32
      %dma_wait3A_2341 = tpu.memref_slice %arg6[%dma_wait3A_2340] : memref<1000000xf32, #tpu.memory_space<hbm>> -> memref<128xf32, #tpu.memory_space<hbm>>
      tpu.wait_dma2 semaphore(%arg18 : memref<!tpu.dma_semaphore, #tpu.memory_space<semaphore_mem>>) src(%dma_wait3A_2341 : memref<128xf32, #tpu.memory_space<hbm>>) dst(%dma_wait3A_2339 : memref<128xf32, #tpu.memory_space<vmem>>)
      %dma_wait3A_2342 = arith.constant 4 : i32
      %dma_wait3A_2343 = arith.constant 0 : i32
      %dma_wait3A_2344 = tpu.memref_slice %arg14[%dma_wait3A_2342, %dma_wait3A_2343] : memref<8x128xf32, #tpu.memory_space<vmem>> -> memref<1x128xf32, #tpu.memory_space<vmem>>
      %dma_wait3A_2345 = tpu.memref_squeeze %dma_wait3A_2344 : memref<1x128xf32, #tpu.memory_space<vmem>> -> memref<128xf32, #tpu.memory_space<vmem>>
      %dma_wait3A_2346 = arith.constant 0 : i32
      %dma_wait3A_2347 = tpu.memref_slice %arg7[%dma_wait3A_2346] : memref<1000000xf32, #tpu.memory_space<hbm>> -> memref<128xf32, #tpu.memory_space<hbm>>
      %dma_wait3A_2348 = arith.constant 0 : i32
      %dma_wait3A_2349 = tpu.memref_slice %arg14[%dma_wait3A_2342, %dma_wait3A_2348] : memref<8x128xf32, #tpu.memory_space<vmem>> -> memref<1x128xf32, #tpu.memory_space<vmem>>
      %dma_wait3A_2350 = tpu.memref_squeeze %dma_wait3A_2349 : memref<1x128xf32, #tpu.memory_space<vmem>> -> memref<128xf32, #tpu.memory_space<vmem>>
      %dma_wait3A_2351 = arith.constant 0 : i32
      %dma_wait3A_2352 = tpu.memref_slice %arg7[%dma_wait3A_2351] : memref<1000000xf32, #tpu.memory_space<hbm>> -> memref<128xf32, #tpu.memory_space<hbm>>
      tpu.wait_dma2 semaphore(%arg19 : memref<!tpu.dma_semaphore, #tpu.memory_space<semaphore_mem>>) src(%dma_wait3A_2352 : memref<128xf32, #tpu.memory_space<hbm>>) dst(%dma_wait3A_2350 : memref<128xf32, #tpu.memory_space<vmem>>)
      %slice3A_2353 = vector.extract_strided_slice %get3A_487 {offsets = [12], sizes = [1], strides = [1]} : vector<16xi32> to vector<1xi32>
      %squeeze3A_2354 = vector.extract %slice3A_2353[0] : i32 from vector<1xi32>
      %slice3A_2355 = vector.extract_strided_slice %get3A_489 {offsets = [12], sizes = [1], strides = [1]} : vector<16xi32> to vector<1xi32>
      %squeeze3A_2356 = vector.extract %slice3A_2355[0] : i32 from vector<1xi32>
      %and3A_2357 = arith.constant 127 : i32
      %and3A_2358 = arith.andi %squeeze3A_2354, %and3A_2357 : i32
      %add3A_2359 = vector.broadcast %and3A_2358 : i32 to vector<16xi32>
      %add3A_2360 = arith.addi %broadcast_in_dim3A_6, %add3A_2359 : vector<16xi32>
      %and3A_2361 = arith.constant 127 : i32
      %and3A_2362 = arith.andi %squeeze3A_2356, %and3A_2361 : i32
      %add3A_2363 = vector.broadcast %and3A_2362 : i32 to vector<16xi32>
      %add3A_2364 = arith.addi %broadcast_in_dim3A_6, %add3A_2363 : vector<16xi32>
      %add3A_2365 = arith.constant 4 : i32
      %add3A_2366 = vector.broadcast %add3A_2365 : i32 to vector<16xi32>
      %add3A_2367 = arith.addi %broadcast_in_dim3A_6, %add3A_2366 : vector<16xi32>
      %gather3A_2368 = tpu.vector_load_idx %arg11[%add3A_2367, %iota3A, %add3A_2360] : memref<8x32x128xf32, #tpu.memory_space<vmem>>[vector<16xi32>, vector<16xi32>, vector<16xi32>], vector<16xf32>,
      %gather3A_2369 = tpu.vector_load_idx %arg11[%add3A_2367, %add3A_5, %add3A_2360] : memref<8x32x128xf32, #tpu.memory_space<vmem>>[vector<16xi32>, vector<16xi32>, vector<16xi32>], vector<16xf32>,
      %gather3A_2370 = tpu.vector_load_idx %arg12[%add3A_2367, %iota3A, %add3A_2364] : memref<8x32x128xf32, #tpu.memory_space<vmem>>[vector<16xi32>, vector<16xi32>, vector<16xi32>], vector<16xf32>,
      %gather3A_2371 = tpu.vector_load_idx %arg12[%add3A_2367, %add3A_5, %add3A_2364] : memref<8x32x128xf32, #tpu.memory_space<vmem>>[vector<16xi32>, vector<16xi32>, vector<16xi32>], vector<16xf32>,
      %mul3A_2372 = arith.mulf %gather3A_2368, %gather3A_2370 : vector<16xf32>
      %mul3A_2373 = arith.mulf %gather3A_2369, %gather3A_2371 : vector<16xf32>
      %add3A_2374 = arith.addf %mul3A_2372, %mul3A_2373 : vector<16xf32>
      %xor3A_2375 = arith.constant 1 : i32
      %xor3A_2376 = vector.broadcast %xor3A_2375 : i32 to vector<16xi32>
      %xor3A_2377 = arith.xori %iota3A, %xor3A_2376 : vector<16xi32>
      %broadcast_in_dim3A_2378 = vector.shape_cast %xor3A_2377 : vector<16xi32> to vector<16x1xi32>
      %gather3A_2379 = vector.shape_cast %broadcast_in_dim3A_2378 : vector<16x1xi32> to vector<16xi32>
      %gather3A_2380 = tpu.dynamic_gather %add3A_2374[%gather3A_2379] in [0] : vector<16xf32>, vector<16xi32> -> vector<16xf32>
      %add3A_2381 = arith.addf %add3A_2374, %gather3A_2380 : vector<16xf32>
      %xor3A_2382 = arith.constant 2 : i32
      %xor3A_2383 = vector.broadcast %xor3A_2382 : i32 to vector<16xi32>
      %xor3A_2384 = arith.xori %iota3A, %xor3A_2383 : vector<16xi32>
      %broadcast_in_dim3A_2385 = vector.shape_cast %xor3A_2384 : vector<16xi32> to vector<16x1xi32>
      %gather3A_2386 = vector.shape_cast %broadcast_in_dim3A_2385 : vector<16x1xi32> to vector<16xi32>
      %gather3A_2387 = tpu.dynamic_gather %add3A_2381[%gather3A_2386] in [0] : vector<16xf32>, vector<16xi32> -> vector<16xf32>
      %add3A_2388 = arith.addf %add3A_2381, %gather3A_2387 : vector<16xf32>
      %xor3A_2389 = arith.constant 4 : i32
      %xor3A_2390 = vector.broadcast %xor3A_2389 : i32 to vector<16xi32>
      %xor3A_2391 = arith.xori %iota3A, %xor3A_2390 : vector<16xi32>
      %broadcast_in_dim3A_2392 = vector.shape_cast %xor3A_2391 : vector<16xi32> to vector<16x1xi32>
      %gather3A_2393 = vector.shape_cast %broadcast_in_dim3A_2392 : vector<16x1xi32> to vector<16xi32>
      %gather3A_2394 = tpu.dynamic_gather %add3A_2388[%gather3A_2393] in [0] : vector<16xf32>, vector<16xi32> -> vector<16xf32>
      %add3A_2395 = arith.addf %add3A_2388, %gather3A_2394 : vector<16xf32>
      %xor3A_2396 = arith.constant 8 : i32
      %xor3A_2397 = vector.broadcast %xor3A_2396 : i32 to vector<16xi32>
      %xor3A_2398 = arith.xori %iota3A, %xor3A_2397 : vector<16xi32>
      %broadcast_in_dim3A_2399 = vector.shape_cast %xor3A_2398 : vector<16xi32> to vector<16x1xi32>
      %gather3A_2400 = vector.shape_cast %broadcast_in_dim3A_2399 : vector<16x1xi32> to vector<16xi32>
      %gather3A_2401 = tpu.dynamic_gather %add3A_2395[%gather3A_2400] in [0] : vector<16xf32>, vector<16xi32> -> vector<16xf32>
      %add3A_2402 = arith.addf %add3A_2395, %gather3A_2401 : vector<16xf32>
      %gather3A_2403 = tpu.vector_load_idx %arg13[%add3A_2367, %add3A_2360] : memref<8x128xf32, #tpu.memory_space<vmem>>[vector<16xi32>, vector<16xi32>], vector<16xf32>,
      %gather3A_2404 = tpu.vector_load_idx %arg14[%add3A_2367, %add3A_2364] : memref<8x128xf32, #tpu.memory_space<vmem>>[vector<16xi32>, vector<16xi32>], vector<16xf32>,
      %add3A_2405 = arith.addf %add3A_2402, %gather3A_2403 : vector<16xf32>
      %add3A_2406 = arith.addf %add3A_2405, %gather3A_2404 : vector<16xf32>
      %eq3A_2407 = arith.constant 12 : i32
      %eq3A_2408 = vector.broadcast %eq3A_2407 : i32 to vector<16xi32>
      %eq3A_2409 = arith.cmpi eq, %iota3A, %eq3A_2408 : vector<16xi32>
      %select_n3A_2410 = arith.select %eq3A_2409, %add3A_2406, %select_n3A_2293 : vector<16xi1>, vector<16xf32>
      %add3A_2411 = arith.constant 1 : i32
      %add3A_2412 = arith.addi %scan3A_474, %add3A_2411 : i32
      %lt3A_2413 = arith.constant 32 : i32
      %lt3A_2414 = arith.cmpi slt, %add3A_2412, %lt3A_2413 : i32
      %convert_element_type3A_2415 = arith.extui %lt3A_2414 : i1 to i32
      %cond3A_2416 = arith.constant 0 : i32
      %cond3A_2417 = arith.cmpi ne, %convert_element_type3A_2415, %cond3A_2416 : i32
      scf.if %cond3A_2417 {
        %slice3A_2770 = vector.extract_strided_slice %get3A_491 {offsets = [4], sizes = [1], strides = [1]} : vector<16xi32> to vector<1xi32>
        %squeeze3A_2771 = vector.extract %slice3A_2770[0] : i32 from vector<1xi32>
        %slice3A_2772 = vector.extract_strided_slice %get3A_493 {offsets = [4], sizes = [1], strides = [1]} : vector<16xi32> to vector<1xi32>
        %squeeze3A_2773 = vector.extract %slice3A_2772[0] : i32 from vector<1xi32>
        %shift_right_arithmetic3A_2774 = arith.constant 7 : i32
        %shift_right_arithmetic3A_2775 = arith.shrsi %squeeze3A_2771, %shift_right_arithmetic3A_2774 : i32
        %mul3A_2776 = arith.constant 128 : i32
        %mul3A_2777 = arith.muli %shift_right_arithmetic3A_2775, %mul3A_2776 : i32
        %multiple_of3A_2778 = tpu.assume_multiple %mul3A_2777, 128 : i32
        %shift_right_arithmetic3A_2779 = arith.constant 7 : i32
        %shift_right_arithmetic3A_2780 = arith.shrsi %squeeze3A_2773, %shift_right_arithmetic3A_2779 : i32
        %mul3A_2781 = arith.constant 128 : i32
        %mul3A_2782 = arith.muli %shift_right_arithmetic3A_2780, %mul3A_2781 : i32
        %multiple_of3A_2783 = tpu.assume_multiple %mul3A_2782, 128 : i32
        %dma_start3A_2784 = arith.constant 4 : i32
        %dma_start3A_2785 = arith.constant 0 : i32
        %dma_start3A_2786 = arith.constant 0 : i32
        %dma_start3A_2787 = tpu.memref_slice %arg11[%dma_start3A_2784, %dma_start3A_2785, %dma_start3A_2786] : memref<8x32x128xf32, #tpu.memory_space<vmem>> -> memref<1x32x128xf32, #tpu.memory_space<vmem>>
        %dma_start3A_2788 = tpu.memref_squeeze %dma_start3A_2787 : memref<1x32x128xf32, #tpu.memory_space<vmem>> -> memref<32x128xf32, #tpu.memory_space<vmem>>
        %dma_start3A_2789 = arith.constant 0 : i32
        %dma_start3A_2790 = tpu.memref_slice %arg4[%dma_start3A_2789, %multiple_of3A_2778] : memref<32x1000000xf32, #tpu.memory_space<hbm>> -> memref<32x128xf32, #tpu.memory_space<hbm>>
        %dma_start3A_2791 = arith.constant 0 : i32
        %dma_start3A_2792 = arith.constant 0 : i32
        %dma_start3A_2793 = tpu.memref_slice %arg11[%dma_start3A_2784, %dma_start3A_2791, %dma_start3A_2792] : memref<8x32x128xf32, #tpu.memory_space<vmem>> -> memref<1x32x128xf32, #tpu.memory_space<vmem>>
        %dma_start3A_2794 = tpu.memref_squeeze %dma_start3A_2793 : memref<1x32x128xf32, #tpu.memory_space<vmem>> -> memref<32x128xf32, #tpu.memory_space<vmem>>
        %dma_start3A_2795 = arith.constant 0 : i32
        %dma_start3A_2796 = tpu.memref_slice %arg4[%dma_start3A_2795, %multiple_of3A_2778] : memref<32x1000000xf32, #tpu.memory_space<hbm>> -> memref<32x128xf32, #tpu.memory_space<hbm>>
        tpu.enqueue_dma source(%dma_start3A_2796 : memref<32x128xf32, #tpu.memory_space<hbm>>) target(%dma_start3A_2794 : memref<32x128xf32, #tpu.memory_space<vmem>>) target_semaphore(%arg16 : memref<!tpu.dma_semaphore, #tpu.memory_space<semaphore_mem>>)
        %dma_start3A_2797 = arith.constant 4 : i32
        %dma_start3A_2798 = arith.constant 0 : i32
        %dma_start3A_2799 = arith.constant 0 : i32
        %dma_start3A_2800 = tpu.memref_slice %arg12[%dma_start3A_2797, %dma_start3A_2798, %dma_start3A_2799] : memref<8x32x128xf32, #tpu.memory_space<vmem>> -> memref<1x32x128xf32, #tpu.memory_space<vmem>>
        %dma_start3A_2801 = tpu.memref_squeeze %dma_start3A_2800 : memref<1x32x128xf32, #tpu.memory_space<vmem>> -> memref<32x128xf32, #tpu.memory_space<vmem>>
        %dma_start3A_2802 = arith.constant 0 : i32
        %dma_start3A_2803 = tpu.memref_slice %arg5[%dma_start3A_2802, %multiple_of3A_2783] : memref<32x1000000xf32, #tpu.memory_space<hbm>> -> memref<32x128xf32, #tpu.memory_space<hbm>>
        %dma_start3A_2804 = arith.constant 0 : i32
        %dma_start3A_2805 = arith.constant 0 : i32
        %dma_start3A_2806 = tpu.memref_slice %arg12[%dma_start3A_2797, %dma_start3A_2804, %dma_start3A_2805] : memref<8x32x128xf32, #tpu.memory_space<vmem>> -> memref<1x32x128xf32, #tpu.memory_space<vmem>>
        %dma_start3A_2807 = tpu.memref_squeeze %dma_start3A_2806 : memref<1x32x128xf32, #tpu.memory_space<vmem>> -> memref<32x128xf32, #tpu.memory_space<vmem>>
        %dma_start3A_2808 = arith.constant 0 : i32
        %dma_start3A_2809 = tpu.memref_slice %arg5[%dma_start3A_2808, %multiple_of3A_2783] : memref<32x1000000xf32, #tpu.memory_space<hbm>> -> memref<32x128xf32, #tpu.memory_space<hbm>>
        tpu.enqueue_dma source(%dma_start3A_2809 : memref<32x128xf32, #tpu.memory_space<hbm>>) target(%dma_start3A_2807 : memref<32x128xf32, #tpu.memory_space<vmem>>) target_semaphore(%arg17 : memref<!tpu.dma_semaphore, #tpu.memory_space<semaphore_mem>>)
        %dma_start3A_2810 = arith.constant 4 : i32
        %dma_start3A_2811 = arith.constant 0 : i32
        %dma_start3A_2812 = tpu.memref_slice %arg13[%dma_start3A_2810, %dma_start3A_2811] : memref<8x128xf32, #tpu.memory_space<vmem>> -> memref<1x128xf32, #tpu.memory_space<vmem>>
        %dma_start3A_2813 = tpu.memref_squeeze %dma_start3A_2812 : memref<1x128xf32, #tpu.memory_space<vmem>> -> memref<128xf32, #tpu.memory_space<vmem>>
        %dma_start3A_2814 = tpu.memref_slice %arg6[%multiple_of3A_2778] : memref<1000000xf32, #tpu.memory_space<hbm>> -> memref<128xf32, #tpu.memory_space<hbm>>
        %dma_start3A_2815 = arith.constant 0 : i32
        %dma_start3A_2816 = tpu.memref_slice %arg13[%dma_start3A_2810, %dma_start3A_2815] : memref<8x128xf32, #tpu.memory_space<vmem>> -> memref<1x128xf32, #tpu.memory_space<vmem>>
        %dma_start3A_2817 = tpu.memref_squeeze %dma_start3A_2816 : memref<1x128xf32, #tpu.memory_space<vmem>> -> memref<128xf32, #tpu.memory_space<vmem>>
        %dma_start3A_2818 = tpu.memref_slice %arg6[%multiple_of3A_2778] : memref<1000000xf32, #tpu.memory_space<hbm>> -> memref<128xf32, #tpu.memory_space<hbm>>
        tpu.enqueue_dma source(%dma_start3A_2818 : memref<128xf32, #tpu.memory_space<hbm>>) target(%dma_start3A_2817 : memref<128xf32, #tpu.memory_space<vmem>>) target_semaphore(%arg18 : memref<!tpu.dma_semaphore, #tpu.memory_space<semaphore_mem>>)
        %dma_start3A_2819 = arith.constant 4 : i32
        %dma_start3A_2820 = arith.constant 0 : i32
        %dma_start3A_2821 = tpu.memref_slice %arg14[%dma_start3A_2819, %dma_start3A_2820] : memref<8x128xf32, #tpu.memory_space<vmem>> -> memref<1x128xf32, #tpu.memory_space<vmem>>
        %dma_start3A_2822 = tpu.memref_squeeze %dma_start3A_2821 : memref<1x128xf32, #tpu.memory_space<vmem>> -> memref<128xf32, #tpu.memory_space<vmem>>
        %dma_start3A_2823 = tpu.memref_slice %arg7[%multiple_of3A_2783] : memref<1000000xf32, #tpu.memory_space<hbm>> -> memref<128xf32, #tpu.memory_space<hbm>>
        %dma_start3A_2824 = arith.constant 0 : i32
        %dma_start3A_2825 = tpu.memref_slice %arg14[%dma_start3A_2819, %dma_start3A_2824] : memref<8x128xf32, #tpu.memory_space<vmem>> -> memref<1x128xf32, #tpu.memory_space<vmem>>
        %dma_start3A_2826 = tpu.memref_squeeze %dma_start3A_2825 : memref<1x128xf32, #tpu.memory_space<vmem>> -> memref<128xf32, #tpu.memory_space<vmem>>
        %dma_start3A_2827 = tpu.memref_slice %arg7[%multiple_of3A_2783] : memref<1000000xf32, #tpu.memory_space<hbm>> -> memref<128xf32, #tpu.memory_space<hbm>>
        tpu.enqueue_dma source(%dma_start3A_2827 : memref<128xf32, #tpu.memory_space<hbm>>) target(%dma_start3A_2826 : memref<128xf32, #tpu.memory_space<vmem>>) target_semaphore(%arg19 : memref<!tpu.dma_semaphore, #tpu.memory_space<semaphore_mem>>)
      } else {
      }
      %dma_wait3A_2418 = arith.constant 5 : i32
      %dma_wait3A_2419 = arith.constant 0 : i32
      %dma_wait3A_2420 = arith.constant 0 : i32
      %dma_wait3A_2421 = tpu.memref_slice %arg11[%dma_wait3A_2418, %dma_wait3A_2419, %dma_wait3A_2420] : memref<8x32x128xf32, #tpu.memory_space<vmem>> -> memref<1x32x128xf32, #tpu.memory_space<vmem>>
      %dma_wait3A_2422 = tpu.memref_squeeze %dma_wait3A_2421 : memref<1x32x128xf32, #tpu.memory_space<vmem>> -> memref<32x128xf32, #tpu.memory_space<vmem>>
      %dma_wait3A_2423 = arith.constant 0 : i32
      %dma_wait3A_2424 = arith.constant 0 : i32
      %dma_wait3A_2425 = tpu.memref_slice %arg4[%dma_wait3A_2423, %dma_wait3A_2424] : memref<32x1000000xf32, #tpu.memory_space<hbm>> -> memref<32x128xf32, #tpu.memory_space<hbm>>
      %dma_wait3A_2426 = arith.constant 0 : i32
      %dma_wait3A_2427 = arith.constant 0 : i32
      %dma_wait3A_2428 = tpu.memref_slice %arg11[%dma_wait3A_2418, %dma_wait3A_2426, %dma_wait3A_2427] : memref<8x32x128xf32, #tpu.memory_space<vmem>> -> memref<1x32x128xf32, #tpu.memory_space<vmem>>
      %dma_wait3A_2429 = tpu.memref_squeeze %dma_wait3A_2428 : memref<1x32x128xf32, #tpu.memory_space<vmem>> -> memref<32x128xf32, #tpu.memory_space<vmem>>
      %dma_wait3A_2430 = arith.constant 0 : i32
      %dma_wait3A_2431 = arith.constant 0 : i32
      %dma_wait3A_2432 = tpu.memref_slice %arg4[%dma_wait3A_2430, %dma_wait3A_2431] : memref<32x1000000xf32, #tpu.memory_space<hbm>> -> memref<32x128xf32, #tpu.memory_space<hbm>>
      tpu.wait_dma2 semaphore(%arg16 : memref<!tpu.dma_semaphore, #tpu.memory_space<semaphore_mem>>) src(%dma_wait3A_2432 : memref<32x128xf32, #tpu.memory_space<hbm>>) dst(%dma_wait3A_2429 : memref<32x128xf32, #tpu.memory_space<vmem>>)
      %dma_wait3A_2433 = arith.constant 5 : i32
      %dma_wait3A_2434 = arith.constant 0 : i32
      %dma_wait3A_2435 = arith.constant 0 : i32
      %dma_wait3A_2436 = tpu.memref_slice %arg12[%dma_wait3A_2433, %dma_wait3A_2434, %dma_wait3A_2435] : memref<8x32x128xf32, #tpu.memory_space<vmem>> -> memref<1x32x128xf32, #tpu.memory_space<vmem>>
      %dma_wait3A_2437 = tpu.memref_squeeze %dma_wait3A_2436 : memref<1x32x128xf32, #tpu.memory_space<vmem>> -> memref<32x128xf32, #tpu.memory_space<vmem>>
      %dma_wait3A_2438 = arith.constant 0 : i32
      %dma_wait3A_2439 = arith.constant 0 : i32
      %dma_wait3A_2440 = tpu.memref_slice %arg5[%dma_wait3A_2438, %dma_wait3A_2439] : memref<32x1000000xf32, #tpu.memory_space<hbm>> -> memref<32x128xf32, #tpu.memory_space<hbm>>
      %dma_wait3A_2441 = arith.constant 0 : i32
      %dma_wait3A_2442 = arith.constant 0 : i32
      %dma_wait3A_2443 = tpu.memref_slice %arg12[%dma_wait3A_2433, %dma_wait3A_2441, %dma_wait3A_2442] : memref<8x32x128xf32, #tpu.memory_space<vmem>> -> memref<1x32x128xf32, #tpu.memory_space<vmem>>
      %dma_wait3A_2444 = tpu.memref_squeeze %dma_wait3A_2443 : memref<1x32x128xf32, #tpu.memory_space<vmem>> -> memref<32x128xf32, #tpu.memory_space<vmem>>
      %dma_wait3A_2445 = arith.constant 0 : i32
      %dma_wait3A_2446 = arith.constant 0 : i32
      %dma_wait3A_2447 = tpu.memref_slice %arg5[%dma_wait3A_2445, %dma_wait3A_2446] : memref<32x1000000xf32, #tpu.memory_space<hbm>> -> memref<32x128xf32, #tpu.memory_space<hbm>>
      tpu.wait_dma2 semaphore(%arg17 : memref<!tpu.dma_semaphore, #tpu.memory_space<semaphore_mem>>) src(%dma_wait3A_2447 : memref<32x128xf32, #tpu.memory_space<hbm>>) dst(%dma_wait3A_2444 : memref<32x128xf32, #tpu.memory_space<vmem>>)
      %dma_wait3A_2448 = arith.constant 5 : i32
      %dma_wait3A_2449 = arith.constant 0 : i32
      %dma_wait3A_2450 = tpu.memref_slice %arg13[%dma_wait3A_2448, %dma_wait3A_2449] : memref<8x128xf32, #tpu.memory_space<vmem>> -> memref<1x128xf32, #tpu.memory_space<vmem>>
      %dma_wait3A_2451 = tpu.memref_squeeze %dma_wait3A_2450 : memref<1x128xf32, #tpu.memory_space<vmem>> -> memref<128xf32, #tpu.memory_space<vmem>>
      %dma_wait3A_2452 = arith.constant 0 : i32
      %dma_wait3A_2453 = tpu.memref_slice %arg6[%dma_wait3A_2452] : memref<1000000xf32, #tpu.memory_space<hbm>> -> memref<128xf32, #tpu.memory_space<hbm>>
      %dma_wait3A_2454 = arith.constant 0 : i32
      %dma_wait3A_2455 = tpu.memref_slice %arg13[%dma_wait3A_2448, %dma_wait3A_2454] : memref<8x128xf32, #tpu.memory_space<vmem>> -> memref<1x128xf32, #tpu.memory_space<vmem>>
      %dma_wait3A_2456 = tpu.memref_squeeze %dma_wait3A_2455 : memref<1x128xf32, #tpu.memory_space<vmem>> -> memref<128xf32, #tpu.memory_space<vmem>>
      %dma_wait3A_2457 = arith.constant 0 : i32
      %dma_wait3A_2458 = tpu.memref_slice %arg6[%dma_wait3A_2457] : memref<1000000xf32, #tpu.memory_space<hbm>> -> memref<128xf32, #tpu.memory_space<hbm>>
      tpu.wait_dma2 semaphore(%arg18 : memref<!tpu.dma_semaphore, #tpu.memory_space<semaphore_mem>>) src(%dma_wait3A_2458 : memref<128xf32, #tpu.memory_space<hbm>>) dst(%dma_wait3A_2456 : memref<128xf32, #tpu.memory_space<vmem>>)
      %dma_wait3A_2459 = arith.constant 5 : i32
      %dma_wait3A_2460 = arith.constant 0 : i32
      %dma_wait3A_2461 = tpu.memref_slice %arg14[%dma_wait3A_2459, %dma_wait3A_2460] : memref<8x128xf32, #tpu.memory_space<vmem>> -> memref<1x128xf32, #tpu.memory_space<vmem>>
      %dma_wait3A_2462 = tpu.memref_squeeze %dma_wait3A_2461 : memref<1x128xf32, #tpu.memory_space<vmem>> -> memref<128xf32, #tpu.memory_space<vmem>>
      %dma_wait3A_2463 = arith.constant 0 : i32
      %dma_wait3A_2464 = tpu.memref_slice %arg7[%dma_wait3A_2463] : memref<1000000xf32, #tpu.memory_space<hbm>> -> memref<128xf32, #tpu.memory_space<hbm>>
      %dma_wait3A_2465 = arith.constant 0 : i32
      %dma_wait3A_2466 = tpu.memref_slice %arg14[%dma_wait3A_2459, %dma_wait3A_2465] : memref<8x128xf32, #tpu.memory_space<vmem>> -> memref<1x128xf32, #tpu.memory_space<vmem>>
      %dma_wait3A_2467 = tpu.memref_squeeze %dma_wait3A_2466 : memref<1x128xf32, #tpu.memory_space<vmem>> -> memref<128xf32, #tpu.memory_space<vmem>>
      %dma_wait3A_2468 = arith.constant 0 : i32
      %dma_wait3A_2469 = tpu.memref_slice %arg7[%dma_wait3A_2468] : memref<1000000xf32, #tpu.memory_space<hbm>> -> memref<128xf32, #tpu.memory_space<hbm>>
      tpu.wait_dma2 semaphore(%arg19 : memref<!tpu.dma_semaphore, #tpu.memory_space<semaphore_mem>>) src(%dma_wait3A_2469 : memref<128xf32, #tpu.memory_space<hbm>>) dst(%dma_wait3A_2467 : memref<128xf32, #tpu.memory_space<vmem>>)
      %slice3A_2470 = vector.extract_strided_slice %get3A_487 {offsets = [13], sizes = [1], strides = [1]} : vector<16xi32> to vector<1xi32>
      %squeeze3A_2471 = vector.extract %slice3A_2470[0] : i32 from vector<1xi32>
      %slice3A_2472 = vector.extract_strided_slice %get3A_489 {offsets = [13], sizes = [1], strides = [1]} : vector<16xi32> to vector<1xi32>
      %squeeze3A_2473 = vector.extract %slice3A_2472[0] : i32 from vector<1xi32>
      %and3A_2474 = arith.constant 127 : i32
      %and3A_2475 = arith.andi %squeeze3A_2471, %and3A_2474 : i32
      %add3A_2476 = vector.broadcast %and3A_2475 : i32 to vector<16xi32>
      %add3A_2477 = arith.addi %broadcast_in_dim3A_6, %add3A_2476 : vector<16xi32>
      %and3A_2478 = arith.constant 127 : i32
      %and3A_2479 = arith.andi %squeeze3A_2473, %and3A_2478 : i32
      %add3A_2480 = vector.broadcast %and3A_2479 : i32 to vector<16xi32>
      %add3A_2481 = arith.addi %broadcast_in_dim3A_6, %add3A_2480 : vector<16xi32>
      %add3A_2482 = arith.constant 5 : i32
      %add3A_2483 = vector.broadcast %add3A_2482 : i32 to vector<16xi32>
      %add3A_2484 = arith.addi %broadcast_in_dim3A_6, %add3A_2483 : vector<16xi32>
      %gather3A_2485 = tpu.vector_load_idx %arg11[%add3A_2484, %iota3A, %add3A_2477] : memref<8x32x128xf32, #tpu.memory_space<vmem>>[vector<16xi32>, vector<16xi32>, vector<16xi32>], vector<16xf32>,
      %gather3A_2486 = tpu.vector_load_idx %arg11[%add3A_2484, %add3A_5, %add3A_2477] : memref<8x32x128xf32, #tpu.memory_space<vmem>>[vector<16xi32>, vector<16xi32>, vector<16xi32>], vector<16xf32>,
      %gather3A_2487 = tpu.vector_load_idx %arg12[%add3A_2484, %iota3A, %add3A_2481] : memref<8x32x128xf32, #tpu.memory_space<vmem>>[vector<16xi32>, vector<16xi32>, vector<16xi32>], vector<16xf32>,
      %gather3A_2488 = tpu.vector_load_idx %arg12[%add3A_2484, %add3A_5, %add3A_2481] : memref<8x32x128xf32, #tpu.memory_space<vmem>>[vector<16xi32>, vector<16xi32>, vector<16xi32>], vector<16xf32>,
      %mul3A_2489 = arith.mulf %gather3A_2485, %gather3A_2487 : vector<16xf32>
      %mul3A_2490 = arith.mulf %gather3A_2486, %gather3A_2488 : vector<16xf32>
      %add3A_2491 = arith.addf %mul3A_2489, %mul3A_2490 : vector<16xf32>
      %xor3A_2492 = arith.constant 1 : i32
      %xor3A_2493 = vector.broadcast %xor3A_2492 : i32 to vector<16xi32>
      %xor3A_2494 = arith.xori %iota3A, %xor3A_2493 : vector<16xi32>
      %broadcast_in_dim3A_2495 = vector.shape_cast %xor3A_2494 : vector<16xi32> to vector<16x1xi32>
      %gather3A_2496 = vector.shape_cast %broadcast_in_dim3A_2495 : vector<16x1xi32> to vector<16xi32>
      %gather3A_2497 = tpu.dynamic_gather %add3A_2491[%gather3A_2496] in [0] : vector<16xf32>, vector<16xi32> -> vector<16xf32>
      %add3A_2498 = arith.addf %add3A_2491, %gather3A_2497 : vector<16xf32>
      %xor3A_2499 = arith.constant 2 : i32
      %xor3A_2500 = vector.broadcast %xor3A_2499 : i32 to vector<16xi32>
      %xor3A_2501 = arith.xori %iota3A, %xor3A_2500 : vector<16xi32>
      %broadcast_in_dim3A_2502 = vector.shape_cast %xor3A_2501 : vector<16xi32> to vector<16x1xi32>
      %gather3A_2503 = vector.shape_cast %broadcast_in_dim3A_2502 : vector<16x1xi32> to vector<16xi32>
      %gather3A_2504 = tpu.dynamic_gather %add3A_2498[%gather3A_2503] in [0] : vector<16xf32>, vector<16xi32> -> vector<16xf32>
      %add3A_2505 = arith.addf %add3A_2498, %gather3A_2504 : vector<16xf32>
      %xor3A_2506 = arith.constant 4 : i32
      %xor3A_2507 = vector.broadcast %xor3A_2506 : i32 to vector<16xi32>
      %xor3A_2508 = arith.xori %iota3A, %xor3A_2507 : vector<16xi32>
      %broadcast_in_dim3A_2509 = vector.shape_cast %xor3A_2508 : vector<16xi32> to vector<16x1xi32>
      %gather3A_2510 = vector.shape_cast %broadcast_in_dim3A_2509 : vector<16x1xi32> to vector<16xi32>
      %gather3A_2511 = tpu.dynamic_gather %add3A_2505[%gather3A_2510] in [0] : vector<16xf32>, vector<16xi32> -> vector<16xf32>
      %add3A_2512 = arith.addf %add3A_2505, %gather3A_2511 : vector<16xf32>
      %xor3A_2513 = arith.constant 8 : i32
      %xor3A_2514 = vector.broadcast %xor3A_2513 : i32 to vector<16xi32>
      %xor3A_2515 = arith.xori %iota3A, %xor3A_2514 : vector<16xi32>
      %broadcast_in_dim3A_2516 = vector.shape_cast %xor3A_2515 : vector<16xi32> to vector<16x1xi32>
      %gather3A_2517 = vector.shape_cast %broadcast_in_dim3A_2516 : vector<16x1xi32> to vector<16xi32>
      %gather3A_2518 = tpu.dynamic_gather %add3A_2512[%gather3A_2517] in [0] : vector<16xf32>, vector<16xi32> -> vector<16xf32>
      %add3A_2519 = arith.addf %add3A_2512, %gather3A_2518 : vector<16xf32>
      %gather3A_2520 = tpu.vector_load_idx %arg13[%add3A_2484, %add3A_2477] : memref<8x128xf32, #tpu.memory_space<vmem>>[vector<16xi32>, vector<16xi32>], vector<16xf32>,
      %gather3A_2521 = tpu.vector_load_idx %arg14[%add3A_2484, %add3A_2481] : memref<8x128xf32, #tpu.memory_space<vmem>>[vector<16xi32>, vector<16xi32>], vector<16xf32>,
      %add3A_2522 = arith.addf %add3A_2519, %gather3A_2520 : vector<16xf32>
      %add3A_2523 = arith.addf %add3A_2522, %gather3A_2521 : vector<16xf32>
      %eq3A_2524 = arith.constant 13 : i32
      %eq3A_2525 = vector.broadcast %eq3A_2524 : i32 to vector<16xi32>
      %eq3A_2526 = arith.cmpi eq, %iota3A, %eq3A_2525 : vector<16xi32>
      %select_n3A_2527 = arith.select %eq3A_2526, %add3A_2523, %select_n3A_2410 : vector<16xi1>, vector<16xf32>
      %add3A_2528 = arith.constant 1 : i32
      %add3A_2529 = arith.addi %scan3A_474, %add3A_2528 : i32
      %lt3A_2530 = arith.constant 32 : i32
      %lt3A_2531 = arith.cmpi slt, %add3A_2529, %lt3A_2530 : i32
      %convert_element_type3A_2532 = arith.extui %lt3A_2531 : i1 to i32
      %cond3A_2533 = arith.constant 0 : i32
      %cond3A_2534 = arith.cmpi ne, %convert_element_type3A_2532, %cond3A_2533 : i32
      scf.if %cond3A_2534 {
        %slice3A_2770 = vector.extract_strided_slice %get3A_491 {offsets = [5], sizes = [1], strides = [1]} : vector<16xi32> to vector<1xi32>
        %squeeze3A_2771 = vector.extract %slice3A_2770[0] : i32 from vector<1xi32>
        %slice3A_2772 = vector.extract_strided_slice %get3A_493 {offsets = [5], sizes = [1], strides = [1]} : vector<16xi32> to vector<1xi32>
        %squeeze3A_2773 = vector.extract %slice3A_2772[0] : i32 from vector<1xi32>
        %shift_right_arithmetic3A_2774 = arith.constant 7 : i32
        %shift_right_arithmetic3A_2775 = arith.shrsi %squeeze3A_2771, %shift_right_arithmetic3A_2774 : i32
        %mul3A_2776 = arith.constant 128 : i32
        %mul3A_2777 = arith.muli %shift_right_arithmetic3A_2775, %mul3A_2776 : i32
        %multiple_of3A_2778 = tpu.assume_multiple %mul3A_2777, 128 : i32
        %shift_right_arithmetic3A_2779 = arith.constant 7 : i32
        %shift_right_arithmetic3A_2780 = arith.shrsi %squeeze3A_2773, %shift_right_arithmetic3A_2779 : i32
        %mul3A_2781 = arith.constant 128 : i32
        %mul3A_2782 = arith.muli %shift_right_arithmetic3A_2780, %mul3A_2781 : i32
        %multiple_of3A_2783 = tpu.assume_multiple %mul3A_2782, 128 : i32
        %dma_start3A_2784 = arith.constant 5 : i32
        %dma_start3A_2785 = arith.constant 0 : i32
        %dma_start3A_2786 = arith.constant 0 : i32
        %dma_start3A_2787 = tpu.memref_slice %arg11[%dma_start3A_2784, %dma_start3A_2785, %dma_start3A_2786] : memref<8x32x128xf32, #tpu.memory_space<vmem>> -> memref<1x32x128xf32, #tpu.memory_space<vmem>>
        %dma_start3A_2788 = tpu.memref_squeeze %dma_start3A_2787 : memref<1x32x128xf32, #tpu.memory_space<vmem>> -> memref<32x128xf32, #tpu.memory_space<vmem>>
        %dma_start3A_2789 = arith.constant 0 : i32
        %dma_start3A_2790 = tpu.memref_slice %arg4[%dma_start3A_2789, %multiple_of3A_2778] : memref<32x1000000xf32, #tpu.memory_space<hbm>> -> memref<32x128xf32, #tpu.memory_space<hbm>>
        %dma_start3A_2791 = arith.constant 0 : i32
        %dma_start3A_2792 = arith.constant 0 : i32
        %dma_start3A_2793 = tpu.memref_slice %arg11[%dma_start3A_2784, %dma_start3A_2791, %dma_start3A_2792] : memref<8x32x128xf32, #tpu.memory_space<vmem>> -> memref<1x32x128xf32, #tpu.memory_space<vmem>>
        %dma_start3A_2794 = tpu.memref_squeeze %dma_start3A_2793 : memref<1x32x128xf32, #tpu.memory_space<vmem>> -> memref<32x128xf32, #tpu.memory_space<vmem>>
        %dma_start3A_2795 = arith.constant 0 : i32
        %dma_start3A_2796 = tpu.memref_slice %arg4[%dma_start3A_2795, %multiple_of3A_2778] : memref<32x1000000xf32, #tpu.memory_space<hbm>> -> memref<32x128xf32, #tpu.memory_space<hbm>>
        tpu.enqueue_dma source(%dma_start3A_2796 : memref<32x128xf32, #tpu.memory_space<hbm>>) target(%dma_start3A_2794 : memref<32x128xf32, #tpu.memory_space<vmem>>) target_semaphore(%arg16 : memref<!tpu.dma_semaphore, #tpu.memory_space<semaphore_mem>>)
        %dma_start3A_2797 = arith.constant 5 : i32
        %dma_start3A_2798 = arith.constant 0 : i32
        %dma_start3A_2799 = arith.constant 0 : i32
        %dma_start3A_2800 = tpu.memref_slice %arg12[%dma_start3A_2797, %dma_start3A_2798, %dma_start3A_2799] : memref<8x32x128xf32, #tpu.memory_space<vmem>> -> memref<1x32x128xf32, #tpu.memory_space<vmem>>
        %dma_start3A_2801 = tpu.memref_squeeze %dma_start3A_2800 : memref<1x32x128xf32, #tpu.memory_space<vmem>> -> memref<32x128xf32, #tpu.memory_space<vmem>>
        %dma_start3A_2802 = arith.constant 0 : i32
        %dma_start3A_2803 = tpu.memref_slice %arg5[%dma_start3A_2802, %multiple_of3A_2783] : memref<32x1000000xf32, #tpu.memory_space<hbm>> -> memref<32x128xf32, #tpu.memory_space<hbm>>
        %dma_start3A_2804 = arith.constant 0 : i32
        %dma_start3A_2805 = arith.constant 0 : i32
        %dma_start3A_2806 = tpu.memref_slice %arg12[%dma_start3A_2797, %dma_start3A_2804, %dma_start3A_2805] : memref<8x32x128xf32, #tpu.memory_space<vmem>> -> memref<1x32x128xf32, #tpu.memory_space<vmem>>
        %dma_start3A_2807 = tpu.memref_squeeze %dma_start3A_2806 : memref<1x32x128xf32, #tpu.memory_space<vmem>> -> memref<32x128xf32, #tpu.memory_space<vmem>>
        %dma_start3A_2808 = arith.constant 0 : i32
        %dma_start3A_2809 = tpu.memref_slice %arg5[%dma_start3A_2808, %multiple_of3A_2783] : memref<32x1000000xf32, #tpu.memory_space<hbm>> -> memref<32x128xf32, #tpu.memory_space<hbm>>
        tpu.enqueue_dma source(%dma_start3A_2809 : memref<32x128xf32, #tpu.memory_space<hbm>>) target(%dma_start3A_2807 : memref<32x128xf32, #tpu.memory_space<vmem>>) target_semaphore(%arg17 : memref<!tpu.dma_semaphore, #tpu.memory_space<semaphore_mem>>)
        %dma_start3A_2810 = arith.constant 5 : i32
        %dma_start3A_2811 = arith.constant 0 : i32
        %dma_start3A_2812 = tpu.memref_slice %arg13[%dma_start3A_2810, %dma_start3A_2811] : memref<8x128xf32, #tpu.memory_space<vmem>> -> memref<1x128xf32, #tpu.memory_space<vmem>>
        %dma_start3A_2813 = tpu.memref_squeeze %dma_start3A_2812 : memref<1x128xf32, #tpu.memory_space<vmem>> -> memref<128xf32, #tpu.memory_space<vmem>>
        %dma_start3A_2814 = tpu.memref_slice %arg6[%multiple_of3A_2778] : memref<1000000xf32, #tpu.memory_space<hbm>> -> memref<128xf32, #tpu.memory_space<hbm>>
        %dma_start3A_2815 = arith.constant 0 : i32
        %dma_start3A_2816 = tpu.memref_slice %arg13[%dma_start3A_2810, %dma_start3A_2815] : memref<8x128xf32, #tpu.memory_space<vmem>> -> memref<1x128xf32, #tpu.memory_space<vmem>>
        %dma_start3A_2817 = tpu.memref_squeeze %dma_start3A_2816 : memref<1x128xf32, #tpu.memory_space<vmem>> -> memref<128xf32, #tpu.memory_space<vmem>>
        %dma_start3A_2818 = tpu.memref_slice %arg6[%multiple_of3A_2778] : memref<1000000xf32, #tpu.memory_space<hbm>> -> memref<128xf32, #tpu.memory_space<hbm>>
        tpu.enqueue_dma source(%dma_start3A_2818 : memref<128xf32, #tpu.memory_space<hbm>>) target(%dma_start3A_2817 : memref<128xf32, #tpu.memory_space<vmem>>) target_semaphore(%arg18 : memref<!tpu.dma_semaphore, #tpu.memory_space<semaphore_mem>>)
        %dma_start3A_2819 = arith.constant 5 : i32
        %dma_start3A_2820 = arith.constant 0 : i32
        %dma_start3A_2821 = tpu.memref_slice %arg14[%dma_start3A_2819, %dma_start3A_2820] : memref<8x128xf32, #tpu.memory_space<vmem>> -> memref<1x128xf32, #tpu.memory_space<vmem>>
        %dma_start3A_2822 = tpu.memref_squeeze %dma_start3A_2821 : memref<1x128xf32, #tpu.memory_space<vmem>> -> memref<128xf32, #tpu.memory_space<vmem>>
        %dma_start3A_2823 = tpu.memref_slice %arg7[%multiple_of3A_2783] : memref<1000000xf32, #tpu.memory_space<hbm>> -> memref<128xf32, #tpu.memory_space<hbm>>
        %dma_start3A_2824 = arith.constant 0 : i32
        %dma_start3A_2825 = tpu.memref_slice %arg14[%dma_start3A_2819, %dma_start3A_2824] : memref<8x128xf32, #tpu.memory_space<vmem>> -> memref<1x128xf32, #tpu.memory_space<vmem>>
        %dma_start3A_2826 = tpu.memref_squeeze %dma_start3A_2825 : memref<1x128xf32, #tpu.memory_space<vmem>> -> memref<128xf32, #tpu.memory_space<vmem>>
        %dma_start3A_2827 = tpu.memref_slice %arg7[%multiple_of3A_2783] : memref<1000000xf32, #tpu.memory_space<hbm>> -> memref<128xf32, #tpu.memory_space<hbm>>
        tpu.enqueue_dma source(%dma_start3A_2827 : memref<128xf32, #tpu.memory_space<hbm>>) target(%dma_start3A_2826 : memref<128xf32, #tpu.memory_space<vmem>>) target_semaphore(%arg19 : memref<!tpu.dma_semaphore, #tpu.memory_space<semaphore_mem>>)
      } else {
      }
      %dma_wait3A_2535 = arith.constant 6 : i32
      %dma_wait3A_2536 = arith.constant 0 : i32
      %dma_wait3A_2537 = arith.constant 0 : i32
      %dma_wait3A_2538 = tpu.memref_slice %arg11[%dma_wait3A_2535, %dma_wait3A_2536, %dma_wait3A_2537] : memref<8x32x128xf32, #tpu.memory_space<vmem>> -> memref<1x32x128xf32, #tpu.memory_space<vmem>>
      %dma_wait3A_2539 = tpu.memref_squeeze %dma_wait3A_2538 : memref<1x32x128xf32, #tpu.memory_space<vmem>> -> memref<32x128xf32, #tpu.memory_space<vmem>>
      %dma_wait3A_2540 = arith.constant 0 : i32
      %dma_wait3A_2541 = arith.constant 0 : i32
      %dma_wait3A_2542 = tpu.memref_slice %arg4[%dma_wait3A_2540, %dma_wait3A_2541] : memref<32x1000000xf32, #tpu.memory_space<hbm>> -> memref<32x128xf32, #tpu.memory_space<hbm>>
      %dma_wait3A_2543 = arith.constant 0 : i32
      %dma_wait3A_2544 = arith.constant 0 : i32
      %dma_wait3A_2545 = tpu.memref_slice %arg11[%dma_wait3A_2535, %dma_wait3A_2543, %dma_wait3A_2544] : memref<8x32x128xf32, #tpu.memory_space<vmem>> -> memref<1x32x128xf32, #tpu.memory_space<vmem>>
      %dma_wait3A_2546 = tpu.memref_squeeze %dma_wait3A_2545 : memref<1x32x128xf32, #tpu.memory_space<vmem>> -> memref<32x128xf32, #tpu.memory_space<vmem>>
      %dma_wait3A_2547 = arith.constant 0 : i32
      %dma_wait3A_2548 = arith.constant 0 : i32
      %dma_wait3A_2549 = tpu.memref_slice %arg4[%dma_wait3A_2547, %dma_wait3A_2548] : memref<32x1000000xf32, #tpu.memory_space<hbm>> -> memref<32x128xf32, #tpu.memory_space<hbm>>
      tpu.wait_dma2 semaphore(%arg16 : memref<!tpu.dma_semaphore, #tpu.memory_space<semaphore_mem>>) src(%dma_wait3A_2549 : memref<32x128xf32, #tpu.memory_space<hbm>>) dst(%dma_wait3A_2546 : memref<32x128xf32, #tpu.memory_space<vmem>>)
      %dma_wait3A_2550 = arith.constant 6 : i32
      %dma_wait3A_2551 = arith.constant 0 : i32
      %dma_wait3A_2552 = arith.constant 0 : i32
      %dma_wait3A_2553 = tpu.memref_slice %arg12[%dma_wait3A_2550, %dma_wait3A_2551, %dma_wait3A_2552] : memref<8x32x128xf32, #tpu.memory_space<vmem>> -> memref<1x32x128xf32, #tpu.memory_space<vmem>>
      %dma_wait3A_2554 = tpu.memref_squeeze %dma_wait3A_2553 : memref<1x32x128xf32, #tpu.memory_space<vmem>> -> memref<32x128xf32, #tpu.memory_space<vmem>>
      %dma_wait3A_2555 = arith.constant 0 : i32
      %dma_wait3A_2556 = arith.constant 0 : i32
      %dma_wait3A_2557 = tpu.memref_slice %arg5[%dma_wait3A_2555, %dma_wait3A_2556] : memref<32x1000000xf32, #tpu.memory_space<hbm>> -> memref<32x128xf32, #tpu.memory_space<hbm>>
      %dma_wait3A_2558 = arith.constant 0 : i32
      %dma_wait3A_2559 = arith.constant 0 : i32
      %dma_wait3A_2560 = tpu.memref_slice %arg12[%dma_wait3A_2550, %dma_wait3A_2558, %dma_wait3A_2559] : memref<8x32x128xf32, #tpu.memory_space<vmem>> -> memref<1x32x128xf32, #tpu.memory_space<vmem>>
      %dma_wait3A_2561 = tpu.memref_squeeze %dma_wait3A_2560 : memref<1x32x128xf32, #tpu.memory_space<vmem>> -> memref<32x128xf32, #tpu.memory_space<vmem>>
      %dma_wait3A_2562 = arith.constant 0 : i32
      %dma_wait3A_2563 = arith.constant 0 : i32
      %dma_wait3A_2564 = tpu.memref_slice %arg5[%dma_wait3A_2562, %dma_wait3A_2563] : memref<32x1000000xf32, #tpu.memory_space<hbm>> -> memref<32x128xf32, #tpu.memory_space<hbm>>
      tpu.wait_dma2 semaphore(%arg17 : memref<!tpu.dma_semaphore, #tpu.memory_space<semaphore_mem>>) src(%dma_wait3A_2564 : memref<32x128xf32, #tpu.memory_space<hbm>>) dst(%dma_wait3A_2561 : memref<32x128xf32, #tpu.memory_space<vmem>>)
      %dma_wait3A_2565 = arith.constant 6 : i32
      %dma_wait3A_2566 = arith.constant 0 : i32
      %dma_wait3A_2567 = tpu.memref_slice %arg13[%dma_wait3A_2565, %dma_wait3A_2566] : memref<8x128xf32, #tpu.memory_space<vmem>> -> memref<1x128xf32, #tpu.memory_space<vmem>>
      %dma_wait3A_2568 = tpu.memref_squeeze %dma_wait3A_2567 : memref<1x128xf32, #tpu.memory_space<vmem>> -> memref<128xf32, #tpu.memory_space<vmem>>
      %dma_wait3A_2569 = arith.constant 0 : i32
      %dma_wait3A_2570 = tpu.memref_slice %arg6[%dma_wait3A_2569] : memref<1000000xf32, #tpu.memory_space<hbm>> -> memref<128xf32, #tpu.memory_space<hbm>>
      %dma_wait3A_2571 = arith.constant 0 : i32
      %dma_wait3A_2572 = tpu.memref_slice %arg13[%dma_wait3A_2565, %dma_wait3A_2571] : memref<8x128xf32, #tpu.memory_space<vmem>> -> memref<1x128xf32, #tpu.memory_space<vmem>>
      %dma_wait3A_2573 = tpu.memref_squeeze %dma_wait3A_2572 : memref<1x128xf32, #tpu.memory_space<vmem>> -> memref<128xf32, #tpu.memory_space<vmem>>
      %dma_wait3A_2574 = arith.constant 0 : i32
      %dma_wait3A_2575 = tpu.memref_slice %arg6[%dma_wait3A_2574] : memref<1000000xf32, #tpu.memory_space<hbm>> -> memref<128xf32, #tpu.memory_space<hbm>>
      tpu.wait_dma2 semaphore(%arg18 : memref<!tpu.dma_semaphore, #tpu.memory_space<semaphore_mem>>) src(%dma_wait3A_2575 : memref<128xf32, #tpu.memory_space<hbm>>) dst(%dma_wait3A_2573 : memref<128xf32, #tpu.memory_space<vmem>>)
      %dma_wait3A_2576 = arith.constant 6 : i32
      %dma_wait3A_2577 = arith.constant 0 : i32
      %dma_wait3A_2578 = tpu.memref_slice %arg14[%dma_wait3A_2576, %dma_wait3A_2577] : memref<8x128xf32, #tpu.memory_space<vmem>> -> memref<1x128xf32, #tpu.memory_space<vmem>>
      %dma_wait3A_2579 = tpu.memref_squeeze %dma_wait3A_2578 : memref<1x128xf32, #tpu.memory_space<vmem>> -> memref<128xf32, #tpu.memory_space<vmem>>
      %dma_wait3A_2580 = arith.constant 0 : i32
      %dma_wait3A_2581 = tpu.memref_slice %arg7[%dma_wait3A_2580] : memref<1000000xf32, #tpu.memory_space<hbm>> -> memref<128xf32, #tpu.memory_space<hbm>>
      %dma_wait3A_2582 = arith.constant 0 : i32
      %dma_wait3A_2583 = tpu.memref_slice %arg14[%dma_wait3A_2576, %dma_wait3A_2582] : memref<8x128xf32, #tpu.memory_space<vmem>> -> memref<1x128xf32, #tpu.memory_space<vmem>>
      %dma_wait3A_2584 = tpu.memref_squeeze %dma_wait3A_2583 : memref<1x128xf32, #tpu.memory_space<vmem>> -> memref<128xf32, #tpu.memory_space<vmem>>
      %dma_wait3A_2585 = arith.constant 0 : i32
      %dma_wait3A_2586 = tpu.memref_slice %arg7[%dma_wait3A_2585] : memref<1000000xf32, #tpu.memory_space<hbm>> -> memref<128xf32, #tpu.memory_space<hbm>>
      tpu.wait_dma2 semaphore(%arg19 : memref<!tpu.dma_semaphore, #tpu.memory_space<semaphore_mem>>) src(%dma_wait3A_2586 : memref<128xf32, #tpu.memory_space<hbm>>) dst(%dma_wait3A_2584 : memref<128xf32, #tpu.memory_space<vmem>>)
      %slice3A_2587 = vector.extract_strided_slice %get3A_487 {offsets = [14], sizes = [1], strides = [1]} : vector<16xi32> to vector<1xi32>
      %squeeze3A_2588 = vector.extract %slice3A_2587[0] : i32 from vector<1xi32>
      %slice3A_2589 = vector.extract_strided_slice %get3A_489 {offsets = [14], sizes = [1], strides = [1]} : vector<16xi32> to vector<1xi32>
      %squeeze3A_2590 = vector.extract %slice3A_2589[0] : i32 from vector<1xi32>
      %and3A_2591 = arith.constant 127 : i32
      %and3A_2592 = arith.andi %squeeze3A_2588, %and3A_2591 : i32
      %add3A_2593 = vector.broadcast %and3A_2592 : i32 to vector<16xi32>
      %add3A_2594 = arith.addi %broadcast_in_dim3A_6, %add3A_2593 : vector<16xi32>
      %and3A_2595 = arith.constant 127 : i32
      %and3A_2596 = arith.andi %squeeze3A_2590, %and3A_2595 : i32
      %add3A_2597 = vector.broadcast %and3A_2596 : i32 to vector<16xi32>
      %add3A_2598 = arith.addi %broadcast_in_dim3A_6, %add3A_2597 : vector<16xi32>
      %add3A_2599 = arith.constant 6 : i32
      %add3A_2600 = vector.broadcast %add3A_2599 : i32 to vector<16xi32>
      %add3A_2601 = arith.addi %broadcast_in_dim3A_6, %add3A_2600 : vector<16xi32>
      %gather3A_2602 = tpu.vector_load_idx %arg11[%add3A_2601, %iota3A, %add3A_2594] : memref<8x32x128xf32, #tpu.memory_space<vmem>>[vector<16xi32>, vector<16xi32>, vector<16xi32>], vector<16xf32>,
      %gather3A_2603 = tpu.vector_load_idx %arg11[%add3A_2601, %add3A_5, %add3A_2594] : memref<8x32x128xf32, #tpu.memory_space<vmem>>[vector<16xi32>, vector<16xi32>, vector<16xi32>], vector<16xf32>,
      %gather3A_2604 = tpu.vector_load_idx %arg12[%add3A_2601, %iota3A, %add3A_2598] : memref<8x32x128xf32, #tpu.memory_space<vmem>>[vector<16xi32>, vector<16xi32>, vector<16xi32>], vector<16xf32>,
      %gather3A_2605 = tpu.vector_load_idx %arg12[%add3A_2601, %add3A_5, %add3A_2598] : memref<8x32x128xf32, #tpu.memory_space<vmem>>[vector<16xi32>, vector<16xi32>, vector<16xi32>], vector<16xf32>,
      %mul3A_2606 = arith.mulf %gather3A_2602, %gather3A_2604 : vector<16xf32>
      %mul3A_2607 = arith.mulf %gather3A_2603, %gather3A_2605 : vector<16xf32>
      %add3A_2608 = arith.addf %mul3A_2606, %mul3A_2607 : vector<16xf32>
      %xor3A_2609 = arith.constant 1 : i32
      %xor3A_2610 = vector.broadcast %xor3A_2609 : i32 to vector<16xi32>
      %xor3A_2611 = arith.xori %iota3A, %xor3A_2610 : vector<16xi32>
      %broadcast_in_dim3A_2612 = vector.shape_cast %xor3A_2611 : vector<16xi32> to vector<16x1xi32>
      %gather3A_2613 = vector.shape_cast %broadcast_in_dim3A_2612 : vector<16x1xi32> to vector<16xi32>
      %gather3A_2614 = tpu.dynamic_gather %add3A_2608[%gather3A_2613] in [0] : vector<16xf32>, vector<16xi32> -> vector<16xf32>
      %add3A_2615 = arith.addf %add3A_2608, %gather3A_2614 : vector<16xf32>
      %xor3A_2616 = arith.constant 2 : i32
      %xor3A_2617 = vector.broadcast %xor3A_2616 : i32 to vector<16xi32>
      %xor3A_2618 = arith.xori %iota3A, %xor3A_2617 : vector<16xi32>
      %broadcast_in_dim3A_2619 = vector.shape_cast %xor3A_2618 : vector<16xi32> to vector<16x1xi32>
      %gather3A_2620 = vector.shape_cast %broadcast_in_dim3A_2619 : vector<16x1xi32> to vector<16xi32>
      %gather3A_2621 = tpu.dynamic_gather %add3A_2615[%gather3A_2620] in [0] : vector<16xf32>, vector<16xi32> -> vector<16xf32>
      %add3A_2622 = arith.addf %add3A_2615, %gather3A_2621 : vector<16xf32>
      %xor3A_2623 = arith.constant 4 : i32
      %xor3A_2624 = vector.broadcast %xor3A_2623 : i32 to vector<16xi32>
      %xor3A_2625 = arith.xori %iota3A, %xor3A_2624 : vector<16xi32>
      %broadcast_in_dim3A_2626 = vector.shape_cast %xor3A_2625 : vector<16xi32> to vector<16x1xi32>
      %gather3A_2627 = vector.shape_cast %broadcast_in_dim3A_2626 : vector<16x1xi32> to vector<16xi32>
      %gather3A_2628 = tpu.dynamic_gather %add3A_2622[%gather3A_2627] in [0] : vector<16xf32>, vector<16xi32> -> vector<16xf32>
      %add3A_2629 = arith.addf %add3A_2622, %gather3A_2628 : vector<16xf32>
      %xor3A_2630 = arith.constant 8 : i32
      %xor3A_2631 = vector.broadcast %xor3A_2630 : i32 to vector<16xi32>
      %xor3A_2632 = arith.xori %iota3A, %xor3A_2631 : vector<16xi32>
      %broadcast_in_dim3A_2633 = vector.shape_cast %xor3A_2632 : vector<16xi32> to vector<16x1xi32>
      %gather3A_2634 = vector.shape_cast %broadcast_in_dim3A_2633 : vector<16x1xi32> to vector<16xi32>
      %gather3A_2635 = tpu.dynamic_gather %add3A_2629[%gather3A_2634] in [0] : vector<16xf32>, vector<16xi32> -> vector<16xf32>
      %add3A_2636 = arith.addf %add3A_2629, %gather3A_2635 : vector<16xf32>
      %gather3A_2637 = tpu.vector_load_idx %arg13[%add3A_2601, %add3A_2594] : memref<8x128xf32, #tpu.memory_space<vmem>>[vector<16xi32>, vector<16xi32>], vector<16xf32>,
      %gather3A_2638 = tpu.vector_load_idx %arg14[%add3A_2601, %add3A_2598] : memref<8x128xf32, #tpu.memory_space<vmem>>[vector<16xi32>, vector<16xi32>], vector<16xf32>,
      %add3A_2639 = arith.addf %add3A_2636, %gather3A_2637 : vector<16xf32>
      %add3A_2640 = arith.addf %add3A_2639, %gather3A_2638 : vector<16xf32>
      %eq3A_2641 = arith.constant 14 : i32
      %eq3A_2642 = vector.broadcast %eq3A_2641 : i32 to vector<16xi32>
      %eq3A_2643 = arith.cmpi eq, %iota3A, %eq3A_2642 : vector<16xi32>
      %select_n3A_2644 = arith.select %eq3A_2643, %add3A_2640, %select_n3A_2527 : vector<16xi1>, vector<16xf32>
      %add3A_2645 = arith.constant 1 : i32
      %add3A_2646 = arith.addi %scan3A_474, %add3A_2645 : i32
      %lt3A_2647 = arith.constant 32 : i32
      %lt3A_2648 = arith.cmpi slt, %add3A_2646, %lt3A_2647 : i32
      %convert_element_type3A_2649 = arith.extui %lt3A_2648 : i1 to i32
      %cond3A_2650 = arith.constant 0 : i32
      %cond3A_2651 = arith.cmpi ne, %convert_element_type3A_2649, %cond3A_2650 : i32
      scf.if %cond3A_2651 {
        %slice3A_2770 = vector.extract_strided_slice %get3A_491 {offsets = [6], sizes = [1], strides = [1]} : vector<16xi32> to vector<1xi32>
        %squeeze3A_2771 = vector.extract %slice3A_2770[0] : i32 from vector<1xi32>
        %slice3A_2772 = vector.extract_strided_slice %get3A_493 {offsets = [6], sizes = [1], strides = [1]} : vector<16xi32> to vector<1xi32>
        %squeeze3A_2773 = vector.extract %slice3A_2772[0] : i32 from vector<1xi32>
        %shift_right_arithmetic3A_2774 = arith.constant 7 : i32
        %shift_right_arithmetic3A_2775 = arith.shrsi %squeeze3A_2771, %shift_right_arithmetic3A_2774 : i32
        %mul3A_2776 = arith.constant 128 : i32
        %mul3A_2777 = arith.muli %shift_right_arithmetic3A_2775, %mul3A_2776 : i32
        %multiple_of3A_2778 = tpu.assume_multiple %mul3A_2777, 128 : i32
        %shift_right_arithmetic3A_2779 = arith.constant 7 : i32
        %shift_right_arithmetic3A_2780 = arith.shrsi %squeeze3A_2773, %shift_right_arithmetic3A_2779 : i32
        %mul3A_2781 = arith.constant 128 : i32
        %mul3A_2782 = arith.muli %shift_right_arithmetic3A_2780, %mul3A_2781 : i32
        %multiple_of3A_2783 = tpu.assume_multiple %mul3A_2782, 128 : i32
        %dma_start3A_2784 = arith.constant 6 : i32
        %dma_start3A_2785 = arith.constant 0 : i32
        %dma_start3A_2786 = arith.constant 0 : i32
        %dma_start3A_2787 = tpu.memref_slice %arg11[%dma_start3A_2784, %dma_start3A_2785, %dma_start3A_2786] : memref<8x32x128xf32, #tpu.memory_space<vmem>> -> memref<1x32x128xf32, #tpu.memory_space<vmem>>
        %dma_start3A_2788 = tpu.memref_squeeze %dma_start3A_2787 : memref<1x32x128xf32, #tpu.memory_space<vmem>> -> memref<32x128xf32, #tpu.memory_space<vmem>>
        %dma_start3A_2789 = arith.constant 0 : i32
        %dma_start3A_2790 = tpu.memref_slice %arg4[%dma_start3A_2789, %multiple_of3A_2778] : memref<32x1000000xf32, #tpu.memory_space<hbm>> -> memref<32x128xf32, #tpu.memory_space<hbm>>
        %dma_start3A_2791 = arith.constant 0 : i32
        %dma_start3A_2792 = arith.constant 0 : i32
        %dma_start3A_2793 = tpu.memref_slice %arg11[%dma_start3A_2784, %dma_start3A_2791, %dma_start3A_2792] : memref<8x32x128xf32, #tpu.memory_space<vmem>> -> memref<1x32x128xf32, #tpu.memory_space<vmem>>
        %dma_start3A_2794 = tpu.memref_squeeze %dma_start3A_2793 : memref<1x32x128xf32, #tpu.memory_space<vmem>> -> memref<32x128xf32, #tpu.memory_space<vmem>>
        %dma_start3A_2795 = arith.constant 0 : i32
        %dma_start3A_2796 = tpu.memref_slice %arg4[%dma_start3A_2795, %multiple_of3A_2778] : memref<32x1000000xf32, #tpu.memory_space<hbm>> -> memref<32x128xf32, #tpu.memory_space<hbm>>
        tpu.enqueue_dma source(%dma_start3A_2796 : memref<32x128xf32, #tpu.memory_space<hbm>>) target(%dma_start3A_2794 : memref<32x128xf32, #tpu.memory_space<vmem>>) target_semaphore(%arg16 : memref<!tpu.dma_semaphore, #tpu.memory_space<semaphore_mem>>)
        %dma_start3A_2797 = arith.constant 6 : i32
        %dma_start3A_2798 = arith.constant 0 : i32
        %dma_start3A_2799 = arith.constant 0 : i32
        %dma_start3A_2800 = tpu.memref_slice %arg12[%dma_start3A_2797, %dma_start3A_2798, %dma_start3A_2799] : memref<8x32x128xf32, #tpu.memory_space<vmem>> -> memref<1x32x128xf32, #tpu.memory_space<vmem>>
        %dma_start3A_2801 = tpu.memref_squeeze %dma_start3A_2800 : memref<1x32x128xf32, #tpu.memory_space<vmem>> -> memref<32x128xf32, #tpu.memory_space<vmem>>
        %dma_start3A_2802 = arith.constant 0 : i32
        %dma_start3A_2803 = tpu.memref_slice %arg5[%dma_start3A_2802, %multiple_of3A_2783] : memref<32x1000000xf32, #tpu.memory_space<hbm>> -> memref<32x128xf32, #tpu.memory_space<hbm>>
        %dma_start3A_2804 = arith.constant 0 : i32
        %dma_start3A_2805 = arith.constant 0 : i32
        %dma_start3A_2806 = tpu.memref_slice %arg12[%dma_start3A_2797, %dma_start3A_2804, %dma_start3A_2805] : memref<8x32x128xf32, #tpu.memory_space<vmem>> -> memref<1x32x128xf32, #tpu.memory_space<vmem>>
        %dma_start3A_2807 = tpu.memref_squeeze %dma_start3A_2806 : memref<1x32x128xf32, #tpu.memory_space<vmem>> -> memref<32x128xf32, #tpu.memory_space<vmem>>
        %dma_start3A_2808 = arith.constant 0 : i32
        %dma_start3A_2809 = tpu.memref_slice %arg5[%dma_start3A_2808, %multiple_of3A_2783] : memref<32x1000000xf32, #tpu.memory_space<hbm>> -> memref<32x128xf32, #tpu.memory_space<hbm>>
        tpu.enqueue_dma source(%dma_start3A_2809 : memref<32x128xf32, #tpu.memory_space<hbm>>) target(%dma_start3A_2807 : memref<32x128xf32, #tpu.memory_space<vmem>>) target_semaphore(%arg17 : memref<!tpu.dma_semaphore, #tpu.memory_space<semaphore_mem>>)
        %dma_start3A_2810 = arith.constant 6 : i32
        %dma_start3A_2811 = arith.constant 0 : i32
        %dma_start3A_2812 = tpu.memref_slice %arg13[%dma_start3A_2810, %dma_start3A_2811] : memref<8x128xf32, #tpu.memory_space<vmem>> -> memref<1x128xf32, #tpu.memory_space<vmem>>
        %dma_start3A_2813 = tpu.memref_squeeze %dma_start3A_2812 : memref<1x128xf32, #tpu.memory_space<vmem>> -> memref<128xf32, #tpu.memory_space<vmem>>
        %dma_start3A_2814 = tpu.memref_slice %arg6[%multiple_of3A_2778] : memref<1000000xf32, #tpu.memory_space<hbm>> -> memref<128xf32, #tpu.memory_space<hbm>>
        %dma_start3A_2815 = arith.constant 0 : i32
        %dma_start3A_2816 = tpu.memref_slice %arg13[%dma_start3A_2810, %dma_start3A_2815] : memref<8x128xf32, #tpu.memory_space<vmem>> -> memref<1x128xf32, #tpu.memory_space<vmem>>
        %dma_start3A_2817 = tpu.memref_squeeze %dma_start3A_2816 : memref<1x128xf32, #tpu.memory_space<vmem>> -> memref<128xf32, #tpu.memory_space<vmem>>
        %dma_start3A_2818 = tpu.memref_slice %arg6[%multiple_of3A_2778] : memref<1000000xf32, #tpu.memory_space<hbm>> -> memref<128xf32, #tpu.memory_space<hbm>>
        tpu.enqueue_dma source(%dma_start3A_2818 : memref<128xf32, #tpu.memory_space<hbm>>) target(%dma_start3A_2817 : memref<128xf32, #tpu.memory_space<vmem>>) target_semaphore(%arg18 : memref<!tpu.dma_semaphore, #tpu.memory_space<semaphore_mem>>)
        %dma_start3A_2819 = arith.constant 6 : i32
        %dma_start3A_2820 = arith.constant 0 : i32
        %dma_start3A_2821 = tpu.memref_slice %arg14[%dma_start3A_2819, %dma_start3A_2820] : memref<8x128xf32, #tpu.memory_space<vmem>> -> memref<1x128xf32, #tpu.memory_space<vmem>>
        %dma_start3A_2822 = tpu.memref_squeeze %dma_start3A_2821 : memref<1x128xf32, #tpu.memory_space<vmem>> -> memref<128xf32, #tpu.memory_space<vmem>>
        %dma_start3A_2823 = tpu.memref_slice %arg7[%multiple_of3A_2783] : memref<1000000xf32, #tpu.memory_space<hbm>> -> memref<128xf32, #tpu.memory_space<hbm>>
        %dma_start3A_2824 = arith.constant 0 : i32
        %dma_start3A_2825 = tpu.memref_slice %arg14[%dma_start3A_2819, %dma_start3A_2824] : memref<8x128xf32, #tpu.memory_space<vmem>> -> memref<1x128xf32, #tpu.memory_space<vmem>>
        %dma_start3A_2826 = tpu.memref_squeeze %dma_start3A_2825 : memref<1x128xf32, #tpu.memory_space<vmem>> -> memref<128xf32, #tpu.memory_space<vmem>>
        %dma_start3A_2827 = tpu.memref_slice %arg7[%multiple_of3A_2783] : memref<1000000xf32, #tpu.memory_space<hbm>> -> memref<128xf32, #tpu.memory_space<hbm>>
        tpu.enqueue_dma source(%dma_start3A_2827 : memref<128xf32, #tpu.memory_space<hbm>>) target(%dma_start3A_2826 : memref<128xf32, #tpu.memory_space<vmem>>) target_semaphore(%arg19 : memref<!tpu.dma_semaphore, #tpu.memory_space<semaphore_mem>>)
      } else {
      }
      %dma_wait3A_2652 = arith.constant 7 : i32
      %dma_wait3A_2653 = arith.constant 0 : i32
      %dma_wait3A_2654 = arith.constant 0 : i32
      %dma_wait3A_2655 = tpu.memref_slice %arg11[%dma_wait3A_2652, %dma_wait3A_2653, %dma_wait3A_2654] : memref<8x32x128xf32, #tpu.memory_space<vmem>> -> memref<1x32x128xf32, #tpu.memory_space<vmem>>
      %dma_wait3A_2656 = tpu.memref_squeeze %dma_wait3A_2655 : memref<1x32x128xf32, #tpu.memory_space<vmem>> -> memref<32x128xf32, #tpu.memory_space<vmem>>
      %dma_wait3A_2657 = arith.constant 0 : i32
      %dma_wait3A_2658 = arith.constant 0 : i32
      %dma_wait3A_2659 = tpu.memref_slice %arg4[%dma_wait3A_2657, %dma_wait3A_2658] : memref<32x1000000xf32, #tpu.memory_space<hbm>> -> memref<32x128xf32, #tpu.memory_space<hbm>>
      %dma_wait3A_2660 = arith.constant 0 : i32
      %dma_wait3A_2661 = arith.constant 0 : i32
      %dma_wait3A_2662 = tpu.memref_slice %arg11[%dma_wait3A_2652, %dma_wait3A_2660, %dma_wait3A_2661] : memref<8x32x128xf32, #tpu.memory_space<vmem>> -> memref<1x32x128xf32, #tpu.memory_space<vmem>>
      %dma_wait3A_2663 = tpu.memref_squeeze %dma_wait3A_2662 : memref<1x32x128xf32, #tpu.memory_space<vmem>> -> memref<32x128xf32, #tpu.memory_space<vmem>>
      %dma_wait3A_2664 = arith.constant 0 : i32
      %dma_wait3A_2665 = arith.constant 0 : i32
      %dma_wait3A_2666 = tpu.memref_slice %arg4[%dma_wait3A_2664, %dma_wait3A_2665] : memref<32x1000000xf32, #tpu.memory_space<hbm>> -> memref<32x128xf32, #tpu.memory_space<hbm>>
      tpu.wait_dma2 semaphore(%arg16 : memref<!tpu.dma_semaphore, #tpu.memory_space<semaphore_mem>>) src(%dma_wait3A_2666 : memref<32x128xf32, #tpu.memory_space<hbm>>) dst(%dma_wait3A_2663 : memref<32x128xf32, #tpu.memory_space<vmem>>)
      %dma_wait3A_2667 = arith.constant 7 : i32
      %dma_wait3A_2668 = arith.constant 0 : i32
      %dma_wait3A_2669 = arith.constant 0 : i32
      %dma_wait3A_2670 = tpu.memref_slice %arg12[%dma_wait3A_2667, %dma_wait3A_2668, %dma_wait3A_2669] : memref<8x32x128xf32, #tpu.memory_space<vmem>> -> memref<1x32x128xf32, #tpu.memory_space<vmem>>
      %dma_wait3A_2671 = tpu.memref_squeeze %dma_wait3A_2670 : memref<1x32x128xf32, #tpu.memory_space<vmem>> -> memref<32x128xf32, #tpu.memory_space<vmem>>
      %dma_wait3A_2672 = arith.constant 0 : i32
      %dma_wait3A_2673 = arith.constant 0 : i32
      %dma_wait3A_2674 = tpu.memref_slice %arg5[%dma_wait3A_2672, %dma_wait3A_2673] : memref<32x1000000xf32, #tpu.memory_space<hbm>> -> memref<32x128xf32, #tpu.memory_space<hbm>>
      %dma_wait3A_2675 = arith.constant 0 : i32
      %dma_wait3A_2676 = arith.constant 0 : i32
      %dma_wait3A_2677 = tpu.memref_slice %arg12[%dma_wait3A_2667, %dma_wait3A_2675, %dma_wait3A_2676] : memref<8x32x128xf32, #tpu.memory_space<vmem>> -> memref<1x32x128xf32, #tpu.memory_space<vmem>>
      %dma_wait3A_2678 = tpu.memref_squeeze %dma_wait3A_2677 : memref<1x32x128xf32, #tpu.memory_space<vmem>> -> memref<32x128xf32, #tpu.memory_space<vmem>>
      %dma_wait3A_2679 = arith.constant 0 : i32
      %dma_wait3A_2680 = arith.constant 0 : i32
      %dma_wait3A_2681 = tpu.memref_slice %arg5[%dma_wait3A_2679, %dma_wait3A_2680] : memref<32x1000000xf32, #tpu.memory_space<hbm>> -> memref<32x128xf32, #tpu.memory_space<hbm>>
      tpu.wait_dma2 semaphore(%arg17 : memref<!tpu.dma_semaphore, #tpu.memory_space<semaphore_mem>>) src(%dma_wait3A_2681 : memref<32x128xf32, #tpu.memory_space<hbm>>) dst(%dma_wait3A_2678 : memref<32x128xf32, #tpu.memory_space<vmem>>)
      %dma_wait3A_2682 = arith.constant 7 : i32
      %dma_wait3A_2683 = arith.constant 0 : i32
      %dma_wait3A_2684 = tpu.memref_slice %arg13[%dma_wait3A_2682, %dma_wait3A_2683] : memref<8x128xf32, #tpu.memory_space<vmem>> -> memref<1x128xf32, #tpu.memory_space<vmem>>
      %dma_wait3A_2685 = tpu.memref_squeeze %dma_wait3A_2684 : memref<1x128xf32, #tpu.memory_space<vmem>> -> memref<128xf32, #tpu.memory_space<vmem>>
      %dma_wait3A_2686 = arith.constant 0 : i32
      %dma_wait3A_2687 = tpu.memref_slice %arg6[%dma_wait3A_2686] : memref<1000000xf32, #tpu.memory_space<hbm>> -> memref<128xf32, #tpu.memory_space<hbm>>
      %dma_wait3A_2688 = arith.constant 0 : i32
      %dma_wait3A_2689 = tpu.memref_slice %arg13[%dma_wait3A_2682, %dma_wait3A_2688] : memref<8x128xf32, #tpu.memory_space<vmem>> -> memref<1x128xf32, #tpu.memory_space<vmem>>
      %dma_wait3A_2690 = tpu.memref_squeeze %dma_wait3A_2689 : memref<1x128xf32, #tpu.memory_space<vmem>> -> memref<128xf32, #tpu.memory_space<vmem>>
      %dma_wait3A_2691 = arith.constant 0 : i32
      %dma_wait3A_2692 = tpu.memref_slice %arg6[%dma_wait3A_2691] : memref<1000000xf32, #tpu.memory_space<hbm>> -> memref<128xf32, #tpu.memory_space<hbm>>
      tpu.wait_dma2 semaphore(%arg18 : memref<!tpu.dma_semaphore, #tpu.memory_space<semaphore_mem>>) src(%dma_wait3A_2692 : memref<128xf32, #tpu.memory_space<hbm>>) dst(%dma_wait3A_2690 : memref<128xf32, #tpu.memory_space<vmem>>)
      %dma_wait3A_2693 = arith.constant 7 : i32
      %dma_wait3A_2694 = arith.constant 0 : i32
      %dma_wait3A_2695 = tpu.memref_slice %arg14[%dma_wait3A_2693, %dma_wait3A_2694] : memref<8x128xf32, #tpu.memory_space<vmem>> -> memref<1x128xf32, #tpu.memory_space<vmem>>
      %dma_wait3A_2696 = tpu.memref_squeeze %dma_wait3A_2695 : memref<1x128xf32, #tpu.memory_space<vmem>> -> memref<128xf32, #tpu.memory_space<vmem>>
      %dma_wait3A_2697 = arith.constant 0 : i32
      %dma_wait3A_2698 = tpu.memref_slice %arg7[%dma_wait3A_2697] : memref<1000000xf32, #tpu.memory_space<hbm>> -> memref<128xf32, #tpu.memory_space<hbm>>
      %dma_wait3A_2699 = arith.constant 0 : i32
      %dma_wait3A_2700 = tpu.memref_slice %arg14[%dma_wait3A_2693, %dma_wait3A_2699] : memref<8x128xf32, #tpu.memory_space<vmem>> -> memref<1x128xf32, #tpu.memory_space<vmem>>
      %dma_wait3A_2701 = tpu.memref_squeeze %dma_wait3A_2700 : memref<1x128xf32, #tpu.memory_space<vmem>> -> memref<128xf32, #tpu.memory_space<vmem>>
      %dma_wait3A_2702 = arith.constant 0 : i32
      %dma_wait3A_2703 = tpu.memref_slice %arg7[%dma_wait3A_2702] : memref<1000000xf32, #tpu.memory_space<hbm>> -> memref<128xf32, #tpu.memory_space<hbm>>
      tpu.wait_dma2 semaphore(%arg19 : memref<!tpu.dma_semaphore, #tpu.memory_space<semaphore_mem>>) src(%dma_wait3A_2703 : memref<128xf32, #tpu.memory_space<hbm>>) dst(%dma_wait3A_2701 : memref<128xf32, #tpu.memory_space<vmem>>)
      %slice3A_2704 = vector.extract_strided_slice %get3A_487 {offsets = [15], sizes = [1], strides = [1]} : vector<16xi32> to vector<1xi32>
      %squeeze3A_2705 = vector.extract %slice3A_2704[0] : i32 from vector<1xi32>
      %slice3A_2706 = vector.extract_strided_slice %get3A_489 {offsets = [15], sizes = [1], strides = [1]} : vector<16xi32> to vector<1xi32>
      %squeeze3A_2707 = vector.extract %slice3A_2706[0] : i32 from vector<1xi32>
      %and3A_2708 = arith.constant 127 : i32
      %and3A_2709 = arith.andi %squeeze3A_2705, %and3A_2708 : i32
      %add3A_2710 = vector.broadcast %and3A_2709 : i32 to vector<16xi32>
      %add3A_2711 = arith.addi %broadcast_in_dim3A_6, %add3A_2710 : vector<16xi32>
      %and3A_2712 = arith.constant 127 : i32
      %and3A_2713 = arith.andi %squeeze3A_2707, %and3A_2712 : i32
      %add3A_2714 = vector.broadcast %and3A_2713 : i32 to vector<16xi32>
      %add3A_2715 = arith.addi %broadcast_in_dim3A_6, %add3A_2714 : vector<16xi32>
      %add3A_2716 = arith.constant 7 : i32
      %add3A_2717 = vector.broadcast %add3A_2716 : i32 to vector<16xi32>
      %add3A_2718 = arith.addi %broadcast_in_dim3A_6, %add3A_2717 : vector<16xi32>
      %gather3A_2719 = tpu.vector_load_idx %arg11[%add3A_2718, %iota3A, %add3A_2711] : memref<8x32x128xf32, #tpu.memory_space<vmem>>[vector<16xi32>, vector<16xi32>, vector<16xi32>], vector<16xf32>,
      %gather3A_2720 = tpu.vector_load_idx %arg11[%add3A_2718, %add3A_5, %add3A_2711] : memref<8x32x128xf32, #tpu.memory_space<vmem>>[vector<16xi32>, vector<16xi32>, vector<16xi32>], vector<16xf32>,
      %gather3A_2721 = tpu.vector_load_idx %arg12[%add3A_2718, %iota3A, %add3A_2715] : memref<8x32x128xf32, #tpu.memory_space<vmem>>[vector<16xi32>, vector<16xi32>, vector<16xi32>], vector<16xf32>,
      %gather3A_2722 = tpu.vector_load_idx %arg12[%add3A_2718, %add3A_5, %add3A_2715] : memref<8x32x128xf32, #tpu.memory_space<vmem>>[vector<16xi32>, vector<16xi32>, vector<16xi32>], vector<16xf32>,
      %mul3A_2723 = arith.mulf %gather3A_2719, %gather3A_2721 : vector<16xf32>
      %mul3A_2724 = arith.mulf %gather3A_2720, %gather3A_2722 : vector<16xf32>
      %add3A_2725 = arith.addf %mul3A_2723, %mul3A_2724 : vector<16xf32>
      %xor3A_2726 = arith.constant 1 : i32
      %xor3A_2727 = vector.broadcast %xor3A_2726 : i32 to vector<16xi32>
      %xor3A_2728 = arith.xori %iota3A, %xor3A_2727 : vector<16xi32>
      %broadcast_in_dim3A_2729 = vector.shape_cast %xor3A_2728 : vector<16xi32> to vector<16x1xi32>
      %gather3A_2730 = vector.shape_cast %broadcast_in_dim3A_2729 : vector<16x1xi32> to vector<16xi32>
      %gather3A_2731 = tpu.dynamic_gather %add3A_2725[%gather3A_2730] in [0] : vector<16xf32>, vector<16xi32> -> vector<16xf32>
      %add3A_2732 = arith.addf %add3A_2725, %gather3A_2731 : vector<16xf32>
      %xor3A_2733 = arith.constant 2 : i32
      %xor3A_2734 = vector.broadcast %xor3A_2733 : i32 to vector<16xi32>
      %xor3A_2735 = arith.xori %iota3A, %xor3A_2734 : vector<16xi32>
      %broadcast_in_dim3A_2736 = vector.shape_cast %xor3A_2735 : vector<16xi32> to vector<16x1xi32>
      %gather3A_2737 = vector.shape_cast %broadcast_in_dim3A_2736 : vector<16x1xi32> to vector<16xi32>
      %gather3A_2738 = tpu.dynamic_gather %add3A_2732[%gather3A_2737] in [0] : vector<16xf32>, vector<16xi32> -> vector<16xf32>
      %add3A_2739 = arith.addf %add3A_2732, %gather3A_2738 : vector<16xf32>
      %xor3A_2740 = arith.constant 4 : i32
      %xor3A_2741 = vector.broadcast %xor3A_2740 : i32 to vector<16xi32>
      %xor3A_2742 = arith.xori %iota3A, %xor3A_2741 : vector<16xi32>
      %broadcast_in_dim3A_2743 = vector.shape_cast %xor3A_2742 : vector<16xi32> to vector<16x1xi32>
      %gather3A_2744 = vector.shape_cast %broadcast_in_dim3A_2743 : vector<16x1xi32> to vector<16xi32>
      %gather3A_2745 = tpu.dynamic_gather %add3A_2739[%gather3A_2744] in [0] : vector<16xf32>, vector<16xi32> -> vector<16xf32>
      %add3A_2746 = arith.addf %add3A_2739, %gather3A_2745 : vector<16xf32>
      %xor3A_2747 = arith.constant 8 : i32
      %xor3A_2748 = vector.broadcast %xor3A_2747 : i32 to vector<16xi32>
      %xor3A_2749 = arith.xori %iota3A, %xor3A_2748 : vector<16xi32>
      %broadcast_in_dim3A_2750 = vector.shape_cast %xor3A_2749 : vector<16xi32> to vector<16x1xi32>
      %gather3A_2751 = vector.shape_cast %broadcast_in_dim3A_2750 : vector<16x1xi32> to vector<16xi32>
      %gather3A_2752 = tpu.dynamic_gather %add3A_2746[%gather3A_2751] in [0] : vector<16xf32>, vector<16xi32> -> vector<16xf32>
      %add3A_2753 = arith.addf %add3A_2746, %gather3A_2752 : vector<16xf32>
      %gather3A_2754 = tpu.vector_load_idx %arg13[%add3A_2718, %add3A_2711] : memref<8x128xf32, #tpu.memory_space<vmem>>[vector<16xi32>, vector<16xi32>], vector<16xf32>,
      %gather3A_2755 = tpu.vector_load_idx %arg14[%add3A_2718, %add3A_2715] : memref<8x128xf32, #tpu.memory_space<vmem>>[vector<16xi32>, vector<16xi32>], vector<16xf32>,
      %add3A_2756 = arith.addf %add3A_2753, %gather3A_2754 : vector<16xf32>
      %add3A_2757 = arith.addf %add3A_2756, %gather3A_2755 : vector<16xf32>
      %eq3A_2758 = arith.constant 15 : i32
      %eq3A_2759 = vector.broadcast %eq3A_2758 : i32 to vector<16xi32>
      %eq3A_2760 = arith.cmpi eq, %iota3A, %eq3A_2759 : vector<16xi32>
      %select_n3A_2761 = arith.select %eq3A_2760, %add3A_2757, %select_n3A_2644 : vector<16xi1>, vector<16xf32>
      %add3A_2762 = arith.constant 1 : i32
      %add3A_2763 = arith.addi %scan3A_474, %add3A_2762 : i32
      %lt3A_2764 = arith.constant 32 : i32
      %lt3A_2765 = arith.cmpi slt, %add3A_2763, %lt3A_2764 : i32
      %convert_element_type3A_2766 = arith.extui %lt3A_2765 : i1 to i32
      %cond3A_2767 = arith.constant 0 : i32
      %cond3A_2768 = arith.cmpi ne, %convert_element_type3A_2766, %cond3A_2767 : i32
      scf.if %cond3A_2768 {
        %slice3A_2770 = vector.extract_strided_slice %get3A_491 {offsets = [7], sizes = [1], strides = [1]} : vector<16xi32> to vector<1xi32>
        %squeeze3A_2771 = vector.extract %slice3A_2770[0] : i32 from vector<1xi32>
        %slice3A_2772 = vector.extract_strided_slice %get3A_493 {offsets = [7], sizes = [1], strides = [1]} : vector<16xi32> to vector<1xi32>
        %squeeze3A_2773 = vector.extract %slice3A_2772[0] : i32 from vector<1xi32>
        %shift_right_arithmetic3A_2774 = arith.constant 7 : i32
        %shift_right_arithmetic3A_2775 = arith.shrsi %squeeze3A_2771, %shift_right_arithmetic3A_2774 : i32
        %mul3A_2776 = arith.constant 128 : i32
        %mul3A_2777 = arith.muli %shift_right_arithmetic3A_2775, %mul3A_2776 : i32
        %multiple_of3A_2778 = tpu.assume_multiple %mul3A_2777, 128 : i32
        %shift_right_arithmetic3A_2779 = arith.constant 7 : i32
        %shift_right_arithmetic3A_2780 = arith.shrsi %squeeze3A_2773, %shift_right_arithmetic3A_2779 : i32
        %mul3A_2781 = arith.constant 128 : i32
        %mul3A_2782 = arith.muli %shift_right_arithmetic3A_2780, %mul3A_2781 : i32
        %multiple_of3A_2783 = tpu.assume_multiple %mul3A_2782, 128 : i32
        %dma_start3A_2784 = arith.constant 7 : i32
        %dma_start3A_2785 = arith.constant 0 : i32
        %dma_start3A_2786 = arith.constant 0 : i32
        %dma_start3A_2787 = tpu.memref_slice %arg11[%dma_start3A_2784, %dma_start3A_2785, %dma_start3A_2786] : memref<8x32x128xf32, #tpu.memory_space<vmem>> -> memref<1x32x128xf32, #tpu.memory_space<vmem>>
        %dma_start3A_2788 = tpu.memref_squeeze %dma_start3A_2787 : memref<1x32x128xf32, #tpu.memory_space<vmem>> -> memref<32x128xf32, #tpu.memory_space<vmem>>
        %dma_start3A_2789 = arith.constant 0 : i32
        %dma_start3A_2790 = tpu.memref_slice %arg4[%dma_start3A_2789, %multiple_of3A_2778] : memref<32x1000000xf32, #tpu.memory_space<hbm>> -> memref<32x128xf32, #tpu.memory_space<hbm>>
        %dma_start3A_2791 = arith.constant 0 : i32
        %dma_start3A_2792 = arith.constant 0 : i32
        %dma_start3A_2793 = tpu.memref_slice %arg11[%dma_start3A_2784, %dma_start3A_2791, %dma_start3A_2792] : memref<8x32x128xf32, #tpu.memory_space<vmem>> -> memref<1x32x128xf32, #tpu.memory_space<vmem>>
        %dma_start3A_2794 = tpu.memref_squeeze %dma_start3A_2793 : memref<1x32x128xf32, #tpu.memory_space<vmem>> -> memref<32x128xf32, #tpu.memory_space<vmem>>
        %dma_start3A_2795 = arith.constant 0 : i32
        %dma_start3A_2796 = tpu.memref_slice %arg4[%dma_start3A_2795, %multiple_of3A_2778] : memref<32x1000000xf32, #tpu.memory_space<hbm>> -> memref<32x128xf32, #tpu.memory_space<hbm>>
        tpu.enqueue_dma source(%dma_start3A_2796 : memref<32x128xf32, #tpu.memory_space<hbm>>) target(%dma_start3A_2794 : memref<32x128xf32, #tpu.memory_space<vmem>>) target_semaphore(%arg16 : memref<!tpu.dma_semaphore, #tpu.memory_space<semaphore_mem>>)
        %dma_start3A_2797 = arith.constant 7 : i32
        %dma_start3A_2798 = arith.constant 0 : i32
        %dma_start3A_2799 = arith.constant 0 : i32
        %dma_start3A_2800 = tpu.memref_slice %arg12[%dma_start3A_2797, %dma_start3A_2798, %dma_start3A_2799] : memref<8x32x128xf32, #tpu.memory_space<vmem>> -> memref<1x32x128xf32, #tpu.memory_space<vmem>>
        %dma_start3A_2801 = tpu.memref_squeeze %dma_start3A_2800 : memref<1x32x128xf32, #tpu.memory_space<vmem>> -> memref<32x128xf32, #tpu.memory_space<vmem>>
        %dma_start3A_2802 = arith.constant 0 : i32
        %dma_start3A_2803 = tpu.memref_slice %arg5[%dma_start3A_2802, %multiple_of3A_2783] : memref<32x1000000xf32, #tpu.memory_space<hbm>> -> memref<32x128xf32, #tpu.memory_space<hbm>>
        %dma_start3A_2804 = arith.constant 0 : i32
        %dma_start3A_2805 = arith.constant 0 : i32
        %dma_start3A_2806 = tpu.memref_slice %arg12[%dma_start3A_2797, %dma_start3A_2804, %dma_start3A_2805] : memref<8x32x128xf32, #tpu.memory_space<vmem>> -> memref<1x32x128xf32, #tpu.memory_space<vmem>>
        %dma_start3A_2807 = tpu.memref_squeeze %dma_start3A_2806 : memref<1x32x128xf32, #tpu.memory_space<vmem>> -> memref<32x128xf32, #tpu.memory_space<vmem>>
        %dma_start3A_2808 = arith.constant 0 : i32
        %dma_start3A_2809 = tpu.memref_slice %arg5[%dma_start3A_2808, %multiple_of3A_2783] : memref<32x1000000xf32, #tpu.memory_space<hbm>> -> memref<32x128xf32, #tpu.memory_space<hbm>>
        tpu.enqueue_dma source(%dma_start3A_2809 : memref<32x128xf32, #tpu.memory_space<hbm>>) target(%dma_start3A_2807 : memref<32x128xf32, #tpu.memory_space<vmem>>) target_semaphore(%arg17 : memref<!tpu.dma_semaphore, #tpu.memory_space<semaphore_mem>>)
        %dma_start3A_2810 = arith.constant 7 : i32
        %dma_start3A_2811 = arith.constant 0 : i32
        %dma_start3A_2812 = tpu.memref_slice %arg13[%dma_start3A_2810, %dma_start3A_2811] : memref<8x128xf32, #tpu.memory_space<vmem>> -> memref<1x128xf32, #tpu.memory_space<vmem>>
        %dma_start3A_2813 = tpu.memref_squeeze %dma_start3A_2812 : memref<1x128xf32, #tpu.memory_space<vmem>> -> memref<128xf32, #tpu.memory_space<vmem>>
        %dma_start3A_2814 = tpu.memref_slice %arg6[%multiple_of3A_2778] : memref<1000000xf32, #tpu.memory_space<hbm>> -> memref<128xf32, #tpu.memory_space<hbm>>
        %dma_start3A_2815 = arith.constant 0 : i32
        %dma_start3A_2816 = tpu.memref_slice %arg13[%dma_start3A_2810, %dma_start3A_2815] : memref<8x128xf32, #tpu.memory_space<vmem>> -> memref<1x128xf32, #tpu.memory_space<vmem>>
        %dma_start3A_2817 = tpu.memref_squeeze %dma_start3A_2816 : memref<1x128xf32, #tpu.memory_space<vmem>> -> memref<128xf32, #tpu.memory_space<vmem>>
        %dma_start3A_2818 = tpu.memref_slice %arg6[%multiple_of3A_2778] : memref<1000000xf32, #tpu.memory_space<hbm>> -> memref<128xf32, #tpu.memory_space<hbm>>
        tpu.enqueue_dma source(%dma_start3A_2818 : memref<128xf32, #tpu.memory_space<hbm>>) target(%dma_start3A_2817 : memref<128xf32, #tpu.memory_space<vmem>>) target_semaphore(%arg18 : memref<!tpu.dma_semaphore, #tpu.memory_space<semaphore_mem>>)
        %dma_start3A_2819 = arith.constant 7 : i32
        %dma_start3A_2820 = arith.constant 0 : i32
        %dma_start3A_2821 = tpu.memref_slice %arg14[%dma_start3A_2819, %dma_start3A_2820] : memref<8x128xf32, #tpu.memory_space<vmem>> -> memref<1x128xf32, #tpu.memory_space<vmem>>
        %dma_start3A_2822 = tpu.memref_squeeze %dma_start3A_2821 : memref<1x128xf32, #tpu.memory_space<vmem>> -> memref<128xf32, #tpu.memory_space<vmem>>
        %dma_start3A_2823 = tpu.memref_slice %arg7[%multiple_of3A_2783] : memref<1000000xf32, #tpu.memory_space<hbm>> -> memref<128xf32, #tpu.memory_space<hbm>>
        %dma_start3A_2824 = arith.constant 0 : i32
        %dma_start3A_2825 = tpu.memref_slice %arg14[%dma_start3A_2819, %dma_start3A_2824] : memref<8x128xf32, #tpu.memory_space<vmem>> -> memref<1x128xf32, #tpu.memory_space<vmem>>
        %dma_start3A_2826 = tpu.memref_squeeze %dma_start3A_2825 : memref<1x128xf32, #tpu.memory_space<vmem>> -> memref<128xf32, #tpu.memory_space<vmem>>
        %dma_start3A_2827 = tpu.memref_slice %arg7[%multiple_of3A_2783] : memref<1000000xf32, #tpu.memory_space<hbm>> -> memref<128xf32, #tpu.memory_space<hbm>>
        tpu.enqueue_dma source(%dma_start3A_2827 : memref<128xf32, #tpu.memory_space<hbm>>) target(%dma_start3A_2826 : memref<128xf32, #tpu.memory_space<vmem>>) target_semaphore(%arg19 : memref<!tpu.dma_semaphore, #tpu.memory_space<semaphore_mem>>)
      } else {
      }
      %swap3A = arith.index_cast %multiple_of3A_477 : i32 to index
      %swap3A_2769 = tpu.vector_load %arg15[%swap3A] {strides = array<i32>} : memref<512xf32, #tpu.memory_space<vmem>>, vector<16xf32>,
      tpu.vector_store %arg15[%swap3A], %select_n3A_2761 {strides = array<i32>} : memref<512xf32, #tpu.memory_space<vmem>>, vector<16xf32>,
    }
    %scan3A_473 = arith.constant 32 : i32
    "tpu.region"() ({
      %run_scoped3A = tpu.sem_alloc : memref<!tpu.dma_semaphore, #tpu.memory_space<semaphore_mem>>
      %dma_start3A_474 = tpu.memref_slice %arg8[%mul3A_2] : memref<16384xf32, #tpu.memory_space<hbm>> -> memref<512xf32, #tpu.memory_space<hbm>>
      %dma_start3A_475 = tpu.memref_slice %arg8[%mul3A_2] : memref<16384xf32, #tpu.memory_space<hbm>> -> memref<512xf32, #tpu.memory_space<hbm>>
      tpu.enqueue_dma source(%arg15 : memref<512xf32, #tpu.memory_space<vmem>>) target(%dma_start3A_475 : memref<512xf32, #tpu.memory_space<hbm>>) target_semaphore(%run_scoped3A : memref<!tpu.dma_semaphore, #tpu.memory_space<semaphore_mem>>)
      %dma_wait3A = tpu.memref_slice %arg8[%mul3A_2] : memref<16384xf32, #tpu.memory_space<hbm>> -> memref<512xf32, #tpu.memory_space<hbm>>
      %dma_wait3A_476 = tpu.memref_slice %arg8[%mul3A_2] : memref<16384xf32, #tpu.memory_space<hbm>> -> memref<512xf32, #tpu.memory_space<hbm>>
      tpu.wait_dma2 semaphore(%run_scoped3A : memref<!tpu.dma_semaphore, #tpu.memory_space<semaphore_mem>>) src(%arg15 : memref<512xf32, #tpu.memory_space<vmem>>) dst(%dma_wait3A_476 : memref<512xf32, #tpu.memory_space<hbm>>)
      tpu.yield
    }) : () -> ()
    return
  }
}

</mosaic_0001>

<sc_bundles>
// kernel: kernel.3.cloned.1.call-start
scs
__scs_entry_jumppad:
0x0: {  	(pc) =	sbr.rel $0x88, $3  }
0x1: {  	(tag) =	ssettag $0x0;
	lr =	simm.s32 $0x1  }
0x2: {  	[smem:$0x3F9B] =	sst lr;
	_ =	strace $0xD0000000  }
0x3: {  	_ = 	snop  }
0x4: {  	_ = 	snop  }
0x5: {  	_ = 	snop  }
0x6: {  	_ = 	snop  }
0x7: {  	_ = 	snop  }
__scs_overlays_trampoline_lowered:
0x8: {  	[smem:$0x3FAA] =	sst s0  }
0x9: {  	[smem:$0x3FAB] =	sst s1  }
0xa: {  	[smem:$0x3FAC] =	sst s2  }
0xb: {  	[smem:$0x3FAD] =	sst s3  }
0xc: {  	[smem:$0x3FAE] =	sst s4  }
0xd: {  	[smem:$0x3FAF] =	sst s5  }
0xe: {  	[smem:$0x3FB0] =	sst s6  }
0xf: {  	[smem:$0x3FB1] =	sst s7  }
0x10: {  	[smem:$0x3FB2] =	sst s8  }
0x11: {  	[smem:$0x3FB3] =	sst s9;
	s0 =	simm.s32 @!p0 $0x0  }
0x12: {  	s1 =	sld [smem:$0x3F99];
	s0 =	simm.s32 @p0 $0x1  }
0x13: {  	[smem:$0x3FB4] =	sst s0;
	s0 =	simm.s32 @!p1 $0x0  }
0x14: {  	s2 =	sld [smem:$0x3F98];
	s0 =	simm.s32 @p1 $0x1  }
0x15: {  	[smem:$0x3FB5] =	sst s0;
	s0 =	simm.s32 @!p2 $0x0  }
0x16: {  	s3 =	sld [smem:$0x3FDB];
	s0 =	simm.s32 @p2 $0x1  }
0x17: {  	s4 =	simm.s32 $0x1BF5;
	[smem:$0x3FB7] =	sst s0  }
0x18: {  	s0 =	sld [smem:$0x3F9A];
	_ =	swait.ge [sflag:s4], $0x0  }
0x19: {  	s7 =	sld [smem:$0x3F9B]  }
0x1a: {  	s8 =	sadd.s32 $0xFFFFE003, lr  }
0x1b: {  	s9 =	sadd.s32 $0xFFFFFEF7, lr;
	s5 =	simm.s32 $0xFFFFFFFF;
	p2 =	slt.u32 s8, $0xFFFFF086  }
0x1c: {  	p1 =	slt.u32 s9, $0xF7A;
	s5 =	simm.s32 @!p2 $0x0  }
0x1d: {  	s5 =	simm.s32 @p1 $0x1;
	p0 =	seq.s32 s7, s2  }
0x1e: {  	s7 =	smul.u32 @!p0 $0xF7A, s2;
	p2 =	seq.s32 @!p0 s5, $0x0  }
0x1f: {  	s9 =	smul.u32 $0xF7A, s1;
	s8 =	simm.s32 @!p0 $0x1BF5;
	p2 =	por !p2, p0  }
0x20: {  	[sflag:s8] =	ssyncset.s32 @!p0 $0xFFFFF086;
	s6 =	sadd.s32 @!p0 s3, s7;
	s7 =	simm.s32 @!p0 $0x108  }
0x21: {  	s3 =	sadd.s32 s3, s9;
	s6 =	sadd.s32 @!p0 $0x88, s6;
	s7 =	simm.s32 @p2 $0x1082  }
0x22: {  	[simem:s7], [sflag:s8] =	dma.local @!p0 [hbm:s6], $0xF7A  }
0x23: {  	s9 =	sor.u32 $0xD0000000, s2;
	s6 =	simm.s32 $0x108;
	_ =	swait.ge @!p0 [sflag:s8], $0x0  }
0x24: {  	s3 =	sadd.s32 $0x88, s3;
	s6 =	simm.s32 @!p1 $0x1082;
	[sflag:s4] =	ssyncset.s32 $0xFFFFF086  }
0x25: {  	[simem:s6], [sflag:s4] =	dma.local [hbm:s3], $0xF7A  }
0x26: {  	[smem:$0x3F9B] =	sst s1;
	(tag) =	ssettag s2;
	_ =	strace s9  }
0x27: {  	s1 =	sld [smem:$0x3FAB]  }
0x28: {  	s2 =	sld [smem:$0x3FAC]  }
0x29: {  	s4 =	sld [smem:$0x3FAE]  }
0x2a: {  	p0 =	seq.s32 s5, $0x0;
	s5 =	sld [smem:$0x3FAF]  }
0x2b: {  	s6 =	sld [smem:$0x3FB0]  }
0x2c: {  	s7 =	sld [smem:$0x3FB1]  }
0x2d: {  	s3 =	simm.s32 $0x108;
	s8 =	sld [smem:$0x3FB2]  }
0x2e: {  	s3 =	simm.s32 @!p0 $0x1082;
	s9 =	sld [smem:$0x3FB3]  }
0x2f: {  	lr =	sadd.s32 s0, s3;
	s0 =	sld [smem:$0x3FAA]  }
0x30: {  	s3 =	sld [smem:$0x3FAD]  }
0x31: {  	[smem:$0x3FB6] =	sst s10  }
0x32: {  	s10 =	sld [smem:$0x3FB4];
	_ =	sdelay $0x3  }
0x33: {  	p0 =	seq.s32 s10, $0x1;
	s10 =	sld [smem:$0x3FB6];
	_ =	sdelay $0x3  }
0x34: {  	[smem:$0x3FB6] =	sst s10  }
0x35: {  	s10 =	sld [smem:$0x3FB5];
	_ =	sdelay $0x3  }
0x36: {  	p1 =	seq.s32 s10, $0x1;
	s10 =	sld [smem:$0x3FB6];
	_ =	sdelay $0x3  }
0x37: {  	[smem:$0x3FB6] =	sst s10  }
0x38: {  	s10 =	sld [smem:$0x3FB7]  }
0x39: {  	_ = 	snop;
	(pc) =	sbr.ind lr, $3  }
0x3a: {  	_ = 	snop  }
0x3b: {  	_ = 	snop  }
0x3c: {  	p2 =	seq.s32 s10, $0x1;
	s10 =	sld [smem:$0x3FB6]  }
0x3d: {  	_ =	shalt  }
0x3e: {  	_ =	shalt  }
0x3f: {  	_ =	shalt  }
0x40: {  	_ =	shalt  }
0x41: {  	_ =	shalt  }
0x42: {  	_ =	shalt  }
0x43: {  	_ =	shalt  }
0x44: {  	_ =	shalt  }
0x45: {  	_ =	shalt  }
0x46: {  	_ =	shalt  }
0x47: {  	_ =	shalt  }
0x48: {  	_ =	shalt  }
0x49: {  	_ =	shalt  }
0x4a: {  	_ =	shalt  }
0x4b: {  	_ =	shalt  }
0x4c: {  	_ =	shalt  }
0x4d: {  	_ =	shalt  }
0x4e: {  	_ =	shalt  }
0x4f: {  	_ =	shalt  }
0x50: {  	_ =	shalt  }
0x51: {  	_ =	shalt  }
0x52: {  	_ =	shalt  }
0x53: {  	_ =	shalt  }
0x54: {  	_ =	shalt  }
0x55: {  	_ =	shalt  }
0x56: {  	_ =	shalt  }
0x57: {  	_ =	shalt  }
0x58: {  	_ =	shalt  }
0x59: {  	_ =	shalt  }
0x5a: {  	_ =	shalt  }
0x5b: {  	_ =	shalt  }
0x5c: {  	_ =	shalt  }
0x5d: {  	_ =	shalt  }
0x5e: {  	_ =	shalt  }
0x5f: {  	_ =	shalt  }
0x60: {  	_ =	shalt  }
0x61: {  	_ =	shalt  }
0x62: {  	_ =	shalt  }
0x63: {  	_ =	shalt  }
0x64: {  	_ =	shalt  }
0x65: {  	_ =	shalt  }
0x66: {  	_ =	shalt  }
0x67: {  	_ =	shalt  }
0x68: {  	_ =	shalt  }
0x69: {  	_ =	shalt  }
0x6a: {  	_ =	shalt  }
0x6b: {  	_ =	shalt  }
0x6c: {  	_ =	shalt  }
0x6d: {  	_ =	shalt  }
0x6e: {  	_ =	shalt  }
0x6f: {  	_ =	shalt  }
0x70: {  	_ =	shalt  }
0x71: {  	_ =	shalt  }
0x72: {  	_ =	shalt  }
0x73: {  	_ =	shalt  }
0x74: {  	_ =	shalt  }
0x75: {  	_ =	shalt  }
0x76: {  	_ =	shalt  }
0x77: {  	_ =	shalt  }
0x78: {  	_ =	shalt  }
0x79: {  	_ =	shalt  }
0x7a: {  	_ =	shalt  }
0x7b: {  	_ =	shalt  }
0x7c: {  	_ =	shalt  }
0x7d: {  	_ =	shalt  }
0x7e: {  	_ =	shalt  }
0x7f: {  	_ =	shalt  }
0x80: {  	_ =	shalt  }
0x81: {  	_ =	shalt  }
0x82: {  	_ =	shalt  }
0x83: {  	_ =	shalt  }
0x84: {  	_ =	shalt  }
0x85: {  	_ =	shalt  }
0x86: {  	_ =	shalt  }
0x87: {  	_ =	shalt  }
.Lfunc_end0:
.L_simem_size_0:
called_computation_lowered:
.L_overlay_start_0:
0x88: {  	s2 =	sld [smem:$0x3FD9]  }
0x89: {  	s3 =	sld [smem:$0x3FFE];
	_ =	sdelay $0x1  }
0x8a: {  	s1 =	srdreg.scid  }
0x8b: {  	s0 =	sand.u32 $0x1, s1  }
0x8c: {  	s17 =	sshll.u32 s0, $0xA;
	s2 =	sadd.s32 s3, s2  }
0x8d: {  	s2 =	sadd.s32 s2, s17  }
0x8e: {  	[smem:$0x3FC2] =	sst s2  }
0x8f: {  	_ = 	snop  }
0x90: {  	s2 =	sld [smem:$0x3FC9]  }
0x91: {  	s18 =	sld [smem:$0x3FC8]  }
0x92: {  	s4 =	sld [smem:$0x3FC7]  }
0x93: {  	s5 =	sld [smem:$0x3FC6]  }
0x94: {  	s6 =	sld [smem:$0x3FD0];
	(tm) =	ssettm $0x1  }
0x95: {  	s7 =	sld [smem:$0x3FFB];
	_ =	sdelay $0x3  }
0x96: {  	_ =	strace s7  }
0x97: {  	s7 =	sld [smem:$0x3FFC];
	_ =	sdelay $0x3  }
0x98: {  	_ =	strace s7  }
0x99: {  	s7 =	sld [smem:$0x3FFD];
	_ =	sdelay $0x3  }
0x9a: {  	_ =	strace s7  }
0x9b: {  	_ =	strace $0x8FFFFFFF  }
0x9c: {  	s19 =	sld [smem:$0x3FDB];
	_ =	sdelay $0x1  }
0x9d: {  	s8 =	simm.s32 $_scs_section_size  }
0x9e: {  	s9 =	simm.s32 $_size__tile_overlayer_lowered;
	s10 =	simm.s32 $_tile_overlayer_lowered  }
0x9f: {  	s22 =	simm.s32 $0x1BFF;
	s21 =	sshll.u32 s10, $0x1;
	s7 =	sadd.s32 s8, s19  }
0xa0: {  	s11 =	simm.s32 $0x0;
	s20 =	sshll.u32 s9, $0x1;
	s9 =	sadd.s32 s21, s7  }
0xa1: {  	[timem:s11], [sflag:s22] =	dma.local [hbm:s9], s20  }
0xa2: {  	_ =	swait.ge [sflag:s22], s20  }
0xa3: {  	s8 =	ssub.s32 $0x0, s20;
	[sflag:s22] =	ssyncset.done $0x0  }
0xa4: {  	[sflag:s22] =	ssyncadd.s32 s8;
	_ =	sdelay $0x1  }
0xa5: {  	s23 =	simm.s32 $0x1B8B  }
0xa6: {  	_ =	swait.ge [sflag:s23], $0x1  }
0xa7: {  	[sflag:s23] =	ssyncset.done $0x0  }
0xa8: {  	s25 =	simm.s32 $0x1B8E;
	s24 =	sld [smem:$0x3FFE];
	[sflag:s23] =	ssyncadd.s32 $0xFFFFFFFF  }
0xa9: {  	s26 =	simm.s32 $execute0_lowered;
	[smem:$0x3FD2] =	sst s25  }
0xaa: {  	s9 =	sshll.u32 s26, $0x1;
	_ =	strace $0x80000046;
	[dreg:$0x1] =	wrdreg $0xFFFFFFFF  }
0xab: {  	s28 =	simm.s32 $_size_execute0_lowered;
	s7 =	sadd.s32 s7, s9;
	[dreg:$0x0] =	wrdreg $0x0  }
0xac: {  	s9 =	sshll.u32 s28, $0x1;
	[dreg:$0x2] =	wrdreg s7  }
0xad: {  	[dreg:$0x3] =	wrdreg s9  }
0xae: {  	[dreg:$0x4] =	wrdreg $0xC0  }
0xaf: {  	_ =	task [dreg:s11], $0x5FFFF  }
0xb0: {  	[dreg:$0x1] =	wrdreg $0xFFFFFFFF  }
0xb1: {  	[dreg:$0x0] =	wrdreg $0x60  }
0xb2: {  	[dreg:$0x2] =	wrdreg s2  }
0xb3: {  	[dreg:$0x3] =	wrdreg s18  }
0xb4: {  	[dreg:$0x4] =	wrdreg s4  }
0xb5: {  	[dreg:$0x5] =	wrdreg s5  }
0xb6: {  	[dreg:$0x6] =	wrdreg s24  }
0xb7: {  	[dreg:$0x7] =	wrdreg s6  }
0xb8: {  	[dreg:$0x8] =	wrdreg $0x9  }
0xb9: {  	_ =	task.clear_ibuf [dreg:s11], $0x9FFFF;
	_ =	strace $0x90000046  }
0xba: {  	s29 =	simm.s32 $0x9;
	_ =	strace $0x80000048  }
0xbb: {  	_ =	swait.ge [sflag:s29], $0x1  }
0xbc: {  	[sflag:s29] =	ssyncadd.s32 $0xFFFFFFFF  }
0xbd: {  	_ =	strace $0x90000048  }
0xbe: {  	_ =	sfence  }
0xbf: {  	s30 =	sld [smem:$0x0];
	_ =	sdelay $0x2  }
0xc0: {  	s31 =	sshll.u32 s1, $0xD;
	s1 =	sshrl.u32 s1, $0x2  }
0xc1: {  	s3 =	sand.u32 $0x4000, s31;
	s1 =	sadd.s32 s1, s30  }
0xc2: {  	s0 =	sor.u32 s3, s0;
	s1 =	sshll.u32 s1, $0x11  }
0xc3: {  	s0 =	sor.u32 s1, s0  }
0xc4: {  	s0 =	sadd.s32 $0x8F2B, s0  }
0xc5: {  	[sflag:s0] =	ssyncadd.remote.s32 $0x1  }
0xc6: {  	_ =	sfence.sel $0xFFFF  }
0xc7: {  	[dreg:$0x0] =	wrdreg $0xFFFFFFFF;
	(pc) =	sbr.abs _section_cstart, $3  }
0xc8: {  	[dreg:$0x1] =	wrdreg $0xFFFFFFFF  }
0xc9: {  	_ =	task.clear_ibuf [dreg:s11], $0x2FFFF;
	_ =	strace $0x9FFFFFFF  }
0xca: {  	(tm) =	ssettm $0x7FFFFFFF  }
0xcb: {  	_ =	shalt  }
tec
execute0_lowered:
.L_overlay_start_1:
0x0: {  	(tag) =	ssettag $0x1  }
0x1: {  	v0 =	vimm.s32 $0xEFCDAB89;
	v2 =	vimm.s32 $0x67452301  }
0x2: {  	v1 =	vlaneseq.u32;
	v0 =	vunpack.c.l.s4.s8 v0;
	v2 =	vunpack.c.l.s4.s8 v2  }
0x3: {  	s0 =	rddreg [dreg:$0x0];
	v3 =	vimm.s32 $0xDCFE98BA;
	v4 =	vimm.s32 $0x54761032;
	v7 =	vimm.s32 $0xFEDCBA98  }
0x4: {  	s1 =	rddreg [dreg:$0x1];
	v8 =	vimm.s32 $0x76543210;
	v0 =	vunpack.c.0.s8.s32 v0;
	v2 =	vunpack.c.0.s8.s32 v2  }
0x5: {  	s9 =	rddreg [dreg:$0x2];
	v3 =	vunpack.c.l.s4.s8 v3;
	v4 =	vunpack.c.l.s4.s8 v4;
	v7 =	vunpack.c.l.s4.s8 v7  }
0x6: {  	s15 =	rddreg [dreg:$0x3];
	v9 =	vmul.u32 $0x80, v1;
	v39 =	vcombine.low v2, v0;
	v0 =	vunpack.c.l.s4.s8 v8  }
0x7: {  	s4 =	rddreg [dreg:$0x4];
	s12 =	simm.s32 $0x0;
	v3 =	vunpack.c.0.s8.s32 v3;
	v4 =	vunpack.c.0.s8.s32 v4;
	v1 =	vunpack.c.0.s8.s32 v7  }
0x8: {  	[smem:$0x7FF] =	sst s12;
	v0 =	vunpack.c.0.s8.s32 v0  }
0x9: {  	s2 =	rddreg [dreg:$0x5];
	_ =	strace $0x80000047;
	[tilespmem:$0x1FFE0] =	vst v9;
	v2 =	vcombine.low v4, v3;
	v4 =	vor.u32 $0x800, v9;
	v1 =	vand.u32 $0xF, v1  }
0xa: {  	[tilespmem:$0x1FF00] =	vst v4;
	v8 =	vcombine.low v1, v0;
	v0 =	vor.u32 $0x1000, v9  }
0xb: {  	[tilespmem:$0x1FF10] =	vst v0;
	v0 =	vor.u32 $0x1800, v9  }
0xc: {  	[tilespmem:$0x1FF20] =	vst v0;
	v0 =	vor.u32 $0x2000, v9  }
0xd: {  	s3 =	srdreg.scid;
	v5 =	vimm.s32 $0xBA98FEDC;
	v6 =	vimm.s32 $0x32107654;
	[tilespmem:$0x1FF30] =	vst v0;
	v0 =	vor.u32 $0x2800, v9  }
0xe: {  	s6 =	stileid.u32;
	s31 =	simm.s32 $0x7A1400;
	s13 =	simm.s32 $0x400;
	vm0 =	vmmov $0x1;
	vm1 =	vmmov $0x3;
	[tilespmem:$0x1FF40] =	vst v0;
	v0 =	vor.u32 $0x3000, v9  }
0xf: {  	s14 =	simm.s32 $0x8400;
	vm2 =	vmmov $0x7;
	vm3 =	vmmov $0xf;
	s10 =	simm.s32 $0x10780;
	s11 =	simm.s32 $0x10B80;
	[tilespmem:$0x1FF50] =	vst v0;
	v0 =	vor.u32 $0x3800, v9  }
0x10: {  	vm4 =	vmmov $0x1f;
	vm5 =	vmmov $0x3f;
	s24 =	simm.s32 $0x1;
	s25 =	simm.s32 $0x2;
	s3 =	sand.u32 $0x1, s3;
	[tilespmem:$0x1FF60] =	vst v0;
	v0 =	vor.u32 $0x4000, v9  }
0x11: {  	vm6 =	vmmov $0x7f;
	vm7 =	vmmov $0xff;
	s28 =	simm.s32 $0x4;
	s7 =	sshll.u32 s6, $0x7;
	s5 =	ssub.s32 $0x2, s3;
	[tilespmem:$0x1FF70] =	vst v0;
	v0 =	vor.u32 $0x4800, v9  }
0x12: {  	v5 =	vunpack.c.l.s4.s8 v5;
	v6 =	vunpack.c.l.s4.s8 v6;
	s6 =	sadd.s32 $0x1EA00, s4;
	s3 =	sshll.u32 s3, $0x6;
	s8 =	sshrl.u32 s5, $0x1;
	[tilespmem:$0x1FF80] =	vst v0;
	v0 =	vor.u32 $0x5000, v9  }
0x13: {  	vm8 =	vmmov $0x1ff;
	vm9 =	vmmov $0x3ff;
	s3 =	sor.u32 s3, s7;
	s7 =	simm.s32 $0x7400;
	s5 =	ssub.s32 s5, s8;
	[tilespmem:$0x1FF90] =	vst v0;
	v0 =	vor.u32 $0x5800, v9  }
.Ltmp0:
0x14: {  	v5 =	vunpack.c.0.s8.s32 v5;
	v6 =	vunpack.c.0.s8.s32 v6;
	s0 =	sadd.s32 s0, s3;
	s26 =	sadd.s32 s1, s3;
	[tilespmem:$0x1FFA0] =	vst v0;
	v0 =	vor.u32 $0x6000, v9;
	(pc) =	sbr.rel .LBB2_1-.Ltmp0, $4  }
0x15: {  	vm10 =	vmmov $0x7ff;
	vm11 =	vmmov $0xfff;
	s29 =	sadd.s32 s2, s3;
	s1 =	simm.s32 $0x5;
	[dreg:$0x7] =	wrdreg s0;
	[tilespmem:$0x1FFB0] =	vst v0;
	v0 =	vor.u32 $0x6800, v9  }
0x16: {  	vm12 =	vmmov $0x1fff;
	s3 =	simm.s32 $0x10400;
	s8 =	simm.s32 $0xF400;
	[dreg:$0x8] =	wrdreg s26;
	v3 =	vcombine.low v6, v5;
	[tilespmem:$0x1FFC0] =	vst v0;
	v0 =	vor.u32 $0x7000, v9  }
0x17: {  	vm13 =	vmmov $0x3fff;
	vm14 =	vmmov $0x7fff;
	s2 =	simm.s32 $0x0;
	[dreg:$0x9] =	wrdreg s29;
	s30 =	smax.u32 s5, $0x1;
	[tilespmem:$0x1FFD0] =	vst v0;
	v0 =	vor.u32 $0x7800, v9  }
0x18: {  	s5 =	simm.s32 $0x10800;
	s26 =	simm.s32 $0x3;
	[dreg:$0xa] =	wrdreg s30;
	v5 =	vand.u32 $0xF, v39;
	v6 =	vand.u32 $0xF, v2;
	v7 =	vand.u32 $0xF, v3;
	[tilespmem:$0x1FFF0] =	vst v0  }
.LBB2_3:
0x19: {  	s0 =	rddreg [dreg:$0xd]  }
0x1a: {  	s12 =	simm.s32 $0x0;
	s31 =	simm.s32 $0x7A1400;
	s7 =	simm.s32 $0x7400  }
0x1b: {  	s8 =	simm.s32 $0xF400;
	s10 =	simm.s32 $0x10780;
	s11 =	simm.s32 $0x10B80;
	[tilespmem:s0+$0x0] =	vst v0  }
.LBB2_5:
0x1c: {  	s0 =	rddreg [dreg:$0x9];
	s1 =	simm.s32 $0x10C00  }
0x1d: {  	[hbm4b:s0+s12] =	stream.linear.scatter [tilespmem:s1], [sflag:$0x5], $0x200, $0x38;
	[tilespmem:$0x10E00] =	vst v63  }
0x1e: {  	s1 =	simm.s32 $0x5  }
0x1f: {  	_ =	swait.ge [sflag:s1], $0x200  }
0x20: {  	s2 =	rddreg [dreg:$0xb]  }
0x21: {  	s30 =	rddreg [dreg:$0xa];
	s2 =	sadd.s32 $0x1, s2  }
0x22: {  	p0 =	sne.s32 s2, s30  }
.Ltmp1:
0x23: {  	_ = 	snop;
	(pc) =	sbr.rel @!p0 .LBB2_6-.Ltmp1, $3  }
0x24: {  	_ =	sdelay $0x1  }
0x25: {  	[sflag:s1] =	ssyncset.done $0x0  }
0x26: {  	[sflag:s1] =	ssyncadd.s32 $0xFFFFFE00  }
.LBB2_1:
0x27: {  	[dreg:$0xb] =	wrdreg s2  }
0x28: {  	s0 =	rddreg [dreg:$0x7]  }
0x29: {  	[tilespmem:s12], [sflag:$0x5] =	stream.linear.gather [hbm4b:s0+s12], $0x200, $0x38;
	[tilespmem:$0x10E00] =	vst v63  }
0x2a: {  	_ =	swait.ge [sflag:s1], $0x200  }
0x2b: {  	[sflag:s1] =	ssyncset.done $0x0  }
0x2c: {  	s16 =	simm.s32 $0x200;
	s29 =	rddreg [dreg:$0x8];
	[sflag:s1] =	ssyncadd.s32 $0xFFFFFE00  }
0x2d: {  	[tilespmem:s16], [sflag:$0x5] =	stream.linear.gather [hbm4b:s29+s12], $0x200, $0x38;
	[tilespmem:$0x10E00] =	vst v63  }
0x2e: {  	_ =	swait.ge [sflag:s1], $0x200  }
0x2f: {  	[sflag:s1] =	ssyncset.done $0x0  }
0x30: {  	[sflag:s1] =	ssyncadd.s32 $0xFFFFFE00  }
0x31: {  	v0 =	vld [tilespmem:$0x0];
	_ =	sdelay $0x4  }
0x32: {  	(v2sf) =	vpush v0, $0x0;
	_ =	sdelay $0x8  }
0x33: {  	v1 =	vld [tilespmem:$0x200];
	_ =	sdelay $0x4  }
0x34: {  	(v2sf) =	vpush v1, $0x0  }
0x35: {  	s30 =	spop (v2sf);
	(v2sf) =	vpush v0, $0x1;
	_ =	sdelay $0x7  }
0x36: {  	(v2sf) =	vpush v1, $0x1;
	_ =	sdelay $0x5  }
0x37: {  	s17 =	spop (v2sf)  }
0x38: {  	s20 =	spop (v2sf);
	(v2sf) =	vpush v0, $0x2;
	_ =	sdelay $0x7  }
0x39: {  	s2 =	sand.u32 $0x1FFFFF80, s30;
	s22 =	spop (v2sf);
	(v2sf) =	vpush v1, $0x2  }
0x3a: {  	s0 =	sshrl.u32 s30, $0x3;
	s1 =	sadd.s32 s9, s2;
	s18 =	sand.u32 $0x1FFFFF80, s17  }
0x3b: {  	[tilespmem:s13], [sflag:$0x1] =	stream.strided.gather [hbm4b:s1+s13], $0x1000, s31, s13, $0x38;
	[tilespmem:$0x10E00] =	vst v63  }
0x3c: {  	s0 =	sand.u32 $0x1FFFFFF0, s0;
	s1 =	sadd.s32 s15, s18  }
0x3d: {  	[tilespmem:s14], [sflag:$0x2] =	stream.strided.gather [hbm4b:s1+s13], $0x1000, s31, s13, $0x38;
	[tilespmem:$0x10E00] =	vst v63  }
0x3e: {  	s19 =	sshrl.u32 s17, $0x3;
	s0 =	sadd.s32 s4, s0  }
0x3f: {  	[tilespmem:s3], [sflag:$0x3] =	stream.linear.gather [hbm4b:s0+s12], $0x80, $0x38;
	[tilespmem:$0x10E00] =	vst v63  }
0x40: {  	s0 =	sand.u32 $0x1FFFFFF0, s19;
	s19 =	spop (v2sf);
	(v2sf) =	vpush v0, $0x3;
	_ =	sdelay $0x4  }
0x41: {  	s0 =	sadd.s32 s6, s0  }
0x42: {  	[tilespmem:s5], [sflag:$0x4] =	stream.linear.gather [hbm4b:s0+s12], $0x80, $0x38;
	[tilespmem:$0x10E00] =	vst v63  }
0x43: {  	s21 =	sand.u32 $0x1FFFFF80, s20  }
0x44: {  	s1 =	sadd.s32 s9, s21;
	s21 =	spop (v2sf);
	(v2sf) =	vpush v1, $0x3  }
0x45: {  	s23 =	simm.s32 $0x1400;
	s0 =	sshrl.u32 s20, $0x3;
	s29 =	sand.u32 $0x1FFFFF80, s22  }
0x46: {  	[tilespmem:s23], [sflag:$0x1] =	stream.strided.gather [hbm4b:s1+s13], $0x1000, s31, s13, $0x38;
	[tilespmem:$0x10E00] =	vst v63  }
0x47: {  	s30 =	simm.s32 $0x9400;
	s0 =	sand.u32 $0x1FFFFFF0, s0;
	s1 =	sadd.s32 s15, s29  }
0x48: {  	[tilespmem:s30], [sflag:$0x2] =	stream.strided.gather [hbm4b:s1+s13], $0x1000, s31, s13, $0x38;
	[tilespmem:$0x10E00] =	vst v63  }
0x49: {  	s5 =	simm.s32 $0x10480;
	s17 =	sshrl.u32 s22, $0x3;
	s0 =	sadd.s32 s4, s0  }
0x4a: {  	[tilespmem:s5], [sflag:$0x3] =	stream.linear.gather [hbm4b:s0+s12], $0x80, $0x38;
	[tilespmem:$0x10E00] =	vst v63  }
0x4b: {  	s0 =	sand.u32 $0x1FFFFFF0, s17;
	s17 =	spop (v2sf);
	(v2sf) =	vpush v0, $0x4;
	_ =	sdelay $0x2  }
0x4c: {  	s18 =	simm.s32 $0x10880;
	s0 =	sadd.s32 s6, s0  }
0x4d: {  	[tilespmem:s18], [sflag:$0x4] =	stream.linear.gather [hbm4b:s0+s12], $0x80, $0x38;
	[tilespmem:$0x10E00] =	vst v63  }
0x4e: {  	s22 =	simm.s32 $0x2400;
	s29 =	simm.s32 $0xA400;
	s20 =	sand.u32 $0x1FFFFF80, s19  }
0x4f: {  	s0 =	sshrl.u32 s19, $0x3;
	s1 =	sadd.s32 s9, s20;
	s23 =	sand.u32 $0x1FFFFF80, s21  }
0x50: {  	[tilespmem:s22], [sflag:$0x1] =	stream.strided.gather [hbm4b:s1+s13], $0x1000, s31, s13, $0x38;
	[tilespmem:$0x10E00] =	vst v63  }
0x51: {  	s0 =	sand.u32 $0x1FFFFFF0, s0;
	s1 =	sadd.s32 s15, s23;
	s19 =	spop (v2sf);
	(v2sf) =	vpush v1, $0x4  }
0x52: {  	[tilespmem:s29], [sflag:$0x2] =	stream.strided.gather [hbm4b:s1+s13], $0x1000, s31, s13, $0x38;
	[tilespmem:$0x10E00] =	vst v63  }
0x53: {  	s30 =	simm.s32 $0x10500;
	s3 =	sshrl.u32 s21, $0x3;
	s0 =	sadd.s32 s4, s0  }
0x54: {  	[tilespmem:s30], [sflag:$0x3] =	stream.linear.gather [hbm4b:s0+s12], $0x80, $0x38;
	[tilespmem:$0x10E00] =	vst v63  }
0x55: {  	s0 =	sand.u32 $0x1FFFFFF0, s3  }
0x56: {  	s5 =	simm.s32 $0x10900;
	s0 =	sadd.s32 s6, s0  }
0x57: {  	[tilespmem:s5], [sflag:$0x4] =	stream.linear.gather [hbm4b:s0+s12], $0x80, $0x38;
	[tilespmem:$0x10E00] =	vst v63  }
0x58: {  	s2 =	spop (v2sf);
	(v2sf) =	vpush v0, $0x5  }
0x59: {  	s20 =	simm.s32 $0x3400;
	s18 =	sand.u32 $0x1FFFFF80, s17  }
0x5a: {  	s0 =	sshrl.u32 s17, $0x3;
	s1 =	sadd.s32 s9, s18;
	s21 =	sand.u32 $0x1FFFFF80, s19  }
0x5b: {  	[tilespmem:s20], [sflag:$0x1] =	stream.strided.gather [hbm4b:s1+s13], $0x1000, s31, s13, $0x38;
	[tilespmem:$0x10E00] =	vst v63  }
0x5c: {  	s22 =	simm.s32 $0xB400;
	s0 =	sand.u32 $0x1FFFFFF0, s0;
	s1 =	sadd.s32 s15, s21  }
0x5d: {  	[tilespmem:s22], [sflag:$0x2] =	stream.strided.gather [hbm4b:s1+s13], $0x1000, s31, s13, $0x38;
	[tilespmem:$0x10E00] =	vst v63  }
0x5e: {  	s23 =	simm.s32 $0x10580;
	s0 =	sadd.s32 s4, s0  }
0x5f: {  	[tilespmem:s23], [sflag:$0x3] =	stream.linear.gather [hbm4b:s0+s12], $0x80, $0x38;
	[tilespmem:$0x10E00] =	vst v63  }
0x60: {  	s29 =	sshrl.u32 s19, $0x3;
	s5 =	spop (v2sf);
	(v2sf) =	vpush v1, $0x5  }
0x61: {  	s0 =	sand.u32 $0x1FFFFFF0, s29  }
0x62: {  	s30 =	simm.s32 $0x10980;
	s0 =	sadd.s32 s6, s0  }
0x63: {  	[tilespmem:s30], [sflag:$0x4] =	stream.linear.gather [hbm4b:s0+s12], $0x80, $0x38;
	[tilespmem:$0x10E00] =	vst v63  }
0x64: {  	s3 =	sand.u32 $0x1FFFFF80, s2  }
0x65: {  	s17 =	simm.s32 $0x4400;
	s1 =	sadd.s32 s9, s3  }
0x66: {  	[tilespmem:s17], [sflag:$0x1] =	stream.strided.gather [hbm4b:s1+s13], $0x1000, s31, s13, $0x38;
	[tilespmem:$0x10E00] =	vst v63  }
0x67: {  	s0 =	sshrl.u32 s2, $0x3;
	s18 =	sand.u32 $0x1FFFFF80, s5;
	s23 =	spop (v2sf);
	(v2sf) =	vpush v0, $0x6  }
0x68: {  	s19 =	simm.s32 $0xC400;
	s0 =	sand.u32 $0x1FFFFFF0, s0;
	s1 =	sadd.s32 s15, s18  }
0x69: {  	[tilespmem:s19], [sflag:$0x2] =	stream.strided.gather [hbm4b:s1+s13], $0x1000, s31, s13, $0x38;
	[tilespmem:$0x10E00] =	vst v63  }
0x6a: {  	s20 =	simm.s32 $0x10600;
	s21 =	sshrl.u32 s5, $0x3;
	s0 =	sadd.s32 s4, s0;
	(v2sf) =	vpush v1, $0x6  }
0x6b: {  	[tilespmem:s20], [sflag:$0x3] =	stream.linear.gather [hbm4b:s0+s12], $0x80, $0x38;
	[tilespmem:$0x10E00] =	vst v63  }
0x6c: {  	s0 =	sand.u32 $0x1FFFFFF0, s21  }
0x6d: {  	s22 =	simm.s32 $0x10A00;
	s0 =	sadd.s32 s6, s0  }
0x6e: {  	[tilespmem:s22], [sflag:$0x4] =	stream.linear.gather [hbm4b:s0+s12], $0x80, $0x38;
	[tilespmem:$0x10E00] =	vst v63  }
0x6f: {  	s5 =	simm.s32 $0x5400;
	s29 =	sand.u32 $0x1FFFFF80, s23;
	s30 =	spop (v2sf)  }
0x70: {  	s0 =	sshrl.u32 s23, $0x3;
	s1 =	sadd.s32 s9, s29;
	s17 =	sand.u32 $0x1FFFFF80, s30  }
0x71: {  	(v2sf) =	vpush v0, $0x7;
	[tilespmem:s5], [sflag:$0x1] =	stream.strided.gather [hbm4b:s1+s13], $0x1000, s31, s13, $0x38;
	[tilespmem:$0x10E00] =	vst v63  }
0x72: {  	s18 =	simm.s32 $0xD400;
	s0 =	sand.u32 $0x1FFFFFF0, s0;
	s1 =	sadd.s32 s15, s17  }
0x73: {  	[tilespmem:s18], [sflag:$0x2] =	stream.strided.gather [hbm4b:s1+s13], $0x1000, s31, s13, $0x38;
	[tilespmem:$0x10E00] =	vst v63  }
0x74: {  	s19 =	simm.s32 $0x10680;
	s20 =	sshrl.u32 s30, $0x3;
	s0 =	sadd.s32 s4, s0  }
0x75: {  	[tilespmem:s19], [sflag:$0x3] =	stream.linear.gather [hbm4b:s0+s12], $0x80, $0x38;
	[tilespmem:$0x10E00] =	vst v63  }
0x76: {  	s0 =	sand.u32 $0x1FFFFFF0, s20;
	s22 =	spop (v2sf);
	(v2sf) =	vpush v1, $0x7  }
0x77: {  	s21 =	simm.s32 $0x10A80;
	s0 =	sadd.s32 s6, s0  }
0x78: {  	[tilespmem:s21], [sflag:$0x4] =	stream.linear.gather [hbm4b:s0+s12], $0x80, $0x38;
	[tilespmem:$0x10E00] =	vst v63  }
0x79: {  	s30 =	simm.s32 $0x6400;
	s23 =	sand.u32 $0x1FFFFF80, s22;
	s29 =	spop (v2sf)  }
0x7a: {  	s0 =	sshrl.u32 s22, $0x3;
	s1 =	sadd.s32 s9, s23;
	s3 =	sand.u32 $0x1FFFFF80, s29  }
0x7b: {  	[tilespmem:s30], [sflag:$0x1] =	stream.strided.gather [hbm4b:s1+s13], $0x1000, s31, s13, $0x38;
	[tilespmem:$0x10E00] =	vst v63  }
0x7c: {  	s5 =	simm.s32 $0xE400;
	s0 =	sand.u32 $0x1FFFFFF0, s0;
	s1 =	sadd.s32 s15, s3  }
0x7d: {  	[tilespmem:s5], [sflag:$0x2] =	stream.strided.gather [hbm4b:s1+s13], $0x1000, s31, s13, $0x38;
	[tilespmem:$0x10E00] =	vst v63  }
0x7e: {  	s17 =	simm.s32 $0x10700;
	s18 =	sshrl.u32 s29, $0x3;
	s0 =	sadd.s32 s4, s0  }
0x7f: {  	[tilespmem:s17], [sflag:$0x3] =	stream.linear.gather [hbm4b:s0+s12], $0x80, $0x38;
	[tilespmem:$0x10E00] =	vst v63  }
0x80: {  	s19 =	spop (v2sf);
	s0 =	sand.u32 $0x1FFFFFF0, s18  }
0x81: {  	s20 =	simm.s32 $0x10B00;
	s21 =	sand.u32 $0x1FFFFF80, s19;
	s0 =	sadd.s32 s6, s0  }
0x82: {  	[tilespmem:s20], [sflag:$0x4] =	stream.linear.gather [hbm4b:s0+s12], $0x80, $0x38;
	[tilespmem:$0x10E00] =	vst v63  }
0x83: {  	s0 =	sadd.s32 s9, s21  }
0x84: {  	[tilespmem:s7], [sflag:$0x1] =	stream.strided.gather [hbm4b:s0+s13], $0x1000, s31, s13, $0x38;
	[tilespmem:$0x10E00] =	vst v63  }
0x85: {  	s22 =	spop (v2sf)  }
0x86: {  	s23 =	sand.u32 $0x1FFFFF80, s22  }
0x87: {  	s29 =	sshrl.u32 s19, $0x3;
	s0 =	sadd.s32 s15, s23  }
0x88: {  	[tilespmem:s8], [sflag:$0x2] =	stream.strided.gather [hbm4b:s0+s13], $0x1000, s31, s13, $0x38;
	[tilespmem:$0x10E00] =	vst v63  }
0x89: {  	s0 =	sand.u32 $0x1FFFFFF0, s29  }
0x8a: {  	s30 =	sshrl.u32 s22, $0x3;
	s0 =	sadd.s32 s4, s0  }
0x8b: {  	[tilespmem:s10], [sflag:$0x3] =	stream.linear.gather [hbm4b:s0+s12], $0x80, $0x38;
	[tilespmem:$0x10E00] =	vst v63  }
0x8c: {  	s0 =	sand.u32 $0x1FFFFFF0, s30  }
0x8d: {  	s0 =	sadd.s32 s6, s0  }
0x8e: {  	[tilespmem:s11], [sflag:$0x4] =	stream.linear.gather [hbm4b:s0+s12], $0x80, $0x38;
	[tilespmem:$0x10E00] =	vst v63  }
0x8f: {  	s1 =	simm.s32 $0x0;
	s17 =	simm.s32 $0x10;
	s0 =	simm.s32 $0x10C00  }
.LBB2_2:
0x90: {  	[dreg:$0xf] =	wrdreg s17  }
0x91: {  	[dreg:$0xd] =	wrdreg s0;
	p0 =	seq.s32 s17, $0x200;
	s0 =	smov.u32 s17;
	v4 =	vld [tilespmem:s1+$0x0]  }
0x92: {  	[dreg:$0xe] =	wrdreg s1;
	v9 =	vld [tilespmem:s16+$0x0];
	s0 =	simm.s32 @p0 $0x0  }
0x93: {  	[dreg:$0xc] =	wrdreg s16;
	v23 =	vld [tilespmem:s0+$0x0]  }
0x94: {  	v24 =	vld [tilespmem:s0+$0x200];
	_ =	swait.ge [sflag:s24], $0x1000  }
0x95: {  	[sflag:s24] =	ssyncset.done $0x0  }
0x96: {  	[sflag:s24] =	ssyncadd.s32 $0xFFFFF000  }
0x97: {  	_ =	swait.ge [sflag:s25], $0x1000  }
0x98: {  	[sflag:s25] =	ssyncset.done $0x0  }
0x99: {  	[sflag:s25] =	ssyncadd.s32 $0xFFFFF000  }
0x9a: {  	_ =	swait.ge [sflag:s26], $0x80  }
0x9b: {  	[sflag:s26] =	ssyncset.done $0x0  }
0x9c: {  	[sflag:s26] =	ssyncadd.s32 $0xFFFFFF80  }
0x9d: {  	_ =	swait.ge [sflag:s28], $0x80  }
0x9e: {  	(v2sf) =	vpush v4, $0x0;
	_ =	sdelay $0x2  }
0x9f: {  	(v2sf) =	vpush v9, $0x0;
	_ =	sdelay $0x5  }
0xa0: {  	(v2sf) =	vpush v4, $0x8  }
0xa1: {  	(v2sf) =	vpush v9, $0x8;
	_ =	sdelay $0x1  }
0xa2: {  	v14 =	vld [tilespmem:$0x1FFE0]  }
0xa3: {  	v15 =	vld [tilespmem:$0x1FF00];
	_ =	sdelay $0x1  }
0xa4: {  	s3 =	spop (v2sf)  }
0xa5: {  	s0 =	sand.u32 $0x7F, s3  }
0xa6: {  	v0 =	vor.u32 s0, v14  }
0xa7: {  	s5 =	spop (v2sf);
	v1 =	vor.u32 s0, v15  }
0xa8: {  	s1 =	sand.u32 $0x7F, s5;
	v12 =	vmov s0  }
0xa9: {  	[sflag:s28] =	ssyncset.done $0x0;
	v10 =	vor.u32 s1, v14  }
0xaa: {  	[sflag:s28] =	ssyncadd.s32 $0xFFFFFF80;
	v11 =	vor.u32 s1, v15  }
0xab: {  	v13 =	vmov s1;
	v54 =	vld.idx.msk [tilespmem:v0+s13+$0x0], $0xffff  }
0xac: {  	s8 =	simm.s32 $0x10400;
	v56 =	vld.idx.msk [tilespmem:v1+s13+$0x0], $0xffff  }
0xad: {  	s10 =	spop (v2sf);
	v62 =	vld.idx.msk [tilespmem:v12+s8+$0x0], $0xffff  }
0xae: {  	s7 =	sand.u32 $0x1FFFFF80, s10;
	s11 =	spop (v2sf);
	v57 =	vld.idx.msk [tilespmem:v10+s14+$0x0], $0xffff  }
0xaf: {  	s16 =	simm.s32 $0x10800;
	s0 =	sadd.s32 s9, s7;
	s17 =	sand.u32 $0x1FFFFF80, s11;
	v58 =	vld.idx.msk [tilespmem:v11+s14+$0x0], $0xffff  }
0xb0: {  	v61 =	vld.idx.msk [tilespmem:v13+s16+$0x0], $0xffff;
	[tilespmem:s13], [sflag:$0x1] =	stream.strided.gather [hbm4b:s0+s13], $0x1000, s31, s13, $0x38  }
0xb1: {  	s18 =	sshrl.u32 s10, $0x3;
	s0 =	sadd.s32 s15, s17  }
0xb2: {  	[tilespmem:s14], [sflag:$0x2] =	stream.strided.gather [hbm4b:s0+s13], $0x1000, s31, s13, $0x38;
	[tilespmem:$0x10E00] =	vst v63  }
0xb3: {  	s0 =	sand.u32 $0x1FFFFFF0, s18  }
0xb4: {  	s19 =	sshrl.u32 s11, $0x3;
	s0 =	sadd.s32 s4, s0  }
0xb5: {  	[tilespmem:s8], [sflag:$0x3] =	stream.linear.gather [hbm4b:s0+s12], $0x80, $0x38;
	[tilespmem:$0x10E00] =	vst v63  }
0xb6: {  	s0 =	sand.u32 $0x1FFFFFF0, s19  }
0xb7: {  	s0 =	sadd.s32 s6, s0  }
0xb8: {  	[tilespmem:s16], [sflag:$0x4] =	stream.linear.gather [hbm4b:s0+s12], $0x80, $0x38;
	[tilespmem:$0x10E00] =	vst v63  }
0xb9: {  	_ =	swait.ge [sflag:s24], $0x1000  }
0xba: {  	[sflag:s24] =	ssyncset.done $0x0  }
0xbb: {  	[sflag:s24] =	ssyncadd.s32 $0xFFFFF000  }
0xbc: {  	_ =	swait.ge [sflag:s25], $0x1000  }
0xbd: {  	[sflag:s25] =	ssyncset.done $0x0  }
0xbe: {  	[sflag:s25] =	ssyncadd.s32 $0xFFFFF000  }
0xbf: {  	_ =	swait.ge [sflag:s26], $0x80  }
0xc0: {  	[sflag:s26] =	ssyncset.done $0x0  }
0xc1: {  	[sflag:s26] =	ssyncadd.s32 $0xFFFFFF80  }
0xc2: {  	_ =	swait.ge [sflag:s28], $0x80  }
0xc3: {  	(v2sf) =	vpush v4, $0x1  }
0xc4: {  	(v2sf) =	vpush v9, $0x1;
	_ =	sdelay $0xa  }
0xc5: {  	v17 =	vld [tilespmem:$0x1FF20]  }
0xc6: {  	v16 =	vld [tilespmem:$0x1FF10];
	_ =	sdelay $0x1  }
0xc7: {  	(v2sf) =	vpush v4, $0x9;
	s20 =	spop (v2sf)  }
0xc8: {  	(v2sf) =	vpush v9, $0x9;
	s0 =	sand.u32 $0x7F, s20;
	s21 =	spop (v2sf)  }
0xc9: {  	s1 =	sand.u32 $0x7F, s21;
	v1 =	vor.u32 s0, v17  }
0xca: {  	v10 =	vor.u32 s1, v16;
	_ =	sdelay $0x1  }
0xcb: {  	[sflag:s28] =	ssyncset.done $0x0  }
0xcc: {  	[sflag:s28] =	ssyncadd.s32 $0xFFFFFF80  }
0xcd: {  	v0 =	vor.u32 s0, v16;
	v60 =	vld.idx.msk [tilespmem:v1+s13+$0x0], $0xffff  }
0xce: {  	v43 =	vor.u32 s1, v17;
	v1 =	vld.idx.msk [tilespmem:v10+s14+$0x0], $0xffff;
	_ =	sdelay $0x2  }
0xcf: {  	v44 =	vmov s1  }
0xd0: {  	v11 =	vmov s0;
	v59 =	vld.idx.msk [tilespmem:v0+s13+$0x0], $0xffff;
	v0 =	vor.u32 $0x80, v44  }
0xd1: {  	v11 =	vor.u32 $0x80, v11;
	[tilespmem:$0x1FC90] =	vst v1;
	v1 =	vld.idx.msk [tilespmem:v43+s14+$0x0], $0xffff;
	_ =	sdelay $0x1  }
0xd2: {  	s18 =	spop (v2sf)  }
0xd3: {  	s22 =	sand.u32 $0x1FFFFF80, s18;
	s23 =	spop (v2sf)  }
0xd4: {  	s29 =	simm.s32 $0x1400;
	s0 =	sadd.s32 s9, s22;
	s1 =	sand.u32 $0x1FFFFF80, s23;
	v0 =	vld.idx.msk [tilespmem:v0+s16+$0x0], $0xffff  }
0xd5: {  	[tilespmem:$0x1FCA0] =	vst v1;
	v1 =	vld.idx.msk [tilespmem:v11+s8+$0x0], $0xffff;
	[tilespmem:s29], [sflag:$0x1] =	stream.strided.gather [hbm4b:s0+s13], $0x1000, s31, s13, $0x38  }
0xd6: {  	s2 =	simm.s32 $0x9400;
	s3 =	sshrl.u32 s18, $0x3;
	s0 =	sadd.s32 s15, s1  }
0xd7: {  	[tilespmem:s2], [sflag:$0x2] =	stream.strided.gather [hbm4b:s0+s13], $0x1000, s31, s13, $0x38;
	[tilespmem:$0x10E00] =	vst v63  }
0xd8: {  	s0 =	sand.u32 $0x1FFFFFF0, s3  }
0xd9: {  	s5 =	simm.s32 $0x10480;
	s7 =	sshrl.u32 s23, $0x3;
	s0 =	sadd.s32 s4, s0  }
0xda: {  	[tilespmem:s5], [sflag:$0x3] =	stream.linear.gather [hbm4b:s0+s12], $0x80, $0x38;
	[tilespmem:$0x10E00] =	vst v63  }
0xdb: {  	[tilespmem:$0x1FD40] =	vst v0;
	s0 =	sand.u32 $0x1FFFFFF0, s7  }
0xdc: {  	s17 =	simm.s32 $0x10880;
	[tilespmem:$0x1FD30] =	vst v1;
	s0 =	sadd.s32 s6, s0  }
0xdd: {  	[tilespmem:s17], [sflag:$0x4] =	stream.linear.gather [hbm4b:s0+s12], $0x80, $0x38;
	[tilespmem:$0x10E00] =	vst v63  }
0xde: {  	_ =	swait.ge [sflag:s24], $0x1000  }
0xdf: {  	[sflag:s24] =	ssyncset.done $0x0  }
0xe0: {  	[sflag:s24] =	ssyncadd.s32 $0xFFFFF000  }
0xe1: {  	_ =	swait.ge [sflag:s25], $0x1000  }
0xe2: {  	[sflag:s25] =	ssyncset.done $0x0  }
0xe3: {  	[sflag:s25] =	ssyncadd.s32 $0xFFFFF000  }
0xe4: {  	_ =	swait.ge [sflag:s26], $0x80  }
0xe5: {  	[sflag:s26] =	ssyncset.done $0x0  }
0xe6: {  	[sflag:s26] =	ssyncadd.s32 $0xFFFFFF80  }
0xe7: {  	_ =	swait.ge [sflag:s28], $0x80  }
0xe8: {  	(v2sf) =	vpush v4, $0x2;
	_ =	sdelay $0x4  }
0xe9: {  	(v2sf) =	vpush v9, $0x2;
	_ =	sdelay $0x6  }
0xea: {  	v21 =	vld [tilespmem:$0x1FF40];
	_ =	sdelay $0x2  }
0xeb: {  	s19 =	spop (v2sf)  }
0xec: {  	v20 =	vld [tilespmem:$0x1FF30];
	s0 =	sand.u32 $0x7F, s19  }
0xed: {  	v1 =	vor.u32 s0, v21;
	_ =	sdelay $0x1  }
0xee: {  	(v2sf) =	vpush v4, $0xA  }
0xef: {  	[sflag:s28] =	ssyncset.done $0x0;
	(v2sf) =	vpush v9, $0xA;
	s20 =	spop (v2sf)  }
0xf0: {  	[sflag:s28] =	ssyncadd.s32 $0xFFFFFF80;
	v0 =	vor.u32 s0, v20;
	s1 =	sand.u32 $0x7F, s20  }
0xf1: {  	v10 =	vor.u32 s1, v20;
	v1 =	vld.idx.msk [tilespmem:v1+s13+$0x0], $0xffff;
	_ =	sdelay $0x3  }
0xf2: {  	v0 =	vld.idx.msk [tilespmem:v0+s13+$0x0], $0xffff  }
0xf3: {  	v45 =	vor.u32 s1, v21;
	[tilespmem:$0x1FCD0] =	vst v1;
	v1 =	vld.idx.msk [tilespmem:v10+s14+$0x0], $0xffff;
	_ =	sdelay $0x2  }
0xf4: {  	v46 =	vmov s1  }
0xf5: {  	v11 =	vmov s0;
	[tilespmem:$0x1FCB0] =	vst v0;
	v0 =	vor.u32 $0x100, v46  }
0xf6: {  	v11 =	vor.u32 $0x100, v11;
	[tilespmem:$0x1FCC0] =	vst v1;
	v1 =	vld.idx.msk [tilespmem:v45+s14+$0x0], $0xffff;
	_ =	sdelay $0x1  }
0xf7: {  	s19 =	spop (v2sf)  }
0xf8: {  	s21 =	sand.u32 $0x1FFFFF80, s19;
	s29 =	spop (v2sf)  }
0xf9: {  	s22 =	simm.s32 $0x2400;
	s0 =	sadd.s32 s9, s21;
	s2 =	sand.u32 $0x1FFFFF80, s29;
	v0 =	vld.idx.msk [tilespmem:v0+s16+$0x0], $0xffff  }
0xfa: {  	[tilespmem:$0x1FCE0] =	vst v1;
	v1 =	vld.idx.msk [tilespmem:v11+s8+$0x0], $0xffff;
	[tilespmem:s22], [sflag:$0x1] =	stream.strided.gather [hbm4b:s0+s13], $0x1000, s31, s13, $0x38  }
0xfb: {  	s3 =	simm.s32 $0xA400;
	s5 =	sshrl.u32 s19, $0x3;
	s0 =	sadd.s32 s15, s2  }
0xfc: {  	[tilespmem:s3], [sflag:$0x2] =	stream.strided.gather [hbm4b:s0+s13], $0x1000, s31, s13, $0x38;
	[tilespmem:$0x10E00] =	vst v63  }
0xfd: {  	s0 =	sand.u32 $0x1FFFFFF0, s5  }
0xfe: {  	s7 =	simm.s32 $0x10500;
	s17 =	sshrl.u32 s29, $0x3;
	s0 =	sadd.s32 s4, s0  }
0xff: {  	[tilespmem:s7], [sflag:$0x3] =	stream.linear.gather [hbm4b:s0+s12], $0x80, $0x38;
	[tilespmem:$0x10E00] =	vst v63  }
0x100: {  	[tilespmem:$0x1FDD0] =	vst v0;
	s0 =	sand.u32 $0x1FFFFFF0, s17  }
0x101: {  	s20 =	simm.s32 $0x10900;
	[tilespmem:$0x1FD90] =	vst v1;
	s0 =	sadd.s32 s6, s0  }
0x102: {  	[tilespmem:s20], [sflag:$0x4] =	stream.linear.gather [hbm4b:s0+s12], $0x80, $0x38;
	[tilespmem:$0x10E00] =	vst v63  }
0x103: {  	_ =	swait.ge [sflag:s24], $0x1000  }
0x104: {  	[sflag:s24] =	ssyncset.done $0x0  }
0x105: {  	[sflag:s24] =	ssyncadd.s32 $0xFFFFF000  }
0x106: {  	_ =	swait.ge [sflag:s25], $0x1000  }
0x107: {  	[sflag:s25] =	ssyncset.done $0x0  }
0x108: {  	[sflag:s25] =	ssyncadd.s32 $0xFFFFF000  }
0x109: {  	_ =	swait.ge [sflag:s26], $0x80  }
0x10a: {  	[sflag:s26] =	ssyncset.done $0x0  }
0x10b: {  	[sflag:s26] =	ssyncadd.s32 $0xFFFFFF80  }
0x10c: {  	_ =	swait.ge [sflag:s28], $0x80  }
0x10d: {  	(v2sf) =	vpush v4, $0x3;
	_ =	sdelay $0x4  }
0x10e: {  	(v2sf) =	vpush v9, $0x3;
	_ =	sdelay $0x6  }
0x10f: {  	v25 =	vld [tilespmem:$0x1FF60];
	_ =	sdelay $0x2  }
0x110: {  	s21 =	spop (v2sf)  }
0x111: {  	v22 =	vld [tilespmem:$0x1FF50];
	s0 =	sand.u32 $0x7F, s21  }
0x112: {  	v1 =	vor.u32 s0, v25;
	_ =	sdelay $0x1  }
0x113: {  	(v2sf) =	vpush v4, $0xB  }
0x114: {  	[sflag:s28] =	ssyncset.done $0x0;
	(v2sf) =	vpush v9, $0xB;
	s22 =	spop (v2sf)  }
0x115: {  	[sflag:s28] =	ssyncadd.s32 $0xFFFFFF80;
	v0 =	vor.u32 s0, v22;
	s1 =	sand.u32 $0x7F, s22  }
0x116: {  	v10 =	vor.u32 s1, v22;
	v1 =	vld.idx.msk [tilespmem:v1+s13+$0x0], $0xffff;
	_ =	sdelay $0x3  }
0x117: {  	v0 =	vld.idx.msk [tilespmem:v0+s13+$0x0], $0xffff  }
0x118: {  	v47 =	vor.u32 s1, v25;
	[tilespmem:$0x1FD10] =	vst v1;
	v1 =	vld.idx.msk [tilespmem:v10+s14+$0x0], $0xffff;
	_ =	sdelay $0x2  }
0x119: {  	v48 =	vmov s1  }
0x11a: {  	v11 =	vmov s0;
	[tilespmem:$0x1FCF0] =	vst v0;
	v0 =	vor.u32 $0x180, v48  }
0x11b: {  	v11 =	vor.u32 $0x180, v11;
	[tilespmem:$0x1FD00] =	vst v1;
	v1 =	vld.idx.msk [tilespmem:v47+s14+$0x0], $0xffff;
	_ =	sdelay $0x1  }
0x11c: {  	s20 =	spop (v2sf)  }
0x11d: {  	s2 =	sand.u32 $0x1FFFFF80, s20;
	s0 =	spop (v2sf)  }
0x11e: {  	s1 =	sadd.s32 s9, s2;
	s2 =	simm.s32 $0x3400;
	s3 =	sand.u32 $0x1FFFFF80, s0;
	v0 =	vld.idx.msk [tilespmem:v0+s16+$0x0], $0xffff  }
0x11f: {  	[tilespmem:$0x1FD20] =	vst v1;
	v1 =	vld.idx.msk [tilespmem:v11+s8+$0x0], $0xffff;
	[tilespmem:s2], [sflag:$0x1] =	stream.strided.gather [hbm4b:s1+s13], $0x1000, s31, s13, $0x38  }
0x120: {  	s5 =	simm.s32 $0xB400;
	s7 =	sshrl.u32 s20, $0x3;
	s1 =	sadd.s32 s15, s3  }
0x121: {  	[tilespmem:s5], [sflag:$0x2] =	stream.strided.gather [hbm4b:s1+s13], $0x1000, s31, s13, $0x38;
	[tilespmem:$0x10E00] =	vst v63  }
0x122: {  	s1 =	sand.u32 $0x1FFFFFF0, s7  }
0x123: {  	s17 =	simm.s32 $0x10580;
	s21 =	sshrl.u32 s0, $0x3;
	s1 =	sadd.s32 s4, s1  }
0x124: {  	[tilespmem:s17], [sflag:$0x3] =	stream.linear.gather [hbm4b:s1+s12], $0x80, $0x38;
	[tilespmem:$0x10E00] =	vst v63  }
0x125: {  	[tilespmem:$0x1FDF0] =	vst v0;
	s1 =	sand.u32 $0x1FFFFFF0, s21  }
0x126: {  	s22 =	simm.s32 $0x10980;
	[tilespmem:$0x1FDE0] =	vst v1;
	s1 =	sadd.s32 s6, s1  }
0x127: {  	[tilespmem:s22], [sflag:$0x4] =	stream.linear.gather [hbm4b:s1+s12], $0x80, $0x38;
	[tilespmem:$0x10E00] =	vst v63  }
0x128: {  	_ =	swait.ge [sflag:s24], $0x1000  }
0x129: {  	[sflag:s24] =	ssyncset.done $0x0  }
0x12a: {  	[sflag:s24] =	ssyncadd.s32 $0xFFFFF000  }
0x12b: {  	_ =	swait.ge [sflag:s25], $0x1000  }
0x12c: {  	[sflag:s25] =	ssyncset.done $0x0  }
0x12d: {  	[sflag:s25] =	ssyncadd.s32 $0xFFFFF000  }
0x12e: {  	_ =	swait.ge [sflag:s26], $0x80  }
0x12f: {  	[sflag:s26] =	ssyncset.done $0x0  }
0x130: {  	[sflag:s26] =	ssyncadd.s32 $0xFFFFFF80  }
0x131: {  	_ =	swait.ge [sflag:s28], $0x80  }
0x132: {  	(v2sf) =	vpush v4, $0x4;
	_ =	sdelay $0x4  }
0x133: {  	(v2sf) =	vpush v9, $0x4;
	_ =	sdelay $0x6  }
0x134: {  	v30 =	vld [tilespmem:$0x1FF80];
	_ =	sdelay $0x2  }
0x135: {  	s3 =	spop (v2sf)  }
0x136: {  	v26 =	vld [tilespmem:$0x1FF70];
	s1 =	sand.u32 $0x7F, s3  }
0x137: {  	v1 =	vor.u32 s1, v30;
	_ =	sdelay $0x1  }
0x138: {  	(v2sf) =	vpush v4, $0xC  }
0x139: {  	[sflag:s28] =	ssyncset.done $0x0;
	(v2sf) =	vpush v9, $0xC;
	s3 =	spop (v2sf)  }
0x13a: {  	[sflag:s28] =	ssyncadd.s32 $0xFFFFFF80;
	v0 =	vor.u32 s1, v26;
	s3 =	sand.u32 $0x7F, s3  }
0x13b: {  	v10 =	vor.u32 s3, v26;
	v1 =	vld.idx.msk [tilespmem:v1+s13+$0x0], $0xffff;
	_ =	sdelay $0x3  }
0x13c: {  	v0 =	vld.idx.msk [tilespmem:v0+s13+$0x0], $0xffff  }
0x13d: {  	v49 =	vor.u32 s3, v30;
	[tilespmem:$0x1FD70] =	vst v1;
	v1 =	vld.idx.msk [tilespmem:v10+s14+$0x0], $0xffff;
	_ =	sdelay $0x2  }
0x13e: {  	v50 =	vmov s3  }
0x13f: {  	v11 =	vmov s1;
	[tilespmem:$0x1FD50] =	vst v0;
	v0 =	vor.u32 $0x200, v50  }
0x140: {  	v11 =	vor.u32 $0x200, v11;
	[tilespmem:$0x1FD60] =	vst v1;
	v1 =	vld.idx.msk [tilespmem:v49+s14+$0x0], $0xffff;
	_ =	sdelay $0x1  }
0x141: {  	s21 =	spop (v2sf)  }
0x142: {  	s5 =	sand.u32 $0x1FFFFF80, s21;
	s1 =	spop (v2sf)  }
0x143: {  	s7 =	simm.s32 $0x4400;
	s3 =	sadd.s32 s9, s5;
	s17 =	sand.u32 $0x1FFFFF80, s1;
	v0 =	vld.idx.msk [tilespmem:v0+s16+$0x0], $0xffff  }
0x144: {  	[tilespmem:$0x1FD80] =	vst v1;
	v1 =	vld.idx.msk [tilespmem:v11+s8+$0x0], $0xffff;
	[tilespmem:s7], [sflag:$0x1] =	stream.strided.gather [hbm4b:s3+s13], $0x1000, s31, s13, $0x38  }
0x145: {  	s22 =	simm.s32 $0xC400;
	s5 =	sshrl.u32 s21, $0x3;
	s3 =	sadd.s32 s15, s17  }
0x146: {  	[tilespmem:s22], [sflag:$0x2] =	stream.strided.gather [hbm4b:s3+s13], $0x1000, s31, s13, $0x38;
	[tilespmem:$0x10E00] =	vst v63  }
0x147: {  	s3 =	sand.u32 $0x1FFFFFF0, s5  }
0x148: {  	s7 =	simm.s32 $0x10600;
	s17 =	sshrl.u32 s1, $0x3;
	s3 =	sadd.s32 s4, s3  }
0x149: {  	[tilespmem:s7], [sflag:$0x3] =	stream.linear.gather [hbm4b:s3+s12], $0x80, $0x38;
	[tilespmem:$0x10E00] =	vst v63  }
0x14a: {  	[tilespmem:$0x1FE30] =	vst v0;
	s3 =	sand.u32 $0x1FFFFFF0, s17  }
0x14b: {  	s22 =	simm.s32 $0x10A00;
	[tilespmem:$0x1FE10] =	vst v1;
	s3 =	sadd.s32 s6, s3  }
0x14c: {  	[tilespmem:s22], [sflag:$0x4] =	stream.linear.gather [hbm4b:s3+s12], $0x80, $0x38;
	[tilespmem:$0x10E00] =	vst v63  }
0x14d: {  	_ =	swait.ge [sflag:s24], $0x1000  }
0x14e: {  	[sflag:s24] =	ssyncset.done $0x0  }
0x14f: {  	[sflag:s24] =	ssyncadd.s32 $0xFFFFF000  }
0x150: {  	_ =	swait.ge [sflag:s25], $0x1000  }
0x151: {  	[sflag:s25] =	ssyncset.done $0x0  }
0x152: {  	[sflag:s25] =	ssyncadd.s32 $0xFFFFF000  }
0x153: {  	_ =	swait.ge [sflag:s26], $0x80  }
0x154: {  	[sflag:s26] =	ssyncset.done $0x0  }
0x155: {  	[sflag:s26] =	ssyncadd.s32 $0xFFFFFF80  }
0x156: {  	_ =	swait.ge [sflag:s28], $0x80  }
0x157: {  	(v2sf) =	vpush v4, $0x5;
	_ =	sdelay $0x6  }
0x158: {  	(v2sf) =	vpush v9, $0x5;
	_ =	sdelay $0x4  }
0x159: {  	v31 =	vld [tilespmem:$0x1FF90];
	_ =	sdelay $0x1  }
0x15a: {  	(v2sf) =	vpush v4, $0xD  }
0x15b: {  	(v2sf) =	vpush v9, $0xD;
	s5 =	spop (v2sf)  }
0x15c: {  	v32 =	vld [tilespmem:$0x1FFA0];
	s3 =	sand.u32 $0x7F, s5  }
0x15d: {  	v0 =	vor.u32 s3, v31;
	_ =	sdelay $0x2  }
0x15e: {  	[sflag:s28] =	ssyncset.done $0x0  }
0x15f: {  	[sflag:s28] =	ssyncadd.s32 $0xFFFFFF80;
	v1 =	vor.u32 s3, v32  }
0x160: {  	s5 =	spop (v2sf);
	v0 =	vld.idx.msk [tilespmem:v0+s13+$0x0], $0xffff  }
0x161: {  	s5 =	sand.u32 $0x7F, s5  }
0x162: {  	v10 =	vor.u32 s5, v31  }
0x163: {  	v11 =	vmov s3;
	v51 =	vor.u32 s5, v32  }
0x164: {  	v52 =	vmov s5;
	v11 =	vor.u32 $0x280, v11;
	v1 =	vld.idx.msk [tilespmem:v1+s13+$0x0], $0xffff  }
0x165: {  	[tilespmem:$0x1FDA0] =	vst v0;
	v0 =	vor.u32 $0x280, v52;
	_ =	sdelay $0x1  }
0x166: {  	s22 =	spop (v2sf);
	v55 =	vld.idx.msk [tilespmem:v10+s14+$0x0], $0xffff  }
0x167: {  	s7 =	sand.u32 $0x1FFFFF80, s22;
	s3 =	spop (v2sf);
	v43 =	vld.idx.msk [tilespmem:v51+s14+$0x0], $0xffff  }
0x168: {  	s17 =	simm.s32 $0x5400;
	s5 =	sadd.s32 s9, s7;
	s7 =	sand.u32 $0x1FFFFF80, s3;
	[tilespmem:$0x1FDB0] =	vst v1;
	v1 =	vld.idx.msk [tilespmem:v11+s8+$0x0], $0xffff  }
0x169: {  	v0 =	vld.idx.msk [tilespmem:v0+s16+$0x0], $0xffff;
	[tilespmem:s17], [sflag:$0x1] =	stream.strided.gather [hbm4b:s5+s13], $0x1000, s31, s13, $0x38  }
0x16a: {  	s5 =	sadd.s32 s15, s7;
	s17 =	simm.s32 $0xD400;
	s7 =	sshrl.u32 s22, $0x3  }
0x16b: {  	[tilespmem:s17], [sflag:$0x2] =	stream.strided.gather [hbm4b:s5+s13], $0x1000, s31, s13, $0x38;
	[tilespmem:$0x10E00] =	vst v63  }
0x16c: {  	s5 =	sand.u32 $0x1FFFFFF0, s7  }
0x16d: {  	s2 =	sshrl.u32 s3, $0x3;
	s17 =	simm.s32 $0x10680;
	s5 =	sadd.s32 s4, s5  }
0x16e: {  	[tilespmem:s17], [sflag:$0x3] =	stream.linear.gather [hbm4b:s5+s12], $0x80, $0x38;
	[tilespmem:$0x10E00] =	vst v63  }
0x16f: {  	[tilespmem:$0x1FE20] =	vst v1;
	s5 =	sand.u32 $0x1FFFFFF0, s2  }
0x170: {  	s7 =	simm.s32 $0x10A80;
	[tilespmem:$0x1FE40] =	vst v0;
	s5 =	sadd.s32 s6, s5  }
0x171: {  	[tilespmem:s7], [sflag:$0x4] =	stream.linear.gather [hbm4b:s5+s12], $0x80, $0x38;
	[tilespmem:$0x10E00] =	vst v63  }
0x172: {  	_ =	swait.ge [sflag:s24], $0x1000  }
0x173: {  	[sflag:s24] =	ssyncset.done $0x0  }
0x174: {  	[sflag:s24] =	ssyncadd.s32 $0xFFFFF000  }
0x175: {  	_ =	swait.ge [sflag:s25], $0x1000  }
0x176: {  	[sflag:s25] =	ssyncset.done $0x0  }
0x177: {  	[sflag:s25] =	ssyncadd.s32 $0xFFFFF000  }
0x178: {  	_ =	swait.ge [sflag:s26], $0x80  }
0x179: {  	[sflag:s26] =	ssyncset.done $0x0  }
0x17a: {  	[sflag:s26] =	ssyncadd.s32 $0xFFFFFF80  }
0x17b: {  	_ =	swait.ge [sflag:s28], $0x80  }
0x17c: {  	(v2sf) =	vpush v4, $0x6;
	_ =	sdelay $0x6  }
0x17d: {  	(v2sf) =	vpush v9, $0x6;
	_ =	sdelay $0x4  }
0x17e: {  	v63 =	vld [tilespmem:$0x1FFB0];
	_ =	sdelay $0x1  }
0x17f: {  	(v2sf) =	vpush v4, $0xE  }
0x180: {  	s17 =	spop (v2sf)  }
0x181: {  	(v2sf) =	vpush v9, $0xE;
	s5 =	sand.u32 $0x7F, s17  }
0x182: {  	v0 =	vor.u32 s5, v63  }
0x183: {  	v33 =	vld [tilespmem:$0x1FFC0];
	_ =	sdelay $0x1  }
0x184: {  	[sflag:s28] =	ssyncset.done $0x0  }
0x185: {  	[sflag:s28] =	ssyncadd.s32 $0xFFFFFF80  }
0x186: {  	s7 =	spop (v2sf);
	v0 =	vld.idx.msk [tilespmem:v0+s13+$0x0], $0xffff  }
0x187: {  	s7 =	sand.u32 $0x7F, s7;
	v1 =	vor.u32 s5, v33  }
0x188: {  	v10 =	vor.u32 s7, v63  }
0x189: {  	v11 =	vmov s5;
	v53 =	vor.u32 s7, v33  }
0x18a: {  	v18 =	vmov s7;
	v11 =	vor.u32 $0x300, v11  }
0x18b: {  	[tilespmem:$0x1FDC0] =	vst v0;
	v0 =	vor.u32 $0x300, v18  }
0x18c: {  	v28 =	vld.idx.msk [tilespmem:v1+s13+$0x0], $0xffff  }
0x18d: {  	s17 =	spop (v2sf);
	v29 =	vld.idx.msk [tilespmem:v10+s14+$0x0], $0xffff  }
0x18e: {  	s2 =	sand.u32 $0x1FFFFF80, s17;
	v27 =	vld.idx.msk [tilespmem:v53+s14+$0x0], $0xffff  }
0x18f: {  	s7 =	spop (v2sf);
	s5 =	sadd.s32 s9, s2;
	s2 =	simm.s32 $0x6400;
	v1 =	vld.idx.msk [tilespmem:v11+s8+$0x0], $0xffff  }
0x190: {  	v0 =	vld.idx.msk [tilespmem:v0+s16+$0x0], $0xffff;
	[tilespmem:s2], [sflag:$0x1] =	stream.strided.gather [hbm4b:s5+s13], $0x1000, s31, s13, $0x38  }
0x191: {  	s2 =	sand.u32 $0x1FFFFF80, s7  }
0x192: {  	s5 =	sadd.s32 s15, s2;
	s2 =	simm.s32 $0xE400  }
0x193: {  	[tilespmem:s2], [sflag:$0x2] =	stream.strided.gather [hbm4b:s5+s13], $0x1000, s31, s13, $0x38;
	[tilespmem:$0x10E00] =	vst v63  }
0x194: {  	[dreg:$0x11] =	wrdreg s17;
	s2 =	sshrl.u32 s17, $0x3  }
0x195: {  	[dreg:$0x10] =	wrdreg s7;
	s5 =	sand.u32 $0x1FFFFFF0, s2  }
0x196: {  	s7 =	sshrl.u32 s7, $0x3;
	s17 =	simm.s32 $0x10700;
	s5 =	sadd.s32 s4, s5  }
0x197: {  	[tilespmem:s17], [sflag:$0x3] =	stream.linear.gather [hbm4b:s5+s12], $0x80, $0x38;
	[tilespmem:$0x10E00] =	vst v63  }
0x198: {  	[tilespmem:$0x1FE50] =	vst v1;
	s5 =	sand.u32 $0x1FFFFFF0, s7  }
0x199: {  	[tilespmem:$0x1FE80] =	vst v0;
	s17 =	simm.s32 $0x10B00;
	s5 =	sadd.s32 s6, s5  }
0x19a: {  	[tilespmem:s17], [sflag:$0x4] =	stream.linear.gather [hbm4b:s5+s12], $0x80, $0x38;
	[tilespmem:$0x10E00] =	vst v63  }
0x19b: {  	_ =	swait.ge [sflag:s24], $0x1000  }
0x19c: {  	[sflag:s24] =	ssyncset.done $0x0  }
0x19d: {  	[sflag:s24] =	ssyncadd.s32 $0xFFFFF000  }
0x19e: {  	_ =	swait.ge [sflag:s25], $0x1000  }
0x19f: {  	[sflag:s25] =	ssyncset.done $0x0  }
0x1a0: {  	[sflag:s25] =	ssyncadd.s32 $0xFFFFF000  }
0x1a1: {  	_ =	swait.ge [sflag:s26], $0x80  }
0x1a2: {  	[sflag:s26] =	ssyncset.done $0x0  }
0x1a3: {  	[sflag:s26] =	ssyncadd.s32 $0xFFFFFF80  }
0x1a4: {  	_ =	swait.ge [sflag:s28], $0x80  }
0x1a5: {  	(v2sf) =	vpush v4, $0x7;
	_ =	sdelay $0x1  }
0x1a6: {  	(v2sf) =	vpush v9, $0x7;
	_ =	sdelay $0x6  }
0x1a7: {  	(v2sf) =	vpush v4, $0xF  }
0x1a8: {  	(v2sf) =	vpush v9, $0xF;
	_ =	sdelay $0x1  }
0x1a9: {  	v34 =	vld [tilespmem:$0x1FFD0]  }
0x1aa: {  	v38 =	vld [tilespmem:$0x1FFF0];
	_ =	sdelay $0x1  }
0x1ab: {  	s7 =	spop (v2sf)  }
0x1ac: {  	s5 =	sand.u32 $0x7F, s7  }
0x1ad: {  	s17 =	spop (v2sf);
	v0 =	vor.u32 s5, v34  }
0x1ae: {  	s7 =	sand.u32 $0x7F, s17;
	v1 =	vor.u32 s5, v38  }
0x1af: {  	v4 =	vor.u32 s7, v34  }
0x1b0: {  	[sflag:s28] =	ssyncset.done $0x0;
	v9 =	vmov s5;
	v10 =	vor.u32 s7, v38  }
0x1b1: {  	[sflag:s28] =	ssyncadd.s32 $0xFFFFFF80;
	v11 =	vmov s7;
	v19 =	vor.u32 $0x380, v9  }
0x1b2: {  	v35 =	vld.idx.msk [tilespmem:v0+s13+$0x0], $0xffff;
	v0 =	vor.u32 $0x380, v11  }
0x1b3: {  	v36 =	vld.idx.msk [tilespmem:v1+s13+$0x0], $0xffff  }
0x1b4: {  	s7 =	spop (v2sf);
	v4 =	vld.idx.msk [tilespmem:v4+s14+$0x0], $0xffff  }
0x1b5: {  	s2 =	sand.u32 $0x1FFFFF80, s7;
	s5 =	spop (v2sf);
	v9 =	vld.idx.msk [tilespmem:v10+s14+$0x0], $0xffff  }
0x1b6: {  	s30 =	simm.s32 $0x7400;
	s17 =	sadd.s32 s9, s2;
	s2 =	sand.u32 $0x1FFFFF80, s5;
	v1 =	vld.idx.msk [tilespmem:v19+s8+$0x0], $0xffff  }
0x1b7: {  	v0 =	vld.idx.msk [tilespmem:v0+s16+$0x0], $0xffff;
	[tilespmem:s30], [sflag:$0x1] =	stream.strided.gather [hbm4b:s17+s13], $0x1000, s31, s13, $0x38  }
0x1b8: {  	s17 =	sadd.s32 s15, s2;
	s2 =	simm.s32 $0xF400  }
0x1b9: {  	[tilespmem:s2], [sflag:$0x2] =	stream.strided.gather [hbm4b:s17+s13], $0x1000, s31, s13, $0x38;
	[tilespmem:$0x10E00] =	vst v63  }
0x1ba: {  	s2 =	sshrl.u32 s7, $0x3  }
0x1bb: {  	s17 =	sand.u32 $0x1FFFFFF0, s2  }
0x1bc: {  	s31 =	simm.s32 $0x10780;
	s2 =	sshrl.u32 s5, $0x3;
	s17 =	sadd.s32 s4, s17  }
0x1bd: {  	[tilespmem:s31], [sflag:$0x3] =	stream.linear.gather [hbm4b:s17+s12], $0x80, $0x38;
	[tilespmem:$0x10E00] =	vst v63  }
0x1be: {  	[tilespmem:$0x1FE70] =	vst v1;
	s17 =	sand.u32 $0x1FFFFFF0, s2  }
0x1bf: {  	[tilespmem:$0x1FE90] =	vst v0;
	s31 =	simm.s32 $0x10B80;
	s17 =	sadd.s32 s6, s17  }
0x1c0: {  	[tilespmem:s31], [sflag:$0x4] =	stream.linear.gather [hbm4b:s17+s12], $0x80, $0x38;
	[tilespmem:$0x10E00] =	vst v63  }
0x1c1: {  	_ =	swait.ge [sflag:s24], $0x1000  }
0x1c2: {  	[sflag:s24] =	ssyncset.done $0x0  }
0x1c3: {  	[sflag:s24] =	ssyncadd.s32 $0xFFFFF000  }
0x1c4: {  	_ =	swait.ge [sflag:s25], $0x1000  }
0x1c5: {  	[sflag:s25] =	ssyncset.done $0x0  }
0x1c6: {  	[sflag:s25] =	ssyncadd.s32 $0xFFFFF000  }
0x1c7: {  	_ =	swait.ge [sflag:s26], $0x80  }
0x1c8: {  	[sflag:s26] =	ssyncset.done $0x0  }
0x1c9: {  	[sflag:s26] =	ssyncadd.s32 $0xFFFFFF80  }
0x1ca: {  	_ =	swait.ge [sflag:s28], $0x80  }
0x1cb: {  	(v2sf) =	vpush @!p0 v23, $0x0  }
0x1cc: {  	s10 =	sand.u32 $0x7F, s10  }
0x1cd: {  	v0 =	vor.u32 s10, v14;
	(v2sf) =	vpush @!p0 v24, $0x0  }
0x1ce: {  	v1 =	vor.u32 s10, v15;
	_ =	sdelay $0x1  }
0x1cf: {  	[sflag:s28] =	ssyncset.done $0x0  }
0x1d0: {  	[sflag:s28] =	ssyncadd.s32 $0xFFFFFF80  }
0x1d1: {  	v10 =	vld.idx.msk [tilespmem:v0+s13+$0x0], $0xffff  }
0x1d2: {  	v41 =	vmov s10;
	v0 =	vld.idx.msk [tilespmem:v1+s13+$0x0], $0xffff;
	_ =	sdelay $0x1  }
0x1d3: {  	s11 =	sand.u32 $0x7F, s11  }
0x1d4: {  	v11 =	vor.u32 s11, v14  }
0x1d5: {  	v40 =	vor.u32 s11, v15  }
0x1d6: {  	v42 =	vmov s11;
	[tilespmem:$0x1FE00] =	vst v0;
	v0 =	vld.idx.msk [tilespmem:v41+s8+$0x0], $0xffff;
	_ =	sdelay $0x1  }
0x1d7: {  	s10 =	spop @!p0 (v2sf)  }
0x1d8: {  	s17 =	simm.s32 @!p0 $0x400;
	v13 =	vld.idx.msk [tilespmem:v11+s14+$0x0], $0xffff;
	s11 =	sand.u32 @!p0 $0x1FFFFF80, s10  }
0x1d9: {  	v11 =	vld.idx.msk [tilespmem:v40+s14+$0x0], $0xffff;
	s31 =	spop @!p0 (v2sf);
	s2 =	sadd.s32 @!p0 s9, s11;
	s11 =	simm.s32 @!p0 $0x7A1400  }
0x1da: {  	[tilespmem:$0x1FEA0] =	vst v0;
	v0 =	vld.idx.msk [tilespmem:v42+s16+$0x0], $0xffff;
	[tilespmem:s17], [sflag:$0x1] =	stream.strided.gather @!p0 [hbm4b:s2+s17], $0x1000, s11, s17, $0x38  }
0x1db: {  	s12 =	smov.u32 s4;
	s2 =	sand.u32 @!p0 $0x1FFFFF80, s31  }
0x1dc: {  	s4 =	smov.u32 s15;
	s2 =	sadd.s32 @!p0 s15, s2;
	s15 =	simm.s32 @!p0 $0x8400  }
0x1dd: {  	[tilespmem:s15], [sflag:$0x2] =	stream.strided.gather @!p0 [hbm4b:s2+s17], $0x1000, s11, s17, $0x38;
	[tilespmem:$0x10E00] =	vst v63  }
0x1de: {  	s2 =	sshrl.u32 @!p0 s10, $0x3  }
0x1df: {  	s2 =	sand.u32 @!p0 $0x1FFFFFF0, s2  }
0x1e0: {  	s10 =	simm.s32 @!p0 $0x0;
	s15 =	simm.s32 @!p0 $0x10400;
	s2 =	sadd.s32 @!p0 s12, s2  }
0x1e1: {  	[tilespmem:s15], [sflag:$0x3] =	stream.linear.gather @!p0 [hbm4b:s2+s10], $0x80, $0x38;
	[tilespmem:$0x10E00] =	vst v63  }
0x1e2: {  	s2 =	sshrl.u32 @!p0 s31, $0x3  }
0x1e3: {  	s2 =	sand.u32 @!p0 $0x1FFFFFF0, s2  }
0x1e4: {  	[tilespmem:$0x1FEC0] =	vst v0;
	s15 =	simm.s32 @!p0 $0x10800;
	s2 =	sadd.s32 @!p0 s6, s2  }
0x1e5: {  	[tilespmem:s15], [sflag:$0x4] =	stream.linear.gather @!p0 [hbm4b:s2+s10], $0x80, $0x38;
	[tilespmem:$0x10E00] =	vst v63  }
0x1e6: {  	_ =	swait.ge [sflag:s24], $0x1000  }
0x1e7: {  	[sflag:s24] =	ssyncset.done $0x0  }
0x1e8: {  	[sflag:s24] =	ssyncadd.s32 $0xFFFFF000  }
0x1e9: {  	_ =	swait.ge [sflag:s25], $0x1000  }
0x1ea: {  	[sflag:s25] =	ssyncset.done $0x0  }
0x1eb: {  	[sflag:s25] =	ssyncadd.s32 $0xFFFFF000  }
0x1ec: {  	_ =	swait.ge [sflag:s26], $0x80  }
0x1ed: {  	[sflag:s26] =	ssyncset.done $0x0  }
0x1ee: {  	[sflag:s26] =	ssyncadd.s32 $0xFFFFFF80  }
0x1ef: {  	_ =	swait.ge [sflag:s28], $0x80  }
0x1f0: {  	(v2sf) =	vpush @!p0 v23, $0x1;
	_ =	sdelay $0x1  }
0x1f1: {  	(v2sf) =	vpush @!p0 v24, $0x1;
	_ =	sdelay $0x4  }
0x1f2: {  	s15 =	sand.u32 $0x7F, s18  }
0x1f3: {  	v0 =	vor.u32 s15, v16  }
0x1f4: {  	s18 =	sand.u32 $0x7F, s23;
	v1 =	vor.u32 s15, v17  }
0x1f5: {  	v44 =	vor.u32 s18, v16  }
0x1f6: {  	v45 =	vmov s15;
	v46 =	vor.u32 s18, v17;
	[sflag:s28] =	ssyncset.done $0x0  }
0x1f7: {  	v47 =	vmov s18;
	v14 =	vor.u32 $0x80, v45;
	[sflag:s28] =	ssyncadd.s32 $0xFFFFFF80  }
0x1f8: {  	v16 =	vld.idx.msk [tilespmem:v0+s13+$0x0], $0xffff;
	v0 =	vor.u32 $0x80, v47  }
0x1f9: {  	v17 =	vld.idx.msk [tilespmem:v1+s13+$0x0], $0xffff  }
0x1fa: {  	v18 =	vld.idx.msk [tilespmem:v44+s14+$0x0], $0xffff;
	s2 =	spop @!p0 (v2sf)  }
0x1fb: {  	v19 =	vld.idx.msk [tilespmem:v46+s14+$0x0], $0xffff;
	s15 =	sand.u32 @!p0 $0x1FFFFF80, s2  }
0x1fc: {  	s23 =	simm.s32 @!p0 $0x1400;
	v1 =	vld.idx.msk [tilespmem:v14+s8+$0x0], $0xffff;
	s18 =	spop @!p0 (v2sf);
	s15 =	sadd.s32 @!p0 s9, s15  }
0x1fd: {  	v0 =	vld.idx.msk [tilespmem:v0+s16+$0x0], $0xffff;
	[tilespmem:s23], [sflag:$0x1] =	stream.strided.gather @!p0 [hbm4b:s15+s17], $0x1000, s11, s17, $0x38  }
0x1fe: {  	s2 =	sshrl.u32 @!p0 s2, $0x3;
	s15 =	sand.u32 @!p0 $0x1FFFFF80, s18  }
0x1ff: {  	s2 =	sand.u32 @!p0 $0x1FFFFFF0, s2;
	s23 =	simm.s32 @!p0 $0x9400;
	s15 =	sadd.s32 @!p0 s4, s15  }
0x200: {  	[tilespmem:s23], [sflag:$0x2] =	stream.strided.gather @!p0 [hbm4b:s15+s17], $0x1000, s11, s17, $0x38;
	[tilespmem:$0x10E00] =	vst v63  }
0x201: {  	s2 =	sadd.s32 @!p0 s12, s2;
	s15 =	simm.s32 @!p0 $0x10480  }
0x202: {  	[tilespmem:s15], [sflag:$0x3] =	stream.linear.gather @!p0 [hbm4b:s2+s10], $0x80, $0x38;
	[tilespmem:$0x10E00] =	vst v63  }
0x203: {  	s2 =	sshrl.u32 @!p0 s18, $0x3  }
0x204: {  	[tilespmem:$0x1FEB0] =	vst v1;
	s2 =	sand.u32 @!p0 $0x1FFFFFF0, s2  }
0x205: {  	[tilespmem:$0x1FED0] =	vst v0;
	s15 =	simm.s32 @!p0 $0x10880;
	s2 =	sadd.s32 @!p0 s6, s2  }
0x206: {  	[tilespmem:s15], [sflag:$0x4] =	stream.linear.gather @!p0 [hbm4b:s2+s10], $0x80, $0x38;
	[tilespmem:$0x10E00] =	vst v63  }
0x207: {  	_ =	swait.ge [sflag:s24], $0x1000  }
0x208: {  	[sflag:s24] =	ssyncset.done $0x0  }
0x209: {  	[sflag:s24] =	ssyncadd.s32 $0xFFFFF000  }
0x20a: {  	_ =	swait.ge [sflag:s25], $0x1000  }
0x20b: {  	[sflag:s25] =	ssyncset.done $0x0  }
0x20c: {  	[sflag:s25] =	ssyncadd.s32 $0xFFFFF000  }
0x20d: {  	_ =	swait.ge [sflag:s26], $0x80  }
0x20e: {  	[sflag:s26] =	ssyncset.done $0x0  }
0x20f: {  	[sflag:s26] =	ssyncadd.s32 $0xFFFFFF80  }
0x210: {  	_ =	swait.ge [sflag:s28], $0x80  }
0x211: {  	(v2sf) =	vpush @!p0 v23, $0x2;
	_ =	sdelay $0x1  }
0x212: {  	s23 =	sand.u32 $0x7F, s19;
	(v2sf) =	vpush @!p0 v24, $0x2  }
0x213: {  	v0 =	vor.u32 s23, v20;
	_ =	sdelay $0x2  }
0x214: {  	[sflag:s28] =	ssyncset.done $0x0  }
0x215: {  	[sflag:s28] =	ssyncadd.s32 $0xFFFFFF80  }
0x216: {  	v0 =	vld.idx.msk [tilespmem:v0+s13+$0x0], $0xffff  }
0x217: {  	s31 =	sand.u32 $0x7F, s29;
	v1 =	vor.u32 s23, v21  }
0x218: {  	v48 =	vor.u32 s31, v20  }
0x219: {  	v49 =	vmov s23;
	v20 =	vor.u32 s31, v21  }
0x21a: {  	v50 =	vmov s31;
	v21 =	vor.u32 $0x100, v49  }
0x21b: {  	[tilespmem:$0x1FE60] =	vst v0;
	v0 =	vor.u32 $0x100, v50  }
0x21c: {  	v14 =	vld.idx.msk [tilespmem:v1+s13+$0x0], $0xffff  }
0x21d: {  	v15 =	vld.idx.msk [tilespmem:v48+s14+$0x0], $0xffff;
	s2 =	spop @!p0 (v2sf)  }
0x21e: {  	v41 =	vld.idx.msk [tilespmem:v20+s14+$0x0], $0xffff;
	s15 =	sand.u32 @!p0 $0x1FFFFF80, s2  }
0x21f: {  	s19 =	simm.s32 @!p0 $0x2400;
	v1 =	vld.idx.msk [tilespmem:v21+s8+$0x0], $0xffff;
	s18 =	spop @!p0 (v2sf);
	s15 =	sadd.s32 @!p0 s9, s15  }
0x220: {  	v0 =	vld.idx.msk [tilespmem:v0+s16+$0x0], $0xffff;
	[tilespmem:s19], [sflag:$0x1] =	stream.strided.gather @!p0 [hbm4b:s15+s17], $0x1000, s11, s17, $0x38  }
0x221: {  	s2 =	sshrl.u32 @!p0 s2, $0x3;
	s15 =	sand.u32 @!p0 $0x1FFFFF80, s18  }
0x222: {  	s2 =	sand.u32 @!p0 $0x1FFFFFF0, s2;
	s19 =	simm.s32 @!p0 $0xA400;
	s15 =	sadd.s32 @!p0 s4, s15  }
0x223: {  	[tilespmem:s19], [sflag:$0x2] =	stream.strided.gather @!p0 [hbm4b:s15+s17], $0x1000, s11, s17, $0x38;
	[tilespmem:$0x10E00] =	vst v63  }
0x224: {  	s2 =	sadd.s32 @!p0 s12, s2;
	s15 =	simm.s32 @!p0 $0x10500  }
0x225: {  	[tilespmem:s15], [sflag:$0x3] =	stream.linear.gather @!p0 [hbm4b:s2+s10], $0x80, $0x38;
	[tilespmem:$0x10E00] =	vst v63  }
0x226: {  	s2 =	sshrl.u32 @!p0 s18, $0x3  }
0x227: {  	[tilespmem:$0x1FEE0] =	vst v1;
	s2 =	sand.u32 @!p0 $0x1FFFFFF0, s2  }
0x228: {  	[tilespmem:$0x1FEF0] =	vst v0;
	s15 =	simm.s32 @!p0 $0x10900;
	s2 =	sadd.s32 @!p0 s6, s2  }
0x229: {  	[tilespmem:s15], [sflag:$0x4] =	stream.linear.gather @!p0 [hbm4b:s2+s10], $0x80, $0x38;
	[tilespmem:$0x10E00] =	vst v63  }
0x22a: {  	_ =	swait.ge [sflag:s24], $0x1000  }
0x22b: {  	[sflag:s24] =	ssyncset.done $0x0  }
0x22c: {  	[sflag:s24] =	ssyncadd.s32 $0xFFFFF000  }
0x22d: {  	_ =	swait.ge [sflag:s25], $0x1000  }
0x22e: {  	[sflag:s25] =	ssyncset.done $0x0  }
0x22f: {  	[sflag:s25] =	ssyncadd.s32 $0xFFFFF000  }
0x230: {  	_ =	swait.ge [sflag:s26], $0x80  }
0x231: {  	[sflag:s26] =	ssyncset.done $0x0  }
0x232: {  	[sflag:s26] =	ssyncadd.s32 $0xFFFFFF80  }
0x233: {  	_ =	swait.ge [sflag:s28], $0x80  }
0x234: {  	(v2sf) =	vpush @!p0 v23, $0x3;
	_ =	sdelay $0x1  }
0x235: {  	(v2sf) =	vpush @!p0 v24, $0x3;
	_ =	sdelay $0x4  }
0x236: {  	s18 =	sand.u32 $0x7F, s20  }
0x237: {  	v0 =	vor.u32 s18, v22  }
0x238: {  	s0 =	sand.u32 $0x7F, s0;
	v1 =	vor.u32 s18, v25  }
0x239: {  	v51 =	vor.u32 s0, v22  }
0x23a: {  	v37 =	vor.u32 s0, v25;
	v20 =	vmov s18;
	[sflag:s28] =	ssyncset.done $0x0  }
0x23b: {  	v21 =	vmov s0;
	v40 =	vor.u32 $0x180, v20;
	[sflag:s28] =	ssyncadd.s32 $0xFFFFFF80  }
0x23c: {  	v42 =	vor.u32 $0x180, v21;
	v20 =	vld.idx.msk [tilespmem:v0+s13+$0x0], $0xffff  }
0x23d: {  	v21 =	vld.idx.msk [tilespmem:v1+s13+$0x0], $0xffff  }
0x23e: {  	v22 =	vld.idx.msk [tilespmem:v51+s14+$0x0], $0xffff;
	s0 =	spop @!p0 (v2sf)  }
0x23f: {  	v0 =	vld.idx.msk [tilespmem:v37+s14+$0x0], $0xffff;
	s2 =	sand.u32 @!p0 $0x1FFFFF80, s0  }
0x240: {  	s18 =	simm.s32 @!p0 $0x3400;
	v12 =	vld.idx.msk [tilespmem:v40+s8+$0x0], $0xffff;
	s15 =	spop @!p0 (v2sf);
	s2 =	sadd.s32 @!p0 s9, s2  }
0x241: {  	v37 =	vld.idx.msk [tilespmem:v42+s16+$0x0], $0xffff;
	[tilespmem:s18], [sflag:$0x1] =	stream.strided.gather @!p0 [hbm4b:s2+s17], $0x1000, s11, s17, $0x38  }
0x242: {  	s0 =	sshrl.u32 @!p0 s0, $0x3;
	s2 =	sand.u32 @!p0 $0x1FFFFF80, s15  }
0x243: {  	s0 =	sand.u32 @!p0 $0x1FFFFFF0, s0;
	s18 =	simm.s32 @!p0 $0xB400;
	s2 =	sadd.s32 @!p0 s4, s2  }
0x244: {  	[tilespmem:s18], [sflag:$0x2] =	stream.strided.gather @!p0 [hbm4b:s2+s17], $0x1000, s11, s17, $0x38;
	[tilespmem:$0x10E00] =	vst v63  }
0x245: {  	s0 =	sadd.s32 @!p0 s12, s0;
	s2 =	simm.s32 @!p0 $0x10580  }
0x246: {  	[tilespmem:s2], [sflag:$0x3] =	stream.linear.gather @!p0 [hbm4b:s0+s10], $0x80, $0x38;
	[tilespmem:$0x10E00] =	vst v63  }
0x247: {  	s0 =	sshrl.u32 @!p0 s15, $0x3  }
0x248: {  	s0 =	sand.u32 @!p0 $0x1FFFFFF0, s0  }
0x249: {  	s2 =	simm.s32 @!p0 $0x10980;
	s0 =	sadd.s32 @!p0 s6, s0  }
0x24a: {  	[tilespmem:s2], [sflag:$0x4] =	stream.linear.gather @!p0 [hbm4b:s0+s10], $0x80, $0x38;
	[tilespmem:$0x10E00] =	vst v63  }
0x24b: {  	_ =	swait.ge [sflag:s24], $0x1000  }
0x24c: {  	[sflag:s24] =	ssyncset.done $0x0  }
0x24d: {  	[sflag:s24] =	ssyncadd.s32 $0xFFFFF000  }
0x24e: {  	_ =	swait.ge [sflag:s25], $0x1000  }
0x24f: {  	[sflag:s25] =	ssyncset.done $0x0  }
0x250: {  	[sflag:s25] =	ssyncadd.s32 $0xFFFFF000  }
0x251: {  	_ =	swait.ge [sflag:s26], $0x80  }
0x252: {  	[sflag:s26] =	ssyncset.done $0x0  }
0x253: {  	[sflag:s26] =	ssyncadd.s32 $0xFFFFFF80  }
0x254: {  	_ =	swait.ge [sflag:s28], $0x80  }
0x255: {  	(v2sf) =	vpush @!p0 v23, $0x4;
	_ =	sdelay $0x1  }
0x256: {  	(v2sf) =	vpush @!p0 v24, $0x4;
	_ =	sdelay $0x4  }
0x257: {  	s19 =	sand.u32 $0x7F, s21  }
0x258: {  	v1 =	vor.u32 s19, v26  }
0x259: {  	s1 =	sand.u32 $0x7F, s1;
	v52 =	vor.u32 s19, v30  }
0x25a: {  	v53 =	vor.u32 s1, v26  }
0x25b: {  	v48 =	vor.u32 s1, v30;
	v44 =	vmov s19;
	[sflag:s28] =	ssyncset.done $0x0  }
0x25c: {  	v46 =	vmov s1;
	v44 =	vor.u32 $0x200, v44;
	[sflag:s28] =	ssyncadd.s32 $0xFFFFFF80  }
0x25d: {  	v45 =	vld.idx.msk [tilespmem:v1+s13+$0x0], $0xffff;
	v1 =	vor.u32 $0x200, v46  }
0x25e: {  	v46 =	vld.idx.msk [tilespmem:v52+s13+$0x0], $0xffff  }
0x25f: {  	v47 =	vld.idx.msk [tilespmem:v53+s14+$0x0], $0xffff;
	s0 =	spop @!p0 (v2sf)  }
0x260: {  	v48 =	vld.idx.msk [tilespmem:v48+s14+$0x0], $0xffff;
	s1 =	sand.u32 @!p0 $0x1FFFFF80, s0  }
0x261: {  	s15 =	simm.s32 @!p0 $0x4400;
	v42 =	vld.idx.msk [tilespmem:v44+s8+$0x0], $0xffff;
	s2 =	spop @!p0 (v2sf);
	s1 =	sadd.s32 @!p0 s9, s1  }
0x262: {  	v40 =	vld.idx.msk [tilespmem:v1+s16+$0x0], $0xffff;
	[tilespmem:s15], [sflag:$0x1] =	stream.strided.gather @!p0 [hbm4b:s1+s17], $0x1000, s11, s17, $0x38  }
0x263: {  	s0 =	sshrl.u32 @!p0 s0, $0x3;
	s1 =	sand.u32 @!p0 $0x1FFFFF80, s2  }
0x264: {  	s0 =	sand.u32 @!p0 $0x1FFFFFF0, s0;
	s15 =	simm.s32 @!p0 $0xC400;
	s1 =	sadd.s32 @!p0 s4, s1  }
0x265: {  	[tilespmem:s15], [sflag:$0x2] =	stream.strided.gather @!p0 [hbm4b:s1+s17], $0x1000, s11, s17, $0x38;
	[tilespmem:$0x10E00] =	vst v63  }
0x266: {  	s0 =	sadd.s32 @!p0 s12, s0;
	s1 =	simm.s32 @!p0 $0x10600  }
0x267: {  	[tilespmem:s1], [sflag:$0x3] =	stream.linear.gather @!p0 [hbm4b:s0+s10], $0x80, $0x38;
	[tilespmem:$0x10E00] =	vst v63  }
0x268: {  	s0 =	sshrl.u32 @!p0 s2, $0x3  }
0x269: {  	s0 =	sand.u32 @!p0 $0x1FFFFFF0, s0  }
0x26a: {  	s1 =	simm.s32 @!p0 $0x10A00;
	s0 =	sadd.s32 @!p0 s6, s0  }
0x26b: {  	[tilespmem:s1], [sflag:$0x4] =	stream.linear.gather @!p0 [hbm4b:s0+s10], $0x80, $0x38;
	[tilespmem:$0x10E00] =	vst v63  }
0x26c: {  	_ =	swait.ge [sflag:s24], $0x1000  }
0x26d: {  	[sflag:s24] =	ssyncset.done $0x0  }
0x26e: {  	[sflag:s24] =	ssyncadd.s32 $0xFFFFF000  }
0x26f: {  	_ =	swait.ge [sflag:s25], $0x1000  }
0x270: {  	[sflag:s25] =	ssyncset.done $0x0  }
0x271: {  	[sflag:s25] =	ssyncadd.s32 $0xFFFFF000  }
0x272: {  	_ =	swait.ge [sflag:s26], $0x80  }
0x273: {  	[sflag:s26] =	ssyncset.done $0x0  }
0x274: {  	[sflag:s26] =	ssyncadd.s32 $0xFFFFFF80  }
0x275: {  	_ =	swait.ge [sflag:s28], $0x80  }
0x276: {  	(v2sf) =	vpush @!p0 v23, $0x5;
	_ =	sdelay $0x1  }
0x277: {  	(v2sf) =	vpush @!p0 v24, $0x5;
	_ =	sdelay $0x3  }
0x278: {  	s20 =	sand.u32 $0x7F, s22  }
0x279: {  	v1 =	vor.u32 s20, v31  }
0x27a: {  	s21 =	sand.u32 $0x7F, s3;
	v30 =	vor.u32 s20, v32  }
0x27b: {  	v51 =	vor.u32 s21, v31  }
0x27c: {  	v49 =	vmov s20;
	v52 =	vor.u32 s21, v32;
	[sflag:s28] =	ssyncset.done $0x0  }
0x27d: {  	v53 =	vor.u32 $0x280, v49;
	v25 =	vld [tilespmem:$0x1FC90];
	[sflag:s28] =	ssyncadd.s32 $0xFFFFFF80  }
0x27e: {  	v50 =	vmov s21;
	v49 =	vld.idx.msk [tilespmem:v1+s13+$0x0], $0xffff  }
0x27f: {  	v1 =	vor.u32 $0x280, v50;
	v50 =	vld.idx.msk [tilespmem:v30+s13+$0x0], $0xffff  }
0x280: {  	v51 =	vld.idx.msk [tilespmem:v51+s14+$0x0], $0xffff  }
0x281: {  	v52 =	vld.idx.msk [tilespmem:v52+s14+$0x0], $0xffff;
	s0 =	spop @!p0 (v2sf)  }
0x282: {  	v44 =	vld.idx.msk [tilespmem:v53+s8+$0x0], $0xffff;
	s1 =	sand.u32 @!p0 $0x1FFFFF80, s0  }
0x283: {  	s3 =	simm.s32 @!p0 $0x5400;
	v32 =	vmul.f32 v25, v59;
	v25 =	vld [tilespmem:$0x1FCA0];
	s2 =	spop @!p0 (v2sf);
	s1 =	sadd.s32 @!p0 s9, s1  }
0x284: {  	v1 =	vld.idx.msk [tilespmem:v1+s16+$0x0], $0xffff;
	[tilespmem:s3], [sflag:$0x1] =	stream.strided.gather @!p0 [hbm4b:s1+s17], $0x1000, s11, s17, $0x38  }
0x285: {  	s15 =	smov.u32 s4;
	s0 =	sshrl.u32 @!p0 s0, $0x3;
	s1 =	sand.u32 @!p0 $0x1FFFFF80, s2  }
0x286: {  	s0 =	sand.u32 @!p0 $0x1FFFFFF0, s0;
	s3 =	simm.s32 @!p0 $0xD400;
	s1 =	sadd.s32 @!p0 s15, s1  }
0x287: {  	v26 =	vld [tilespmem:$0x1FCC0];
	[tilespmem:s3], [sflag:$0x2] =	stream.strided.gather @!p0 [hbm4b:s1+s17], $0x1000, s11, s17, $0x38  }
0x288: {  	v60 =	vmul.f32 v25, v60;
	v25 =	vld [tilespmem:$0x1FCB0];
	s0 =	sadd.s32 @!p0 s12, s0;
	s1 =	simm.s32 @!p0 $0x10680  }
0x289: {  	[tilespmem:s1], [sflag:$0x3] =	stream.linear.gather @!p0 [hbm4b:s0+s10], $0x80, $0x38;
	[tilespmem:$0x10E00] =	vst v63  }
0x28a: {  	s0 =	sshrl.u32 @!p0 s2, $0x3  }
0x28b: {  	v31 =	vmul.f32 v58, v56;
	v30 =	vmul.f32 v57, v54;
	s0 =	sand.u32 @!p0 $0x1FFFFFF0, s0  }
0x28c: {  	s1 =	simm.s32 @!p0 $0x10A80;
	s0 =	sadd.s32 @!p0 s6, s0  }
0x28d: {  	v53 =	vadd.f32 v31, v30;
	v30 =	vadd.f32 v60, v32;
	v32 =	vmul.f32 v26, v25;
	v25 =	vld [tilespmem:$0x1FCD0];
	[tilespmem:s1], [sflag:$0x4] =	stream.linear.gather @!p0 [hbm4b:s0+s10], $0x80, $0x38  }
0x28e: {  	v26 =	vld [tilespmem:$0x1FCE0];
	_ =	swait.ge [sflag:s24], $0x1000  }
0x28f: {  	[sflag:s24] =	ssyncset.done $0x0  }
0x290: {  	[sflag:s24] =	ssyncadd.s32 $0xFFFFF000  }
0x291: {  	v57 =	vperm.xlane v30, v5;
	_ =	swait.ge [sflag:s25], $0x1000  }
0x292: {  	[sflag:s25] =	ssyncset.done $0x0  }
0x293: {  	v31 =	vperm.xlane v53, v5;
	v54 =	vadd.f32 v30, v57;
	[sflag:s25] =	ssyncadd.s32 $0xFFFFF000  }
0x294: {  	_ =	swait.ge [sflag:s26], $0x80  }
0x295: {  	v53 =	vadd.f32 v53, v31;
	v31 =	vperm.xlane v54, v6;
	v60 =	vmul.f32 v26, v25;
	v25 =	vld [tilespmem:$0x1FCF0]  }
0x296: {  	v26 =	vld [tilespmem:$0x1FD00]  }
0x297: {  	v54 =	vadd.f32 v54, v31;
	_ =	sdelay $0x1  }
0x298: {  	v58 =	vperm.xlane v54, v7  }
0x299: {  	v56 =	vadd.f32 v60, v32  }
0x29a: {  	v54 =	vadd.f32 v54, v58;
	v58 =	vmul.f32 v26, v25;
	v25 =	vld [tilespmem:$0x1FD10]  }
0x29b: {  	v32 =	vperm.xlane v56, v5;
	v26 =	vld [tilespmem:$0x1FD20];
	_ =	sdelay $0x1  }
0x29c: {  	v30 =	vperm.xlane v53, v6;
	v56 =	vadd.f32 v56, v32;
	[sflag:s26] =	ssyncset.done $0x0  }
0x29d: {  	[sflag:s26] =	ssyncadd.s32 $0xFFFFFF80  }
0x29e: {  	v53 =	vadd.f32 v53, v30;
	v30 =	vperm.xlane v56, v6;
	_ =	swait.ge [sflag:s28], $0x80  }
0x29f: {  	v31 =	vmul.f32 v26, v25;
	v25 =	vld [tilespmem:$0x1FD30]  }
0x2a0: {  	v56 =	vadd.f32 v56, v30;
	v30 =	vperm.xlane v54, v8;
	_ =	sdelay $0x1  }
0x2a1: {  	v54 =	vadd.f32 v54, v30;
	_ =	sdelay $0x1  }
0x2a2: {  	v54 =	vadd.f32 v54, v25;
	v25 =	vld [tilespmem:$0x1FD40]  }
0x2a3: {  	v60 =	vperm.xlane v53, v7;
	_ =	sdelay $0x1  }
0x2a4: {  	v53 =	vadd.f32 v53, v60  }
0x2a5: {  	v26 =	vld [tilespmem:$0x1FD60]  }
0x2a6: {  	v32 =	vperm.xlane v53, v8;
	v54 =	vadd.f32 v54, v25;
	v25 =	vld [tilespmem:$0x1FD50];
	_ =	sdelay $0x1  }
0x2a7: {  	v53 =	vadd.f32 v53, v32;
	_ =	sdelay $0x1  }
0x2a8: {  	v53 =	vadd.f32 v53, v62;
	s22 =	rddreg [dreg:$0x11];
	v58 =	vadd.f32 v31, v58  }
0x2a9: {  	s23 =	rddreg [dreg:$0x10];
	v30 =	vmul.f32 v26, v25;
	v25 =	vld [tilespmem:$0x1FD70]  }
0x2aa: {  	v53 =	vadd.f32 v53, v61;
	s0 =	sand.u32 $0x7F, s22;
	s1 =	sand.u32 $0x7F, s23;
	v59 =	vperm.xlane v58, v5;
	v26 =	vld [tilespmem:$0x1FD80]  }
0x2ab: {  	(v2sf) =	vpush @!p0 v23, $0x6;
	v62 =	vor.u32 s0, v63;
	v61 =	vor.u32 s1, v63  }
0x2ac: {  	v63 =	vor.u32 s1, v33;
	v57 =	vadd.f32 v58, v59;
	v58 =	vor.u32 s0, v33;
	v33 =	vld [tilespmem:$0x1FDA0]  }
0x2ad: {  	v31 =	vperm.xlane v56, v7  }
0x2ae: {  	(v2sf) =	vpush @!p0 v24, $0x6  }
0x2af: {  	v56 =	vadd.f32 v56, v31;
	v59 =	vperm.xlane v57, v6;
	v31 =	vmul.f32 v26, v25;
	_ =	sdelay $0x1  }
0x2b0: {  	v57 =	vadd.f32 v57, v59;
	v59 =	vadd.f32 v31, v30;
	v31 =	vmul.f32 v55, v33;
	v55 =	vld [tilespmem:$0x1FDB0]  }
0x2b1: {  	v32 =	vperm.xlane v56, v8  }
0x2b2: {  	v26 =	vperm.xlane v59, v5  }
0x2b3: {  	[sflag:s28] =	ssyncset.done $0x0;
	v56 =	vadd.f32 v56, v32;
	v25 =	vld [tilespmem:$0x1FD90]  }
0x2b4: {  	[sflag:s28] =	ssyncadd.s32 $0xFFFFFF80;
	v32 =	vmov s0;
	v30 =	vmov s1;
	v26 =	vadd.f32 v59, v26;
	v59 =	vld [tilespmem:$0x1FDD0]  }
0x2b5: {  	v60 =	vor.u32 $0x300, v32;
	v30 =	vor.u32 $0x300, v30;
	v32 =	vmul.f32 v43, v55;
	v55 =	vld.idx.msk [tilespmem:v58+s13+$0x0], $0xffff  }
0x2b6: {  	v58 =	vld [tilespmem:$0x1FDC0];
	_ =	sdelay $0x1  }
0x2b7: {  	v27 =	vmul.f32 v27, v28;
	v28 =	vld.idx.msk [tilespmem:v61+s14+$0x0], $0xffff  }
0x2b8: {  	v56 =	vadd.f32 v56, v25;
	v43 =	vld.idx.msk [tilespmem:v62+s13+$0x0], $0xffff  }
0x2b9: {  	v35 =	vmul.f32 v4, v35;
	s0 =	spop @!p0 (v2sf);
	v53 =	vsel vm0, v53, v54;
	v25 =	vperm.xlane v57, v7;
	v4 =	vld.idx.msk [tilespmem:v30+s16+$0x0], $0xffff  }
0x2ba: {  	s1 =	sand.u32 @!p0 $0x1FFFFF80, s0;
	v31 =	vadd.f32 v32, v31;
	v54 =	vadd.f32 v56, v59;
	v56 =	vld [tilespmem:$0x1FE00];
	v32 =	vmul.f32 v29, v58  }
0x2bb: {  	v9 =	vmul.f32 v9, v36;
	s3 =	simm.s32 @!p0 $0x6400;
	s2 =	spop @!p0 (v2sf);
	s1 =	sadd.s32 @!p0 s9, s1;
	v29 =	vld.idx.msk [tilespmem:v63+s14+$0x0], $0xffff  }
0x2bc: {  	v25 =	vadd.f32 v57, v25;
	v32 =	vadd.f32 v27, v32;
	v27 =	vld.idx.msk [tilespmem:v60+s8+$0x0], $0xffff;
	[tilespmem:s3], [sflag:$0x1] =	stream.strided.gather @!p0 [hbm4b:s1+s17], $0x1000, s11, s17, $0x38  }
0x2bd: {  	v9 =	vadd.f32 v9, v35;
	v10 =	vmul.f32 v13, v10;
	s0 =	sshrl.u32 @!p0 s0, $0x3;
	v62 =	vperm.xlane v26, v6;
	s1 =	sand.u32 @!p0 $0x1FFFFF80, s2  }
0x2be: {  	s0 =	sand.u32 @!p0 $0x1FFFFFF0, s0;
	v61 =	vperm.xlane v25, v8;
	v63 =	vperm.xlane v31, v5;
	s3 =	simm.s32 @!p0 $0xE400;
	s1 =	sadd.s32 @!p0 s15, s1  }
0x2bf: {  	v26 =	vadd.f32 v26, v62;
	v36 =	vsel vm1, v53, v54;
	v54 =	vperm.xlane v9, v5;
	[tilespmem:s3], [sflag:$0x2] =	stream.strided.gather @!p0 [hbm4b:s1+s17], $0x1000, s11, s17, $0x38;
	[tilespmem:$0x10E00] =	vst v63  }
0x2c0: {  	s0 =	sadd.s32 @!p0 s12, s0;
	v25 =	vadd.f32 v25, v61;
	v59 =	vadd.f32 v31, v63;
	v60 =	vperm.xlane v32, v5;
	s1 =	simm.s32 @!p0 $0x10700  }
0x2c1: {  	v61 =	vld [tilespmem:$0x1FDE0];
	v62 =	vperm.xlane v26, v7;
	v9 =	vadd.f32 v9, v54;
	v11 =	vmul.f32 v11, v56;
	[tilespmem:s1], [sflag:$0x3] =	stream.linear.gather @!p0 [hbm4b:s0+s10], $0x80, $0x38  }
0x2c2: {  	v63 =	vperm.xlane v59, v6;
	v31 =	vadd.f32 v32, v60;
	s0 =	sshrl.u32 @!p0 s2, $0x3  }
0x2c3: {  	v60 =	vadd.f32 v26, v62;
	v26 =	vperm.xlane v9, v6;
	v10 =	vadd.f32 v11, v10;
	s0 =	sand.u32 @!p0 $0x1FFFFFF0, s0  }
0x2c4: {  	v58 =	vmul.f32 v18, v16;
	v53 =	vld [tilespmem:$0x1FDF0];
	v30 =	vadd.f32 v59, v63;
	s1 =	simm.s32 @!p0 $0x10B00;
	v57 =	vperm.xlane v31, v6;
	s0 =	sadd.s32 @!p0 s6, s0  }
0x2c5: {  	v59 =	vmul.f32 v19, v17;
	v9 =	vadd.f32 v9, v26;
	v26 =	vperm.xlane v10, v5;
	[tilespmem:s1], [sflag:$0x4] =	stream.linear.gather @!p0 [hbm4b:s0+s10], $0x80, $0x38;
	[tilespmem:$0x10E00] =	vst v63  }
0x2c6: {  	v14 =	vmul.f32 v41, v14;
	v25 =	vadd.f32 v25, v61;
	s17 =	rddreg [dreg:$0xf];
	v62 =	vadd.f32 v31, v57;
	_ =	swait.ge [sflag:s24], $0x1000  }
0x2c7: {  	v0 =	vmul.f32 v0, v21;
	v11 =	vadd.f32 v59, v58;
	v10 =	vadd.f32 v10, v26;
	v26 =	vld [tilespmem:$0x1FE10]  }
0x2c8: {  	v63 =	vperm.xlane v60, v8;
	v54 =	vperm.xlane v62, v7  }
0x2c9: {  	v25 =	vadd.f32 v25, v53;
	v61 =	vperm.xlane v30, v7;
	v56 =	vperm.xlane v11, v39;
	[sflag:s24] =	ssyncset.done $0x0  }
0x2ca: {  	v47 =	vmul.f32 v47, v45;
	v13 =	vadd.f32 v60, v63;
	[sflag:s24] =	ssyncadd.s32 $0xFFFFF000;
	v18 =	vadd.f32 v62, v54  }
0x2cb: {  	v21 =	vmul.f32 v48, v46;
	v53 =	vadd.f32 v30, v61;
	v61 =	vld [tilespmem:$0x1FE20];
	v11 =	vadd.f32 v11, v56;
	_ =	swait.ge [sflag:s25], $0x1000  }
0x2cc: {  	s29 =	sand.u32 $0x7F, s7;
	v48 =	vmul.f32 v51, v49;
	[sflag:s25] =	ssyncset.done $0x0;
	v30 =	vld [tilespmem:$0x1FE30];
	v13 =	vadd.f32 v13, v26;
	v26 =	vperm.xlane v18, v8  }
0x2cd: {  	v35 =	vor.u32 s29, v38;
	v59 =	vperm.xlane v10, v6;
	v60 =	vperm.xlane v11, v2;
	v33 =	vld [tilespmem:$0x1FE40];
	[sflag:s25] =	ssyncadd.s32 $0xFFFFF000  }
0x2ce: {  	v32 =	vor.u32 s29, v34;
	v57 =	vperm.xlane v53, v8;
	v62 =	vadd.f32 v18, v26;
	v26 =	vld [tilespmem:$0x1FE50];
	_ =	swait.ge [sflag:s26], $0x80  }
0x2cf: {  	v58 =	vperm.xlane v9, v7;
	v10 =	vadd.f32 v10, v59;
	v11 =	vadd.f32 v11, v60;
	v54 =	vld [tilespmem:$0x1FE60]  }
0x2d0: {  	v25 =	vsel vm2, v36, v25;
	v31 =	vmov s29;
	v16 =	vadd.f32 v53, v57  }
0x2d1: {  	s31 =	sand.u32 $0x7F, s5;
	v9 =	vadd.f32 v9, v58;
	v36 =	vperm.xlane v10, v7;
	v53 =	vperm.xlane v11, v3;
	[sflag:s26] =	ssyncset.done $0x0  }
0x2d2: {  	v58 =	vor.u32 s31, v34;
	v16 =	vadd.f32 v16, v61;
	v13 =	vadd.f32 v13, v30;
	[sflag:s26] =	ssyncadd.s32 $0xFFFFFF80  }
0x2d3: {  	v63 =	vperm.xlane v9, v8;
	v10 =	vadd.f32 v10, v36;
	v56 =	vld [tilespmem:$0x1FE70];
	v11 =	vadd.f32 v11, v53;
	_ =	swait.ge [sflag:s28], $0x80  }
0x2d4: {  	v13 =	vsel vm3, v25, v13;
	v25 =	vor.u32 s31, v38;
	v59 =	vld [tilespmem:$0x1FE80];
	[sflag:s28] =	ssyncset.done $0x0;
	v15 =	vmul.f32 v15, v54  }
0x2d5: {  	v9 =	vadd.f32 v9, v63;
	v57 =	vperm.xlane v10, v8;
	v17 =	vadd.f32 v62, v26;
	v26 =	vld [tilespmem:$0x1FE90];
	[sflag:s28] =	ssyncadd.s32 $0xFFFFFF80  }
0x2d6: {  	v60 =	vperm.xlane v11, v8;
	v62 =	vmul.f32 v22, v20;
	v20 =	vld.idx.msk [tilespmem:v32+s13+$0x0], $0xffff;
	v14 =	vadd.f32 v14, v15  }
0x2d7: {  	v16 =	vadd.f32 v16, v33;
	v10 =	vadd.f32 v10, v57;
	v22 =	vmul.f32 v52, v50;
	v30 =	vld.idx.msk [tilespmem:v35+s13+$0x0], $0xffff  }
0x2d8: {  	v9 =	vadd.f32 v9, v56;
	v11 =	vadd.f32 v11, v60;
	v15 =	vld.idx.msk [tilespmem:v58+s14+$0x0], $0xffff;
	v61 =	vperm.xlane v14, v39  }
0x2d9: {  	v33 =	vmov s31;
	v0 =	vadd.f32 v0, v62;
	v19 =	vadd.f32 v22, v48;
	v35 =	vld.idx.msk [tilespmem:v25+s14+$0x0], $0xffff  }
0x2da: {  	v13 =	vsel vm4, v13, v16;
	v63 =	vld [tilespmem:$0x1FEA0];
	v17 =	vadd.f32 v17, v59;
	v14 =	vadd.f32 v14, v61  }
0x2db: {  	v32 =	vld [tilespmem:$0x1FEB0];
	v25 =	vmul.f32 v29, v55;
	v41 =	vperm.xlane v0, v39;
	v9 =	vadd.f32 v9, v26  }
0x2dc: {  	v50 =	vperm.xlane v19, v39;
	v13 =	vsel vm5, v13, v17;
	v34 =	vperm.xlane v14, v2  }
0x2dd: {  	v0 =	vadd.f32 v0, v41;
	v9 =	vsel vm6, v13, v9;
	v15 =	vmul.f32 v15, v20  }
0x2de: {  	v16 =	vmul.f32 v35, v30;
	v13 =	vadd.f32 v14, v34;
	v14 =	vadd.f32 v21, v47  }
0x2df: {  	v10 =	vadd.f32 v10, v63;
	v49 =	vperm.xlane v0, v2;
	v21 =	vmul.f32 v28, v43  }
0x2e0: {  	v11 =	vadd.f32 v11, v32;
	v15 =	vadd.f32 v16, v15;
	v20 =	vperm.xlane v14, v39  }
0x2e1: {  	v0 =	vadd.f32 v0, v49;
	v21 =	vadd.f32 v25, v21;
	v22 =	vperm.xlane v13, v3  }
0x2e2: {  	v16 =	vadd.f32 v19, v50;
	v52 =	vperm.xlane v15, v39;
	v14 =	vadd.f32 v14, v20  }
0x2e3: {  	v36 =	vld [tilespmem:$0x1FEC0];
	v51 =	vperm.xlane v21, v39;
	v13 =	vadd.f32 v13, v22;
	v20 =	vperm.xlane v0, v3  }
0x2e4: {  	v53 =	vperm.xlane v16, v2;
	v15 =	vadd.f32 v15, v52;
	v22 =	vperm.xlane v14, v2  }
0x2e5: {  	v18 =	vadd.f32 v21, v51;
	v21 =	vperm.xlane v13, v8;
	v0 =	vadd.f32 v0, v20  }
0x2e6: {  	v16 =	vadd.f32 v16, v53;
	v54 =	vperm.xlane v15, v2;
	v14 =	vadd.f32 v14, v22  }
0x2e7: {  	v38 =	vld [tilespmem:$0x1FED0];
	v20 =	vperm.xlane v18, v2;
	v13 =	vadd.f32 v13, v21;
	v21 =	vperm.xlane v0, v8  }
0x2e8: {  	v10 =	vadd.f32 v10, v36;
	v55 =	vperm.xlane v16, v3;
	v15 =	vadd.f32 v15, v54  }
0x2e9: {  	v18 =	vadd.f32 v18, v20;
	v20 =	vperm.xlane v14, v3;
	v0 =	vadd.f32 v0, v21;
	v21 =	vld [tilespmem:$0x1FEE0]  }
0x2ea: {  	v17 =	vor.u32 $0x380, v33;
	v16 =	vadd.f32 v16, v55;
	v22 =	vor.u32 $0x380, v31  }
0x2eb: {  	v59 =	vld [tilespmem:$0x1FEF0];
	v56 =	vperm.xlane v15, v3;
	v14 =	vadd.f32 v14, v20;
	v20 =	vperm.xlane v18, v3  }
0x2ec: {  	v11 =	vadd.f32 v11, v38;
	v9 =	vsel vm7, v9, v10;
	v58 =	vperm.xlane v16, v8  }
0x2ed: {  	v57 =	vadd.f32 v15, v56;
	v18 =	vadd.f32 v18, v20;
	v20 =	vperm.xlane v14, v8  }
0x2ee: {  	v9 =	vsel vm8, v9, v11;
	v15 =	vadd.f32 v16, v58;
	v13 =	vadd.f32 v13, v21  }
0x2ef: {  	v0 =	vadd.f32 v0, v12;
	v14 =	vadd.f32 v14, v20;
	v60 =	vperm.xlane v18, v8;
	v20 =	vld.idx.msk [tilespmem:v22+s8+$0x0], $0xffff  }
0x2f0: {  	v61 =	vperm.xlane v57, v8;
	v11 =	vadd.f32 v15, v44;
	v13 =	vadd.f32 v13, v59  }
0x2f1: {  	v17 =	vld.idx.msk [tilespmem:v17+s16+$0x0], $0xffff;
	v10 =	vadd.f32 v14, v42;
	v62 =	vadd.f32 v18, v60  }
0x2f2: {  	v0 =	vadd.f32 v0, v37;
	v12 =	vadd.f32 v57, v61  }
0x2f3: {  	p0 =	sne.s32 s17, $0x200;
	v9 =	vsel vm9, v9, v13;
	v10 =	vadd.f32 v10, v40;
	v63 =	vadd.f32 v62, v27  }
.Ltmp2:
0x2f4: {  	v1 =	vadd.f32 v11, v1;
	v0 =	vsel vm10, v9, v0;
	v9 =	vadd.f32 v12, v20;
	(pc) =	sbr.rel @!p0 .LBB2_3-.Ltmp2, $4  }
0x2f5: {  	v0 =	vsel vm11, v0, v10;
	v4 =	vadd.f32 v63, v4  }
0x2f6: {  	v0 =	vsel vm12, v0, v1;
	v1 =	vadd.f32 v9, v17  }
0x2f7: {  	s30 =	simm.s32 $0x7A1400;
	v0 =	vsel vm13, v0, v4  }
0x2f8: {  	s5 =	simm.s32 $0x10800;
	s4 =	smov.u32 s12;
	s3 =	simm.s32 $0x10400;
	v0 =	vsel vm14, v0, v1  }
0x2f9: {  	(v2sf) =	vpush v23, $0x7  }
0x2fa: {  	(v2sf) =	vpush v24, $0x7;
	_ =	sdelay $0xb  }
0x2fb: {  	s7 =	simm.s32 $0x7400;
	s19 =	simm.s32 $0xF400;
	s20 =	simm.s32 $0x10780  }
0x2fc: {  	s21 =	simm.s32 $0x0;
	s23 =	simm.s32 $0x10B80;
	s29 =	rddreg [dreg:$0xd]  }
0x2fd: {  	s17 =	sadd.s32 $0x10, s17;
	s16 =	rddreg [dreg:$0xc];
	s0 =	spop (v2sf)  }
0x2fe: {  	s12 =	simm.s32 $0x0;
	s1 =	sand.u32 $0x1FFFFF80, s0;
	s2 =	spop (v2sf)  }
0x2ff: {  	s0 =	sshrl.u32 s0, $0x3;
	s1 =	sadd.s32 s9, s1;
	s18 =	sand.u32 $0x1FFFFF80, s2  }
0x300: {  	[tilespmem:s7], [sflag:$0x1] =	stream.strided.gather [hbm4b:s1+s13], $0x1000, s30, s13, $0x38;
	[tilespmem:$0x10E00] =	vst v63  }
0x301: {  	s31 =	simm.s32 $0x7A1400;
	s0 =	sand.u32 $0x1FFFFFF0, s0;
	s1 =	sadd.s32 s15, s18  }
0x302: {  	[tilespmem:s19], [sflag:$0x2] =	stream.strided.gather [hbm4b:s1+s13], $0x1000, s30, s13, $0x38;
	[tilespmem:$0x10E00] =	vst v63  }
0x303: {  	s8 =	simm.s32 $0xF400;
	p0 =	sne.s32 s17, $0x210;
	s0 =	sadd.s32 s4, s0  }
0x304: {  	[tilespmem:s20], [sflag:$0x3] =	stream.linear.gather [hbm4b:s0+s21], $0x80, $0x38;
	[tilespmem:$0x10E00] =	vst v63  }
.Ltmp3:
0x305: {  	s10 =	simm.s32 $0x10780;
	s22 =	sshrl.u32 s2, $0x3;
	(pc) =	sbr.rel @p0 .LBB2_2-.Ltmp3, $4  }
.Ltmp4:
0x306: {  	s11 =	simm.s32 $0x10B80;
	s0 =	sand.u32 $0x1FFFFFF0, s22;
	(pc) =	sbr.rel @!p0 .LBB2_5-.Ltmp4, $4  }
0x307: {  	s16 =	sadd.s32 $0x10, s16;
	s30 =	rddreg [dreg:$0xe];
	s0 =	sadd.s32 s6, s0  }
0x308: {  	[tilespmem:s23], [sflag:$0x4] =	stream.linear.gather [hbm4b:s0+s21], $0x80, $0x38;
	[tilespmem:$0x10E00] =	vst v63  }
0x309: {  	s7 =	simm.s32 $0x7400;
	s1 =	sadd.s32 $0x10, s30;
	s0 =	sadd.s32 $0x10, s29;
	[tilespmem:s29+$0x0] =	vst v0  }
0x30a: {  	_ = 	snop  }
.LBB2_6:
0x30b: {  	_ =	sfence.sel $0x180000  }
0x30c: {  	[bflag:$0x0] =	sbarrier.arrive $0xFFFF  }
0x30d: {  	_ =	strace $0x90000047  }
0x30e: {  	s0 =	stileid.u32;
	[bflag:$0x2] =	sbarrier.arrive $0xFFFF  }
0x30f: {  	p0 =	sne.s32 s0, $0x0;
	s0 =	rddreg [dreg:$0x6]  }
0x310: {  	s0 =	sadd.s32 @!p0 $0x100000, s0  }
0x311: {  	[sflag:s0] =	ssyncadd.tile.s32 @!p0 $0x1;
	_ =	shalt  }
.Lfunc_end2:
_tile_overlayer_lowered:
.L_overlay_start_2:
0x312: {  	(tag) =	ssettag $0x2  }
0x313: {  	s0 =	rddreg [dreg:$0x0];
	s2 =	stileid.u32  }
0x314: {  	s1 =	rddreg [dreg:$0x1];
	p0 =	sne.s32 s2, $0x0  }
0x315: {  	s3 =	rddreg [dreg:$0x2];
	[bflag:$0x3] =	sbarrier.arrive $0xFFFF;
	s2 =	simm.s32 @!p0 $0x1C05  }
0x316: {  	[timem:s3], [sflag:s2] =	dma.local @!p0 [hbm:s0], s1  }
0x317: {  	s0 =	simm.s32 @!p0 $0x5  }
0x318: {  	_ =	swait.ge @!p0 [sflag:s0], s1  }
0x319: {  	s1 =	ssub.s32 @!p0 $0x0, s1;
	[sflag:s0] =	ssyncset.done @!p0 $0x0  }
0x31a: {  	[sflag:s0] =	ssyncadd.s32 @!p0 s1  }
0x31b: {  	[bflag:$0x3] =	sbarrier.arrive $0xFFFF  }
0x31c: {  	_ =	shalt  }

</sc_bundles>
